<compile_context>
chip_gen: v7x
topology: tpu7x:2x2x1
jax: 0.10.2.dev20260603
libtpu: 0.0.44.dev20260713+nightly
codegen_flags: <defaults>
</compile_context>

<pallas_src>
import functools

import jax
import jax.numpy as jnp
from jax import lax
from jax.experimental import pallas as pl
from jax.experimental.pallas import tpu as pltpu
from jax.experimental.pallas import tpu_sc as plsc

N = 10000
E = 320000
D_IN = 128
D_HID = 128
D_OUT = 40
D_PAD = 64

CH = 125
NROWS = E // CH
ROWS_PER_SUB = NROWS // 16
NP = 10240
NODES_PER_S = NP // 16
NBUF = 8
PFD = 6
IBLK = 32
NBLK = ROWS_PER_SUB // IBLK



def _sc_aggregate(dh, h2, srcm, dstm):
    mesh = plsc.VectorSubcoreMesh(core_axis_name="c", subcore_axis_name="s")

    @functools.partial(
        pl.kernel,
        out_type=jax.ShapeDtypeStruct((2, NP, dh), jnp.float32),
        mesh=mesh,
        compiler_params=pltpu.CompilerParams(use_tc_tiling_on_sc=False),
        scratch_types=[
            pltpu.VMEM((2, IBLK, CH), jnp.int32),
            pltpu.VMEM((2, IBLK, CH), jnp.int32),
            pltpu.VMEM_SHARED((NP, dh), jnp.float32),
        ]
        + [pltpu.VMEM((CH, dh), jnp.float32)] * NBUF
        + [pltpu.SemaphoreType.DMA] * (2 * NBUF + 2),
    )
    def agg_kernel(h_hbm, src_hbm, dst_hbm, out_hbm, sidx, didx, acc, *ring):
        bufs = ring[:NBUF]
        gsems = ring[NBUF:2 * NBUF]
        ssems = ring[2 * NBUF:3 * NBUF]
        isg, idg = ring[3 * NBUF], ring[3 * NBUF + 1]
        cid = lax.axis_index("c")
        sid = lax.axis_index("s")
        row0 = sid * ROWS_PER_SUB
        h_slab = h_hbm.at[cid]
        sslack = NBUF - PFD

        def _idx(ref, i):
            if isinstance(i, int):
                return ref.at[(i // IBLK) % 2, i % IBLK]
            blk = lax.div(i, IBLK)
            return ref.at[lax.rem(blk, 2), lax.rem(i, IBLK)]

        def _stage(blk, slot, sync=False):
            copies = [(src_hbm, sidx, isg), (dst_hbm, didx, idg)]
            for hbm, vref, sem in copies:
                cp = pltpu.async_copy(hbm.at[pl.ds(row0 + blk * IBLK, IBLK)],
                                      vref.at[slot], sem)
                if sync:
                    cp.wait()

        def _wait_stage():
            for vref, sem in ((sidx, isg), (didx, idg)):
                pltpu.make_async_copy(src_hbm.at[pl.ds(row0, IBLK)],
                                      vref.at[0], sem).wait()

        def _wait_g(buf, sem):
            pltpu.make_async_copy(h_slab.at[sidx.at[0, 0]], buf, sem).wait()

        def _wait_s(buf, sem):
            pltpu.make_async_copy(buf, acc.at[didx.at[0, 0]], sem).wait()

        _stage(0, 0, sync=True)
        _stage(1, 1)

        zv = jnp.zeros((16,), jnp.float32)
        zrows = NODES_PER_S // 8

        @pl.loop(0, zrows)
        def _(i):
            @pl.loop(0, dh, step=16)
            def _(j):
                bufs[NBUF - 1][i, pl.ds(j, 16)] = zv

        @pl.loop(0, 8)
        def _(k):
            pltpu.sync_copy(bufs[NBUF - 1].at[pl.ds(0, zrows)],
                            acc.at[pl.ds(sid * NODES_PER_S + k * zrows, zrows)])

        for k in range(PFD):
            pltpu.async_copy(h_slab.at[_idx(sidx, k)], bufs[k], gsems[k])

        plsc.subcore_barrier()

        @pl.loop(0, ROWS_PER_SUB, step=NBUF)
        def _(j):
            for k in range(NBUF):
                i = j + k
                _wait_g(bufs[k], gsems[k])
                pltpu.async_copy(bufs[k], acc.at[_idx(didx, i)], ssems[k],
                                 add=True)
                sk = (k - sslack) % NBUF
                if k >= sslack:
                    _wait_s(bufs[sk], ssems[sk])
                else:
                    @pl.when(j > 0)
                    def _(sk=sk):
                        _wait_s(bufs[sk], ssems[sk])

                gk = (k + PFD) % NBUF

                def _prefetch(i=i, gk=gk):
                    pltpu.async_copy(h_slab.at[_idx(sidx, i + PFD)],
                                     bufs[gk], gsems[gk])

                if k < NBUF - PFD:
                    _prefetch()
                else:
                    pl.when(i + PFD < ROWS_PER_SUB)(_prefetch)

                if k == 0:
                    @pl.when(jnp.logical_and(lax.rem(j, IBLK) == 8,
                                             jnp.logical_and(j >= IBLK + 8,
                                                             j < (NBLK - 1) * IBLK)))
                    def _():
                        nb = lax.div(j, IBLK) + 1
                        _stage(nb, lax.rem(nb, 2))

                    @pl.when(jnp.logical_and(lax.rem(j, IBLK) == IBLK - 8,
                                             j <= (NBLK - 1) * IBLK - 8))
                    def _():
                        _wait_stage()

        for t in range(sslack):
            b = (ROWS_PER_SUB - sslack + t) % NBUF
            _wait_s(bufs[b], ssems[b])
        plsc.subcore_barrier()

        pltpu.sync_copy(acc.at[pl.ds(sid * NODES_PER_S, NODES_PER_S)],
                        out_hbm.at[cid].at[pl.ds(sid * NODES_PER_S, NODES_PER_S)])

    return agg_kernel(h2, srcm, dstm)



def _split_halves(r):
    dh = r.shape[1] // 2
    return jnp.stack([r[:, :dh], r[:, dh:]])


def _mm_body(x_ref, w_ref, o_ref):
    r = jnp.dot(x_ref[...], w_ref[...], preferred_element_type=jnp.float32)
    o_ref[...] = _split_halves(r)


def _tc_matmul(x, w):
    return pl.pallas_call(
        _mm_body,
        out_shape=jax.ShapeDtypeStruct((2, x.shape[0], w.shape[1] // 2),
                                       jnp.float32),
    )(x, w)


def _mid_body(a_ref, b_ref, g_ref, be_ref, w_ref, o_ref):
    h = jnp.concatenate([a_ref[0, :N], a_ref[1, :N]], axis=1) + b_ref[...]
    mu = jnp.mean(h, axis=0, keepdims=True)
    var = jnp.mean((h - mu) ** 2, axis=0, keepdims=True)
    hn = (h - mu) / jnp.sqrt(var + 1e-5) * g_ref[...] + be_ref[...]
    hn = jnp.maximum(hn, 0.0)
    r = jnp.dot(hn, w_ref[...], preferred_element_type=jnp.float32)
    o_ref[...] = _split_halves(r)


def _tc_mid(a, b, g, be, w):
    return pl.pallas_call(
        _mid_body,
        out_shape=jax.ShapeDtypeStruct((2, N, w.shape[1] // 2), jnp.float32),
    )(a, b.reshape(1, -1), g.reshape(1, -1), be.reshape(1, -1), w)


def _fin_body(a_ref, b_ref, o_ref):
    h = jnp.concatenate([a_ref[0, :N], a_ref[1, :N]], axis=1) + b_ref[...]
    col = lax.broadcasted_iota(jnp.int32, h.shape, 1)
    valid = col < D_OUT
    m = jnp.max(jnp.where(valid, h, -jnp.inf), axis=1, keepdims=True)
    ex = jnp.where(valid, jnp.exp(h - m), 0.0)
    lse = m + jnp.log(jnp.sum(ex, axis=1, keepdims=True))
    o_ref[...] = h - lse


def _tc_final(a, b):
    return pl.pallas_call(
        _fin_body,
        out_shape=jax.ShapeDtypeStruct((N, D_PAD), jnp.float32),
    )(a, b.reshape(1, -1))



def kernel(x, edge_index, W0, b0, g0, be0, W1, b1, g1, be1, W2, b2):
    srcm = edge_index[0].reshape(NROWS, CH)
    dstm = edge_index[1].reshape(NROWS, CH)
    W2p = jnp.pad(W2, ((0, 0), (0, D_PAD - D_OUT)))
    b2p = jnp.pad(b2, (0, D_PAD - D_OUT))

    h0 = _tc_matmul(x, W0)
    a0 = _sc_aggregate(64, h0, srcm, dstm)
    h1 = _tc_mid(a0, b0, g0, be0, W1)
    a1 = _sc_aggregate(64, h1, srcm, dstm)
    h2 = _tc_mid(a1, b1, g1, be1, W2p)
    a2 = _sc_aggregate(32, h2, srcm, dstm)
    out = _tc_final(a2, b2p)
    return out[:, :D_OUT]

# --- scband reference (transcript-rebuilt; emitter-appended) ---
"""Pipeline reference for scband-gcn-8246337208549 (READ-ONLY COPY).

The authoritative reference and input builder live on the scoring server;
editing this copy changes nothing except your own understanding.
"""

import jax, jax.numpy as jnp
import numpy as np

N = 10000
E = 320000
D_IN = 128
D_HID = 128
D_OUT = 40


def setup_inputs(seed: int = 0) -> dict:
    key = jax.random.key(seed)
    ks = jax.random.split(key, 16)
    x = jax.random.normal(ks[0], (N, D_IN), dtype=jnp.float32)
    edge_index = jax.random.randint(ks[1], (2, E), 0, N, dtype=jnp.int32)

    def lin_init(k, fan_in, fan_out):
        s = 1.0 / np.sqrt(fan_in)
        kw, kb = jax.random.split(k)
        W = jax.random.uniform(kw, (fan_in, fan_out), minval=-s, maxval=s, dtype=jnp.float32)
        b = jax.random.uniform(kb, (fan_out,), minval=-s, maxval=s, dtype=jnp.float32)
        return W, b

    W0, b0 = lin_init(ks[2], D_IN, D_HID)
    W1, b1 = lin_init(ks[3], D_HID, D_HID)
    W2, b2 = lin_init(ks[4], D_HID, D_OUT)
    g0 = jnp.ones((D_HID,), dtype=jnp.float32)
    be0 = jnp.zeros((D_HID,), dtype=jnp.float32)
    g1 = jnp.ones((D_HID,), dtype=jnp.float32)
    be1 = jnp.zeros((D_HID,), dtype=jnp.float32)
    return {
        "x": x, "edge_index": edge_index,
        "W0": W0, "b0": b0, "g0": g0, "be0": be0,
        "W1": W1, "b1": b1, "g1": g1, "be1": be1,
        "W2": W2, "b2": b2,
    }


def _gcn_conv(x, edge_index, W, b, n_nodes):
    # GCNConv with normalize=False: linear transform, then sum-aggregate
    # messages from src -> dst over edges, then add bias.
    h = x @ W
    src = edge_index[0]
    dst = edge_index[1]
    msg = jnp.take(h, src, axis=0)
    agg = jax.ops.segment_sum(msg, dst, num_segments=n_nodes)
    return agg + b


def _bn(h, gamma, beta, eps=1e-5):
    # BatchNorm1d, training-mode math (batch statistics over nodes)
    mu = jnp.mean(h, axis=0)
    var = jnp.var(h, axis=0)
    return (h - mu) / jnp.sqrt(var + eps) * gamma + beta


def reference(x, edge_index, W0, b0, g0, be0, W1, b1, g1, be1, W2, b2):
    n = x.shape[0]
    h = _gcn_conv(x, edge_index, W0, b0, n)
    h = _bn(h, g0, be0)
    h = jax.nn.relu(h)
    # dropout is identity in eval / deterministic reference
    h = _gcn_conv(h, edge_index, W1, b1, n)
    h = _bn(h, g1, be1)
    h = jax.nn.relu(h)
    h = _gcn_conv(h, edge_index, W2, b2, n)
    return jax.nn.log_softmax(h, axis=-1)

if __name__ == "__main__":
    import jax
    _d = setup_inputs()
    print(jax.jit(kernel)(*tuple(_d.values())))

</pallas_src>

<mosaic_0001>
#map = affine_map<(d0, d1) -> (0, 0, 0)>
#map1 = affine_map<(d0, d1) -> (0, 0)>
module attributes {stable_mosaic.version = 14 : i64} {
  func.func @agg_kernel(%arg0: i32, %arg1: i32, %arg2: memref<2x10000x64xf32, #tpu.memory_space<hbm>>, %arg3: memref<2560x125xi32, #tpu.memory_space<hbm>>, %arg4: memref<2560x125xi32, #tpu.memory_space<hbm>>, %arg5: memref<2x10240x64xf32, #tpu.memory_space<hbm>>, %arg6: memref<2x32x125xi32, #tpu.memory_space<vmem>>, %arg7: memref<2x32x125xi32, #tpu.memory_space<vmem>>, %arg8: memref<10240x64xf32, #tpu.memory_space<vmem_shared>>, %arg9: memref<125x64xf32, #tpu.memory_space<vmem>>, %arg10: memref<125x64xf32, #tpu.memory_space<vmem>>, %arg11: memref<125x64xf32, #tpu.memory_space<vmem>>, %arg12: memref<125x64xf32, #tpu.memory_space<vmem>>, %arg13: memref<125x64xf32, #tpu.memory_space<vmem>>, %arg14: memref<125x64xf32, #tpu.memory_space<vmem>>, %arg15: memref<125x64xf32, #tpu.memory_space<vmem>>, %arg16: memref<125x64xf32, #tpu.memory_space<vmem>>, %arg17: memref<!tpu.dma_semaphore, #tpu.memory_space<semaphore_mem>>, %arg18: memref<!tpu.dma_semaphore, #tpu.memory_space<semaphore_mem>>, %arg19: memref<!tpu.dma_semaphore, #tpu.memory_space<semaphore_mem>>, %arg20: memref<!tpu.dma_semaphore, #tpu.memory_space<semaphore_mem>>, %arg21: memref<!tpu.dma_semaphore, #tpu.memory_space<semaphore_mem>>, %arg22: memref<!tpu.dma_semaphore, #tpu.memory_space<semaphore_mem>>, %arg23: memref<!tpu.dma_semaphore, #tpu.memory_space<semaphore_mem>>, %arg24: memref<!tpu.dma_semaphore, #tpu.memory_space<semaphore_mem>>, %arg25: memref<!tpu.dma_semaphore, #tpu.memory_space<semaphore_mem>>, %arg26: memref<!tpu.dma_semaphore, #tpu.memory_space<semaphore_mem>>, %arg27: memref<!tpu.dma_semaphore, #tpu.memory_space<semaphore_mem>>, %arg28: memref<!tpu.dma_semaphore, #tpu.memory_space<semaphore_mem>>, %arg29: memref<!tpu.dma_semaphore, #tpu.memory_space<semaphore_mem>>, %arg30: memref<!tpu.dma_semaphore, #tpu.memory_space<semaphore_mem>>, %arg31: memref<!tpu.dma_semaphore, #tpu.memory_space<semaphore_mem>>, %arg32: memref<!tpu.dma_semaphore, #tpu.memory_space<semaphore_mem>>, %arg33: memref<!tpu.dma_semaphore, #tpu.memory_space<semaphore_mem>>, %arg34: memref<!tpu.dma_semaphore, #tpu.memory_space<semaphore_mem>>) attributes {dimension_semantics = [#tpu.dimension_semantics<core_parallel>, #tpu.dimension_semantics<subcore_parallel>], iteration_bounds = array<i64: 2, 16>, scalar_prefetch = 0 : i64, scratch_operands = 29 : i64, tpu.core_type = #tpu.core_type<sc_vector_subcore>, window_params = [{transform_indices = #map}, {transform_indices = #map1}, {transform_indices = #map1}, {transform_indices = #map}]} {
    %mul3A = arith.constant 160 : i32
    %mul3A_0 = arith.muli %arg1, %mul3A : i32
    %add3A = arith.constant 0 : i32
    %add3A_1 = arith.addi %mul3A_0, %add3A : i32
    %dma_start3A = arith.constant 0 : i32
    %dma_start3A_2 = arith.constant 0 : i32
    %dma_start3A_3 = arith.constant 0 : i32
    %dma_start3A_4 = tpu.memref_slice %arg6[%dma_start3A, %dma_start3A_2, %dma_start3A_3] : memref<2x32x125xi32, #tpu.memory_space<vmem>> -> memref<1x32x125xi32, #tpu.memory_space<vmem>>
    %dma_start3A_5 = tpu.memref_squeeze %dma_start3A_4 : memref<1x32x125xi32, #tpu.memory_space<vmem>> -> memref<32x125xi32, #tpu.memory_space<vmem>>
    %dma_start3A_6 = arith.constant 0 : i32
    %dma_start3A_7 = tpu.memref_slice %arg3[%add3A_1, %dma_start3A_6] : memref<2560x125xi32, #tpu.memory_space<hbm>> -> memref<32x125xi32, #tpu.memory_space<hbm>>
    %dma_start3A_8 = arith.constant 0 : i32
    %dma_start3A_9 = arith.constant 0 : i32
    %dma_start3A_10 = tpu.memref_slice %arg6[%dma_start3A, %dma_start3A_8, %dma_start3A_9] : memref<2x32x125xi32, #tpu.memory_space<vmem>> -> memref<1x32x125xi32, #tpu.memory_space<vmem>>
    %dma_start3A_11 = tpu.memref_squeeze %dma_start3A_10 : memref<1x32x125xi32, #tpu.memory_space<vmem>> -> memref<32x125xi32, #tpu.memory_space<vmem>>
    %dma_start3A_12 = arith.constant 0 : i32
    %dma_start3A_13 = tpu.memref_slice %arg3[%add3A_1, %dma_start3A_12] : memref<2560x125xi32, #tpu.memory_space<hbm>> -> memref<32x125xi32, #tpu.memory_space<hbm>>
    tpu.enqueue_dma source(%dma_start3A_13 : memref<32x125xi32, #tpu.memory_space<hbm>>) target(%dma_start3A_11 : memref<32x125xi32, #tpu.memory_space<vmem>>) target_semaphore(%arg33 : memref<!tpu.dma_semaphore, #tpu.memory_space<semaphore_mem>>)
    %dma_wait3A = arith.constant 0 : i32
    %dma_wait3A_14 = arith.constant 0 : i32
    %dma_wait3A_15 = arith.constant 0 : i32
    %dma_wait3A_16 = tpu.memref_slice %arg6[%dma_wait3A, %dma_wait3A_14, %dma_wait3A_15] : memref<2x32x125xi32, #tpu.memory_space<vmem>> -> memref<1x32x125xi32, #tpu.memory_space<vmem>>
    %dma_wait3A_17 = tpu.memref_squeeze %dma_wait3A_16 : memref<1x32x125xi32, #tpu.memory_space<vmem>> -> memref<32x125xi32, #tpu.memory_space<vmem>>
    %dma_wait3A_18 = arith.constant 0 : i32
    %dma_wait3A_19 = tpu.memref_slice %arg3[%add3A_1, %dma_wait3A_18] : memref<2560x125xi32, #tpu.memory_space<hbm>> -> memref<32x125xi32, #tpu.memory_space<hbm>>
    %dma_wait3A_20 = arith.constant 0 : i32
    %dma_wait3A_21 = arith.constant 0 : i32
    %dma_wait3A_22 = tpu.memref_slice %arg6[%dma_wait3A, %dma_wait3A_20, %dma_wait3A_21] : memref<2x32x125xi32, #tpu.memory_space<vmem>> -> memref<1x32x125xi32, #tpu.memory_space<vmem>>
    %dma_wait3A_23 = tpu.memref_squeeze %dma_wait3A_22 : memref<1x32x125xi32, #tpu.memory_space<vmem>> -> memref<32x125xi32, #tpu.memory_space<vmem>>
    %dma_wait3A_24 = arith.constant 0 : i32
    %dma_wait3A_25 = tpu.memref_slice %arg3[%add3A_1, %dma_wait3A_24] : memref<2560x125xi32, #tpu.memory_space<hbm>> -> memref<32x125xi32, #tpu.memory_space<hbm>>
    tpu.wait_dma2 semaphore(%arg33 : memref<!tpu.dma_semaphore, #tpu.memory_space<semaphore_mem>>) src(%dma_wait3A_25 : memref<32x125xi32, #tpu.memory_space<hbm>>) dst(%dma_wait3A_23 : memref<32x125xi32, #tpu.memory_space<vmem>>)
    %add3A_26 = arith.constant 0 : i32
    %add3A_27 = arith.addi %mul3A_0, %add3A_26 : i32
    %dma_start3A_28 = arith.constant 0 : i32
    %dma_start3A_29 = arith.constant 0 : i32
    %dma_start3A_30 = arith.constant 0 : i32
    %dma_start3A_31 = tpu.memref_slice %arg7[%dma_start3A_28, %dma_start3A_29, %dma_start3A_30] : memref<2x32x125xi32, #tpu.memory_space<vmem>> -> memref<1x32x125xi32, #tpu.memory_space<vmem>>
    %dma_start3A_32 = tpu.memref_squeeze %dma_start3A_31 : memref<1x32x125xi32, #tpu.memory_space<vmem>> -> memref<32x125xi32, #tpu.memory_space<vmem>>
    %dma_start3A_33 = arith.constant 0 : i32
    %dma_start3A_34 = tpu.memref_slice %arg4[%add3A_27, %dma_start3A_33] : memref<2560x125xi32, #tpu.memory_space<hbm>> -> memref<32x125xi32, #tpu.memory_space<hbm>>
    %dma_start3A_35 = arith.constant 0 : i32
    %dma_start3A_36 = arith.constant 0 : i32
    %dma_start3A_37 = tpu.memref_slice %arg7[%dma_start3A_28, %dma_start3A_35, %dma_start3A_36] : memref<2x32x125xi32, #tpu.memory_space<vmem>> -> memref<1x32x125xi32, #tpu.memory_space<vmem>>
    %dma_start3A_38 = tpu.memref_squeeze %dma_start3A_37 : memref<1x32x125xi32, #tpu.memory_space<vmem>> -> memref<32x125xi32, #tpu.memory_space<vmem>>
    %dma_start3A_39 = arith.constant 0 : i32
    %dma_start3A_40 = tpu.memref_slice %arg4[%add3A_27, %dma_start3A_39] : memref<2560x125xi32, #tpu.memory_space<hbm>> -> memref<32x125xi32, #tpu.memory_space<hbm>>
    tpu.enqueue_dma source(%dma_start3A_40 : memref<32x125xi32, #tpu.memory_space<hbm>>) target(%dma_start3A_38 : memref<32x125xi32, #tpu.memory_space<vmem>>) target_semaphore(%arg34 : memref<!tpu.dma_semaphore, #tpu.memory_space<semaphore_mem>>)
    %dma_wait3A_41 = arith.constant 0 : i32
    %dma_wait3A_42 = arith.constant 0 : i32
    %dma_wait3A_43 = arith.constant 0 : i32
    %dma_wait3A_44 = tpu.memref_slice %arg7[%dma_wait3A_41, %dma_wait3A_42, %dma_wait3A_43] : memref<2x32x125xi32, #tpu.memory_space<vmem>> -> memref<1x32x125xi32, #tpu.memory_space<vmem>>
    %dma_wait3A_45 = tpu.memref_squeeze %dma_wait3A_44 : memref<1x32x125xi32, #tpu.memory_space<vmem>> -> memref<32x125xi32, #tpu.memory_space<vmem>>
    %dma_wait3A_46 = arith.constant 0 : i32
    %dma_wait3A_47 = tpu.memref_slice %arg4[%add3A_27, %dma_wait3A_46] : memref<2560x125xi32, #tpu.memory_space<hbm>> -> memref<32x125xi32, #tpu.memory_space<hbm>>
    %dma_wait3A_48 = arith.constant 0 : i32
    %dma_wait3A_49 = arith.constant 0 : i32
    %dma_wait3A_50 = tpu.memref_slice %arg7[%dma_wait3A_41, %dma_wait3A_48, %dma_wait3A_49] : memref<2x32x125xi32, #tpu.memory_space<vmem>> -> memref<1x32x125xi32, #tpu.memory_space<vmem>>
    %dma_wait3A_51 = tpu.memref_squeeze %dma_wait3A_50 : memref<1x32x125xi32, #tpu.memory_space<vmem>> -> memref<32x125xi32, #tpu.memory_space<vmem>>
    %dma_wait3A_52 = arith.constant 0 : i32
    %dma_wait3A_53 = tpu.memref_slice %arg4[%add3A_27, %dma_wait3A_52] : memref<2560x125xi32, #tpu.memory_space<hbm>> -> memref<32x125xi32, #tpu.memory_space<hbm>>
    tpu.wait_dma2 semaphore(%arg34 : memref<!tpu.dma_semaphore, #tpu.memory_space<semaphore_mem>>) src(%dma_wait3A_53 : memref<32x125xi32, #tpu.memory_space<hbm>>) dst(%dma_wait3A_51 : memref<32x125xi32, #tpu.memory_space<vmem>>)
    %add3A_54 = arith.constant 32 : i32
    %add3A_55 = arith.addi %mul3A_0, %add3A_54 : i32
    %dma_start3A_56 = arith.constant 1 : i32
    %dma_start3A_57 = arith.constant 0 : i32
    %dma_start3A_58 = arith.constant 0 : i32
    %dma_start3A_59 = tpu.memref_slice %arg6[%dma_start3A_56, %dma_start3A_57, %dma_start3A_58] : memref<2x32x125xi32, #tpu.memory_space<vmem>> -> memref<1x32x125xi32, #tpu.memory_space<vmem>>
    %dma_start3A_60 = tpu.memref_squeeze %dma_start3A_59 : memref<1x32x125xi32, #tpu.memory_space<vmem>> -> memref<32x125xi32, #tpu.memory_space<vmem>>
    %dma_start3A_61 = arith.constant 0 : i32
    %dma_start3A_62 = tpu.memref_slice %arg3[%add3A_55, %dma_start3A_61] : memref<2560x125xi32, #tpu.memory_space<hbm>> -> memref<32x125xi32, #tpu.memory_space<hbm>>
    %dma_start3A_63 = arith.constant 0 : i32
    %dma_start3A_64 = arith.constant 0 : i32
    %dma_start3A_65 = tpu.memref_slice %arg6[%dma_start3A_56, %dma_start3A_63, %dma_start3A_64] : memref<2x32x125xi32, #tpu.memory_space<vmem>> -> memref<1x32x125xi32, #tpu.memory_space<vmem>>
    %dma_start3A_66 = tpu.memref_squeeze %dma_start3A_65 : memref<1x32x125xi32, #tpu.memory_space<vmem>> -> memref<32x125xi32, #tpu.memory_space<vmem>>
    %dma_start3A_67 = arith.constant 0 : i32
    %dma_start3A_68 = tpu.memref_slice %arg3[%add3A_55, %dma_start3A_67] : memref<2560x125xi32, #tpu.memory_space<hbm>> -> memref<32x125xi32, #tpu.memory_space<hbm>>
    tpu.enqueue_dma source(%dma_start3A_68 : memref<32x125xi32, #tpu.memory_space<hbm>>) target(%dma_start3A_66 : memref<32x125xi32, #tpu.memory_space<vmem>>) target_semaphore(%arg33 : memref<!tpu.dma_semaphore, #tpu.memory_space<semaphore_mem>>)
    %add3A_69 = arith.constant 32 : i32
    %add3A_70 = arith.addi %mul3A_0, %add3A_69 : i32
    %dma_start3A_71 = arith.constant 1 : i32
    %dma_start3A_72 = arith.constant 0 : i32
    %dma_start3A_73 = arith.constant 0 : i32
    %dma_start3A_74 = tpu.memref_slice %arg7[%dma_start3A_71, %dma_start3A_72, %dma_start3A_73] : memref<2x32x125xi32, #tpu.memory_space<vmem>> -> memref<1x32x125xi32, #tpu.memory_space<vmem>>
    %dma_start3A_75 = tpu.memref_squeeze %dma_start3A_74 : memref<1x32x125xi32, #tpu.memory_space<vmem>> -> memref<32x125xi32, #tpu.memory_space<vmem>>
    %dma_start3A_76 = arith.constant 0 : i32
    %dma_start3A_77 = tpu.memref_slice %arg4[%add3A_70, %dma_start3A_76] : memref<2560x125xi32, #tpu.memory_space<hbm>> -> memref<32x125xi32, #tpu.memory_space<hbm>>
    %dma_start3A_78 = arith.constant 0 : i32
    %dma_start3A_79 = arith.constant 0 : i32
    %dma_start3A_80 = tpu.memref_slice %arg7[%dma_start3A_71, %dma_start3A_78, %dma_start3A_79] : memref<2x32x125xi32, #tpu.memory_space<vmem>> -> memref<1x32x125xi32, #tpu.memory_space<vmem>>
    %dma_start3A_81 = tpu.memref_squeeze %dma_start3A_80 : memref<1x32x125xi32, #tpu.memory_space<vmem>> -> memref<32x125xi32, #tpu.memory_space<vmem>>
    %dma_start3A_82 = arith.constant 0 : i32
    %dma_start3A_83 = tpu.memref_slice %arg4[%add3A_70, %dma_start3A_82] : memref<2560x125xi32, #tpu.memory_space<hbm>> -> memref<32x125xi32, #tpu.memory_space<hbm>>
    tpu.enqueue_dma source(%dma_start3A_83 : memref<32x125xi32, #tpu.memory_space<hbm>>) target(%dma_start3A_81 : memref<32x125xi32, #tpu.memory_space<vmem>>) target_semaphore(%arg34 : memref<!tpu.dma_semaphore, #tpu.memory_space<semaphore_mem>>)
    %broadcast_in_dim3A = arith.constant 0.000000e+00 : f32
    %broadcast_in_dim3A_84 = vector.broadcast %broadcast_in_dim3A : f32 to vector<16xf32>
    %scan3A = arith.constant 0 : i32
    %scan3A_85 = arith.constant 80 : i32
    %scan3A_86 = arith.addi %scan3A, %scan3A_85 : i32
    %scan3A_87 = arith.constant 1 : i32
    scf.for %scan3A_192 = %scan3A to %scan3A_86 step %scan3A_87  : i32 {
      %mul3A_193 = arith.constant 1 : i32
      %mul3A_194 = arith.muli %scan3A_192, %mul3A_193 : i32
      %add3A_195 = arith.constant 0 : i32
      %add3A_196 = arith.addi %add3A_195, %mul3A_194 : i32
      %scan3A_197 = arith.constant 0 : i32
      %scan3A_198 = arith.constant 4 : i32
      %scan3A_199 = arith.addi %scan3A_197, %scan3A_198 : i32
      %scan3A_200 = arith.constant 1 : i32
      scf.for %scan3A_202 = %scan3A_197 to %scan3A_199 step %scan3A_200  : i32 {
        %mul3A_203 = arith.constant 16 : i32
        %mul3A_204 = arith.muli %scan3A_202, %mul3A_203 : i32
        %add3A_205 = arith.constant 0 : i32
        %add3A_206 = arith.addi %add3A_205, %mul3A_204 : i32
        %swap3A = arith.index_cast %add3A_196 : i32 to index
        %swap3A_207 = arith.index_cast %add3A_206 : i32 to index
        %swap3A_208 = tpu.vector_load %arg16[%swap3A, %swap3A_207] {strides = array<i32>} : memref<125x64xf32, #tpu.memory_space<vmem>>, vector<1x16xf32>,
        %swap3A_209 = vector.shape_cast %swap3A_208 : vector<1x16xf32> to vector<16xf32>
        %swap3A_210 = vector.shape_cast %broadcast_in_dim3A_84 : vector<16xf32> to vector<1x16xf32>
        tpu.vector_store %arg16[%swap3A, %swap3A_207], %swap3A_210 {strides = array<i32>} : memref<125x64xf32, #tpu.memory_space<vmem>>, vector<1x16xf32>,
      }
      %scan3A_201 = arith.constant 4 : i32
    }
    %scan3A_88 = arith.constant 80 : i32
    %scan3A_89 = arith.constant 0 : i32
    %scan3A_90 = arith.constant 8 : i32
    %scan3A_91 = arith.addi %scan3A_89, %scan3A_90 : i32
    %scan3A_92 = arith.constant 1 : i32
    scf.for %scan3A_192 = %scan3A_89 to %scan3A_91 step %scan3A_92  : i32 {
      %mul3A_193 = arith.constant 1 : i32
      %mul3A_194 = arith.muli %scan3A_192, %mul3A_193 : i32
      %add3A_195 = arith.constant 0 : i32
      %add3A_196 = arith.addi %add3A_195, %mul3A_194 : i32
      %mul3A_197 = arith.constant 640 : i32
      %mul3A_198 = arith.muli %arg1, %mul3A_197 : i32
      %mul3A_199 = arith.constant 80 : i32
      %mul3A_200 = arith.muli %add3A_196, %mul3A_199 : i32
      %add3A_201 = arith.addi %mul3A_198, %mul3A_200 : i32
      "tpu.region"() ({
        %run_scoped3A = tpu.sem_alloc : memref<!tpu.dma_semaphore, #tpu.memory_space<semaphore_mem>>
        %dma_start3A_202 = arith.constant 0 : i32
        %dma_start3A_203 = arith.constant 0 : i32
        %dma_start3A_204 = tpu.memref_slice %arg16[%dma_start3A_202, %dma_start3A_203] : memref<125x64xf32, #tpu.memory_space<vmem>> -> memref<80x64xf32, #tpu.memory_space<vmem>>
        %dma_start3A_205 = arith.constant 0 : i32
        %dma_start3A_206 = tpu.memref_slice %arg8[%add3A_201, %dma_start3A_205] : memref<10240x64xf32, #tpu.memory_space<vmem_shared>> -> memref<80x64xf32, #tpu.memory_space<vmem_shared>>
        %dma_start3A_207 = arith.constant 0 : i32
        %dma_start3A_208 = tpu.memref_slice %arg8[%add3A_201, %dma_start3A_207] : memref<10240x64xf32, #tpu.memory_space<vmem_shared>> -> memref<80x64xf32, #tpu.memory_space<vmem_shared>>
        %dma_start3A_209 = arith.constant 0 : i32
        %dma_start3A_210 = arith.constant 0 : i32
        %dma_start3A_211 = tpu.memref_slice %arg16[%dma_start3A_209, %dma_start3A_210] : memref<125x64xf32, #tpu.memory_space<vmem>> -> memref<80x64xf32, #tpu.memory_space<vmem>>
        tpu.enqueue_dma source(%dma_start3A_211 : memref<80x64xf32, #tpu.memory_space<vmem>>) target(%dma_start3A_208 : memref<80x64xf32, #tpu.memory_space<vmem_shared>>) target_semaphore(%run_scoped3A : memref<!tpu.dma_semaphore, #tpu.memory_space<semaphore_mem>>)
        %dma_wait3A_212 = arith.constant 0 : i32
        %dma_wait3A_213 = arith.constant 0 : i32
        %dma_wait3A_214 = tpu.memref_slice %arg16[%dma_wait3A_212, %dma_wait3A_213] : memref<125x64xf32, #tpu.memory_space<vmem>> -> memref<80x64xf32, #tpu.memory_space<vmem>>
        %dma_wait3A_215 = arith.constant 0 : i32
        %dma_wait3A_216 = tpu.memref_slice %arg8[%add3A_201, %dma_wait3A_215] : memref<10240x64xf32, #tpu.memory_space<vmem_shared>> -> memref<80x64xf32, #tpu.memory_space<vmem_shared>>
        %dma_wait3A_217 = arith.constant 0 : i32
        %dma_wait3A_218 = tpu.memref_slice %arg8[%add3A_201, %dma_wait3A_217] : memref<10240x64xf32, #tpu.memory_space<vmem_shared>> -> memref<80x64xf32, #tpu.memory_space<vmem_shared>>
        %dma_wait3A_219 = arith.constant 0 : i32
        %dma_wait3A_220 = arith.constant 0 : i32
        %dma_wait3A_221 = tpu.memref_slice %arg16[%dma_wait3A_219, %dma_wait3A_220] : memref<125x64xf32, #tpu.memory_space<vmem>> -> memref<80x64xf32, #tpu.memory_space<vmem>>
        tpu.wait_dma2 semaphore(%run_scoped3A : memref<!tpu.dma_semaphore, #tpu.memory_space<semaphore_mem>>) src(%dma_wait3A_221 : memref<80x64xf32, #tpu.memory_space<vmem>>) dst(%dma_wait3A_218 : memref<80x64xf32, #tpu.memory_space<vmem_shared>>)
        tpu.yield
      }) : () -> ()
    }
    %scan3A_93 = arith.constant 8 : i32
    %dma_start3A_94 = arith.constant 0 : i32
    %dma_start3A_95 = arith.constant 0 : i32
    %dma_start3A_96 = arith.constant 0 : i32
    %dma_start3A_97 = tpu.memref_slice %arg6[%dma_start3A_94, %dma_start3A_95, %dma_start3A_96] : memref<2x32x125xi32, #tpu.memory_space<vmem>> -> memref<1x1x125xi32, #tpu.memory_space<vmem>>
    %dma_start3A_98 = tpu.memref_squeeze %dma_start3A_97 : memref<1x1x125xi32, #tpu.memory_space<vmem>> -> memref<125xi32, #tpu.memory_space<vmem>>
    %dma_start3A_99 = arith.constant 0 : i32
    %dma_start3A_100 = arith.constant 0 : i32
    %dma_start3A_101 = tpu.memref_slice %arg2[%arg0, %dma_start3A_99, %dma_start3A_100] : memref<2x10000x64xf32, #tpu.memory_space<hbm>> -> memref<1x10000x64xf32, #tpu.memory_space<hbm>>
    %dma_start3A_102 = tpu.memref_squeeze %dma_start3A_101 : memref<1x10000x64xf32, #tpu.memory_space<hbm>> -> memref<10000x64xf32, #tpu.memory_space<hbm>>
    %dma_start3A_103 = arith.constant 0 : i32
    %dma_start3A_104 = arith.constant 0 : i32
    %dma_start3A_105 = tpu.memref_slice %dma_start3A_102[%dma_start3A_103, %dma_start3A_104] : memref<10000x64xf32, #tpu.memory_space<hbm>> -> memref<10000x64xf32, #tpu.memory_space<hbm>>
    tpu.enqueue_indirect_dma source(%dma_start3A_105 : memref<10000x64xf32, #tpu.memory_space<hbm>>) target(%arg9 : memref<125x64xf32, #tpu.memory_space<vmem>>) offsets(%dma_start3A_98 : memref<125xi32, #tpu.memory_space<vmem>>) semaphore(%arg17 : memref<!tpu.dma_semaphore, #tpu.memory_space<semaphore_mem>>)
    %dma_start3A_106 = arith.constant 0 : i32
    %dma_start3A_107 = arith.constant 1 : i32
    %dma_start3A_108 = arith.constant 0 : i32
    %dma_start3A_109 = tpu.memref_slice %arg6[%dma_start3A_106, %dma_start3A_107, %dma_start3A_108] : memref<2x32x125xi32, #tpu.memory_space<vmem>> -> memref<1x1x125xi32, #tpu.memory_space<vmem>>
    %dma_start3A_110 = tpu.memref_squeeze %dma_start3A_109 : memref<1x1x125xi32, #tpu.memory_space<vmem>> -> memref<125xi32, #tpu.memory_space<vmem>>
    %dma_start3A_111 = arith.constant 0 : i32
    %dma_start3A_112 = arith.constant 0 : i32
    %dma_start3A_113 = tpu.memref_slice %arg2[%arg0, %dma_start3A_111, %dma_start3A_112] : memref<2x10000x64xf32, #tpu.memory_space<hbm>> -> memref<1x10000x64xf32, #tpu.memory_space<hbm>>
    %dma_start3A_114 = tpu.memref_squeeze %dma_start3A_113 : memref<1x10000x64xf32, #tpu.memory_space<hbm>> -> memref<10000x64xf32, #tpu.memory_space<hbm>>
    %dma_start3A_115 = arith.constant 0 : i32
    %dma_start3A_116 = arith.constant 0 : i32
    %dma_start3A_117 = tpu.memref_slice %dma_start3A_114[%dma_start3A_115, %dma_start3A_116] : memref<10000x64xf32, #tpu.memory_space<hbm>> -> memref<10000x64xf32, #tpu.memory_space<hbm>>
    tpu.enqueue_indirect_dma source(%dma_start3A_117 : memref<10000x64xf32, #tpu.memory_space<hbm>>) target(%arg10 : memref<125x64xf32, #tpu.memory_space<vmem>>) offsets(%dma_start3A_110 : memref<125xi32, #tpu.memory_space<vmem>>) semaphore(%arg18 : memref<!tpu.dma_semaphore, #tpu.memory_space<semaphore_mem>>)
    %dma_start3A_118 = arith.constant 0 : i32
    %dma_start3A_119 = arith.constant 2 : i32
    %dma_start3A_120 = arith.constant 0 : i32
    %dma_start3A_121 = tpu.memref_slice %arg6[%dma_start3A_118, %dma_start3A_119, %dma_start3A_120] : memref<2x32x125xi32, #tpu.memory_space<vmem>> -> memref<1x1x125xi32, #tpu.memory_space<vmem>>
    %dma_start3A_122 = tpu.memref_squeeze %dma_start3A_121 : memref<1x1x125xi32, #tpu.memory_space<vmem>> -> memref<125xi32, #tpu.memory_space<vmem>>
    %dma_start3A_123 = arith.constant 0 : i32
    %dma_start3A_124 = arith.constant 0 : i32
    %dma_start3A_125 = tpu.memref_slice %arg2[%arg0, %dma_start3A_123, %dma_start3A_124] : memref<2x10000x64xf32, #tpu.memory_space<hbm>> -> memref<1x10000x64xf32, #tpu.memory_space<hbm>>
    %dma_start3A_126 = tpu.memref_squeeze %dma_start3A_125 : memref<1x10000x64xf32, #tpu.memory_space<hbm>> -> memref<10000x64xf32, #tpu.memory_space<hbm>>
    %dma_start3A_127 = arith.constant 0 : i32
    %dma_start3A_128 = arith.constant 0 : i32
    %dma_start3A_129 = tpu.memref_slice %dma_start3A_126[%dma_start3A_127, %dma_start3A_128] : memref<10000x64xf32, #tpu.memory_space<hbm>> -> memref<10000x64xf32, #tpu.memory_space<hbm>>
    tpu.enqueue_indirect_dma source(%dma_start3A_129 : memref<10000x64xf32, #tpu.memory_space<hbm>>) target(%arg11 : memref<125x64xf32, #tpu.memory_space<vmem>>) offsets(%dma_start3A_122 : memref<125xi32, #tpu.memory_space<vmem>>) semaphore(%arg19 : memref<!tpu.dma_semaphore, #tpu.memory_space<semaphore_mem>>)
    %dma_start3A_130 = arith.constant 0 : i32
    %dma_start3A_131 = arith.constant 3 : i32
    %dma_start3A_132 = arith.constant 0 : i32
    %dma_start3A_133 = tpu.memref_slice %arg6[%dma_start3A_130, %dma_start3A_131, %dma_start3A_132] : memref<2x32x125xi32, #tpu.memory_space<vmem>> -> memref<1x1x125xi32, #tpu.memory_space<vmem>>
    %dma_start3A_134 = tpu.memref_squeeze %dma_start3A_133 : memref<1x1x125xi32, #tpu.memory_space<vmem>> -> memref<125xi32, #tpu.memory_space<vmem>>
    %dma_start3A_135 = arith.constant 0 : i32
    %dma_start3A_136 = arith.constant 0 : i32
    %dma_start3A_137 = tpu.memref_slice %arg2[%arg0, %dma_start3A_135, %dma_start3A_136] : memref<2x10000x64xf32, #tpu.memory_space<hbm>> -> memref<1x10000x64xf32, #tpu.memory_space<hbm>>
    %dma_start3A_138 = tpu.memref_squeeze %dma_start3A_137 : memref<1x10000x64xf32, #tpu.memory_space<hbm>> -> memref<10000x64xf32, #tpu.memory_space<hbm>>
    %dma_start3A_139 = arith.constant 0 : i32
    %dma_start3A_140 = arith.constant 0 : i32
    %dma_start3A_141 = tpu.memref_slice %dma_start3A_138[%dma_start3A_139, %dma_start3A_140] : memref<10000x64xf32, #tpu.memory_space<hbm>> -> memref<10000x64xf32, #tpu.memory_space<hbm>>
    tpu.enqueue_indirect_dma source(%dma_start3A_141 : memref<10000x64xf32, #tpu.memory_space<hbm>>) target(%arg12 : memref<125x64xf32, #tpu.memory_space<vmem>>) offsets(%dma_start3A_134 : memref<125xi32, #tpu.memory_space<vmem>>) semaphore(%arg20 : memref<!tpu.dma_semaphore, #tpu.memory_space<semaphore_mem>>)
    %dma_start3A_142 = arith.constant 0 : i32
    %dma_start3A_143 = arith.constant 4 : i32
    %dma_start3A_144 = arith.constant 0 : i32
    %dma_start3A_145 = tpu.memref_slice %arg6[%dma_start3A_142, %dma_start3A_143, %dma_start3A_144] : memref<2x32x125xi32, #tpu.memory_space<vmem>> -> memref<1x1x125xi32, #tpu.memory_space<vmem>>
    %dma_start3A_146 = tpu.memref_squeeze %dma_start3A_145 : memref<1x1x125xi32, #tpu.memory_space<vmem>> -> memref<125xi32, #tpu.memory_space<vmem>>
    %dma_start3A_147 = arith.constant 0 : i32
    %dma_start3A_148 = arith.constant 0 : i32
    %dma_start3A_149 = tpu.memref_slice %arg2[%arg0, %dma_start3A_147, %dma_start3A_148] : memref<2x10000x64xf32, #tpu.memory_space<hbm>> -> memref<1x10000x64xf32, #tpu.memory_space<hbm>>
    %dma_start3A_150 = tpu.memref_squeeze %dma_start3A_149 : memref<1x10000x64xf32, #tpu.memory_space<hbm>> -> memref<10000x64xf32, #tpu.memory_space<hbm>>
    %dma_start3A_151 = arith.constant 0 : i32
    %dma_start3A_152 = arith.constant 0 : i32
    %dma_start3A_153 = tpu.memref_slice %dma_start3A_150[%dma_start3A_151, %dma_start3A_152] : memref<10000x64xf32, #tpu.memory_space<hbm>> -> memref<10000x64xf32, #tpu.memory_space<hbm>>
    tpu.enqueue_indirect_dma source(%dma_start3A_153 : memref<10000x64xf32, #tpu.memory_space<hbm>>) target(%arg13 : memref<125x64xf32, #tpu.memory_space<vmem>>) offsets(%dma_start3A_146 : memref<125xi32, #tpu.memory_space<vmem>>) semaphore(%arg21 : memref<!tpu.dma_semaphore, #tpu.memory_space<semaphore_mem>>)
    %dma_start3A_154 = arith.constant 0 : i32
    %dma_start3A_155 = arith.constant 5 : i32
    %dma_start3A_156 = arith.constant 0 : i32
    %dma_start3A_157 = tpu.memref_slice %arg6[%dma_start3A_154, %dma_start3A_155, %dma_start3A_156] : memref<2x32x125xi32, #tpu.memory_space<vmem>> -> memref<1x1x125xi32, #tpu.memory_space<vmem>>
    %dma_start3A_158 = tpu.memref_squeeze %dma_start3A_157 : memref<1x1x125xi32, #tpu.memory_space<vmem>> -> memref<125xi32, #tpu.memory_space<vmem>>
    %dma_start3A_159 = arith.constant 0 : i32
    %dma_start3A_160 = arith.constant 0 : i32
    %dma_start3A_161 = tpu.memref_slice %arg2[%arg0, %dma_start3A_159, %dma_start3A_160] : memref<2x10000x64xf32, #tpu.memory_space<hbm>> -> memref<1x10000x64xf32, #tpu.memory_space<hbm>>
    %dma_start3A_162 = tpu.memref_squeeze %dma_start3A_161 : memref<1x10000x64xf32, #tpu.memory_space<hbm>> -> memref<10000x64xf32, #tpu.memory_space<hbm>>
    %dma_start3A_163 = arith.constant 0 : i32
    %dma_start3A_164 = arith.constant 0 : i32
    %dma_start3A_165 = tpu.memref_slice %dma_start3A_162[%dma_start3A_163, %dma_start3A_164] : memref<10000x64xf32, #tpu.memory_space<hbm>> -> memref<10000x64xf32, #tpu.memory_space<hbm>>
    tpu.enqueue_indirect_dma source(%dma_start3A_165 : memref<10000x64xf32, #tpu.memory_space<hbm>>) target(%arg14 : memref<125x64xf32, #tpu.memory_space<vmem>>) offsets(%dma_start3A_158 : memref<125xi32, #tpu.memory_space<vmem>>) semaphore(%arg22 : memref<!tpu.dma_semaphore, #tpu.memory_space<semaphore_mem>>)
    %barrier3A = arith.constant 0 : index
    tpu.barrier barrier_id(%barrier3A)
    %scan3A_166 = arith.constant 0 : i32
    %scan3A_167 = arith.constant 20 : i32
    %scan3A_168 = arith.addi %scan3A_166, %scan3A_167 : i32
    %scan3A_169 = arith.constant 1 : i32
    scf.for %scan3A_192 = %scan3A_166 to %scan3A_168 step %scan3A_169  : i32 {
      %mul3A_193 = arith.constant 8 : i32
      %mul3A_194 = arith.muli %scan3A_192, %mul3A_193 : i32
      %add3A_195 = arith.constant 0 : i32
      %add3A_196 = arith.addi %add3A_195, %mul3A_194 : i32
      %add3A_197 = arith.constant 0 : i32
      %add3A_198 = arith.addi %add3A_196, %add3A_197 : i32
      %dma_wait3A_199 = arith.constant 0 : i32
      %dma_wait3A_200 = arith.constant 0 : i32
      %dma_wait3A_201 = arith.constant 0 : i32
      %dma_wait3A_202 = tpu.memref_slice %arg6[%dma_wait3A_199, %dma_wait3A_200, %dma_wait3A_201] : memref<2x32x125xi32, #tpu.memory_space<vmem>> -> memref<1x1x125xi32, #tpu.memory_space<vmem>>
      %dma_wait3A_203 = tpu.memref_squeeze %dma_wait3A_202 : memref<1x1x125xi32, #tpu.memory_space<vmem>> -> memref<125xi32, #tpu.memory_space<vmem>>
      %dma_wait3A_204 = arith.constant 0 : i32
      %dma_wait3A_205 = arith.constant 0 : i32
      %dma_wait3A_206 = tpu.memref_slice %arg2[%arg0, %dma_wait3A_204, %dma_wait3A_205] : memref<2x10000x64xf32, #tpu.memory_space<hbm>> -> memref<1x10000x64xf32, #tpu.memory_space<hbm>>
      %dma_wait3A_207 = tpu.memref_squeeze %dma_wait3A_206 : memref<1x10000x64xf32, #tpu.memory_space<hbm>> -> memref<10000x64xf32, #tpu.memory_space<hbm>>
      %dma_wait3A_208 = arith.constant 0 : i32
      %dma_wait3A_209 = arith.constant 0 : i32
      %dma_wait3A_210 = tpu.memref_slice %dma_wait3A_207[%dma_wait3A_208, %dma_wait3A_209] : memref<10000x64xf32, #tpu.memory_space<hbm>> -> memref<10000x64xf32, #tpu.memory_space<hbm>>
      tpu.wait_indirect_dma semaphore(%arg17 : memref<!tpu.dma_semaphore, #tpu.memory_space<semaphore_mem>>) src(%dma_wait3A_210 : memref<10000x64xf32, #tpu.memory_space<hbm>>) dst(%arg9 : memref<125x64xf32, #tpu.memory_space<vmem>>)
      %div3A = arith.constant 32 : i32
      %div3A_211 = arith.divsi %add3A_198, %div3A : i32
      %rem3A = arith.constant 2 : i32
      %rem3A_212 = arith.remsi %div3A_211, %rem3A : i32
      %rem3A_213 = arith.constant 32 : i32
      %rem3A_214 = arith.remsi %add3A_198, %rem3A_213 : i32
      %dma_start3A_215 = arith.constant 0 : i32
      %dma_start3A_216 = tpu.memref_slice %arg7[%rem3A_212, %rem3A_214, %dma_start3A_215] : memref<2x32x125xi32, #tpu.memory_space<vmem>> -> memref<1x1x125xi32, #tpu.memory_space<vmem>>
      %dma_start3A_217 = tpu.memref_squeeze %dma_start3A_216 : memref<1x1x125xi32, #tpu.memory_space<vmem>> -> memref<125xi32, #tpu.memory_space<vmem>>
      %dma_start3A_218 = arith.constant 0 : i32
      %dma_start3A_219 = arith.constant 0 : i32
      %dma_start3A_220 = tpu.memref_slice %arg8[%dma_start3A_218, %dma_start3A_219] : memref<10240x64xf32, #tpu.memory_space<vmem_shared>> -> memref<10240x64xf32, #tpu.memory_space<vmem_shared>>
      tpu.enqueue_indirect_dma source(%arg9 : memref<125x64xf32, #tpu.memory_space<vmem>>) target(%dma_start3A_220 : memref<10240x64xf32, #tpu.memory_space<vmem_shared>>) offsets(%dma_start3A_217 : memref<125xi32, #tpu.memory_space<vmem>>) semaphore(%arg25 : memref<!tpu.dma_semaphore, #tpu.memory_space<semaphore_mem>>) {add = true}
      %gt3A = arith.constant 0 : i32
      %gt3A_221 = arith.cmpi sgt, %add3A_196, %gt3A : i32
      %convert_element_type3A = arith.extui %gt3A_221 : i1 to i32
      %cond3A = arith.constant 0 : i32
      %cond3A_222 = arith.cmpi ne, %convert_element_type3A, %cond3A : i32
      scf.if %cond3A_222 {
        %dma_wait3A_554 = arith.constant 0 : i32
        %dma_wait3A_555 = arith.constant 0 : i32
        %dma_wait3A_556 = arith.constant 0 : i32
        %dma_wait3A_557 = tpu.memref_slice %arg7[%dma_wait3A_554, %dma_wait3A_555, %dma_wait3A_556] : memref<2x32x125xi32, #tpu.memory_space<vmem>> -> memref<1x1x125xi32, #tpu.memory_space<vmem>>
        %dma_wait3A_558 = tpu.memref_squeeze %dma_wait3A_557 : memref<1x1x125xi32, #tpu.memory_space<vmem>> -> memref<125xi32, #tpu.memory_space<vmem>>
        %dma_wait3A_559 = arith.constant 0 : i32
        %dma_wait3A_560 = arith.constant 0 : i32
        %dma_wait3A_561 = tpu.memref_slice %arg8[%dma_wait3A_559, %dma_wait3A_560] : memref<10240x64xf32, #tpu.memory_space<vmem_shared>> -> memref<10240x64xf32, #tpu.memory_space<vmem_shared>>
        tpu.wait_indirect_dma semaphore(%arg31 : memref<!tpu.dma_semaphore, #tpu.memory_space<semaphore_mem>>) src(%arg15 : memref<125x64xf32, #tpu.memory_space<vmem>>) dst(%dma_wait3A_561 : memref<10240x64xf32, #tpu.memory_space<vmem_shared>>)
      } else {
      }
      %add3A_223 = arith.constant 6 : i32
      %add3A_224 = arith.addi %add3A_198, %add3A_223 : i32
      %div3A_225 = arith.constant 32 : i32
      %div3A_226 = arith.divsi %add3A_224, %div3A_225 : i32
      %rem3A_227 = arith.constant 2 : i32
      %rem3A_228 = arith.remsi %div3A_226, %rem3A_227 : i32
      %rem3A_229 = arith.constant 32 : i32
      %rem3A_230 = arith.remsi %add3A_224, %rem3A_229 : i32
      %dma_start3A_231 = arith.constant 0 : i32
      %dma_start3A_232 = tpu.memref_slice %arg6[%rem3A_228, %rem3A_230, %dma_start3A_231] : memref<2x32x125xi32, #tpu.memory_space<vmem>> -> memref<1x1x125xi32, #tpu.memory_space<vmem>>
      %dma_start3A_233 = tpu.memref_squeeze %dma_start3A_232 : memref<1x1x125xi32, #tpu.memory_space<vmem>> -> memref<125xi32, #tpu.memory_space<vmem>>
      %dma_start3A_234 = arith.constant 0 : i32
      %dma_start3A_235 = arith.constant 0 : i32
      %dma_start3A_236 = tpu.memref_slice %arg2[%arg0, %dma_start3A_234, %dma_start3A_235] : memref<2x10000x64xf32, #tpu.memory_space<hbm>> -> memref<1x10000x64xf32, #tpu.memory_space<hbm>>
      %dma_start3A_237 = tpu.memref_squeeze %dma_start3A_236 : memref<1x10000x64xf32, #tpu.memory_space<hbm>> -> memref<10000x64xf32, #tpu.memory_space<hbm>>
      %dma_start3A_238 = arith.constant 0 : i32
      %dma_start3A_239 = arith.constant 0 : i32
      %dma_start3A_240 = tpu.memref_slice %dma_start3A_237[%dma_start3A_238, %dma_start3A_239] : memref<10000x64xf32, #tpu.memory_space<hbm>> -> memref<10000x64xf32, #tpu.memory_space<hbm>>
      tpu.enqueue_indirect_dma source(%dma_start3A_240 : memref<10000x64xf32, #tpu.memory_space<hbm>>) target(%arg15 : memref<125x64xf32, #tpu.memory_space<vmem>>) offsets(%dma_start3A_233 : memref<125xi32, #tpu.memory_space<vmem>>) semaphore(%arg23 : memref<!tpu.dma_semaphore, #tpu.memory_space<semaphore_mem>>)
      %rem3A_241 = arith.constant 32 : i32
      %rem3A_242 = arith.remsi %add3A_196, %rem3A_241 : i32
      %eq3A = arith.constant 8 : i32
      %eq3A_243 = arith.cmpi eq, %rem3A_242, %eq3A : i32
      %ge3A = arith.constant 40 : i32
      %ge3A_244 = arith.cmpi sge, %add3A_196, %ge3A : i32
      %lt3A = arith.constant 128 : i32
      %lt3A_245 = arith.cmpi slt, %add3A_196, %lt3A : i32
      %and3A = arith.andi %ge3A_244, %lt3A_245 : i1
      %and3A_246 = arith.andi %eq3A_243, %and3A : i1
      %convert_element_type3A_247 = arith.extui %and3A_246 : i1 to i32
      %cond3A_248 = arith.constant 0 : i32
      %cond3A_249 = arith.cmpi ne, %convert_element_type3A_247, %cond3A_248 : i32
      scf.if %cond3A_249 {
        %div3A_554 = arith.constant 32 : i32
        %div3A_555 = arith.divsi %add3A_196, %div3A_554 : i32
        %add3A_556 = arith.constant 1 : i32
        %add3A_557 = arith.addi %div3A_555, %add3A_556 : i32
        %rem3A_558 = arith.constant 2 : i32
        %rem3A_559 = arith.remsi %add3A_557, %rem3A_558 : i32
        %mul3A_560 = arith.constant 32 : i32
        %mul3A_561 = arith.muli %add3A_557, %mul3A_560 : i32
        %add3A_562 = arith.addi %mul3A_0, %mul3A_561 : i32
        %dma_start3A_563 = arith.constant 0 : i32
        %dma_start3A_564 = arith.constant 0 : i32
        %dma_start3A_565 = tpu.memref_slice %arg6[%rem3A_559, %dma_start3A_563, %dma_start3A_564] : memref<2x32x125xi32, #tpu.memory_space<vmem>> -> memref<1x32x125xi32, #tpu.memory_space<vmem>>
        %dma_start3A_566 = tpu.memref_squeeze %dma_start3A_565 : memref<1x32x125xi32, #tpu.memory_space<vmem>> -> memref<32x125xi32, #tpu.memory_space<vmem>>
        %dma_start3A_567 = arith.constant 0 : i32
        %dma_start3A_568 = tpu.memref_slice %arg3[%add3A_562, %dma_start3A_567] : memref<2560x125xi32, #tpu.memory_space<hbm>> -> memref<32x125xi32, #tpu.memory_space<hbm>>
        %dma_start3A_569 = arith.constant 0 : i32
        %dma_start3A_570 = arith.constant 0 : i32
        %dma_start3A_571 = tpu.memref_slice %arg6[%rem3A_559, %dma_start3A_569, %dma_start3A_570] : memref<2x32x125xi32, #tpu.memory_space<vmem>> -> memref<1x32x125xi32, #tpu.memory_space<vmem>>
        %dma_start3A_572 = tpu.memref_squeeze %dma_start3A_571 : memref<1x32x125xi32, #tpu.memory_space<vmem>> -> memref<32x125xi32, #tpu.memory_space<vmem>>
        %dma_start3A_573 = arith.constant 0 : i32
        %dma_start3A_574 = tpu.memref_slice %arg3[%add3A_562, %dma_start3A_573] : memref<2560x125xi32, #tpu.memory_space<hbm>> -> memref<32x125xi32, #tpu.memory_space<hbm>>
        tpu.enqueue_dma source(%dma_start3A_574 : memref<32x125xi32, #tpu.memory_space<hbm>>) target(%dma_start3A_572 : memref<32x125xi32, #tpu.memory_space<vmem>>) target_semaphore(%arg33 : memref<!tpu.dma_semaphore, #tpu.memory_space<semaphore_mem>>)
        %mul3A_575 = arith.constant 32 : i32
        %mul3A_576 = arith.muli %add3A_557, %mul3A_575 : i32
        %add3A_577 = arith.addi %mul3A_0, %mul3A_576 : i32
        %dma_start3A_578 = arith.constant 0 : i32
        %dma_start3A_579 = arith.constant 0 : i32
        %dma_start3A_580 = tpu.memref_slice %arg7[%rem3A_559, %dma_start3A_578, %dma_start3A_579] : memref<2x32x125xi32, #tpu.memory_space<vmem>> -> memref<1x32x125xi32, #tpu.memory_space<vmem>>
        %dma_start3A_581 = tpu.memref_squeeze %dma_start3A_580 : memref<1x32x125xi32, #tpu.memory_space<vmem>> -> memref<32x125xi32, #tpu.memory_space<vmem>>
        %dma_start3A_582 = arith.constant 0 : i32
        %dma_start3A_583 = tpu.memref_slice %arg4[%add3A_577, %dma_start3A_582] : memref<2560x125xi32, #tpu.memory_space<hbm>> -> memref<32x125xi32, #tpu.memory_space<hbm>>
        %dma_start3A_584 = arith.constant 0 : i32
        %dma_start3A_585 = arith.constant 0 : i32
        %dma_start3A_586 = tpu.memref_slice %arg7[%rem3A_559, %dma_start3A_584, %dma_start3A_585] : memref<2x32x125xi32, #tpu.memory_space<vmem>> -> memref<1x32x125xi32, #tpu.memory_space<vmem>>
        %dma_start3A_587 = tpu.memref_squeeze %dma_start3A_586 : memref<1x32x125xi32, #tpu.memory_space<vmem>> -> memref<32x125xi32, #tpu.memory_space<vmem>>
        %dma_start3A_588 = arith.constant 0 : i32
        %dma_start3A_589 = tpu.memref_slice %arg4[%add3A_577, %dma_start3A_588] : memref<2560x125xi32, #tpu.memory_space<hbm>> -> memref<32x125xi32, #tpu.memory_space<hbm>>
        tpu.enqueue_dma source(%dma_start3A_589 : memref<32x125xi32, #tpu.memory_space<hbm>>) target(%dma_start3A_587 : memref<32x125xi32, #tpu.memory_space<vmem>>) target_semaphore(%arg34 : memref<!tpu.dma_semaphore, #tpu.memory_space<semaphore_mem>>)
      } else {
      }
      %rem3A_250 = arith.constant 32 : i32
      %rem3A_251 = arith.remsi %add3A_196, %rem3A_250 : i32
      %eq3A_252 = arith.constant 24 : i32
      %eq3A_253 = arith.cmpi eq, %rem3A_251, %eq3A_252 : i32
      %le3A = arith.constant 120 : i32
      %le3A_254 = arith.cmpi sle, %add3A_196, %le3A : i32
      %and3A_255 = arith.andi %eq3A_253, %le3A_254 : i1
      %convert_element_type3A_256 = arith.extui %and3A_255 : i1 to i32
      %cond3A_257 = arith.constant 0 : i32
      %cond3A_258 = arith.cmpi ne, %convert_element_type3A_256, %cond3A_257 : i32
      scf.if %cond3A_258 {
        %dma_wait3A_554 = arith.constant 0 : i32
        %dma_wait3A_555 = arith.constant 0 : i32
        %dma_wait3A_556 = arith.constant 0 : i32
        %dma_wait3A_557 = tpu.memref_slice %arg6[%dma_wait3A_554, %dma_wait3A_555, %dma_wait3A_556] : memref<2x32x125xi32, #tpu.memory_space<vmem>> -> memref<1x32x125xi32, #tpu.memory_space<vmem>>
        %dma_wait3A_558 = tpu.memref_squeeze %dma_wait3A_557 : memref<1x32x125xi32, #tpu.memory_space<vmem>> -> memref<32x125xi32, #tpu.memory_space<vmem>>
        %dma_wait3A_559 = arith.constant 0 : i32
        %dma_wait3A_560 = tpu.memref_slice %arg3[%mul3A_0, %dma_wait3A_559] : memref<2560x125xi32, #tpu.memory_space<hbm>> -> memref<32x125xi32, #tpu.memory_space<hbm>>
        %dma_wait3A_561 = arith.constant 0 : i32
        %dma_wait3A_562 = arith.constant 0 : i32
        %dma_wait3A_563 = tpu.memref_slice %arg6[%dma_wait3A_554, %dma_wait3A_561, %dma_wait3A_562] : memref<2x32x125xi32, #tpu.memory_space<vmem>> -> memref<1x32x125xi32, #tpu.memory_space<vmem>>
        %dma_wait3A_564 = tpu.memref_squeeze %dma_wait3A_563 : memref<1x32x125xi32, #tpu.memory_space<vmem>> -> memref<32x125xi32, #tpu.memory_space<vmem>>
        %dma_wait3A_565 = arith.constant 0 : i32
        %dma_wait3A_566 = tpu.memref_slice %arg3[%mul3A_0, %dma_wait3A_565] : memref<2560x125xi32, #tpu.memory_space<hbm>> -> memref<32x125xi32, #tpu.memory_space<hbm>>
        tpu.wait_dma2 semaphore(%arg33 : memref<!tpu.dma_semaphore, #tpu.memory_space<semaphore_mem>>) src(%dma_wait3A_566 : memref<32x125xi32, #tpu.memory_space<hbm>>) dst(%dma_wait3A_564 : memref<32x125xi32, #tpu.memory_space<vmem>>)
        %dma_wait3A_567 = arith.constant 0 : i32
        %dma_wait3A_568 = arith.constant 0 : i32
        %dma_wait3A_569 = arith.constant 0 : i32
        %dma_wait3A_570 = tpu.memref_slice %arg7[%dma_wait3A_567, %dma_wait3A_568, %dma_wait3A_569] : memref<2x32x125xi32, #tpu.memory_space<vmem>> -> memref<1x32x125xi32, #tpu.memory_space<vmem>>
        %dma_wait3A_571 = tpu.memref_squeeze %dma_wait3A_570 : memref<1x32x125xi32, #tpu.memory_space<vmem>> -> memref<32x125xi32, #tpu.memory_space<vmem>>
        %dma_wait3A_572 = arith.constant 0 : i32
        %dma_wait3A_573 = tpu.memref_slice %arg3[%mul3A_0, %dma_wait3A_572] : memref<2560x125xi32, #tpu.memory_space<hbm>> -> memref<32x125xi32, #tpu.memory_space<hbm>>
        %dma_wait3A_574 = arith.constant 0 : i32
        %dma_wait3A_575 = arith.constant 0 : i32
        %dma_wait3A_576 = tpu.memref_slice %arg7[%dma_wait3A_567, %dma_wait3A_574, %dma_wait3A_575] : memref<2x32x125xi32, #tpu.memory_space<vmem>> -> memref<1x32x125xi32, #tpu.memory_space<vmem>>
        %dma_wait3A_577 = tpu.memref_squeeze %dma_wait3A_576 : memref<1x32x125xi32, #tpu.memory_space<vmem>> -> memref<32x125xi32, #tpu.memory_space<vmem>>
        %dma_wait3A_578 = arith.constant 0 : i32
        %dma_wait3A_579 = tpu.memref_slice %arg3[%mul3A_0, %dma_wait3A_578] : memref<2560x125xi32, #tpu.memory_space<hbm>> -> memref<32x125xi32, #tpu.memory_space<hbm>>
        tpu.wait_dma2 semaphore(%arg34 : memref<!tpu.dma_semaphore, #tpu.memory_space<semaphore_mem>>) src(%dma_wait3A_579 : memref<32x125xi32, #tpu.memory_space<hbm>>) dst(%dma_wait3A_577 : memref<32x125xi32, #tpu.memory_space<vmem>>)
      } else {
      }
      %add3A_259 = arith.constant 1 : i32
      %add3A_260 = arith.addi %add3A_196, %add3A_259 : i32
      %dma_wait3A_261 = arith.constant 0 : i32
      %dma_wait3A_262 = arith.constant 0 : i32
      %dma_wait3A_263 = arith.constant 0 : i32
      %dma_wait3A_264 = tpu.memref_slice %arg6[%dma_wait3A_261, %dma_wait3A_262, %dma_wait3A_263] : memref<2x32x125xi32, #tpu.memory_space<vmem>> -> memref<1x1x125xi32, #tpu.memory_space<vmem>>
      %dma_wait3A_265 = tpu.memref_squeeze %dma_wait3A_264 : memref<1x1x125xi32, #tpu.memory_space<vmem>> -> memref<125xi32, #tpu.memory_space<vmem>>
      %dma_wait3A_266 = arith.constant 0 : i32
      %dma_wait3A_267 = arith.constant 0 : i32
      %dma_wait3A_268 = tpu.memref_slice %arg2[%arg0, %dma_wait3A_266, %dma_wait3A_267] : memref<2x10000x64xf32, #tpu.memory_space<hbm>> -> memref<1x10000x64xf32, #tpu.memory_space<hbm>>
      %dma_wait3A_269 = tpu.memref_squeeze %dma_wait3A_268 : memref<1x10000x64xf32, #tpu.memory_space<hbm>> -> memref<10000x64xf32, #tpu.memory_space<hbm>>
      %dma_wait3A_270 = arith.constant 0 : i32
      %dma_wait3A_271 = arith.constant 0 : i32
      %dma_wait3A_272 = tpu.memref_slice %dma_wait3A_269[%dma_wait3A_270, %dma_wait3A_271] : memref<10000x64xf32, #tpu.memory_space<hbm>> -> memref<10000x64xf32, #tpu.memory_space<hbm>>
      tpu.wait_indirect_dma semaphore(%arg18 : memref<!tpu.dma_semaphore, #tpu.memory_space<semaphore_mem>>) src(%dma_wait3A_272 : memref<10000x64xf32, #tpu.memory_space<hbm>>) dst(%arg10 : memref<125x64xf32, #tpu.memory_space<vmem>>)
      %div3A_273 = arith.constant 32 : i32
      %div3A_274 = arith.divsi %add3A_260, %div3A_273 : i32
      %rem3A_275 = arith.constant 2 : i32
      %rem3A_276 = arith.remsi %div3A_274, %rem3A_275 : i32
      %rem3A_277 = arith.constant 32 : i32
      %rem3A_278 = arith.remsi %add3A_260, %rem3A_277 : i32
      %dma_start3A_279 = arith.constant 0 : i32
      %dma_start3A_280 = tpu.memref_slice %arg7[%rem3A_276, %rem3A_278, %dma_start3A_279] : memref<2x32x125xi32, #tpu.memory_space<vmem>> -> memref<1x1x125xi32, #tpu.memory_space<vmem>>
      %dma_start3A_281 = tpu.memref_squeeze %dma_start3A_280 : memref<1x1x125xi32, #tpu.memory_space<vmem>> -> memref<125xi32, #tpu.memory_space<vmem>>
      %dma_start3A_282 = arith.constant 0 : i32
      %dma_start3A_283 = arith.constant 0 : i32
      %dma_start3A_284 = tpu.memref_slice %arg8[%dma_start3A_282, %dma_start3A_283] : memref<10240x64xf32, #tpu.memory_space<vmem_shared>> -> memref<10240x64xf32, #tpu.memory_space<vmem_shared>>
      tpu.enqueue_indirect_dma source(%arg10 : memref<125x64xf32, #tpu.memory_space<vmem>>) target(%dma_start3A_284 : memref<10240x64xf32, #tpu.memory_space<vmem_shared>>) offsets(%dma_start3A_281 : memref<125xi32, #tpu.memory_space<vmem>>) semaphore(%arg26 : memref<!tpu.dma_semaphore, #tpu.memory_space<semaphore_mem>>) {add = true}
      %gt3A_285 = arith.constant 0 : i32
      %gt3A_286 = arith.cmpi sgt, %add3A_196, %gt3A_285 : i32
      %convert_element_type3A_287 = arith.extui %gt3A_286 : i1 to i32
      %cond3A_288 = arith.constant 0 : i32
      %cond3A_289 = arith.cmpi ne, %convert_element_type3A_287, %cond3A_288 : i32
      scf.if %cond3A_289 {
        %dma_wait3A_554 = arith.constant 0 : i32
        %dma_wait3A_555 = arith.constant 0 : i32
        %dma_wait3A_556 = arith.constant 0 : i32
        %dma_wait3A_557 = tpu.memref_slice %arg7[%dma_wait3A_554, %dma_wait3A_555, %dma_wait3A_556] : memref<2x32x125xi32, #tpu.memory_space<vmem>> -> memref<1x1x125xi32, #tpu.memory_space<vmem>>
        %dma_wait3A_558 = tpu.memref_squeeze %dma_wait3A_557 : memref<1x1x125xi32, #tpu.memory_space<vmem>> -> memref<125xi32, #tpu.memory_space<vmem>>
        %dma_wait3A_559 = arith.constant 0 : i32
        %dma_wait3A_560 = arith.constant 0 : i32
        %dma_wait3A_561 = tpu.memref_slice %arg8[%dma_wait3A_559, %dma_wait3A_560] : memref<10240x64xf32, #tpu.memory_space<vmem_shared>> -> memref<10240x64xf32, #tpu.memory_space<vmem_shared>>
        tpu.wait_indirect_dma semaphore(%arg32 : memref<!tpu.dma_semaphore, #tpu.memory_space<semaphore_mem>>) src(%arg16 : memref<125x64xf32, #tpu.memory_space<vmem>>) dst(%dma_wait3A_561 : memref<10240x64xf32, #tpu.memory_space<vmem_shared>>)
      } else {
      }
      %add3A_290 = arith.constant 6 : i32
      %add3A_291 = arith.addi %add3A_260, %add3A_290 : i32
      %div3A_292 = arith.constant 32 : i32
      %div3A_293 = arith.divsi %add3A_291, %div3A_292 : i32
      %rem3A_294 = arith.constant 2 : i32
      %rem3A_295 = arith.remsi %div3A_293, %rem3A_294 : i32
      %rem3A_296 = arith.constant 32 : i32
      %rem3A_297 = arith.remsi %add3A_291, %rem3A_296 : i32
      %dma_start3A_298 = arith.constant 0 : i32
      %dma_start3A_299 = tpu.memref_slice %arg6[%rem3A_295, %rem3A_297, %dma_start3A_298] : memref<2x32x125xi32, #tpu.memory_space<vmem>> -> memref<1x1x125xi32, #tpu.memory_space<vmem>>
      %dma_start3A_300 = tpu.memref_squeeze %dma_start3A_299 : memref<1x1x125xi32, #tpu.memory_space<vmem>> -> memref<125xi32, #tpu.memory_space<vmem>>
      %dma_start3A_301 = arith.constant 0 : i32
      %dma_start3A_302 = arith.constant 0 : i32
      %dma_start3A_303 = tpu.memref_slice %arg2[%arg0, %dma_start3A_301, %dma_start3A_302] : memref<2x10000x64xf32, #tpu.memory_space<hbm>> -> memref<1x10000x64xf32, #tpu.memory_space<hbm>>
      %dma_start3A_304 = tpu.memref_squeeze %dma_start3A_303 : memref<1x10000x64xf32, #tpu.memory_space<hbm>> -> memref<10000x64xf32, #tpu.memory_space<hbm>>
      %dma_start3A_305 = arith.constant 0 : i32
      %dma_start3A_306 = arith.constant 0 : i32
      %dma_start3A_307 = tpu.memref_slice %dma_start3A_304[%dma_start3A_305, %dma_start3A_306] : memref<10000x64xf32, #tpu.memory_space<hbm>> -> memref<10000x64xf32, #tpu.memory_space<hbm>>
      tpu.enqueue_indirect_dma source(%dma_start3A_307 : memref<10000x64xf32, #tpu.memory_space<hbm>>) target(%arg16 : memref<125x64xf32, #tpu.memory_space<vmem>>) offsets(%dma_start3A_300 : memref<125xi32, #tpu.memory_space<vmem>>) semaphore(%arg24 : memref<!tpu.dma_semaphore, #tpu.memory_space<semaphore_mem>>)
      %add3A_308 = arith.constant 2 : i32
      %add3A_309 = arith.addi %add3A_196, %add3A_308 : i32
      %dma_wait3A_310 = arith.constant 0 : i32
      %dma_wait3A_311 = arith.constant 0 : i32
      %dma_wait3A_312 = arith.constant 0 : i32
      %dma_wait3A_313 = tpu.memref_slice %arg6[%dma_wait3A_310, %dma_wait3A_311, %dma_wait3A_312] : memref<2x32x125xi32, #tpu.memory_space<vmem>> -> memref<1x1x125xi32, #tpu.memory_space<vmem>>
      %dma_wait3A_314 = tpu.memref_squeeze %dma_wait3A_313 : memref<1x1x125xi32, #tpu.memory_space<vmem>> -> memref<125xi32, #tpu.memory_space<vmem>>
      %dma_wait3A_315 = arith.constant 0 : i32
      %dma_wait3A_316 = arith.constant 0 : i32
      %dma_wait3A_317 = tpu.memref_slice %arg2[%arg0, %dma_wait3A_315, %dma_wait3A_316] : memref<2x10000x64xf32, #tpu.memory_space<hbm>> -> memref<1x10000x64xf32, #tpu.memory_space<hbm>>
      %dma_wait3A_318 = tpu.memref_squeeze %dma_wait3A_317 : memref<1x10000x64xf32, #tpu.memory_space<hbm>> -> memref<10000x64xf32, #tpu.memory_space<hbm>>
      %dma_wait3A_319 = arith.constant 0 : i32
      %dma_wait3A_320 = arith.constant 0 : i32
      %dma_wait3A_321 = tpu.memref_slice %dma_wait3A_318[%dma_wait3A_319, %dma_wait3A_320] : memref<10000x64xf32, #tpu.memory_space<hbm>> -> memref<10000x64xf32, #tpu.memory_space<hbm>>
      tpu.wait_indirect_dma semaphore(%arg19 : memref<!tpu.dma_semaphore, #tpu.memory_space<semaphore_mem>>) src(%dma_wait3A_321 : memref<10000x64xf32, #tpu.memory_space<hbm>>) dst(%arg11 : memref<125x64xf32, #tpu.memory_space<vmem>>)
      %div3A_322 = arith.constant 32 : i32
      %div3A_323 = arith.divsi %add3A_309, %div3A_322 : i32
      %rem3A_324 = arith.constant 2 : i32
      %rem3A_325 = arith.remsi %div3A_323, %rem3A_324 : i32
      %rem3A_326 = arith.constant 32 : i32
      %rem3A_327 = arith.remsi %add3A_309, %rem3A_326 : i32
      %dma_start3A_328 = arith.constant 0 : i32
      %dma_start3A_329 = tpu.memref_slice %arg7[%rem3A_325, %rem3A_327, %dma_start3A_328] : memref<2x32x125xi32, #tpu.memory_space<vmem>> -> memref<1x1x125xi32, #tpu.memory_space<vmem>>
      %dma_start3A_330 = tpu.memref_squeeze %dma_start3A_329 : memref<1x1x125xi32, #tpu.memory_space<vmem>> -> memref<125xi32, #tpu.memory_space<vmem>>
      %dma_start3A_331 = arith.constant 0 : i32
      %dma_start3A_332 = arith.constant 0 : i32
      %dma_start3A_333 = tpu.memref_slice %arg8[%dma_start3A_331, %dma_start3A_332] : memref<10240x64xf32, #tpu.memory_space<vmem_shared>> -> memref<10240x64xf32, #tpu.memory_space<vmem_shared>>
      tpu.enqueue_indirect_dma source(%arg11 : memref<125x64xf32, #tpu.memory_space<vmem>>) target(%dma_start3A_333 : memref<10240x64xf32, #tpu.memory_space<vmem_shared>>) offsets(%dma_start3A_330 : memref<125xi32, #tpu.memory_space<vmem>>) semaphore(%arg27 : memref<!tpu.dma_semaphore, #tpu.memory_space<semaphore_mem>>) {add = true}
      %dma_wait3A_334 = arith.constant 0 : i32
      %dma_wait3A_335 = arith.constant 0 : i32
      %dma_wait3A_336 = arith.constant 0 : i32
      %dma_wait3A_337 = tpu.memref_slice %arg7[%dma_wait3A_334, %dma_wait3A_335, %dma_wait3A_336] : memref<2x32x125xi32, #tpu.memory_space<vmem>> -> memref<1x1x125xi32, #tpu.memory_space<vmem>>
      %dma_wait3A_338 = tpu.memref_squeeze %dma_wait3A_337 : memref<1x1x125xi32, #tpu.memory_space<vmem>> -> memref<125xi32, #tpu.memory_space<vmem>>
      %dma_wait3A_339 = arith.constant 0 : i32
      %dma_wait3A_340 = arith.constant 0 : i32
      %dma_wait3A_341 = tpu.memref_slice %arg8[%dma_wait3A_339, %dma_wait3A_340] : memref<10240x64xf32, #tpu.memory_space<vmem_shared>> -> memref<10240x64xf32, #tpu.memory_space<vmem_shared>>
      tpu.wait_indirect_dma semaphore(%arg25 : memref<!tpu.dma_semaphore, #tpu.memory_space<semaphore_mem>>) src(%arg9 : memref<125x64xf32, #tpu.memory_space<vmem>>) dst(%dma_wait3A_341 : memref<10240x64xf32, #tpu.memory_space<vmem_shared>>)
      %add3A_342 = arith.constant 6 : i32
      %add3A_343 = arith.addi %add3A_309, %add3A_342 : i32
      %lt3A_344 = arith.constant 160 : i32
      %lt3A_345 = arith.cmpi slt, %add3A_343, %lt3A_344 : i32
      %convert_element_type3A_346 = arith.extui %lt3A_345 : i1 to i32
      %cond3A_347 = arith.constant 0 : i32
      %cond3A_348 = arith.cmpi ne, %convert_element_type3A_346, %cond3A_347 : i32
      scf.if %cond3A_348 {
        %add3A_554 = arith.constant 6 : i32
        %add3A_555 = arith.addi %add3A_309, %add3A_554 : i32
        %div3A_556 = arith.constant 32 : i32
        %div3A_557 = arith.divsi %add3A_555, %div3A_556 : i32
        %rem3A_558 = arith.constant 2 : i32
        %rem3A_559 = arith.remsi %div3A_557, %rem3A_558 : i32
        %rem3A_560 = arith.constant 32 : i32
        %rem3A_561 = arith.remsi %add3A_555, %rem3A_560 : i32
        %dma_start3A_562 = arith.constant 0 : i32
        %dma_start3A_563 = tpu.memref_slice %arg6[%rem3A_559, %rem3A_561, %dma_start3A_562] : memref<2x32x125xi32, #tpu.memory_space<vmem>> -> memref<1x1x125xi32, #tpu.memory_space<vmem>>
        %dma_start3A_564 = tpu.memref_squeeze %dma_start3A_563 : memref<1x1x125xi32, #tpu.memory_space<vmem>> -> memref<125xi32, #tpu.memory_space<vmem>>
        %dma_start3A_565 = arith.constant 0 : i32
        %dma_start3A_566 = arith.constant 0 : i32
        %dma_start3A_567 = tpu.memref_slice %arg2[%arg0, %dma_start3A_565, %dma_start3A_566] : memref<2x10000x64xf32, #tpu.memory_space<hbm>> -> memref<1x10000x64xf32, #tpu.memory_space<hbm>>
        %dma_start3A_568 = tpu.memref_squeeze %dma_start3A_567 : memref<1x10000x64xf32, #tpu.memory_space<hbm>> -> memref<10000x64xf32, #tpu.memory_space<hbm>>
        %dma_start3A_569 = arith.constant 0 : i32
        %dma_start3A_570 = arith.constant 0 : i32
        %dma_start3A_571 = tpu.memref_slice %dma_start3A_568[%dma_start3A_569, %dma_start3A_570] : memref<10000x64xf32, #tpu.memory_space<hbm>> -> memref<10000x64xf32, #tpu.memory_space<hbm>>
        tpu.enqueue_indirect_dma source(%dma_start3A_571 : memref<10000x64xf32, #tpu.memory_space<hbm>>) target(%arg9 : memref<125x64xf32, #tpu.memory_space<vmem>>) offsets(%dma_start3A_564 : memref<125xi32, #tpu.memory_space<vmem>>) semaphore(%arg17 : memref<!tpu.dma_semaphore, #tpu.memory_space<semaphore_mem>>)
      } else {
      }
      %add3A_349 = arith.constant 3 : i32
      %add3A_350 = arith.addi %add3A_196, %add3A_349 : i32
      %dma_wait3A_351 = arith.constant 0 : i32
      %dma_wait3A_352 = arith.constant 0 : i32
      %dma_wait3A_353 = arith.constant 0 : i32
      %dma_wait3A_354 = tpu.memref_slice %arg6[%dma_wait3A_351, %dma_wait3A_352, %dma_wait3A_353] : memref<2x32x125xi32, #tpu.memory_space<vmem>> -> memref<1x1x125xi32, #tpu.memory_space<vmem>>
      %dma_wait3A_355 = tpu.memref_squeeze %dma_wait3A_354 : memref<1x1x125xi32, #tpu.memory_space<vmem>> -> memref<125xi32, #tpu.memory_space<vmem>>
      %dma_wait3A_356 = arith.constant 0 : i32
      %dma_wait3A_357 = arith.constant 0 : i32
      %dma_wait3A_358 = tpu.memref_slice %arg2[%arg0, %dma_wait3A_356, %dma_wait3A_357] : memref<2x10000x64xf32, #tpu.memory_space<hbm>> -> memref<1x10000x64xf32, #tpu.memory_space<hbm>>
      %dma_wait3A_359 = tpu.memref_squeeze %dma_wait3A_358 : memref<1x10000x64xf32, #tpu.memory_space<hbm>> -> memref<10000x64xf32, #tpu.memory_space<hbm>>
      %dma_wait3A_360 = arith.constant 0 : i32
      %dma_wait3A_361 = arith.constant 0 : i32
      %dma_wait3A_362 = tpu.memref_slice %dma_wait3A_359[%dma_wait3A_360, %dma_wait3A_361] : memref<10000x64xf32, #tpu.memory_space<hbm>> -> memref<10000x64xf32, #tpu.memory_space<hbm>>
      tpu.wait_indirect_dma semaphore(%arg20 : memref<!tpu.dma_semaphore, #tpu.memory_space<semaphore_mem>>) src(%dma_wait3A_362 : memref<10000x64xf32, #tpu.memory_space<hbm>>) dst(%arg12 : memref<125x64xf32, #tpu.memory_space<vmem>>)
      %div3A_363 = arith.constant 32 : i32
      %div3A_364 = arith.divsi %add3A_350, %div3A_363 : i32
      %rem3A_365 = arith.constant 2 : i32
      %rem3A_366 = arith.remsi %div3A_364, %rem3A_365 : i32
      %rem3A_367 = arith.constant 32 : i32
      %rem3A_368 = arith.remsi %add3A_350, %rem3A_367 : i32
      %dma_start3A_369 = arith.constant 0 : i32
      %dma_start3A_370 = tpu.memref_slice %arg7[%rem3A_366, %rem3A_368, %dma_start3A_369] : memref<2x32x125xi32, #tpu.memory_space<vmem>> -> memref<1x1x125xi32, #tpu.memory_space<vmem>>
      %dma_start3A_371 = tpu.memref_squeeze %dma_start3A_370 : memref<1x1x125xi32, #tpu.memory_space<vmem>> -> memref<125xi32, #tpu.memory_space<vmem>>
      %dma_start3A_372 = arith.constant 0 : i32
      %dma_start3A_373 = arith.constant 0 : i32
      %dma_start3A_374 = tpu.memref_slice %arg8[%dma_start3A_372, %dma_start3A_373] : memref<10240x64xf32, #tpu.memory_space<vmem_shared>> -> memref<10240x64xf32, #tpu.memory_space<vmem_shared>>
      tpu.enqueue_indirect_dma source(%arg12 : memref<125x64xf32, #tpu.memory_space<vmem>>) target(%dma_start3A_374 : memref<10240x64xf32, #tpu.memory_space<vmem_shared>>) offsets(%dma_start3A_371 : memref<125xi32, #tpu.memory_space<vmem>>) semaphore(%arg28 : memref<!tpu.dma_semaphore, #tpu.memory_space<semaphore_mem>>) {add = true}
      %dma_wait3A_375 = arith.constant 0 : i32
      %dma_wait3A_376 = arith.constant 0 : i32
      %dma_wait3A_377 = arith.constant 0 : i32
      %dma_wait3A_378 = tpu.memref_slice %arg7[%dma_wait3A_375, %dma_wait3A_376, %dma_wait3A_377] : memref<2x32x125xi32, #tpu.memory_space<vmem>> -> memref<1x1x125xi32, #tpu.memory_space<vmem>>
      %dma_wait3A_379 = tpu.memref_squeeze %dma_wait3A_378 : memref<1x1x125xi32, #tpu.memory_space<vmem>> -> memref<125xi32, #tpu.memory_space<vmem>>
      %dma_wait3A_380 = arith.constant 0 : i32
      %dma_wait3A_381 = arith.constant 0 : i32
      %dma_wait3A_382 = tpu.memref_slice %arg8[%dma_wait3A_380, %dma_wait3A_381] : memref<10240x64xf32, #tpu.memory_space<vmem_shared>> -> memref<10240x64xf32, #tpu.memory_space<vmem_shared>>
      tpu.wait_indirect_dma semaphore(%arg26 : memref<!tpu.dma_semaphore, #tpu.memory_space<semaphore_mem>>) src(%arg10 : memref<125x64xf32, #tpu.memory_space<vmem>>) dst(%dma_wait3A_382 : memref<10240x64xf32, #tpu.memory_space<vmem_shared>>)
      %add3A_383 = arith.constant 6 : i32
      %add3A_384 = arith.addi %add3A_350, %add3A_383 : i32
      %lt3A_385 = arith.constant 160 : i32
      %lt3A_386 = arith.cmpi slt, %add3A_384, %lt3A_385 : i32
      %convert_element_type3A_387 = arith.extui %lt3A_386 : i1 to i32
      %cond3A_388 = arith.constant 0 : i32
      %cond3A_389 = arith.cmpi ne, %convert_element_type3A_387, %cond3A_388 : i32
      scf.if %cond3A_389 {
        %add3A_554 = arith.constant 6 : i32
        %add3A_555 = arith.addi %add3A_350, %add3A_554 : i32
        %div3A_556 = arith.constant 32 : i32
        %div3A_557 = arith.divsi %add3A_555, %div3A_556 : i32
        %rem3A_558 = arith.constant 2 : i32
        %rem3A_559 = arith.remsi %div3A_557, %rem3A_558 : i32
        %rem3A_560 = arith.constant 32 : i32
        %rem3A_561 = arith.remsi %add3A_555, %rem3A_560 : i32
        %dma_start3A_562 = arith.constant 0 : i32
        %dma_start3A_563 = tpu.memref_slice %arg6[%rem3A_559, %rem3A_561, %dma_start3A_562] : memref<2x32x125xi32, #tpu.memory_space<vmem>> -> memref<1x1x125xi32, #tpu.memory_space<vmem>>
        %dma_start3A_564 = tpu.memref_squeeze %dma_start3A_563 : memref<1x1x125xi32, #tpu.memory_space<vmem>> -> memref<125xi32, #tpu.memory_space<vmem>>
        %dma_start3A_565 = arith.constant 0 : i32
        %dma_start3A_566 = arith.constant 0 : i32
        %dma_start3A_567 = tpu.memref_slice %arg2[%arg0, %dma_start3A_565, %dma_start3A_566] : memref<2x10000x64xf32, #tpu.memory_space<hbm>> -> memref<1x10000x64xf32, #tpu.memory_space<hbm>>
        %dma_start3A_568 = tpu.memref_squeeze %dma_start3A_567 : memref<1x10000x64xf32, #tpu.memory_space<hbm>> -> memref<10000x64xf32, #tpu.memory_space<hbm>>
        %dma_start3A_569 = arith.constant 0 : i32
        %dma_start3A_570 = arith.constant 0 : i32
        %dma_start3A_571 = tpu.memref_slice %dma_start3A_568[%dma_start3A_569, %dma_start3A_570] : memref<10000x64xf32, #tpu.memory_space<hbm>> -> memref<10000x64xf32, #tpu.memory_space<hbm>>
        tpu.enqueue_indirect_dma source(%dma_start3A_571 : memref<10000x64xf32, #tpu.memory_space<hbm>>) target(%arg10 : memref<125x64xf32, #tpu.memory_space<vmem>>) offsets(%dma_start3A_564 : memref<125xi32, #tpu.memory_space<vmem>>) semaphore(%arg18 : memref<!tpu.dma_semaphore, #tpu.memory_space<semaphore_mem>>)
      } else {
      }
      %add3A_390 = arith.constant 4 : i32
      %add3A_391 = arith.addi %add3A_196, %add3A_390 : i32
      %dma_wait3A_392 = arith.constant 0 : i32
      %dma_wait3A_393 = arith.constant 0 : i32
      %dma_wait3A_394 = arith.constant 0 : i32
      %dma_wait3A_395 = tpu.memref_slice %arg6[%dma_wait3A_392, %dma_wait3A_393, %dma_wait3A_394] : memref<2x32x125xi32, #tpu.memory_space<vmem>> -> memref<1x1x125xi32, #tpu.memory_space<vmem>>
      %dma_wait3A_396 = tpu.memref_squeeze %dma_wait3A_395 : memref<1x1x125xi32, #tpu.memory_space<vmem>> -> memref<125xi32, #tpu.memory_space<vmem>>
      %dma_wait3A_397 = arith.constant 0 : i32
      %dma_wait3A_398 = arith.constant 0 : i32
      %dma_wait3A_399 = tpu.memref_slice %arg2[%arg0, %dma_wait3A_397, %dma_wait3A_398] : memref<2x10000x64xf32, #tpu.memory_space<hbm>> -> memref<1x10000x64xf32, #tpu.memory_space<hbm>>
      %dma_wait3A_400 = tpu.memref_squeeze %dma_wait3A_399 : memref<1x10000x64xf32, #tpu.memory_space<hbm>> -> memref<10000x64xf32, #tpu.memory_space<hbm>>
      %dma_wait3A_401 = arith.constant 0 : i32
      %dma_wait3A_402 = arith.constant 0 : i32
      %dma_wait3A_403 = tpu.memref_slice %dma_wait3A_400[%dma_wait3A_401, %dma_wait3A_402] : memref<10000x64xf32, #tpu.memory_space<hbm>> -> memref<10000x64xf32, #tpu.memory_space<hbm>>
      tpu.wait_indirect_dma semaphore(%arg21 : memref<!tpu.dma_semaphore, #tpu.memory_space<semaphore_mem>>) src(%dma_wait3A_403 : memref<10000x64xf32, #tpu.memory_space<hbm>>) dst(%arg13 : memref<125x64xf32, #tpu.memory_space<vmem>>)
      %div3A_404 = arith.constant 32 : i32
      %div3A_405 = arith.divsi %add3A_391, %div3A_404 : i32
      %rem3A_406 = arith.constant 2 : i32
      %rem3A_407 = arith.remsi %div3A_405, %rem3A_406 : i32
      %rem3A_408 = arith.constant 32 : i32
      %rem3A_409 = arith.remsi %add3A_391, %rem3A_408 : i32
      %dma_start3A_410 = arith.constant 0 : i32
      %dma_start3A_411 = tpu.memref_slice %arg7[%rem3A_407, %rem3A_409, %dma_start3A_410] : memref<2x32x125xi32, #tpu.memory_space<vmem>> -> memref<1x1x125xi32, #tpu.memory_space<vmem>>
      %dma_start3A_412 = tpu.memref_squeeze %dma_start3A_411 : memref<1x1x125xi32, #tpu.memory_space<vmem>> -> memref<125xi32, #tpu.memory_space<vmem>>
      %dma_start3A_413 = arith.constant 0 : i32
      %dma_start3A_414 = arith.constant 0 : i32
      %dma_start3A_415 = tpu.memref_slice %arg8[%dma_start3A_413, %dma_start3A_414] : memref<10240x64xf32, #tpu.memory_space<vmem_shared>> -> memref<10240x64xf32, #tpu.memory_space<vmem_shared>>
      tpu.enqueue_indirect_dma source(%arg13 : memref<125x64xf32, #tpu.memory_space<vmem>>) target(%dma_start3A_415 : memref<10240x64xf32, #tpu.memory_space<vmem_shared>>) offsets(%dma_start3A_412 : memref<125xi32, #tpu.memory_space<vmem>>) semaphore(%arg29 : memref<!tpu.dma_semaphore, #tpu.memory_space<semaphore_mem>>) {add = true}
      %dma_wait3A_416 = arith.constant 0 : i32
      %dma_wait3A_417 = arith.constant 0 : i32
      %dma_wait3A_418 = arith.constant 0 : i32
      %dma_wait3A_419 = tpu.memref_slice %arg7[%dma_wait3A_416, %dma_wait3A_417, %dma_wait3A_418] : memref<2x32x125xi32, #tpu.memory_space<vmem>> -> memref<1x1x125xi32, #tpu.memory_space<vmem>>
      %dma_wait3A_420 = tpu.memref_squeeze %dma_wait3A_419 : memref<1x1x125xi32, #tpu.memory_space<vmem>> -> memref<125xi32, #tpu.memory_space<vmem>>
      %dma_wait3A_421 = arith.constant 0 : i32
      %dma_wait3A_422 = arith.constant 0 : i32
      %dma_wait3A_423 = tpu.memref_slice %arg8[%dma_wait3A_421, %dma_wait3A_422] : memref<10240x64xf32, #tpu.memory_space<vmem_shared>> -> memref<10240x64xf32, #tpu.memory_space<vmem_shared>>
      tpu.wait_indirect_dma semaphore(%arg27 : memref<!tpu.dma_semaphore, #tpu.memory_space<semaphore_mem>>) src(%arg11 : memref<125x64xf32, #tpu.memory_space<vmem>>) dst(%dma_wait3A_423 : memref<10240x64xf32, #tpu.memory_space<vmem_shared>>)
      %add3A_424 = arith.constant 6 : i32
      %add3A_425 = arith.addi %add3A_391, %add3A_424 : i32
      %lt3A_426 = arith.constant 160 : i32
      %lt3A_427 = arith.cmpi slt, %add3A_425, %lt3A_426 : i32
      %convert_element_type3A_428 = arith.extui %lt3A_427 : i1 to i32
      %cond3A_429 = arith.constant 0 : i32
      %cond3A_430 = arith.cmpi ne, %convert_element_type3A_428, %cond3A_429 : i32
      scf.if %cond3A_430 {
        %add3A_554 = arith.constant 6 : i32
        %add3A_555 = arith.addi %add3A_391, %add3A_554 : i32
        %div3A_556 = arith.constant 32 : i32
        %div3A_557 = arith.divsi %add3A_555, %div3A_556 : i32
        %rem3A_558 = arith.constant 2 : i32
        %rem3A_559 = arith.remsi %div3A_557, %rem3A_558 : i32
        %rem3A_560 = arith.constant 32 : i32
        %rem3A_561 = arith.remsi %add3A_555, %rem3A_560 : i32
        %dma_start3A_562 = arith.constant 0 : i32
        %dma_start3A_563 = tpu.memref_slice %arg6[%rem3A_559, %rem3A_561, %dma_start3A_562] : memref<2x32x125xi32, #tpu.memory_space<vmem>> -> memref<1x1x125xi32, #tpu.memory_space<vmem>>
        %dma_start3A_564 = tpu.memref_squeeze %dma_start3A_563 : memref<1x1x125xi32, #tpu.memory_space<vmem>> -> memref<125xi32, #tpu.memory_space<vmem>>
        %dma_start3A_565 = arith.constant 0 : i32
        %dma_start3A_566 = arith.constant 0 : i32
        %dma_start3A_567 = tpu.memref_slice %arg2[%arg0, %dma_start3A_565, %dma_start3A_566] : memref<2x10000x64xf32, #tpu.memory_space<hbm>> -> memref<1x10000x64xf32, #tpu.memory_space<hbm>>
        %dma_start3A_568 = tpu.memref_squeeze %dma_start3A_567 : memref<1x10000x64xf32, #tpu.memory_space<hbm>> -> memref<10000x64xf32, #tpu.memory_space<hbm>>
        %dma_start3A_569 = arith.constant 0 : i32
        %dma_start3A_570 = arith.constant 0 : i32
        %dma_start3A_571 = tpu.memref_slice %dma_start3A_568[%dma_start3A_569, %dma_start3A_570] : memref<10000x64xf32, #tpu.memory_space<hbm>> -> memref<10000x64xf32, #tpu.memory_space<hbm>>
        tpu.enqueue_indirect_dma source(%dma_start3A_571 : memref<10000x64xf32, #tpu.memory_space<hbm>>) target(%arg11 : memref<125x64xf32, #tpu.memory_space<vmem>>) offsets(%dma_start3A_564 : memref<125xi32, #tpu.memory_space<vmem>>) semaphore(%arg19 : memref<!tpu.dma_semaphore, #tpu.memory_space<semaphore_mem>>)
      } else {
      }
      %add3A_431 = arith.constant 5 : i32
      %add3A_432 = arith.addi %add3A_196, %add3A_431 : i32
      %dma_wait3A_433 = arith.constant 0 : i32
      %dma_wait3A_434 = arith.constant 0 : i32
      %dma_wait3A_435 = arith.constant 0 : i32
      %dma_wait3A_436 = tpu.memref_slice %arg6[%dma_wait3A_433, %dma_wait3A_434, %dma_wait3A_435] : memref<2x32x125xi32, #tpu.memory_space<vmem>> -> memref<1x1x125xi32, #tpu.memory_space<vmem>>
      %dma_wait3A_437 = tpu.memref_squeeze %dma_wait3A_436 : memref<1x1x125xi32, #tpu.memory_space<vmem>> -> memref<125xi32, #tpu.memory_space<vmem>>
      %dma_wait3A_438 = arith.constant 0 : i32
      %dma_wait3A_439 = arith.constant 0 : i32
      %dma_wait3A_440 = tpu.memref_slice %arg2[%arg0, %dma_wait3A_438, %dma_wait3A_439] : memref<2x10000x64xf32, #tpu.memory_space<hbm>> -> memref<1x10000x64xf32, #tpu.memory_space<hbm>>
      %dma_wait3A_441 = tpu.memref_squeeze %dma_wait3A_440 : memref<1x10000x64xf32, #tpu.memory_space<hbm>> -> memref<10000x64xf32, #tpu.memory_space<hbm>>
      %dma_wait3A_442 = arith.constant 0 : i32
      %dma_wait3A_443 = arith.constant 0 : i32
      %dma_wait3A_444 = tpu.memref_slice %dma_wait3A_441[%dma_wait3A_442, %dma_wait3A_443] : memref<10000x64xf32, #tpu.memory_space<hbm>> -> memref<10000x64xf32, #tpu.memory_space<hbm>>
      tpu.wait_indirect_dma semaphore(%arg22 : memref<!tpu.dma_semaphore, #tpu.memory_space<semaphore_mem>>) src(%dma_wait3A_444 : memref<10000x64xf32, #tpu.memory_space<hbm>>) dst(%arg14 : memref<125x64xf32, #tpu.memory_space<vmem>>)
      %div3A_445 = arith.constant 32 : i32
      %div3A_446 = arith.divsi %add3A_432, %div3A_445 : i32
      %rem3A_447 = arith.constant 2 : i32
      %rem3A_448 = arith.remsi %div3A_446, %rem3A_447 : i32
      %rem3A_449 = arith.constant 32 : i32
      %rem3A_450 = arith.remsi %add3A_432, %rem3A_449 : i32
      %dma_start3A_451 = arith.constant 0 : i32
      %dma_start3A_452 = tpu.memref_slice %arg7[%rem3A_448, %rem3A_450, %dma_start3A_451] : memref<2x32x125xi32, #tpu.memory_space<vmem>> -> memref<1x1x125xi32, #tpu.memory_space<vmem>>
      %dma_start3A_453 = tpu.memref_squeeze %dma_start3A_452 : memref<1x1x125xi32, #tpu.memory_space<vmem>> -> memref<125xi32, #tpu.memory_space<vmem>>
      %dma_start3A_454 = arith.constant 0 : i32
      %dma_start3A_455 = arith.constant 0 : i32
      %dma_start3A_456 = tpu.memref_slice %arg8[%dma_start3A_454, %dma_start3A_455] : memref<10240x64xf32, #tpu.memory_space<vmem_shared>> -> memref<10240x64xf32, #tpu.memory_space<vmem_shared>>
      tpu.enqueue_indirect_dma source(%arg14 : memref<125x64xf32, #tpu.memory_space<vmem>>) target(%dma_start3A_456 : memref<10240x64xf32, #tpu.memory_space<vmem_shared>>) offsets(%dma_start3A_453 : memref<125xi32, #tpu.memory_space<vmem>>) semaphore(%arg30 : memref<!tpu.dma_semaphore, #tpu.memory_space<semaphore_mem>>) {add = true}
      %dma_wait3A_457 = arith.constant 0 : i32
      %dma_wait3A_458 = arith.constant 0 : i32
      %dma_wait3A_459 = arith.constant 0 : i32
      %dma_wait3A_460 = tpu.memref_slice %arg7[%dma_wait3A_457, %dma_wait3A_458, %dma_wait3A_459] : memref<2x32x125xi32, #tpu.memory_space<vmem>> -> memref<1x1x125xi32, #tpu.memory_space<vmem>>
      %dma_wait3A_461 = tpu.memref_squeeze %dma_wait3A_460 : memref<1x1x125xi32, #tpu.memory_space<vmem>> -> memref<125xi32, #tpu.memory_space<vmem>>
      %dma_wait3A_462 = arith.constant 0 : i32
      %dma_wait3A_463 = arith.constant 0 : i32
      %dma_wait3A_464 = tpu.memref_slice %arg8[%dma_wait3A_462, %dma_wait3A_463] : memref<10240x64xf32, #tpu.memory_space<vmem_shared>> -> memref<10240x64xf32, #tpu.memory_space<vmem_shared>>
      tpu.wait_indirect_dma semaphore(%arg28 : memref<!tpu.dma_semaphore, #tpu.memory_space<semaphore_mem>>) src(%arg12 : memref<125x64xf32, #tpu.memory_space<vmem>>) dst(%dma_wait3A_464 : memref<10240x64xf32, #tpu.memory_space<vmem_shared>>)
      %add3A_465 = arith.constant 6 : i32
      %add3A_466 = arith.addi %add3A_432, %add3A_465 : i32
      %lt3A_467 = arith.constant 160 : i32
      %lt3A_468 = arith.cmpi slt, %add3A_466, %lt3A_467 : i32
      %convert_element_type3A_469 = arith.extui %lt3A_468 : i1 to i32
      %cond3A_470 = arith.constant 0 : i32
      %cond3A_471 = arith.cmpi ne, %convert_element_type3A_469, %cond3A_470 : i32
      scf.if %cond3A_471 {
        %add3A_554 = arith.constant 6 : i32
        %add3A_555 = arith.addi %add3A_432, %add3A_554 : i32
        %div3A_556 = arith.constant 32 : i32
        %div3A_557 = arith.divsi %add3A_555, %div3A_556 : i32
        %rem3A_558 = arith.constant 2 : i32
        %rem3A_559 = arith.remsi %div3A_557, %rem3A_558 : i32
        %rem3A_560 = arith.constant 32 : i32
        %rem3A_561 = arith.remsi %add3A_555, %rem3A_560 : i32
        %dma_start3A_562 = arith.constant 0 : i32
        %dma_start3A_563 = tpu.memref_slice %arg6[%rem3A_559, %rem3A_561, %dma_start3A_562] : memref<2x32x125xi32, #tpu.memory_space<vmem>> -> memref<1x1x125xi32, #tpu.memory_space<vmem>>
        %dma_start3A_564 = tpu.memref_squeeze %dma_start3A_563 : memref<1x1x125xi32, #tpu.memory_space<vmem>> -> memref<125xi32, #tpu.memory_space<vmem>>
        %dma_start3A_565 = arith.constant 0 : i32
        %dma_start3A_566 = arith.constant 0 : i32
        %dma_start3A_567 = tpu.memref_slice %arg2[%arg0, %dma_start3A_565, %dma_start3A_566] : memref<2x10000x64xf32, #tpu.memory_space<hbm>> -> memref<1x10000x64xf32, #tpu.memory_space<hbm>>
        %dma_start3A_568 = tpu.memref_squeeze %dma_start3A_567 : memref<1x10000x64xf32, #tpu.memory_space<hbm>> -> memref<10000x64xf32, #tpu.memory_space<hbm>>
        %dma_start3A_569 = arith.constant 0 : i32
        %dma_start3A_570 = arith.constant 0 : i32
        %dma_start3A_571 = tpu.memref_slice %dma_start3A_568[%dma_start3A_569, %dma_start3A_570] : memref<10000x64xf32, #tpu.memory_space<hbm>> -> memref<10000x64xf32, #tpu.memory_space<hbm>>
        tpu.enqueue_indirect_dma source(%dma_start3A_571 : memref<10000x64xf32, #tpu.memory_space<hbm>>) target(%arg12 : memref<125x64xf32, #tpu.memory_space<vmem>>) offsets(%dma_start3A_564 : memref<125xi32, #tpu.memory_space<vmem>>) semaphore(%arg20 : memref<!tpu.dma_semaphore, #tpu.memory_space<semaphore_mem>>)
      } else {
      }
      %add3A_472 = arith.constant 6 : i32
      %add3A_473 = arith.addi %add3A_196, %add3A_472 : i32
      %dma_wait3A_474 = arith.constant 0 : i32
      %dma_wait3A_475 = arith.constant 0 : i32
      %dma_wait3A_476 = arith.constant 0 : i32
      %dma_wait3A_477 = tpu.memref_slice %arg6[%dma_wait3A_474, %dma_wait3A_475, %dma_wait3A_476] : memref<2x32x125xi32, #tpu.memory_space<vmem>> -> memref<1x1x125xi32, #tpu.memory_space<vmem>>
      %dma_wait3A_478 = tpu.memref_squeeze %dma_wait3A_477 : memref<1x1x125xi32, #tpu.memory_space<vmem>> -> memref<125xi32, #tpu.memory_space<vmem>>
      %dma_wait3A_479 = arith.constant 0 : i32
      %dma_wait3A_480 = arith.constant 0 : i32
      %dma_wait3A_481 = tpu.memref_slice %arg2[%arg0, %dma_wait3A_479, %dma_wait3A_480] : memref<2x10000x64xf32, #tpu.memory_space<hbm>> -> memref<1x10000x64xf32, #tpu.memory_space<hbm>>
      %dma_wait3A_482 = tpu.memref_squeeze %dma_wait3A_481 : memref<1x10000x64xf32, #tpu.memory_space<hbm>> -> memref<10000x64xf32, #tpu.memory_space<hbm>>
      %dma_wait3A_483 = arith.constant 0 : i32
      %dma_wait3A_484 = arith.constant 0 : i32
      %dma_wait3A_485 = tpu.memref_slice %dma_wait3A_482[%dma_wait3A_483, %dma_wait3A_484] : memref<10000x64xf32, #tpu.memory_space<hbm>> -> memref<10000x64xf32, #tpu.memory_space<hbm>>
      tpu.wait_indirect_dma semaphore(%arg23 : memref<!tpu.dma_semaphore, #tpu.memory_space<semaphore_mem>>) src(%dma_wait3A_485 : memref<10000x64xf32, #tpu.memory_space<hbm>>) dst(%arg15 : memref<125x64xf32, #tpu.memory_space<vmem>>)
      %div3A_486 = arith.constant 32 : i32
      %div3A_487 = arith.divsi %add3A_473, %div3A_486 : i32
      %rem3A_488 = arith.constant 2 : i32
      %rem3A_489 = arith.remsi %div3A_487, %rem3A_488 : i32
      %rem3A_490 = arith.constant 32 : i32
      %rem3A_491 = arith.remsi %add3A_473, %rem3A_490 : i32
      %dma_start3A_492 = arith.constant 0 : i32
      %dma_start3A_493 = tpu.memref_slice %arg7[%rem3A_489, %rem3A_491, %dma_start3A_492] : memref<2x32x125xi32, #tpu.memory_space<vmem>> -> memref<1x1x125xi32, #tpu.memory_space<vmem>>
      %dma_start3A_494 = tpu.memref_squeeze %dma_start3A_493 : memref<1x1x125xi32, #tpu.memory_space<vmem>> -> memref<125xi32, #tpu.memory_space<vmem>>
      %dma_start3A_495 = arith.constant 0 : i32
      %dma_start3A_496 = arith.constant 0 : i32
      %dma_start3A_497 = tpu.memref_slice %arg8[%dma_start3A_495, %dma_start3A_496] : memref<10240x64xf32, #tpu.memory_space<vmem_shared>> -> memref<10240x64xf32, #tpu.memory_space<vmem_shared>>
      tpu.enqueue_indirect_dma source(%arg15 : memref<125x64xf32, #tpu.memory_space<vmem>>) target(%dma_start3A_497 : memref<10240x64xf32, #tpu.memory_space<vmem_shared>>) offsets(%dma_start3A_494 : memref<125xi32, #tpu.memory_space<vmem>>) semaphore(%arg31 : memref<!tpu.dma_semaphore, #tpu.memory_space<semaphore_mem>>) {add = true}
      %dma_wait3A_498 = arith.constant 0 : i32
      %dma_wait3A_499 = arith.constant 0 : i32
      %dma_wait3A_500 = arith.constant 0 : i32
      %dma_wait3A_501 = tpu.memref_slice %arg7[%dma_wait3A_498, %dma_wait3A_499, %dma_wait3A_500] : memref<2x32x125xi32, #tpu.memory_space<vmem>> -> memref<1x1x125xi32, #tpu.memory_space<vmem>>
      %dma_wait3A_502 = tpu.memref_squeeze %dma_wait3A_501 : memref<1x1x125xi32, #tpu.memory_space<vmem>> -> memref<125xi32, #tpu.memory_space<vmem>>
      %dma_wait3A_503 = arith.constant 0 : i32
      %dma_wait3A_504 = arith.constant 0 : i32
      %dma_wait3A_505 = tpu.memref_slice %arg8[%dma_wait3A_503, %dma_wait3A_504] : memref<10240x64xf32, #tpu.memory_space<vmem_shared>> -> memref<10240x64xf32, #tpu.memory_space<vmem_shared>>
      tpu.wait_indirect_dma semaphore(%arg29 : memref<!tpu.dma_semaphore, #tpu.memory_space<semaphore_mem>>) src(%arg13 : memref<125x64xf32, #tpu.memory_space<vmem>>) dst(%dma_wait3A_505 : memref<10240x64xf32, #tpu.memory_space<vmem_shared>>)
      %add3A_506 = arith.constant 6 : i32
      %add3A_507 = arith.addi %add3A_473, %add3A_506 : i32
      %lt3A_508 = arith.constant 160 : i32
      %lt3A_509 = arith.cmpi slt, %add3A_507, %lt3A_508 : i32
      %convert_element_type3A_510 = arith.extui %lt3A_509 : i1 to i32
      %cond3A_511 = arith.constant 0 : i32
      %cond3A_512 = arith.cmpi ne, %convert_element_type3A_510, %cond3A_511 : i32
      scf.if %cond3A_512 {
        %add3A_554 = arith.constant 6 : i32
        %add3A_555 = arith.addi %add3A_473, %add3A_554 : i32
        %div3A_556 = arith.constant 32 : i32
        %div3A_557 = arith.divsi %add3A_555, %div3A_556 : i32
        %rem3A_558 = arith.constant 2 : i32
        %rem3A_559 = arith.remsi %div3A_557, %rem3A_558 : i32
        %rem3A_560 = arith.constant 32 : i32
        %rem3A_561 = arith.remsi %add3A_555, %rem3A_560 : i32
        %dma_start3A_562 = arith.constant 0 : i32
        %dma_start3A_563 = tpu.memref_slice %arg6[%rem3A_559, %rem3A_561, %dma_start3A_562] : memref<2x32x125xi32, #tpu.memory_space<vmem>> -> memref<1x1x125xi32, #tpu.memory_space<vmem>>
        %dma_start3A_564 = tpu.memref_squeeze %dma_start3A_563 : memref<1x1x125xi32, #tpu.memory_space<vmem>> -> memref<125xi32, #tpu.memory_space<vmem>>
        %dma_start3A_565 = arith.constant 0 : i32
        %dma_start3A_566 = arith.constant 0 : i32
        %dma_start3A_567 = tpu.memref_slice %arg2[%arg0, %dma_start3A_565, %dma_start3A_566] : memref<2x10000x64xf32, #tpu.memory_space<hbm>> -> memref<1x10000x64xf32, #tpu.memory_space<hbm>>
        %dma_start3A_568 = tpu.memref_squeeze %dma_start3A_567 : memref<1x10000x64xf32, #tpu.memory_space<hbm>> -> memref<10000x64xf32, #tpu.memory_space<hbm>>
        %dma_start3A_569 = arith.constant 0 : i32
        %dma_start3A_570 = arith.constant 0 : i32
        %dma_start3A_571 = tpu.memref_slice %dma_start3A_568[%dma_start3A_569, %dma_start3A_570] : memref<10000x64xf32, #tpu.memory_space<hbm>> -> memref<10000x64xf32, #tpu.memory_space<hbm>>
        tpu.enqueue_indirect_dma source(%dma_start3A_571 : memref<10000x64xf32, #tpu.memory_space<hbm>>) target(%arg13 : memref<125x64xf32, #tpu.memory_space<vmem>>) offsets(%dma_start3A_564 : memref<125xi32, #tpu.memory_space<vmem>>) semaphore(%arg21 : memref<!tpu.dma_semaphore, #tpu.memory_space<semaphore_mem>>)
      } else {
      }
      %add3A_513 = arith.constant 7 : i32
      %add3A_514 = arith.addi %add3A_196, %add3A_513 : i32
      %dma_wait3A_515 = arith.constant 0 : i32
      %dma_wait3A_516 = arith.constant 0 : i32
      %dma_wait3A_517 = arith.constant 0 : i32
      %dma_wait3A_518 = tpu.memref_slice %arg6[%dma_wait3A_515, %dma_wait3A_516, %dma_wait3A_517] : memref<2x32x125xi32, #tpu.memory_space<vmem>> -> memref<1x1x125xi32, #tpu.memory_space<vmem>>
      %dma_wait3A_519 = tpu.memref_squeeze %dma_wait3A_518 : memref<1x1x125xi32, #tpu.memory_space<vmem>> -> memref<125xi32, #tpu.memory_space<vmem>>
      %dma_wait3A_520 = arith.constant 0 : i32
      %dma_wait3A_521 = arith.constant 0 : i32
      %dma_wait3A_522 = tpu.memref_slice %arg2[%arg0, %dma_wait3A_520, %dma_wait3A_521] : memref<2x10000x64xf32, #tpu.memory_space<hbm>> -> memref<1x10000x64xf32, #tpu.memory_space<hbm>>
      %dma_wait3A_523 = tpu.memref_squeeze %dma_wait3A_522 : memref<1x10000x64xf32, #tpu.memory_space<hbm>> -> memref<10000x64xf32, #tpu.memory_space<hbm>>
      %dma_wait3A_524 = arith.constant 0 : i32
      %dma_wait3A_525 = arith.constant 0 : i32
      %dma_wait3A_526 = tpu.memref_slice %dma_wait3A_523[%dma_wait3A_524, %dma_wait3A_525] : memref<10000x64xf32, #tpu.memory_space<hbm>> -> memref<10000x64xf32, #tpu.memory_space<hbm>>
      tpu.wait_indirect_dma semaphore(%arg24 : memref<!tpu.dma_semaphore, #tpu.memory_space<semaphore_mem>>) src(%dma_wait3A_526 : memref<10000x64xf32, #tpu.memory_space<hbm>>) dst(%arg16 : memref<125x64xf32, #tpu.memory_space<vmem>>)
      %div3A_527 = arith.constant 32 : i32
      %div3A_528 = arith.divsi %add3A_514, %div3A_527 : i32
      %rem3A_529 = arith.constant 2 : i32
      %rem3A_530 = arith.remsi %div3A_528, %rem3A_529 : i32
      %rem3A_531 = arith.constant 32 : i32
      %rem3A_532 = arith.remsi %add3A_514, %rem3A_531 : i32
      %dma_start3A_533 = arith.constant 0 : i32
      %dma_start3A_534 = tpu.memref_slice %arg7[%rem3A_530, %rem3A_532, %dma_start3A_533] : memref<2x32x125xi32, #tpu.memory_space<vmem>> -> memref<1x1x125xi32, #tpu.memory_space<vmem>>
      %dma_start3A_535 = tpu.memref_squeeze %dma_start3A_534 : memref<1x1x125xi32, #tpu.memory_space<vmem>> -> memref<125xi32, #tpu.memory_space<vmem>>
      %dma_start3A_536 = arith.constant 0 : i32
      %dma_start3A_537 = arith.constant 0 : i32
      %dma_start3A_538 = tpu.memref_slice %arg8[%dma_start3A_536, %dma_start3A_537] : memref<10240x64xf32, #tpu.memory_space<vmem_shared>> -> memref<10240x64xf32, #tpu.memory_space<vmem_shared>>
      tpu.enqueue_indirect_dma source(%arg16 : memref<125x64xf32, #tpu.memory_space<vmem>>) target(%dma_start3A_538 : memref<10240x64xf32, #tpu.memory_space<vmem_shared>>) offsets(%dma_start3A_535 : memref<125xi32, #tpu.memory_space<vmem>>) semaphore(%arg32 : memref<!tpu.dma_semaphore, #tpu.memory_space<semaphore_mem>>) {add = true}
      %dma_wait3A_539 = arith.constant 0 : i32
      %dma_wait3A_540 = arith.constant 0 : i32
      %dma_wait3A_541 = arith.constant 0 : i32
      %dma_wait3A_542 = tpu.memref_slice %arg7[%dma_wait3A_539, %dma_wait3A_540, %dma_wait3A_541] : memref<2x32x125xi32, #tpu.memory_space<vmem>> -> memref<1x1x125xi32, #tpu.memory_space<vmem>>
      %dma_wait3A_543 = tpu.memref_squeeze %dma_wait3A_542 : memref<1x1x125xi32, #tpu.memory_space<vmem>> -> memref<125xi32, #tpu.memory_space<vmem>>
      %dma_wait3A_544 = arith.constant 0 : i32
      %dma_wait3A_545 = arith.constant 0 : i32
      %dma_wait3A_546 = tpu.memref_slice %arg8[%dma_wait3A_544, %dma_wait3A_545] : memref<10240x64xf32, #tpu.memory_space<vmem_shared>> -> memref<10240x64xf32, #tpu.memory_space<vmem_shared>>
      tpu.wait_indirect_dma semaphore(%arg30 : memref<!tpu.dma_semaphore, #tpu.memory_space<semaphore_mem>>) src(%arg14 : memref<125x64xf32, #tpu.memory_space<vmem>>) dst(%dma_wait3A_546 : memref<10240x64xf32, #tpu.memory_space<vmem_shared>>)
      %add3A_547 = arith.constant 6 : i32
      %add3A_548 = arith.addi %add3A_514, %add3A_547 : i32
      %lt3A_549 = arith.constant 160 : i32
      %lt3A_550 = arith.cmpi slt, %add3A_548, %lt3A_549 : i32
      %convert_element_type3A_551 = arith.extui %lt3A_550 : i1 to i32
      %cond3A_552 = arith.constant 0 : i32
      %cond3A_553 = arith.cmpi ne, %convert_element_type3A_551, %cond3A_552 : i32
      scf.if %cond3A_553 {
        %add3A_554 = arith.constant 6 : i32
        %add3A_555 = arith.addi %add3A_514, %add3A_554 : i32
        %div3A_556 = arith.constant 32 : i32
        %div3A_557 = arith.divsi %add3A_555, %div3A_556 : i32
        %rem3A_558 = arith.constant 2 : i32
        %rem3A_559 = arith.remsi %div3A_557, %rem3A_558 : i32
        %rem3A_560 = arith.constant 32 : i32
        %rem3A_561 = arith.remsi %add3A_555, %rem3A_560 : i32
        %dma_start3A_562 = arith.constant 0 : i32
        %dma_start3A_563 = tpu.memref_slice %arg6[%rem3A_559, %rem3A_561, %dma_start3A_562] : memref<2x32x125xi32, #tpu.memory_space<vmem>> -> memref<1x1x125xi32, #tpu.memory_space<vmem>>
        %dma_start3A_564 = tpu.memref_squeeze %dma_start3A_563 : memref<1x1x125xi32, #tpu.memory_space<vmem>> -> memref<125xi32, #tpu.memory_space<vmem>>
        %dma_start3A_565 = arith.constant 0 : i32
        %dma_start3A_566 = arith.constant 0 : i32
        %dma_start3A_567 = tpu.memref_slice %arg2[%arg0, %dma_start3A_565, %dma_start3A_566] : memref<2x10000x64xf32, #tpu.memory_space<hbm>> -> memref<1x10000x64xf32, #tpu.memory_space<hbm>>
        %dma_start3A_568 = tpu.memref_squeeze %dma_start3A_567 : memref<1x10000x64xf32, #tpu.memory_space<hbm>> -> memref<10000x64xf32, #tpu.memory_space<hbm>>
        %dma_start3A_569 = arith.constant 0 : i32
        %dma_start3A_570 = arith.constant 0 : i32
        %dma_start3A_571 = tpu.memref_slice %dma_start3A_568[%dma_start3A_569, %dma_start3A_570] : memref<10000x64xf32, #tpu.memory_space<hbm>> -> memref<10000x64xf32, #tpu.memory_space<hbm>>
        tpu.enqueue_indirect_dma source(%dma_start3A_571 : memref<10000x64xf32, #tpu.memory_space<hbm>>) target(%arg14 : memref<125x64xf32, #tpu.memory_space<vmem>>) offsets(%dma_start3A_564 : memref<125xi32, #tpu.memory_space<vmem>>) semaphore(%arg22 : memref<!tpu.dma_semaphore, #tpu.memory_space<semaphore_mem>>)
      } else {
      }
    }
    %scan3A_170 = arith.constant 20 : i32
    %dma_wait3A_171 = arith.constant 0 : i32
    %dma_wait3A_172 = arith.constant 0 : i32
    %dma_wait3A_173 = arith.constant 0 : i32
    %dma_wait3A_174 = tpu.memref_slice %arg7[%dma_wait3A_171, %dma_wait3A_172, %dma_wait3A_173] : memref<2x32x125xi32, #tpu.memory_space<vmem>> -> memref<1x1x125xi32, #tpu.memory_space<vmem>>
    %dma_wait3A_175 = tpu.memref_squeeze %dma_wait3A_174 : memref<1x1x125xi32, #tpu.memory_space<vmem>> -> memref<125xi32, #tpu.memory_space<vmem>>
    %dma_wait3A_176 = arith.constant 0 : i32
    %dma_wait3A_177 = arith.constant 0 : i32
    %dma_wait3A_178 = tpu.memref_slice %arg8[%dma_wait3A_176, %dma_wait3A_177] : memref<10240x64xf32, #tpu.memory_space<vmem_shared>> -> memref<10240x64xf32, #tpu.memory_space<vmem_shared>>
    tpu.wait_indirect_dma semaphore(%arg31 : memref<!tpu.dma_semaphore, #tpu.memory_space<semaphore_mem>>) src(%arg15 : memref<125x64xf32, #tpu.memory_space<vmem>>) dst(%dma_wait3A_178 : memref<10240x64xf32, #tpu.memory_space<vmem_shared>>)
    %dma_wait3A_179 = arith.constant 0 : i32
    %dma_wait3A_180 = arith.constant 0 : i32
    %dma_wait3A_181 = arith.constant 0 : i32
    %dma_wait3A_182 = tpu.memref_slice %arg7[%dma_wait3A_179, %dma_wait3A_180, %dma_wait3A_181] : memref<2x32x125xi32, #tpu.memory_space<vmem>> -> memref<1x1x125xi32, #tpu.memory_space<vmem>>
    %dma_wait3A_183 = tpu.memref_squeeze %dma_wait3A_182 : memref<1x1x125xi32, #tpu.memory_space<vmem>> -> memref<125xi32, #tpu.memory_space<vmem>>
    %dma_wait3A_184 = arith.constant 0 : i32
    %dma_wait3A_185 = arith.constant 0 : i32
    %dma_wait3A_186 = tpu.memref_slice %arg8[%dma_wait3A_184, %dma_wait3A_185] : memref<10240x64xf32, #tpu.memory_space<vmem_shared>> -> memref<10240x64xf32, #tpu.memory_space<vmem_shared>>
    tpu.wait_indirect_dma semaphore(%arg32 : memref<!tpu.dma_semaphore, #tpu.memory_space<semaphore_mem>>) src(%arg16 : memref<125x64xf32, #tpu.memory_space<vmem>>) dst(%dma_wait3A_186 : memref<10240x64xf32, #tpu.memory_space<vmem_shared>>)
    %barrier3A_187 = arith.constant 0 : index
    tpu.barrier barrier_id(%barrier3A_187)
    %mul3A_188 = arith.constant 640 : i32
    %mul3A_189 = arith.muli %arg1, %mul3A_188 : i32
    %mul3A_190 = arith.constant 640 : i32
    %mul3A_191 = arith.muli %arg1, %mul3A_190 : i32
    "tpu.region"() ({
      %run_scoped3A = tpu.sem_alloc : memref<!tpu.dma_semaphore, #tpu.memory_space<semaphore_mem>>
      %dma_start3A_192 = arith.constant 0 : i32
      %dma_start3A_193 = arith.constant 0 : i32
      %dma_start3A_194 = tpu.memref_slice %arg5[%arg0, %dma_start3A_192, %dma_start3A_193] : memref<2x10240x64xf32, #tpu.memory_space<hbm>> -> memref<1x10240x64xf32, #tpu.memory_space<hbm>>
      %dma_start3A_195 = tpu.memref_squeeze %dma_start3A_194 : memref<1x10240x64xf32, #tpu.memory_space<hbm>> -> memref<10240x64xf32, #tpu.memory_space<hbm>>
      %dma_start3A_196 = arith.constant 0 : i32
      %dma_start3A_197 = tpu.memref_slice %dma_start3A_195[%mul3A_191, %dma_start3A_196] : memref<10240x64xf32, #tpu.memory_space<hbm>> -> memref<640x64xf32, #tpu.memory_space<hbm>>
      %dma_start3A_198 = arith.constant 0 : i32
      %dma_start3A_199 = tpu.memref_slice %arg8[%mul3A_189, %dma_start3A_198] : memref<10240x64xf32, #tpu.memory_space<vmem_shared>> -> memref<640x64xf32, #tpu.memory_space<vmem_shared>>
      tpu.enqueue_dma source(%dma_start3A_199 : memref<640x64xf32, #tpu.memory_space<vmem_shared>>) target(%dma_start3A_197 : memref<640x64xf32, #tpu.memory_space<hbm>>) target_semaphore(%run_scoped3A : memref<!tpu.dma_semaphore, #tpu.memory_space<semaphore_mem>>)
      %dma_wait3A_200 = arith.constant 0 : i32
      %dma_wait3A_201 = arith.constant 0 : i32
      %dma_wait3A_202 = tpu.memref_slice %arg5[%arg0, %dma_wait3A_200, %dma_wait3A_201] : memref<2x10240x64xf32, #tpu.memory_space<hbm>> -> memref<1x10240x64xf32, #tpu.memory_space<hbm>>
      %dma_wait3A_203 = tpu.memref_squeeze %dma_wait3A_202 : memref<1x10240x64xf32, #tpu.memory_space<hbm>> -> memref<10240x64xf32, #tpu.memory_space<hbm>>
      %dma_wait3A_204 = arith.constant 0 : i32
      %dma_wait3A_205 = tpu.memref_slice %dma_wait3A_203[%mul3A_191, %dma_wait3A_204] : memref<10240x64xf32, #tpu.memory_space<hbm>> -> memref<640x64xf32, #tpu.memory_space<hbm>>
      %dma_wait3A_206 = arith.constant 0 : i32
      %dma_wait3A_207 = tpu.memref_slice %arg8[%mul3A_189, %dma_wait3A_206] : memref<10240x64xf32, #tpu.memory_space<vmem_shared>> -> memref<640x64xf32, #tpu.memory_space<vmem_shared>>
      tpu.wait_dma2 semaphore(%run_scoped3A : memref<!tpu.dma_semaphore, #tpu.memory_space<semaphore_mem>>) src(%dma_wait3A_207 : memref<640x64xf32, #tpu.memory_space<vmem_shared>>) dst(%dma_wait3A_205 : memref<640x64xf32, #tpu.memory_space<hbm>>)
      tpu.yield
    }) : () -> ()
    return
  }
}

#map = affine_map<(d0, d1) -> (0, 0, 0)>
#map1 = affine_map<(d0, d1) -> (0, 0)>
module attributes {stable_mosaic.version = 14 : i64} {
  func.func @agg_kernel(%arg0: i32, %arg1: i32, %arg2: memref<2x10000x64xf32, #tpu.memory_space<hbm>>, %arg3: memref<2560x125xi32, #tpu.memory_space<hbm>>, %arg4: memref<2560x125xi32, #tpu.memory_space<hbm>>, %arg5: memref<2x10240x64xf32, #tpu.memory_space<hbm>>, %arg6: memref<2x32x125xi32, #tpu.memory_space<vmem>>, %arg7: memref<2x32x125xi32, #tpu.memory_space<vmem>>, %arg8: memref<10240x64xf32, #tpu.memory_space<vmem_shared>>, %arg9: memref<125x64xf32, #tpu.memory_space<vmem>>, %arg10: memref<125x64xf32, #tpu.memory_space<vmem>>, %arg11: memref<125x64xf32, #tpu.memory_space<vmem>>, %arg12: memref<125x64xf32, #tpu.memory_space<vmem>>, %arg13: memref<125x64xf32, #tpu.memory_space<vmem>>, %arg14: memref<125x64xf32, #tpu.memory_space<vmem>>, %arg15: memref<125x64xf32, #tpu.memory_space<vmem>>, %arg16: memref<125x64xf32, #tpu.memory_space<vmem>>, %arg17: memref<!tpu.dma_semaphore, #tpu.memory_space<semaphore_mem>>, %arg18: memref<!tpu.dma_semaphore, #tpu.memory_space<semaphore_mem>>, %arg19: memref<!tpu.dma_semaphore, #tpu.memory_space<semaphore_mem>>, %arg20: memref<!tpu.dma_semaphore, #tpu.memory_space<semaphore_mem>>, %arg21: memref<!tpu.dma_semaphore, #tpu.memory_space<semaphore_mem>>, %arg22: memref<!tpu.dma_semaphore, #tpu.memory_space<semaphore_mem>>, %arg23: memref<!tpu.dma_semaphore, #tpu.memory_space<semaphore_mem>>, %arg24: memref<!tpu.dma_semaphore, #tpu.memory_space<semaphore_mem>>, %arg25: memref<!tpu.dma_semaphore, #tpu.memory_space<semaphore_mem>>, %arg26: memref<!tpu.dma_semaphore, #tpu.memory_space<semaphore_mem>>, %arg27: memref<!tpu.dma_semaphore, #tpu.memory_space<semaphore_mem>>, %arg28: memref<!tpu.dma_semaphore, #tpu.memory_space<semaphore_mem>>, %arg29: memref<!tpu.dma_semaphore, #tpu.memory_space<semaphore_mem>>, %arg30: memref<!tpu.dma_semaphore, #tpu.memory_space<semaphore_mem>>, %arg31: memref<!tpu.dma_semaphore, #tpu.memory_space<semaphore_mem>>, %arg32: memref<!tpu.dma_semaphore, #tpu.memory_space<semaphore_mem>>, %arg33: memref<!tpu.dma_semaphore, #tpu.memory_space<semaphore_mem>>, %arg34: memref<!tpu.dma_semaphore, #tpu.memory_space<semaphore_mem>>) attributes {dimension_semantics = [#tpu.dimension_semantics<core_parallel>, #tpu.dimension_semantics<subcore_parallel>], iteration_bounds = array<i64: 2, 16>, scalar_prefetch = 0 : i64, scratch_operands = 29 : i64, tpu.core_type = #tpu.core_type<sc_vector_subcore>, window_params = [{transform_indices = #map}, {transform_indices = #map1}, {transform_indices = #map1}, {transform_indices = #map}]} {
    %mul3A = arith.constant 160 : i32
    %mul3A_0 = arith.muli %arg1, %mul3A : i32
    %add3A = arith.constant 0 : i32
    %add3A_1 = arith.addi %mul3A_0, %add3A : i32
    %dma_start3A = arith.constant 0 : i32
    %dma_start3A_2 = arith.constant 0 : i32
    %dma_start3A_3 = arith.constant 0 : i32
    %dma_start3A_4 = tpu.memref_slice %arg6[%dma_start3A, %dma_start3A_2, %dma_start3A_3] : memref<2x32x125xi32, #tpu.memory_space<vmem>> -> memref<1x32x125xi32, #tpu.memory_space<vmem>>
    %dma_start3A_5 = tpu.memref_squeeze %dma_start3A_4 : memref<1x32x125xi32, #tpu.memory_space<vmem>> -> memref<32x125xi32, #tpu.memory_space<vmem>>
    %dma_start3A_6 = arith.constant 0 : i32
    %dma_start3A_7 = tpu.memref_slice %arg3[%add3A_1, %dma_start3A_6] : memref<2560x125xi32, #tpu.memory_space<hbm>> -> memref<32x125xi32, #tpu.memory_space<hbm>>
    %dma_start3A_8 = arith.constant 0 : i32
    %dma_start3A_9 = arith.constant 0 : i32
    %dma_start3A_10 = tpu.memref_slice %arg6[%dma_start3A, %dma_start3A_8, %dma_start3A_9] : memref<2x32x125xi32, #tpu.memory_space<vmem>> -> memref<1x32x125xi32, #tpu.memory_space<vmem>>
    %dma_start3A_11 = tpu.memref_squeeze %dma_start3A_10 : memref<1x32x125xi32, #tpu.memory_space<vmem>> -> memref<32x125xi32, #tpu.memory_space<vmem>>
    %dma_start3A_12 = arith.constant 0 : i32
    %dma_start3A_13 = tpu.memref_slice %arg3[%add3A_1, %dma_start3A_12] : memref<2560x125xi32, #tpu.memory_space<hbm>> -> memref<32x125xi32, #tpu.memory_space<hbm>>
    tpu.enqueue_dma source(%dma_start3A_13 : memref<32x125xi32, #tpu.memory_space<hbm>>) target(%dma_start3A_11 : memref<32x125xi32, #tpu.memory_space<vmem>>) target_semaphore(%arg33 : memref<!tpu.dma_semaphore, #tpu.memory_space<semaphore_mem>>)
    %dma_wait3A = arith.constant 0 : i32
    %dma_wait3A_14 = arith.constant 0 : i32
    %dma_wait3A_15 = arith.constant 0 : i32
    %dma_wait3A_16 = tpu.memref_slice %arg6[%dma_wait3A, %dma_wait3A_14, %dma_wait3A_15] : memref<2x32x125xi32, #tpu.memory_space<vmem>> -> memref<1x32x125xi32, #tpu.memory_space<vmem>>
    %dma_wait3A_17 = tpu.memref_squeeze %dma_wait3A_16 : memref<1x32x125xi32, #tpu.memory_space<vmem>> -> memref<32x125xi32, #tpu.memory_space<vmem>>
    %dma_wait3A_18 = arith.constant 0 : i32
    %dma_wait3A_19 = tpu.memref_slice %arg3[%add3A_1, %dma_wait3A_18] : memref<2560x125xi32, #tpu.memory_space<hbm>> -> memref<32x125xi32, #tpu.memory_space<hbm>>
    %dma_wait3A_20 = arith.constant 0 : i32
    %dma_wait3A_21 = arith.constant 0 : i32
    %dma_wait3A_22 = tpu.memref_slice %arg6[%dma_wait3A, %dma_wait3A_20, %dma_wait3A_21] : memref<2x32x125xi32, #tpu.memory_space<vmem>> -> memref<1x32x125xi32, #tpu.memory_space<vmem>>
    %dma_wait3A_23 = tpu.memref_squeeze %dma_wait3A_22 : memref<1x32x125xi32, #tpu.memory_space<vmem>> -> memref<32x125xi32, #tpu.memory_space<vmem>>
    %dma_wait3A_24 = arith.constant 0 : i32
    %dma_wait3A_25 = tpu.memref_slice %arg3[%add3A_1, %dma_wait3A_24] : memref<2560x125xi32, #tpu.memory_space<hbm>> -> memref<32x125xi32, #tpu.memory_space<hbm>>
    tpu.wait_dma2 semaphore(%arg33 : memref<!tpu.dma_semaphore, #tpu.memory_space<semaphore_mem>>) src(%dma_wait3A_25 : memref<32x125xi32, #tpu.memory_space<hbm>>) dst(%dma_wait3A_23 : memref<32x125xi32, #tpu.memory_space<vmem>>)
    %add3A_26 = arith.constant 0 : i32
    %add3A_27 = arith.addi %mul3A_0, %add3A_26 : i32
    %dma_start3A_28 = arith.constant 0 : i32
    %dma_start3A_29 = arith.constant 0 : i32
    %dma_start3A_30 = arith.constant 0 : i32
    %dma_start3A_31 = tpu.memref_slice %arg7[%dma_start3A_28, %dma_start3A_29, %dma_start3A_30] : memref<2x32x125xi32, #tpu.memory_space<vmem>> -> memref<1x32x125xi32, #tpu.memory_space<vmem>>
    %dma_start3A_32 = tpu.memref_squeeze %dma_start3A_31 : memref<1x32x125xi32, #tpu.memory_space<vmem>> -> memref<32x125xi32, #tpu.memory_space<vmem>>
    %dma_start3A_33 = arith.constant 0 : i32
    %dma_start3A_34 = tpu.memref_slice %arg4[%add3A_27, %dma_start3A_33] : memref<2560x125xi32, #tpu.memory_space<hbm>> -> memref<32x125xi32, #tpu.memory_space<hbm>>
    %dma_start3A_35 = arith.constant 0 : i32
    %dma_start3A_36 = arith.constant 0 : i32
    %dma_start3A_37 = tpu.memref_slice %arg7[%dma_start3A_28, %dma_start3A_35, %dma_start3A_36] : memref<2x32x125xi32, #tpu.memory_space<vmem>> -> memref<1x32x125xi32, #tpu.memory_space<vmem>>
    %dma_start3A_38 = tpu.memref_squeeze %dma_start3A_37 : memref<1x32x125xi32, #tpu.memory_space<vmem>> -> memref<32x125xi32, #tpu.memory_space<vmem>>
    %dma_start3A_39 = arith.constant 0 : i32
    %dma_start3A_40 = tpu.memref_slice %arg4[%add3A_27, %dma_start3A_39] : memref<2560x125xi32, #tpu.memory_space<hbm>> -> memref<32x125xi32, #tpu.memory_space<hbm>>
    tpu.enqueue_dma source(%dma_start3A_40 : memref<32x125xi32, #tpu.memory_space<hbm>>) target(%dma_start3A_38 : memref<32x125xi32, #tpu.memory_space<vmem>>) target_semaphore(%arg34 : memref<!tpu.dma_semaphore, #tpu.memory_space<semaphore_mem>>)
    %dma_wait3A_41 = arith.constant 0 : i32
    %dma_wait3A_42 = arith.constant 0 : i32
    %dma_wait3A_43 = arith.constant 0 : i32
    %dma_wait3A_44 = tpu.memref_slice %arg7[%dma_wait3A_41, %dma_wait3A_42, %dma_wait3A_43] : memref<2x32x125xi32, #tpu.memory_space<vmem>> -> memref<1x32x125xi32, #tpu.memory_space<vmem>>
    %dma_wait3A_45 = tpu.memref_squeeze %dma_wait3A_44 : memref<1x32x125xi32, #tpu.memory_space<vmem>> -> memref<32x125xi32, #tpu.memory_space<vmem>>
    %dma_wait3A_46 = arith.constant 0 : i32
    %dma_wait3A_47 = tpu.memref_slice %arg4[%add3A_27, %dma_wait3A_46] : memref<2560x125xi32, #tpu.memory_space<hbm>> -> memref<32x125xi32, #tpu.memory_space<hbm>>
    %dma_wait3A_48 = arith.constant 0 : i32
    %dma_wait3A_49 = arith.constant 0 : i32
    %dma_wait3A_50 = tpu.memref_slice %arg7[%dma_wait3A_41, %dma_wait3A_48, %dma_wait3A_49] : memref<2x32x125xi32, #tpu.memory_space<vmem>> -> memref<1x32x125xi32, #tpu.memory_space<vmem>>
    %dma_wait3A_51 = tpu.memref_squeeze %dma_wait3A_50 : memref<1x32x125xi32, #tpu.memory_space<vmem>> -> memref<32x125xi32, #tpu.memory_space<vmem>>
    %dma_wait3A_52 = arith.constant 0 : i32
    %dma_wait3A_53 = tpu.memref_slice %arg4[%add3A_27, %dma_wait3A_52] : memref<2560x125xi32, #tpu.memory_space<hbm>> -> memref<32x125xi32, #tpu.memory_space<hbm>>
    tpu.wait_dma2 semaphore(%arg34 : memref<!tpu.dma_semaphore, #tpu.memory_space<semaphore_mem>>) src(%dma_wait3A_53 : memref<32x125xi32, #tpu.memory_space<hbm>>) dst(%dma_wait3A_51 : memref<32x125xi32, #tpu.memory_space<vmem>>)
    %add3A_54 = arith.constant 32 : i32
    %add3A_55 = arith.addi %mul3A_0, %add3A_54 : i32
    %dma_start3A_56 = arith.constant 1 : i32
    %dma_start3A_57 = arith.constant 0 : i32
    %dma_start3A_58 = arith.constant 0 : i32
    %dma_start3A_59 = tpu.memref_slice %arg6[%dma_start3A_56, %dma_start3A_57, %dma_start3A_58] : memref<2x32x125xi32, #tpu.memory_space<vmem>> -> memref<1x32x125xi32, #tpu.memory_space<vmem>>
    %dma_start3A_60 = tpu.memref_squeeze %dma_start3A_59 : memref<1x32x125xi32, #tpu.memory_space<vmem>> -> memref<32x125xi32, #tpu.memory_space<vmem>>
    %dma_start3A_61 = arith.constant 0 : i32
    %dma_start3A_62 = tpu.memref_slice %arg3[%add3A_55, %dma_start3A_61] : memref<2560x125xi32, #tpu.memory_space<hbm>> -> memref<32x125xi32, #tpu.memory_space<hbm>>
    %dma_start3A_63 = arith.constant 0 : i32
    %dma_start3A_64 = arith.constant 0 : i32
    %dma_start3A_65 = tpu.memref_slice %arg6[%dma_start3A_56, %dma_start3A_63, %dma_start3A_64] : memref<2x32x125xi32, #tpu.memory_space<vmem>> -> memref<1x32x125xi32, #tpu.memory_space<vmem>>
    %dma_start3A_66 = tpu.memref_squeeze %dma_start3A_65 : memref<1x32x125xi32, #tpu.memory_space<vmem>> -> memref<32x125xi32, #tpu.memory_space<vmem>>
    %dma_start3A_67 = arith.constant 0 : i32
    %dma_start3A_68 = tpu.memref_slice %arg3[%add3A_55, %dma_start3A_67] : memref<2560x125xi32, #tpu.memory_space<hbm>> -> memref<32x125xi32, #tpu.memory_space<hbm>>
    tpu.enqueue_dma source(%dma_start3A_68 : memref<32x125xi32, #tpu.memory_space<hbm>>) target(%dma_start3A_66 : memref<32x125xi32, #tpu.memory_space<vmem>>) target_semaphore(%arg33 : memref<!tpu.dma_semaphore, #tpu.memory_space<semaphore_mem>>)
    %add3A_69 = arith.constant 32 : i32
    %add3A_70 = arith.addi %mul3A_0, %add3A_69 : i32
    %dma_start3A_71 = arith.constant 1 : i32
    %dma_start3A_72 = arith.constant 0 : i32
    %dma_start3A_73 = arith.constant 0 : i32
    %dma_start3A_74 = tpu.memref_slice %arg7[%dma_start3A_71, %dma_start3A_72, %dma_start3A_73] : memref<2x32x125xi32, #tpu.memory_space<vmem>> -> memref<1x32x125xi32, #tpu.memory_space<vmem>>
    %dma_start3A_75 = tpu.memref_squeeze %dma_start3A_74 : memref<1x32x125xi32, #tpu.memory_space<vmem>> -> memref<32x125xi32, #tpu.memory_space<vmem>>
    %dma_start3A_76 = arith.constant 0 : i32
    %dma_start3A_77 = tpu.memref_slice %arg4[%add3A_70, %dma_start3A_76] : memref<2560x125xi32, #tpu.memory_space<hbm>> -> memref<32x125xi32, #tpu.memory_space<hbm>>
    %dma_start3A_78 = arith.constant 0 : i32
    %dma_start3A_79 = arith.constant 0 : i32
    %dma_start3A_80 = tpu.memref_slice %arg7[%dma_start3A_71, %dma_start3A_78, %dma_start3A_79] : memref<2x32x125xi32, #tpu.memory_space<vmem>> -> memref<1x32x125xi32, #tpu.memory_space<vmem>>
    %dma_start3A_81 = tpu.memref_squeeze %dma_start3A_80 : memref<1x32x125xi32, #tpu.memory_space<vmem>> -> memref<32x125xi32, #tpu.memory_space<vmem>>
    %dma_start3A_82 = arith.constant 0 : i32
    %dma_start3A_83 = tpu.memref_slice %arg4[%add3A_70, %dma_start3A_82] : memref<2560x125xi32, #tpu.memory_space<hbm>> -> memref<32x125xi32, #tpu.memory_space<hbm>>
    tpu.enqueue_dma source(%dma_start3A_83 : memref<32x125xi32, #tpu.memory_space<hbm>>) target(%dma_start3A_81 : memref<32x125xi32, #tpu.memory_space<vmem>>) target_semaphore(%arg34 : memref<!tpu.dma_semaphore, #tpu.memory_space<semaphore_mem>>)
    %broadcast_in_dim3A = arith.constant 0.000000e+00 : f32
    %broadcast_in_dim3A_84 = vector.broadcast %broadcast_in_dim3A : f32 to vector<16xf32>
    %scan3A = arith.constant 0 : i32
    %scan3A_85 = arith.constant 80 : i32
    %scan3A_86 = arith.addi %scan3A, %scan3A_85 : i32
    %scan3A_87 = arith.constant 1 : i32
    scf.for %scan3A_192 = %scan3A to %scan3A_86 step %scan3A_87  : i32 {
      %mul3A_193 = arith.constant 1 : i32
      %mul3A_194 = arith.muli %scan3A_192, %mul3A_193 : i32
      %add3A_195 = arith.constant 0 : i32
      %add3A_196 = arith.addi %add3A_195, %mul3A_194 : i32
      %scan3A_197 = arith.constant 0 : i32
      %scan3A_198 = arith.constant 4 : i32
      %scan3A_199 = arith.addi %scan3A_197, %scan3A_198 : i32
      %scan3A_200 = arith.constant 1 : i32
      scf.for %scan3A_202 = %scan3A_197 to %scan3A_199 step %scan3A_200  : i32 {
        %mul3A_203 = arith.constant 16 : i32
        %mul3A_204 = arith.muli %scan3A_202, %mul3A_203 : i32
        %add3A_205 = arith.constant 0 : i32
        %add3A_206 = arith.addi %add3A_205, %mul3A_204 : i32
        %swap3A = arith.index_cast %add3A_196 : i32 to index
        %swap3A_207 = arith.index_cast %add3A_206 : i32 to index
        %swap3A_208 = tpu.vector_load %arg16[%swap3A, %swap3A_207] {strides = array<i32>} : memref<125x64xf32, #tpu.memory_space<vmem>>, vector<1x16xf32>,
        %swap3A_209 = vector.shape_cast %swap3A_208 : vector<1x16xf32> to vector<16xf32>
        %swap3A_210 = vector.shape_cast %broadcast_in_dim3A_84 : vector<16xf32> to vector<1x16xf32>
        tpu.vector_store %arg16[%swap3A, %swap3A_207], %swap3A_210 {strides = array<i32>} : memref<125x64xf32, #tpu.memory_space<vmem>>, vector<1x16xf32>,
      }
      %scan3A_201 = arith.constant 4 : i32
    }
    %scan3A_88 = arith.constant 80 : i32
    %scan3A_89 = arith.constant 0 : i32
    %scan3A_90 = arith.constant 8 : i32
    %scan3A_91 = arith.addi %scan3A_89, %scan3A_90 : i32
    %scan3A_92 = arith.constant 1 : i32
    scf.for %scan3A_192 = %scan3A_89 to %scan3A_91 step %scan3A_92  : i32 {
      %mul3A_193 = arith.constant 1 : i32
      %mul3A_194 = arith.muli %scan3A_192, %mul3A_193 : i32
      %add3A_195 = arith.constant 0 : i32
      %add3A_196 = arith.addi %add3A_195, %mul3A_194 : i32
      %mul3A_197 = arith.constant 640 : i32
      %mul3A_198 = arith.muli %arg1, %mul3A_197 : i32
      %mul3A_199 = arith.constant 80 : i32
      %mul3A_200 = arith.muli %add3A_196, %mul3A_199 : i32
      %add3A_201 = arith.addi %mul3A_198, %mul3A_200 : i32
      "tpu.region"() ({
        %run_scoped3A = tpu.sem_alloc : memref<!tpu.dma_semaphore, #tpu.memory_space<semaphore_mem>>
        %dma_start3A_202 = arith.constant 0 : i32
        %dma_start3A_203 = arith.constant 0 : i32
        %dma_start3A_204 = tpu.memref_slice %arg16[%dma_start3A_202, %dma_start3A_203] : memref<125x64xf32, #tpu.memory_space<vmem>> -> memref<80x64xf32, #tpu.memory_space<vmem>>
        %dma_start3A_205 = arith.constant 0 : i32
        %dma_start3A_206 = tpu.memref_slice %arg8[%add3A_201, %dma_start3A_205] : memref<10240x64xf32, #tpu.memory_space<vmem_shared>> -> memref<80x64xf32, #tpu.memory_space<vmem_shared>>
        %dma_start3A_207 = arith.constant 0 : i32
        %dma_start3A_208 = tpu.memref_slice %arg8[%add3A_201, %dma_start3A_207] : memref<10240x64xf32, #tpu.memory_space<vmem_shared>> -> memref<80x64xf32, #tpu.memory_space<vmem_shared>>
        %dma_start3A_209 = arith.constant 0 : i32
        %dma_start3A_210 = arith.constant 0 : i32
        %dma_start3A_211 = tpu.memref_slice %arg16[%dma_start3A_209, %dma_start3A_210] : memref<125x64xf32, #tpu.memory_space<vmem>> -> memref<80x64xf32, #tpu.memory_space<vmem>>
        tpu.enqueue_dma source(%dma_start3A_211 : memref<80x64xf32, #tpu.memory_space<vmem>>) target(%dma_start3A_208 : memref<80x64xf32, #tpu.memory_space<vmem_shared>>) target_semaphore(%run_scoped3A : memref<!tpu.dma_semaphore, #tpu.memory_space<semaphore_mem>>)
        %dma_wait3A_212 = arith.constant 0 : i32
        %dma_wait3A_213 = arith.constant 0 : i32
        %dma_wait3A_214 = tpu.memref_slice %arg16[%dma_wait3A_212, %dma_wait3A_213] : memref<125x64xf32, #tpu.memory_space<vmem>> -> memref<80x64xf32, #tpu.memory_space<vmem>>
        %dma_wait3A_215 = arith.constant 0 : i32
        %dma_wait3A_216 = tpu.memref_slice %arg8[%add3A_201, %dma_wait3A_215] : memref<10240x64xf32, #tpu.memory_space<vmem_shared>> -> memref<80x64xf32, #tpu.memory_space<vmem_shared>>
        %dma_wait3A_217 = arith.constant 0 : i32
        %dma_wait3A_218 = tpu.memref_slice %arg8[%add3A_201, %dma_wait3A_217] : memref<10240x64xf32, #tpu.memory_space<vmem_shared>> -> memref<80x64xf32, #tpu.memory_space<vmem_shared>>
        %dma_wait3A_219 = arith.constant 0 : i32
        %dma_wait3A_220 = arith.constant 0 : i32
        %dma_wait3A_221 = tpu.memref_slice %arg16[%dma_wait3A_219, %dma_wait3A_220] : memref<125x64xf32, #tpu.memory_space<vmem>> -> memref<80x64xf32, #tpu.memory_space<vmem>>
        tpu.wait_dma2 semaphore(%run_scoped3A : memref<!tpu.dma_semaphore, #tpu.memory_space<semaphore_mem>>) src(%dma_wait3A_221 : memref<80x64xf32, #tpu.memory_space<vmem>>) dst(%dma_wait3A_218 : memref<80x64xf32, #tpu.memory_space<vmem_shared>>)
        tpu.yield
      }) : () -> ()
    }
    %scan3A_93 = arith.constant 8 : i32
    %dma_start3A_94 = arith.constant 0 : i32
    %dma_start3A_95 = arith.constant 0 : i32
    %dma_start3A_96 = arith.constant 0 : i32
    %dma_start3A_97 = tpu.memref_slice %arg6[%dma_start3A_94, %dma_start3A_95, %dma_start3A_96] : memref<2x32x125xi32, #tpu.memory_space<vmem>> -> memref<1x1x125xi32, #tpu.memory_space<vmem>>
    %dma_start3A_98 = tpu.memref_squeeze %dma_start3A_97 : memref<1x1x125xi32, #tpu.memory_space<vmem>> -> memref<125xi32, #tpu.memory_space<vmem>>
    %dma_start3A_99 = arith.constant 0 : i32
    %dma_start3A_100 = arith.constant 0 : i32
    %dma_start3A_101 = tpu.memref_slice %arg2[%arg0, %dma_start3A_99, %dma_start3A_100] : memref<2x10000x64xf32, #tpu.memory_space<hbm>> -> memref<1x10000x64xf32, #tpu.memory_space<hbm>>
    %dma_start3A_102 = tpu.memref_squeeze %dma_start3A_101 : memref<1x10000x64xf32, #tpu.memory_space<hbm>> -> memref<10000x64xf32, #tpu.memory_space<hbm>>
    %dma_start3A_103 = arith.constant 0 : i32
    %dma_start3A_104 = arith.constant 0 : i32
    %dma_start3A_105 = tpu.memref_slice %dma_start3A_102[%dma_start3A_103, %dma_start3A_104] : memref<10000x64xf32, #tpu.memory_space<hbm>> -> memref<10000x64xf32, #tpu.memory_space<hbm>>
    tpu.enqueue_indirect_dma source(%dma_start3A_105 : memref<10000x64xf32, #tpu.memory_space<hbm>>) target(%arg9 : memref<125x64xf32, #tpu.memory_space<vmem>>) offsets(%dma_start3A_98 : memref<125xi32, #tpu.memory_space<vmem>>) semaphore(%arg17 : memref<!tpu.dma_semaphore, #tpu.memory_space<semaphore_mem>>)
    %dma_start3A_106 = arith.constant 0 : i32
    %dma_start3A_107 = arith.constant 1 : i32
    %dma_start3A_108 = arith.constant 0 : i32
    %dma_start3A_109 = tpu.memref_slice %arg6[%dma_start3A_106, %dma_start3A_107, %dma_start3A_108] : memref<2x32x125xi32, #tpu.memory_space<vmem>> -> memref<1x1x125xi32, #tpu.memory_space<vmem>>
    %dma_start3A_110 = tpu.memref_squeeze %dma_start3A_109 : memref<1x1x125xi32, #tpu.memory_space<vmem>> -> memref<125xi32, #tpu.memory_space<vmem>>
    %dma_start3A_111 = arith.constant 0 : i32
    %dma_start3A_112 = arith.constant 0 : i32
    %dma_start3A_113 = tpu.memref_slice %arg2[%arg0, %dma_start3A_111, %dma_start3A_112] : memref<2x10000x64xf32, #tpu.memory_space<hbm>> -> memref<1x10000x64xf32, #tpu.memory_space<hbm>>
    %dma_start3A_114 = tpu.memref_squeeze %dma_start3A_113 : memref<1x10000x64xf32, #tpu.memory_space<hbm>> -> memref<10000x64xf32, #tpu.memory_space<hbm>>
    %dma_start3A_115 = arith.constant 0 : i32
    %dma_start3A_116 = arith.constant 0 : i32
    %dma_start3A_117 = tpu.memref_slice %dma_start3A_114[%dma_start3A_115, %dma_start3A_116] : memref<10000x64xf32, #tpu.memory_space<hbm>> -> memref<10000x64xf32, #tpu.memory_space<hbm>>
    tpu.enqueue_indirect_dma source(%dma_start3A_117 : memref<10000x64xf32, #tpu.memory_space<hbm>>) target(%arg10 : memref<125x64xf32, #tpu.memory_space<vmem>>) offsets(%dma_start3A_110 : memref<125xi32, #tpu.memory_space<vmem>>) semaphore(%arg18 : memref<!tpu.dma_semaphore, #tpu.memory_space<semaphore_mem>>)
    %dma_start3A_118 = arith.constant 0 : i32
    %dma_start3A_119 = arith.constant 2 : i32
    %dma_start3A_120 = arith.constant 0 : i32
    %dma_start3A_121 = tpu.memref_slice %arg6[%dma_start3A_118, %dma_start3A_119, %dma_start3A_120] : memref<2x32x125xi32, #tpu.memory_space<vmem>> -> memref<1x1x125xi32, #tpu.memory_space<vmem>>
    %dma_start3A_122 = tpu.memref_squeeze %dma_start3A_121 : memref<1x1x125xi32, #tpu.memory_space<vmem>> -> memref<125xi32, #tpu.memory_space<vmem>>
    %dma_start3A_123 = arith.constant 0 : i32
    %dma_start3A_124 = arith.constant 0 : i32
    %dma_start3A_125 = tpu.memref_slice %arg2[%arg0, %dma_start3A_123, %dma_start3A_124] : memref<2x10000x64xf32, #tpu.memory_space<hbm>> -> memref<1x10000x64xf32, #tpu.memory_space<hbm>>
    %dma_start3A_126 = tpu.memref_squeeze %dma_start3A_125 : memref<1x10000x64xf32, #tpu.memory_space<hbm>> -> memref<10000x64xf32, #tpu.memory_space<hbm>>
    %dma_start3A_127 = arith.constant 0 : i32
    %dma_start3A_128 = arith.constant 0 : i32
    %dma_start3A_129 = tpu.memref_slice %dma_start3A_126[%dma_start3A_127, %dma_start3A_128] : memref<10000x64xf32, #tpu.memory_space<hbm>> -> memref<10000x64xf32, #tpu.memory_space<hbm>>
    tpu.enqueue_indirect_dma source(%dma_start3A_129 : memref<10000x64xf32, #tpu.memory_space<hbm>>) target(%arg11 : memref<125x64xf32, #tpu.memory_space<vmem>>) offsets(%dma_start3A_122 : memref<125xi32, #tpu.memory_space<vmem>>) semaphore(%arg19 : memref<!tpu.dma_semaphore, #tpu.memory_space<semaphore_mem>>)
    %dma_start3A_130 = arith.constant 0 : i32
    %dma_start3A_131 = arith.constant 3 : i32
    %dma_start3A_132 = arith.constant 0 : i32
    %dma_start3A_133 = tpu.memref_slice %arg6[%dma_start3A_130, %dma_start3A_131, %dma_start3A_132] : memref<2x32x125xi32, #tpu.memory_space<vmem>> -> memref<1x1x125xi32, #tpu.memory_space<vmem>>
    %dma_start3A_134 = tpu.memref_squeeze %dma_start3A_133 : memref<1x1x125xi32, #tpu.memory_space<vmem>> -> memref<125xi32, #tpu.memory_space<vmem>>
    %dma_start3A_135 = arith.constant 0 : i32
    %dma_start3A_136 = arith.constant 0 : i32
    %dma_start3A_137 = tpu.memref_slice %arg2[%arg0, %dma_start3A_135, %dma_start3A_136] : memref<2x10000x64xf32, #tpu.memory_space<hbm>> -> memref<1x10000x64xf32, #tpu.memory_space<hbm>>
    %dma_start3A_138 = tpu.memref_squeeze %dma_start3A_137 : memref<1x10000x64xf32, #tpu.memory_space<hbm>> -> memref<10000x64xf32, #tpu.memory_space<hbm>>
    %dma_start3A_139 = arith.constant 0 : i32
    %dma_start3A_140 = arith.constant 0 : i32
    %dma_start3A_141 = tpu.memref_slice %dma_start3A_138[%dma_start3A_139, %dma_start3A_140] : memref<10000x64xf32, #tpu.memory_space<hbm>> -> memref<10000x64xf32, #tpu.memory_space<hbm>>
    tpu.enqueue_indirect_dma source(%dma_start3A_141 : memref<10000x64xf32, #tpu.memory_space<hbm>>) target(%arg12 : memref<125x64xf32, #tpu.memory_space<vmem>>) offsets(%dma_start3A_134 : memref<125xi32, #tpu.memory_space<vmem>>) semaphore(%arg20 : memref<!tpu.dma_semaphore, #tpu.memory_space<semaphore_mem>>)
    %dma_start3A_142 = arith.constant 0 : i32
    %dma_start3A_143 = arith.constant 4 : i32
    %dma_start3A_144 = arith.constant 0 : i32
    %dma_start3A_145 = tpu.memref_slice %arg6[%dma_start3A_142, %dma_start3A_143, %dma_start3A_144] : memref<2x32x125xi32, #tpu.memory_space<vmem>> -> memref<1x1x125xi32, #tpu.memory_space<vmem>>
    %dma_start3A_146 = tpu.memref_squeeze %dma_start3A_145 : memref<1x1x125xi32, #tpu.memory_space<vmem>> -> memref<125xi32, #tpu.memory_space<vmem>>
    %dma_start3A_147 = arith.constant 0 : i32
    %dma_start3A_148 = arith.constant 0 : i32
    %dma_start3A_149 = tpu.memref_slice %arg2[%arg0, %dma_start3A_147, %dma_start3A_148] : memref<2x10000x64xf32, #tpu.memory_space<hbm>> -> memref<1x10000x64xf32, #tpu.memory_space<hbm>>
    %dma_start3A_150 = tpu.memref_squeeze %dma_start3A_149 : memref<1x10000x64xf32, #tpu.memory_space<hbm>> -> memref<10000x64xf32, #tpu.memory_space<hbm>>
    %dma_start3A_151 = arith.constant 0 : i32
    %dma_start3A_152 = arith.constant 0 : i32
    %dma_start3A_153 = tpu.memref_slice %dma_start3A_150[%dma_start3A_151, %dma_start3A_152] : memref<10000x64xf32, #tpu.memory_space<hbm>> -> memref<10000x64xf32, #tpu.memory_space<hbm>>
    tpu.enqueue_indirect_dma source(%dma_start3A_153 : memref<10000x64xf32, #tpu.memory_space<hbm>>) target(%arg13 : memref<125x64xf32, #tpu.memory_space<vmem>>) offsets(%dma_start3A_146 : memref<125xi32, #tpu.memory_space<vmem>>) semaphore(%arg21 : memref<!tpu.dma_semaphore, #tpu.memory_space<semaphore_mem>>)
    %dma_start3A_154 = arith.constant 0 : i32
    %dma_start3A_155 = arith.constant 5 : i32
    %dma_start3A_156 = arith.constant 0 : i32
    %dma_start3A_157 = tpu.memref_slice %arg6[%dma_start3A_154, %dma_start3A_155, %dma_start3A_156] : memref<2x32x125xi32, #tpu.memory_space<vmem>> -> memref<1x1x125xi32, #tpu.memory_space<vmem>>
    %dma_start3A_158 = tpu.memref_squeeze %dma_start3A_157 : memref<1x1x125xi32, #tpu.memory_space<vmem>> -> memref<125xi32, #tpu.memory_space<vmem>>
    %dma_start3A_159 = arith.constant 0 : i32
    %dma_start3A_160 = arith.constant 0 : i32
    %dma_start3A_161 = tpu.memref_slice %arg2[%arg0, %dma_start3A_159, %dma_start3A_160] : memref<2x10000x64xf32, #tpu.memory_space<hbm>> -> memref<1x10000x64xf32, #tpu.memory_space<hbm>>
    %dma_start3A_162 = tpu.memref_squeeze %dma_start3A_161 : memref<1x10000x64xf32, #tpu.memory_space<hbm>> -> memref<10000x64xf32, #tpu.memory_space<hbm>>
    %dma_start3A_163 = arith.constant 0 : i32
    %dma_start3A_164 = arith.constant 0 : i32
    %dma_start3A_165 = tpu.memref_slice %dma_start3A_162[%dma_start3A_163, %dma_start3A_164] : memref<10000x64xf32, #tpu.memory_space<hbm>> -> memref<10000x64xf32, #tpu.memory_space<hbm>>
    tpu.enqueue_indirect_dma source(%dma_start3A_165 : memref<10000x64xf32, #tpu.memory_space<hbm>>) target(%arg14 : memref<125x64xf32, #tpu.memory_space<vmem>>) offsets(%dma_start3A_158 : memref<125xi32, #tpu.memory_space<vmem>>) semaphore(%arg22 : memref<!tpu.dma_semaphore, #tpu.memory_space<semaphore_mem>>)
    %barrier3A = arith.constant 0 : index
    tpu.barrier barrier_id(%barrier3A)
    %scan3A_166 = arith.constant 0 : i32
    %scan3A_167 = arith.constant 20 : i32
    %scan3A_168 = arith.addi %scan3A_166, %scan3A_167 : i32
    %scan3A_169 = arith.constant 1 : i32
    scf.for %scan3A_192 = %scan3A_166 to %scan3A_168 step %scan3A_169  : i32 {
      %mul3A_193 = arith.constant 8 : i32
      %mul3A_194 = arith.muli %scan3A_192, %mul3A_193 : i32
      %add3A_195 = arith.constant 0 : i32
      %add3A_196 = arith.addi %add3A_195, %mul3A_194 : i32
      %add3A_197 = arith.constant 0 : i32
      %add3A_198 = arith.addi %add3A_196, %add3A_197 : i32
      %dma_wait3A_199 = arith.constant 0 : i32
      %dma_wait3A_200 = arith.constant 0 : i32
      %dma_wait3A_201 = arith.constant 0 : i32
      %dma_wait3A_202 = tpu.memref_slice %arg6[%dma_wait3A_199, %dma_wait3A_200, %dma_wait3A_201] : memref<2x32x125xi32, #tpu.memory_space<vmem>> -> memref<1x1x125xi32, #tpu.memory_space<vmem>>
      %dma_wait3A_203 = tpu.memref_squeeze %dma_wait3A_202 : memref<1x1x125xi32, #tpu.memory_space<vmem>> -> memref<125xi32, #tpu.memory_space<vmem>>
      %dma_wait3A_204 = arith.constant 0 : i32
      %dma_wait3A_205 = arith.constant 0 : i32
      %dma_wait3A_206 = tpu.memref_slice %arg2[%arg0, %dma_wait3A_204, %dma_wait3A_205] : memref<2x10000x64xf32, #tpu.memory_space<hbm>> -> memref<1x10000x64xf32, #tpu.memory_space<hbm>>
      %dma_wait3A_207 = tpu.memref_squeeze %dma_wait3A_206 : memref<1x10000x64xf32, #tpu.memory_space<hbm>> -> memref<10000x64xf32, #tpu.memory_space<hbm>>
      %dma_wait3A_208 = arith.constant 0 : i32
      %dma_wait3A_209 = arith.constant 0 : i32
      %dma_wait3A_210 = tpu.memref_slice %dma_wait3A_207[%dma_wait3A_208, %dma_wait3A_209] : memref<10000x64xf32, #tpu.memory_space<hbm>> -> memref<10000x64xf32, #tpu.memory_space<hbm>>
      tpu.wait_indirect_dma semaphore(%arg17 : memref<!tpu.dma_semaphore, #tpu.memory_space<semaphore_mem>>) src(%dma_wait3A_210 : memref<10000x64xf32, #tpu.memory_space<hbm>>) dst(%arg9 : memref<125x64xf32, #tpu.memory_space<vmem>>)
      %div3A = arith.constant 32 : i32
      %div3A_211 = arith.divsi %add3A_198, %div3A : i32
      %rem3A = arith.constant 2 : i32
      %rem3A_212 = arith.remsi %div3A_211, %rem3A : i32
      %rem3A_213 = arith.constant 32 : i32
      %rem3A_214 = arith.remsi %add3A_198, %rem3A_213 : i32
      %dma_start3A_215 = arith.constant 0 : i32
      %dma_start3A_216 = tpu.memref_slice %arg7[%rem3A_212, %rem3A_214, %dma_start3A_215] : memref<2x32x125xi32, #tpu.memory_space<vmem>> -> memref<1x1x125xi32, #tpu.memory_space<vmem>>
      %dma_start3A_217 = tpu.memref_squeeze %dma_start3A_216 : memref<1x1x125xi32, #tpu.memory_space<vmem>> -> memref<125xi32, #tpu.memory_space<vmem>>
      %dma_start3A_218 = arith.constant 0 : i32
      %dma_start3A_219 = arith.constant 0 : i32
      %dma_start3A_220 = tpu.memref_slice %arg8[%dma_start3A_218, %dma_start3A_219] : memref<10240x64xf32, #tpu.memory_space<vmem_shared>> -> memref<10240x64xf32, #tpu.memory_space<vmem_shared>>
      tpu.enqueue_indirect_dma source(%arg9 : memref<125x64xf32, #tpu.memory_space<vmem>>) target(%dma_start3A_220 : memref<10240x64xf32, #tpu.memory_space<vmem_shared>>) offsets(%dma_start3A_217 : memref<125xi32, #tpu.memory_space<vmem>>) semaphore(%arg25 : memref<!tpu.dma_semaphore, #tpu.memory_space<semaphore_mem>>) {add = true}
      %gt3A = arith.constant 0 : i32
      %gt3A_221 = arith.cmpi sgt, %add3A_196, %gt3A : i32
      %convert_element_type3A = arith.extui %gt3A_221 : i1 to i32
      %cond3A = arith.constant 0 : i32
      %cond3A_222 = arith.cmpi ne, %convert_element_type3A, %cond3A : i32
      scf.if %cond3A_222 {
        %dma_wait3A_554 = arith.constant 0 : i32
        %dma_wait3A_555 = arith.constant 0 : i32
        %dma_wait3A_556 = arith.constant 0 : i32
        %dma_wait3A_557 = tpu.memref_slice %arg7[%dma_wait3A_554, %dma_wait3A_555, %dma_wait3A_556] : memref<2x32x125xi32, #tpu.memory_space<vmem>> -> memref<1x1x125xi32, #tpu.memory_space<vmem>>
        %dma_wait3A_558 = tpu.memref_squeeze %dma_wait3A_557 : memref<1x1x125xi32, #tpu.memory_space<vmem>> -> memref<125xi32, #tpu.memory_space<vmem>>
        %dma_wait3A_559 = arith.constant 0 : i32
        %dma_wait3A_560 = arith.constant 0 : i32
        %dma_wait3A_561 = tpu.memref_slice %arg8[%dma_wait3A_559, %dma_wait3A_560] : memref<10240x64xf32, #tpu.memory_space<vmem_shared>> -> memref<10240x64xf32, #tpu.memory_space<vmem_shared>>
        tpu.wait_indirect_dma semaphore(%arg31 : memref<!tpu.dma_semaphore, #tpu.memory_space<semaphore_mem>>) src(%arg15 : memref<125x64xf32, #tpu.memory_space<vmem>>) dst(%dma_wait3A_561 : memref<10240x64xf32, #tpu.memory_space<vmem_shared>>)
      } else {
      }
      %add3A_223 = arith.constant 6 : i32
      %add3A_224 = arith.addi %add3A_198, %add3A_223 : i32
      %div3A_225 = arith.constant 32 : i32
      %div3A_226 = arith.divsi %add3A_224, %div3A_225 : i32
      %rem3A_227 = arith.constant 2 : i32
      %rem3A_228 = arith.remsi %div3A_226, %rem3A_227 : i32
      %rem3A_229 = arith.constant 32 : i32
      %rem3A_230 = arith.remsi %add3A_224, %rem3A_229 : i32
      %dma_start3A_231 = arith.constant 0 : i32
      %dma_start3A_232 = tpu.memref_slice %arg6[%rem3A_228, %rem3A_230, %dma_start3A_231] : memref<2x32x125xi32, #tpu.memory_space<vmem>> -> memref<1x1x125xi32, #tpu.memory_space<vmem>>
      %dma_start3A_233 = tpu.memref_squeeze %dma_start3A_232 : memref<1x1x125xi32, #tpu.memory_space<vmem>> -> memref<125xi32, #tpu.memory_space<vmem>>
      %dma_start3A_234 = arith.constant 0 : i32
      %dma_start3A_235 = arith.constant 0 : i32
      %dma_start3A_236 = tpu.memref_slice %arg2[%arg0, %dma_start3A_234, %dma_start3A_235] : memref<2x10000x64xf32, #tpu.memory_space<hbm>> -> memref<1x10000x64xf32, #tpu.memory_space<hbm>>
      %dma_start3A_237 = tpu.memref_squeeze %dma_start3A_236 : memref<1x10000x64xf32, #tpu.memory_space<hbm>> -> memref<10000x64xf32, #tpu.memory_space<hbm>>
      %dma_start3A_238 = arith.constant 0 : i32
      %dma_start3A_239 = arith.constant 0 : i32
      %dma_start3A_240 = tpu.memref_slice %dma_start3A_237[%dma_start3A_238, %dma_start3A_239] : memref<10000x64xf32, #tpu.memory_space<hbm>> -> memref<10000x64xf32, #tpu.memory_space<hbm>>
      tpu.enqueue_indirect_dma source(%dma_start3A_240 : memref<10000x64xf32, #tpu.memory_space<hbm>>) target(%arg15 : memref<125x64xf32, #tpu.memory_space<vmem>>) offsets(%dma_start3A_233 : memref<125xi32, #tpu.memory_space<vmem>>) semaphore(%arg23 : memref<!tpu.dma_semaphore, #tpu.memory_space<semaphore_mem>>)
      %rem3A_241 = arith.constant 32 : i32
      %rem3A_242 = arith.remsi %add3A_196, %rem3A_241 : i32
      %eq3A = arith.constant 8 : i32
      %eq3A_243 = arith.cmpi eq, %rem3A_242, %eq3A : i32
      %ge3A = arith.constant 40 : i32
      %ge3A_244 = arith.cmpi sge, %add3A_196, %ge3A : i32
      %lt3A = arith.constant 128 : i32
      %lt3A_245 = arith.cmpi slt, %add3A_196, %lt3A : i32
      %and3A = arith.andi %ge3A_244, %lt3A_245 : i1
      %and3A_246 = arith.andi %eq3A_243, %and3A : i1
      %convert_element_type3A_247 = arith.extui %and3A_246 : i1 to i32
      %cond3A_248 = arith.constant 0 : i32
      %cond3A_249 = arith.cmpi ne, %convert_element_type3A_247, %cond3A_248 : i32
      scf.if %cond3A_249 {
        %div3A_554 = arith.constant 32 : i32
        %div3A_555 = arith.divsi %add3A_196, %div3A_554 : i32
        %add3A_556 = arith.constant 1 : i32
        %add3A_557 = arith.addi %div3A_555, %add3A_556 : i32
        %rem3A_558 = arith.constant 2 : i32
        %rem3A_559 = arith.remsi %add3A_557, %rem3A_558 : i32
        %mul3A_560 = arith.constant 32 : i32
        %mul3A_561 = arith.muli %add3A_557, %mul3A_560 : i32
        %add3A_562 = arith.addi %mul3A_0, %mul3A_561 : i32
        %dma_start3A_563 = arith.constant 0 : i32
        %dma_start3A_564 = arith.constant 0 : i32
        %dma_start3A_565 = tpu.memref_slice %arg6[%rem3A_559, %dma_start3A_563, %dma_start3A_564] : memref<2x32x125xi32, #tpu.memory_space<vmem>> -> memref<1x32x125xi32, #tpu.memory_space<vmem>>
        %dma_start3A_566 = tpu.memref_squeeze %dma_start3A_565 : memref<1x32x125xi32, #tpu.memory_space<vmem>> -> memref<32x125xi32, #tpu.memory_space<vmem>>
        %dma_start3A_567 = arith.constant 0 : i32
        %dma_start3A_568 = tpu.memref_slice %arg3[%add3A_562, %dma_start3A_567] : memref<2560x125xi32, #tpu.memory_space<hbm>> -> memref<32x125xi32, #tpu.memory_space<hbm>>
        %dma_start3A_569 = arith.constant 0 : i32
        %dma_start3A_570 = arith.constant 0 : i32
        %dma_start3A_571 = tpu.memref_slice %arg6[%rem3A_559, %dma_start3A_569, %dma_start3A_570] : memref<2x32x125xi32, #tpu.memory_space<vmem>> -> memref<1x32x125xi32, #tpu.memory_space<vmem>>
        %dma_start3A_572 = tpu.memref_squeeze %dma_start3A_571 : memref<1x32x125xi32, #tpu.memory_space<vmem>> -> memref<32x125xi32, #tpu.memory_space<vmem>>
        %dma_start3A_573 = arith.constant 0 : i32
        %dma_start3A_574 = tpu.memref_slice %arg3[%add3A_562, %dma_start3A_573] : memref<2560x125xi32, #tpu.memory_space<hbm>> -> memref<32x125xi32, #tpu.memory_space<hbm>>
        tpu.enqueue_dma source(%dma_start3A_574 : memref<32x125xi32, #tpu.memory_space<hbm>>) target(%dma_start3A_572 : memref<32x125xi32, #tpu.memory_space<vmem>>) target_semaphore(%arg33 : memref<!tpu.dma_semaphore, #tpu.memory_space<semaphore_mem>>)
        %mul3A_575 = arith.constant 32 : i32
        %mul3A_576 = arith.muli %add3A_557, %mul3A_575 : i32
        %add3A_577 = arith.addi %mul3A_0, %mul3A_576 : i32
        %dma_start3A_578 = arith.constant 0 : i32
        %dma_start3A_579 = arith.constant 0 : i32
        %dma_start3A_580 = tpu.memref_slice %arg7[%rem3A_559, %dma_start3A_578, %dma_start3A_579] : memref<2x32x125xi32, #tpu.memory_space<vmem>> -> memref<1x32x125xi32, #tpu.memory_space<vmem>>
        %dma_start3A_581 = tpu.memref_squeeze %dma_start3A_580 : memref<1x32x125xi32, #tpu.memory_space<vmem>> -> memref<32x125xi32, #tpu.memory_space<vmem>>
        %dma_start3A_582 = arith.constant 0 : i32
        %dma_start3A_583 = tpu.memref_slice %arg4[%add3A_577, %dma_start3A_582] : memref<2560x125xi32, #tpu.memory_space<hbm>> -> memref<32x125xi32, #tpu.memory_space<hbm>>
        %dma_start3A_584 = arith.constant 0 : i32
        %dma_start3A_585 = arith.constant 0 : i32
        %dma_start3A_586 = tpu.memref_slice %arg7[%rem3A_559, %dma_start3A_584, %dma_start3A_585] : memref<2x32x125xi32, #tpu.memory_space<vmem>> -> memref<1x32x125xi32, #tpu.memory_space<vmem>>
        %dma_start3A_587 = tpu.memref_squeeze %dma_start3A_586 : memref<1x32x125xi32, #tpu.memory_space<vmem>> -> memref<32x125xi32, #tpu.memory_space<vmem>>
        %dma_start3A_588 = arith.constant 0 : i32
        %dma_start3A_589 = tpu.memref_slice %arg4[%add3A_577, %dma_start3A_588] : memref<2560x125xi32, #tpu.memory_space<hbm>> -> memref<32x125xi32, #tpu.memory_space<hbm>>
        tpu.enqueue_dma source(%dma_start3A_589 : memref<32x125xi32, #tpu.memory_space<hbm>>) target(%dma_start3A_587 : memref<32x125xi32, #tpu.memory_space<vmem>>) target_semaphore(%arg34 : memref<!tpu.dma_semaphore, #tpu.memory_space<semaphore_mem>>)
      } else {
      }
      %rem3A_250 = arith.constant 32 : i32
      %rem3A_251 = arith.remsi %add3A_196, %rem3A_250 : i32
      %eq3A_252 = arith.constant 24 : i32
      %eq3A_253 = arith.cmpi eq, %rem3A_251, %eq3A_252 : i32
      %le3A = arith.constant 120 : i32
      %le3A_254 = arith.cmpi sle, %add3A_196, %le3A : i32
      %and3A_255 = arith.andi %eq3A_253, %le3A_254 : i1
      %convert_element_type3A_256 = arith.extui %and3A_255 : i1 to i32
      %cond3A_257 = arith.constant 0 : i32
      %cond3A_258 = arith.cmpi ne, %convert_element_type3A_256, %cond3A_257 : i32
      scf.if %cond3A_258 {
        %dma_wait3A_554 = arith.constant 0 : i32
        %dma_wait3A_555 = arith.constant 0 : i32
        %dma_wait3A_556 = arith.constant 0 : i32
        %dma_wait3A_557 = tpu.memref_slice %arg6[%dma_wait3A_554, %dma_wait3A_555, %dma_wait3A_556] : memref<2x32x125xi32, #tpu.memory_space<vmem>> -> memref<1x32x125xi32, #tpu.memory_space<vmem>>
        %dma_wait3A_558 = tpu.memref_squeeze %dma_wait3A_557 : memref<1x32x125xi32, #tpu.memory_space<vmem>> -> memref<32x125xi32, #tpu.memory_space<vmem>>
        %dma_wait3A_559 = arith.constant 0 : i32
        %dma_wait3A_560 = tpu.memref_slice %arg3[%mul3A_0, %dma_wait3A_559] : memref<2560x125xi32, #tpu.memory_space<hbm>> -> memref<32x125xi32, #tpu.memory_space<hbm>>
        %dma_wait3A_561 = arith.constant 0 : i32
        %dma_wait3A_562 = arith.constant 0 : i32
        %dma_wait3A_563 = tpu.memref_slice %arg6[%dma_wait3A_554, %dma_wait3A_561, %dma_wait3A_562] : memref<2x32x125xi32, #tpu.memory_space<vmem>> -> memref<1x32x125xi32, #tpu.memory_space<vmem>>
        %dma_wait3A_564 = tpu.memref_squeeze %dma_wait3A_563 : memref<1x32x125xi32, #tpu.memory_space<vmem>> -> memref<32x125xi32, #tpu.memory_space<vmem>>
        %dma_wait3A_565 = arith.constant 0 : i32
        %dma_wait3A_566 = tpu.memref_slice %arg3[%mul3A_0, %dma_wait3A_565] : memref<2560x125xi32, #tpu.memory_space<hbm>> -> memref<32x125xi32, #tpu.memory_space<hbm>>
        tpu.wait_dma2 semaphore(%arg33 : memref<!tpu.dma_semaphore, #tpu.memory_space<semaphore_mem>>) src(%dma_wait3A_566 : memref<32x125xi32, #tpu.memory_space<hbm>>) dst(%dma_wait3A_564 : memref<32x125xi32, #tpu.memory_space<vmem>>)
        %dma_wait3A_567 = arith.constant 0 : i32
        %dma_wait3A_568 = arith.constant 0 : i32
        %dma_wait3A_569 = arith.constant 0 : i32
        %dma_wait3A_570 = tpu.memref_slice %arg7[%dma_wait3A_567, %dma_wait3A_568, %dma_wait3A_569] : memref<2x32x125xi32, #tpu.memory_space<vmem>> -> memref<1x32x125xi32, #tpu.memory_space<vmem>>
        %dma_wait3A_571 = tpu.memref_squeeze %dma_wait3A_570 : memref<1x32x125xi32, #tpu.memory_space<vmem>> -> memref<32x125xi32, #tpu.memory_space<vmem>>
        %dma_wait3A_572 = arith.constant 0 : i32
        %dma_wait3A_573 = tpu.memref_slice %arg3[%mul3A_0, %dma_wait3A_572] : memref<2560x125xi32, #tpu.memory_space<hbm>> -> memref<32x125xi32, #tpu.memory_space<hbm>>
        %dma_wait3A_574 = arith.constant 0 : i32
        %dma_wait3A_575 = arith.constant 0 : i32
        %dma_wait3A_576 = tpu.memref_slice %arg7[%dma_wait3A_567, %dma_wait3A_574, %dma_wait3A_575] : memref<2x32x125xi32, #tpu.memory_space<vmem>> -> memref<1x32x125xi32, #tpu.memory_space<vmem>>
        %dma_wait3A_577 = tpu.memref_squeeze %dma_wait3A_576 : memref<1x32x125xi32, #tpu.memory_space<vmem>> -> memref<32x125xi32, #tpu.memory_space<vmem>>
        %dma_wait3A_578 = arith.constant 0 : i32
        %dma_wait3A_579 = tpu.memref_slice %arg3[%mul3A_0, %dma_wait3A_578] : memref<2560x125xi32, #tpu.memory_space<hbm>> -> memref<32x125xi32, #tpu.memory_space<hbm>>
        tpu.wait_dma2 semaphore(%arg34 : memref<!tpu.dma_semaphore, #tpu.memory_space<semaphore_mem>>) src(%dma_wait3A_579 : memref<32x125xi32, #tpu.memory_space<hbm>>) dst(%dma_wait3A_577 : memref<32x125xi32, #tpu.memory_space<vmem>>)
      } else {
      }
      %add3A_259 = arith.constant 1 : i32
      %add3A_260 = arith.addi %add3A_196, %add3A_259 : i32
      %dma_wait3A_261 = arith.constant 0 : i32
      %dma_wait3A_262 = arith.constant 0 : i32
      %dma_wait3A_263 = arith.constant 0 : i32
      %dma_wait3A_264 = tpu.memref_slice %arg6[%dma_wait3A_261, %dma_wait3A_262, %dma_wait3A_263] : memref<2x32x125xi32, #tpu.memory_space<vmem>> -> memref<1x1x125xi32, #tpu.memory_space<vmem>>
      %dma_wait3A_265 = tpu.memref_squeeze %dma_wait3A_264 : memref<1x1x125xi32, #tpu.memory_space<vmem>> -> memref<125xi32, #tpu.memory_space<vmem>>
      %dma_wait3A_266 = arith.constant 0 : i32
      %dma_wait3A_267 = arith.constant 0 : i32
      %dma_wait3A_268 = tpu.memref_slice %arg2[%arg0, %dma_wait3A_266, %dma_wait3A_267] : memref<2x10000x64xf32, #tpu.memory_space<hbm>> -> memref<1x10000x64xf32, #tpu.memory_space<hbm>>
      %dma_wait3A_269 = tpu.memref_squeeze %dma_wait3A_268 : memref<1x10000x64xf32, #tpu.memory_space<hbm>> -> memref<10000x64xf32, #tpu.memory_space<hbm>>
      %dma_wait3A_270 = arith.constant 0 : i32
      %dma_wait3A_271 = arith.constant 0 : i32
      %dma_wait3A_272 = tpu.memref_slice %dma_wait3A_269[%dma_wait3A_270, %dma_wait3A_271] : memref<10000x64xf32, #tpu.memory_space<hbm>> -> memref<10000x64xf32, #tpu.memory_space<hbm>>
      tpu.wait_indirect_dma semaphore(%arg18 : memref<!tpu.dma_semaphore, #tpu.memory_space<semaphore_mem>>) src(%dma_wait3A_272 : memref<10000x64xf32, #tpu.memory_space<hbm>>) dst(%arg10 : memref<125x64xf32, #tpu.memory_space<vmem>>)
      %div3A_273 = arith.constant 32 : i32
      %div3A_274 = arith.divsi %add3A_260, %div3A_273 : i32
      %rem3A_275 = arith.constant 2 : i32
      %rem3A_276 = arith.remsi %div3A_274, %rem3A_275 : i32
      %rem3A_277 = arith.constant 32 : i32
      %rem3A_278 = arith.remsi %add3A_260, %rem3A_277 : i32
      %dma_start3A_279 = arith.constant 0 : i32
      %dma_start3A_280 = tpu.memref_slice %arg7[%rem3A_276, %rem3A_278, %dma_start3A_279] : memref<2x32x125xi32, #tpu.memory_space<vmem>> -> memref<1x1x125xi32, #tpu.memory_space<vmem>>
      %dma_start3A_281 = tpu.memref_squeeze %dma_start3A_280 : memref<1x1x125xi32, #tpu.memory_space<vmem>> -> memref<125xi32, #tpu.memory_space<vmem>>
      %dma_start3A_282 = arith.constant 0 : i32
      %dma_start3A_283 = arith.constant 0 : i32
      %dma_start3A_284 = tpu.memref_slice %arg8[%dma_start3A_282, %dma_start3A_283] : memref<10240x64xf32, #tpu.memory_space<vmem_shared>> -> memref<10240x64xf32, #tpu.memory_space<vmem_shared>>
      tpu.enqueue_indirect_dma source(%arg10 : memref<125x64xf32, #tpu.memory_space<vmem>>) target(%dma_start3A_284 : memref<10240x64xf32, #tpu.memory_space<vmem_shared>>) offsets(%dma_start3A_281 : memref<125xi32, #tpu.memory_space<vmem>>) semaphore(%arg26 : memref<!tpu.dma_semaphore, #tpu.memory_space<semaphore_mem>>) {add = true}
      %gt3A_285 = arith.constant 0 : i32
      %gt3A_286 = arith.cmpi sgt, %add3A_196, %gt3A_285 : i32
      %convert_element_type3A_287 = arith.extui %gt3A_286 : i1 to i32
      %cond3A_288 = arith.constant 0 : i32
      %cond3A_289 = arith.cmpi ne, %convert_element_type3A_287, %cond3A_288 : i32
      scf.if %cond3A_289 {
        %dma_wait3A_554 = arith.constant 0 : i32
        %dma_wait3A_555 = arith.constant 0 : i32
        %dma_wait3A_556 = arith.constant 0 : i32
        %dma_wait3A_557 = tpu.memref_slice %arg7[%dma_wait3A_554, %dma_wait3A_555, %dma_wait3A_556] : memref<2x32x125xi32, #tpu.memory_space<vmem>> -> memref<1x1x125xi32, #tpu.memory_space<vmem>>
        %dma_wait3A_558 = tpu.memref_squeeze %dma_wait3A_557 : memref<1x1x125xi32, #tpu.memory_space<vmem>> -> memref<125xi32, #tpu.memory_space<vmem>>
        %dma_wait3A_559 = arith.constant 0 : i32
        %dma_wait3A_560 = arith.constant 0 : i32
        %dma_wait3A_561 = tpu.memref_slice %arg8[%dma_wait3A_559, %dma_wait3A_560] : memref<10240x64xf32, #tpu.memory_space<vmem_shared>> -> memref<10240x64xf32, #tpu.memory_space<vmem_shared>>
        tpu.wait_indirect_dma semaphore(%arg32 : memref<!tpu.dma_semaphore, #tpu.memory_space<semaphore_mem>>) src(%arg16 : memref<125x64xf32, #tpu.memory_space<vmem>>) dst(%dma_wait3A_561 : memref<10240x64xf32, #tpu.memory_space<vmem_shared>>)
      } else {
      }
      %add3A_290 = arith.constant 6 : i32
      %add3A_291 = arith.addi %add3A_260, %add3A_290 : i32
      %div3A_292 = arith.constant 32 : i32
      %div3A_293 = arith.divsi %add3A_291, %div3A_292 : i32
      %rem3A_294 = arith.constant 2 : i32
      %rem3A_295 = arith.remsi %div3A_293, %rem3A_294 : i32
      %rem3A_296 = arith.constant 32 : i32
      %rem3A_297 = arith.remsi %add3A_291, %rem3A_296 : i32
      %dma_start3A_298 = arith.constant 0 : i32
      %dma_start3A_299 = tpu.memref_slice %arg6[%rem3A_295, %rem3A_297, %dma_start3A_298] : memref<2x32x125xi32, #tpu.memory_space<vmem>> -> memref<1x1x125xi32, #tpu.memory_space<vmem>>
      %dma_start3A_300 = tpu.memref_squeeze %dma_start3A_299 : memref<1x1x125xi32, #tpu.memory_space<vmem>> -> memref<125xi32, #tpu.memory_space<vmem>>
      %dma_start3A_301 = arith.constant 0 : i32
      %dma_start3A_302 = arith.constant 0 : i32
      %dma_start3A_303 = tpu.memref_slice %arg2[%arg0, %dma_start3A_301, %dma_start3A_302] : memref<2x10000x64xf32, #tpu.memory_space<hbm>> -> memref<1x10000x64xf32, #tpu.memory_space<hbm>>
      %dma_start3A_304 = tpu.memref_squeeze %dma_start3A_303 : memref<1x10000x64xf32, #tpu.memory_space<hbm>> -> memref<10000x64xf32, #tpu.memory_space<hbm>>
      %dma_start3A_305 = arith.constant 0 : i32
      %dma_start3A_306 = arith.constant 0 : i32
      %dma_start3A_307 = tpu.memref_slice %dma_start3A_304[%dma_start3A_305, %dma_start3A_306] : memref<10000x64xf32, #tpu.memory_space<hbm>> -> memref<10000x64xf32, #tpu.memory_space<hbm>>
      tpu.enqueue_indirect_dma source(%dma_start3A_307 : memref<10000x64xf32, #tpu.memory_space<hbm>>) target(%arg16 : memref<125x64xf32, #tpu.memory_space<vmem>>) offsets(%dma_start3A_300 : memref<125xi32, #tpu.memory_space<vmem>>) semaphore(%arg24 : memref<!tpu.dma_semaphore, #tpu.memory_space<semaphore_mem>>)
      %add3A_308 = arith.constant 2 : i32
      %add3A_309 = arith.addi %add3A_196, %add3A_308 : i32
      %dma_wait3A_310 = arith.constant 0 : i32
      %dma_wait3A_311 = arith.constant 0 : i32
      %dma_wait3A_312 = arith.constant 0 : i32
      %dma_wait3A_313 = tpu.memref_slice %arg6[%dma_wait3A_310, %dma_wait3A_311, %dma_wait3A_312] : memref<2x32x125xi32, #tpu.memory_space<vmem>> -> memref<1x1x125xi32, #tpu.memory_space<vmem>>
      %dma_wait3A_314 = tpu.memref_squeeze %dma_wait3A_313 : memref<1x1x125xi32, #tpu.memory_space<vmem>> -> memref<125xi32, #tpu.memory_space<vmem>>
      %dma_wait3A_315 = arith.constant 0 : i32
      %dma_wait3A_316 = arith.constant 0 : i32
      %dma_wait3A_317 = tpu.memref_slice %arg2[%arg0, %dma_wait3A_315, %dma_wait3A_316] : memref<2x10000x64xf32, #tpu.memory_space<hbm>> -> memref<1x10000x64xf32, #tpu.memory_space<hbm>>
      %dma_wait3A_318 = tpu.memref_squeeze %dma_wait3A_317 : memref<1x10000x64xf32, #tpu.memory_space<hbm>> -> memref<10000x64xf32, #tpu.memory_space<hbm>>
      %dma_wait3A_319 = arith.constant 0 : i32
      %dma_wait3A_320 = arith.constant 0 : i32
      %dma_wait3A_321 = tpu.memref_slice %dma_wait3A_318[%dma_wait3A_319, %dma_wait3A_320] : memref<10000x64xf32, #tpu.memory_space<hbm>> -> memref<10000x64xf32, #tpu.memory_space<hbm>>
      tpu.wait_indirect_dma semaphore(%arg19 : memref<!tpu.dma_semaphore, #tpu.memory_space<semaphore_mem>>) src(%dma_wait3A_321 : memref<10000x64xf32, #tpu.memory_space<hbm>>) dst(%arg11 : memref<125x64xf32, #tpu.memory_space<vmem>>)
      %div3A_322 = arith.constant 32 : i32
      %div3A_323 = arith.divsi %add3A_309, %div3A_322 : i32
      %rem3A_324 = arith.constant 2 : i32
      %rem3A_325 = arith.remsi %div3A_323, %rem3A_324 : i32
      %rem3A_326 = arith.constant 32 : i32
      %rem3A_327 = arith.remsi %add3A_309, %rem3A_326 : i32
      %dma_start3A_328 = arith.constant 0 : i32
      %dma_start3A_329 = tpu.memref_slice %arg7[%rem3A_325, %rem3A_327, %dma_start3A_328] : memref<2x32x125xi32, #tpu.memory_space<vmem>> -> memref<1x1x125xi32, #tpu.memory_space<vmem>>
      %dma_start3A_330 = tpu.memref_squeeze %dma_start3A_329 : memref<1x1x125xi32, #tpu.memory_space<vmem>> -> memref<125xi32, #tpu.memory_space<vmem>>
      %dma_start3A_331 = arith.constant 0 : i32
      %dma_start3A_332 = arith.constant 0 : i32
      %dma_start3A_333 = tpu.memref_slice %arg8[%dma_start3A_331, %dma_start3A_332] : memref<10240x64xf32, #tpu.memory_space<vmem_shared>> -> memref<10240x64xf32, #tpu.memory_space<vmem_shared>>
      tpu.enqueue_indirect_dma source(%arg11 : memref<125x64xf32, #tpu.memory_space<vmem>>) target(%dma_start3A_333 : memref<10240x64xf32, #tpu.memory_space<vmem_shared>>) offsets(%dma_start3A_330 : memref<125xi32, #tpu.memory_space<vmem>>) semaphore(%arg27 : memref<!tpu.dma_semaphore, #tpu.memory_space<semaphore_mem>>) {add = true}
      %dma_wait3A_334 = arith.constant 0 : i32
      %dma_wait3A_335 = arith.constant 0 : i32
      %dma_wait3A_336 = arith.constant 0 : i32
      %dma_wait3A_337 = tpu.memref_slice %arg7[%dma_wait3A_334, %dma_wait3A_335, %dma_wait3A_336] : memref<2x32x125xi32, #tpu.memory_space<vmem>> -> memref<1x1x125xi32, #tpu.memory_space<vmem>>
      %dma_wait3A_338 = tpu.memref_squeeze %dma_wait3A_337 : memref<1x1x125xi32, #tpu.memory_space<vmem>> -> memref<125xi32, #tpu.memory_space<vmem>>
      %dma_wait3A_339 = arith.constant 0 : i32
      %dma_wait3A_340 = arith.constant 0 : i32
      %dma_wait3A_341 = tpu.memref_slice %arg8[%dma_wait3A_339, %dma_wait3A_340] : memref<10240x64xf32, #tpu.memory_space<vmem_shared>> -> memref<10240x64xf32, #tpu.memory_space<vmem_shared>>
      tpu.wait_indirect_dma semaphore(%arg25 : memref<!tpu.dma_semaphore, #tpu.memory_space<semaphore_mem>>) src(%arg9 : memref<125x64xf32, #tpu.memory_space<vmem>>) dst(%dma_wait3A_341 : memref<10240x64xf32, #tpu.memory_space<vmem_shared>>)
      %add3A_342 = arith.constant 6 : i32
      %add3A_343 = arith.addi %add3A_309, %add3A_342 : i32
      %lt3A_344 = arith.constant 160 : i32
      %lt3A_345 = arith.cmpi slt, %add3A_343, %lt3A_344 : i32
      %convert_element_type3A_346 = arith.extui %lt3A_345 : i1 to i32
      %cond3A_347 = arith.constant 0 : i32
      %cond3A_348 = arith.cmpi ne, %convert_element_type3A_346, %cond3A_347 : i32
      scf.if %cond3A_348 {
        %add3A_554 = arith.constant 6 : i32
        %add3A_555 = arith.addi %add3A_309, %add3A_554 : i32
        %div3A_556 = arith.constant 32 : i32
        %div3A_557 = arith.divsi %add3A_555, %div3A_556 : i32
        %rem3A_558 = arith.constant 2 : i32
        %rem3A_559 = arith.remsi %div3A_557, %rem3A_558 : i32
        %rem3A_560 = arith.constant 32 : i32
        %rem3A_561 = arith.remsi %add3A_555, %rem3A_560 : i32
        %dma_start3A_562 = arith.constant 0 : i32
        %dma_start3A_563 = tpu.memref_slice %arg6[%rem3A_559, %rem3A_561, %dma_start3A_562] : memref<2x32x125xi32, #tpu.memory_space<vmem>> -> memref<1x1x125xi32, #tpu.memory_space<vmem>>
        %dma_start3A_564 = tpu.memref_squeeze %dma_start3A_563 : memref<1x1x125xi32, #tpu.memory_space<vmem>> -> memref<125xi32, #tpu.memory_space<vmem>>
        %dma_start3A_565 = arith.constant 0 : i32
        %dma_start3A_566 = arith.constant 0 : i32
        %dma_start3A_567 = tpu.memref_slice %arg2[%arg0, %dma_start3A_565, %dma_start3A_566] : memref<2x10000x64xf32, #tpu.memory_space<hbm>> -> memref<1x10000x64xf32, #tpu.memory_space<hbm>>
        %dma_start3A_568 = tpu.memref_squeeze %dma_start3A_567 : memref<1x10000x64xf32, #tpu.memory_space<hbm>> -> memref<10000x64xf32, #tpu.memory_space<hbm>>
        %dma_start3A_569 = arith.constant 0 : i32
        %dma_start3A_570 = arith.constant 0 : i32
        %dma_start3A_571 = tpu.memref_slice %dma_start3A_568[%dma_start3A_569, %dma_start3A_570] : memref<10000x64xf32, #tpu.memory_space<hbm>> -> memref<10000x64xf32, #tpu.memory_space<hbm>>
        tpu.enqueue_indirect_dma source(%dma_start3A_571 : memref<10000x64xf32, #tpu.memory_space<hbm>>) target(%arg9 : memref<125x64xf32, #tpu.memory_space<vmem>>) offsets(%dma_start3A_564 : memref<125xi32, #tpu.memory_space<vmem>>) semaphore(%arg17 : memref<!tpu.dma_semaphore, #tpu.memory_space<semaphore_mem>>)
      } else {
      }
      %add3A_349 = arith.constant 3 : i32
      %add3A_350 = arith.addi %add3A_196, %add3A_349 : i32
      %dma_wait3A_351 = arith.constant 0 : i32
      %dma_wait3A_352 = arith.constant 0 : i32
      %dma_wait3A_353 = arith.constant 0 : i32
      %dma_wait3A_354 = tpu.memref_slice %arg6[%dma_wait3A_351, %dma_wait3A_352, %dma_wait3A_353] : memref<2x32x125xi32, #tpu.memory_space<vmem>> -> memref<1x1x125xi32, #tpu.memory_space<vmem>>
      %dma_wait3A_355 = tpu.memref_squeeze %dma_wait3A_354 : memref<1x1x125xi32, #tpu.memory_space<vmem>> -> memref<125xi32, #tpu.memory_space<vmem>>
      %dma_wait3A_356 = arith.constant 0 : i32
      %dma_wait3A_357 = arith.constant 0 : i32
      %dma_wait3A_358 = tpu.memref_slice %arg2[%arg0, %dma_wait3A_356, %dma_wait3A_357] : memref<2x10000x64xf32, #tpu.memory_space<hbm>> -> memref<1x10000x64xf32, #tpu.memory_space<hbm>>
      %dma_wait3A_359 = tpu.memref_squeeze %dma_wait3A_358 : memref<1x10000x64xf32, #tpu.memory_space<hbm>> -> memref<10000x64xf32, #tpu.memory_space<hbm>>
      %dma_wait3A_360 = arith.constant 0 : i32
      %dma_wait3A_361 = arith.constant 0 : i32
      %dma_wait3A_362 = tpu.memref_slice %dma_wait3A_359[%dma_wait3A_360, %dma_wait3A_361] : memref<10000x64xf32, #tpu.memory_space<hbm>> -> memref<10000x64xf32, #tpu.memory_space<hbm>>
      tpu.wait_indirect_dma semaphore(%arg20 : memref<!tpu.dma_semaphore, #tpu.memory_space<semaphore_mem>>) src(%dma_wait3A_362 : memref<10000x64xf32, #tpu.memory_space<hbm>>) dst(%arg12 : memref<125x64xf32, #tpu.memory_space<vmem>>)
      %div3A_363 = arith.constant 32 : i32
      %div3A_364 = arith.divsi %add3A_350, %div3A_363 : i32
      %rem3A_365 = arith.constant 2 : i32
      %rem3A_366 = arith.remsi %div3A_364, %rem3A_365 : i32
      %rem3A_367 = arith.constant 32 : i32
      %rem3A_368 = arith.remsi %add3A_350, %rem3A_367 : i32
      %dma_start3A_369 = arith.constant 0 : i32
      %dma_start3A_370 = tpu.memref_slice %arg7[%rem3A_366, %rem3A_368, %dma_start3A_369] : memref<2x32x125xi32, #tpu.memory_space<vmem>> -> memref<1x1x125xi32, #tpu.memory_space<vmem>>
      %dma_start3A_371 = tpu.memref_squeeze %dma_start3A_370 : memref<1x1x125xi32, #tpu.memory_space<vmem>> -> memref<125xi32, #tpu.memory_space<vmem>>
      %dma_start3A_372 = arith.constant 0 : i32
      %dma_start3A_373 = arith.constant 0 : i32
      %dma_start3A_374 = tpu.memref_slice %arg8[%dma_start3A_372, %dma_start3A_373] : memref<10240x64xf32, #tpu.memory_space<vmem_shared>> -> memref<10240x64xf32, #tpu.memory_space<vmem_shared>>
      tpu.enqueue_indirect_dma source(%arg12 : memref<125x64xf32, #tpu.memory_space<vmem>>) target(%dma_start3A_374 : memref<10240x64xf32, #tpu.memory_space<vmem_shared>>) offsets(%dma_start3A_371 : memref<125xi32, #tpu.memory_space<vmem>>) semaphore(%arg28 : memref<!tpu.dma_semaphore, #tpu.memory_space<semaphore_mem>>) {add = true}
      %dma_wait3A_375 = arith.constant 0 : i32
      %dma_wait3A_376 = arith.constant 0 : i32
      %dma_wait3A_377 = arith.constant 0 : i32
      %dma_wait3A_378 = tpu.memref_slice %arg7[%dma_wait3A_375, %dma_wait3A_376, %dma_wait3A_377] : memref<2x32x125xi32, #tpu.memory_space<vmem>> -> memref<1x1x125xi32, #tpu.memory_space<vmem>>
      %dma_wait3A_379 = tpu.memref_squeeze %dma_wait3A_378 : memref<1x1x125xi32, #tpu.memory_space<vmem>> -> memref<125xi32, #tpu.memory_space<vmem>>
      %dma_wait3A_380 = arith.constant 0 : i32
      %dma_wait3A_381 = arith.constant 0 : i32
      %dma_wait3A_382 = tpu.memref_slice %arg8[%dma_wait3A_380, %dma_wait3A_381] : memref<10240x64xf32, #tpu.memory_space<vmem_shared>> -> memref<10240x64xf32, #tpu.memory_space<vmem_shared>>
      tpu.wait_indirect_dma semaphore(%arg26 : memref<!tpu.dma_semaphore, #tpu.memory_space<semaphore_mem>>) src(%arg10 : memref<125x64xf32, #tpu.memory_space<vmem>>) dst(%dma_wait3A_382 : memref<10240x64xf32, #tpu.memory_space<vmem_shared>>)
      %add3A_383 = arith.constant 6 : i32
      %add3A_384 = arith.addi %add3A_350, %add3A_383 : i32
      %lt3A_385 = arith.constant 160 : i32
      %lt3A_386 = arith.cmpi slt, %add3A_384, %lt3A_385 : i32
      %convert_element_type3A_387 = arith.extui %lt3A_386 : i1 to i32
      %cond3A_388 = arith.constant 0 : i32
      %cond3A_389 = arith.cmpi ne, %convert_element_type3A_387, %cond3A_388 : i32
      scf.if %cond3A_389 {
        %add3A_554 = arith.constant 6 : i32
        %add3A_555 = arith.addi %add3A_350, %add3A_554 : i32
        %div3A_556 = arith.constant 32 : i32
        %div3A_557 = arith.divsi %add3A_555, %div3A_556 : i32
        %rem3A_558 = arith.constant 2 : i32
        %rem3A_559 = arith.remsi %div3A_557, %rem3A_558 : i32
        %rem3A_560 = arith.constant 32 : i32
        %rem3A_561 = arith.remsi %add3A_555, %rem3A_560 : i32
        %dma_start3A_562 = arith.constant 0 : i32
        %dma_start3A_563 = tpu.memref_slice %arg6[%rem3A_559, %rem3A_561, %dma_start3A_562] : memref<2x32x125xi32, #tpu.memory_space<vmem>> -> memref<1x1x125xi32, #tpu.memory_space<vmem>>
        %dma_start3A_564 = tpu.memref_squeeze %dma_start3A_563 : memref<1x1x125xi32, #tpu.memory_space<vmem>> -> memref<125xi32, #tpu.memory_space<vmem>>
        %dma_start3A_565 = arith.constant 0 : i32
        %dma_start3A_566 = arith.constant 0 : i32
        %dma_start3A_567 = tpu.memref_slice %arg2[%arg0, %dma_start3A_565, %dma_start3A_566] : memref<2x10000x64xf32, #tpu.memory_space<hbm>> -> memref<1x10000x64xf32, #tpu.memory_space<hbm>>
        %dma_start3A_568 = tpu.memref_squeeze %dma_start3A_567 : memref<1x10000x64xf32, #tpu.memory_space<hbm>> -> memref<10000x64xf32, #tpu.memory_space<hbm>>
        %dma_start3A_569 = arith.constant 0 : i32
        %dma_start3A_570 = arith.constant 0 : i32
        %dma_start3A_571 = tpu.memref_slice %dma_start3A_568[%dma_start3A_569, %dma_start3A_570] : memref<10000x64xf32, #tpu.memory_space<hbm>> -> memref<10000x64xf32, #tpu.memory_space<hbm>>
        tpu.enqueue_indirect_dma source(%dma_start3A_571 : memref<10000x64xf32, #tpu.memory_space<hbm>>) target(%arg10 : memref<125x64xf32, #tpu.memory_space<vmem>>) offsets(%dma_start3A_564 : memref<125xi32, #tpu.memory_space<vmem>>) semaphore(%arg18 : memref<!tpu.dma_semaphore, #tpu.memory_space<semaphore_mem>>)
      } else {
      }
      %add3A_390 = arith.constant 4 : i32
      %add3A_391 = arith.addi %add3A_196, %add3A_390 : i32
      %dma_wait3A_392 = arith.constant 0 : i32
      %dma_wait3A_393 = arith.constant 0 : i32
      %dma_wait3A_394 = arith.constant 0 : i32
      %dma_wait3A_395 = tpu.memref_slice %arg6[%dma_wait3A_392, %dma_wait3A_393, %dma_wait3A_394] : memref<2x32x125xi32, #tpu.memory_space<vmem>> -> memref<1x1x125xi32, #tpu.memory_space<vmem>>
      %dma_wait3A_396 = tpu.memref_squeeze %dma_wait3A_395 : memref<1x1x125xi32, #tpu.memory_space<vmem>> -> memref<125xi32, #tpu.memory_space<vmem>>
      %dma_wait3A_397 = arith.constant 0 : i32
      %dma_wait3A_398 = arith.constant 0 : i32
      %dma_wait3A_399 = tpu.memref_slice %arg2[%arg0, %dma_wait3A_397, %dma_wait3A_398] : memref<2x10000x64xf32, #tpu.memory_space<hbm>> -> memref<1x10000x64xf32, #tpu.memory_space<hbm>>
      %dma_wait3A_400 = tpu.memref_squeeze %dma_wait3A_399 : memref<1x10000x64xf32, #tpu.memory_space<hbm>> -> memref<10000x64xf32, #tpu.memory_space<hbm>>
      %dma_wait3A_401 = arith.constant 0 : i32
      %dma_wait3A_402 = arith.constant 0 : i32
      %dma_wait3A_403 = tpu.memref_slice %dma_wait3A_400[%dma_wait3A_401, %dma_wait3A_402] : memref<10000x64xf32, #tpu.memory_space<hbm>> -> memref<10000x64xf32, #tpu.memory_space<hbm>>
      tpu.wait_indirect_dma semaphore(%arg21 : memref<!tpu.dma_semaphore, #tpu.memory_space<semaphore_mem>>) src(%dma_wait3A_403 : memref<10000x64xf32, #tpu.memory_space<hbm>>) dst(%arg13 : memref<125x64xf32, #tpu.memory_space<vmem>>)
      %div3A_404 = arith.constant 32 : i32
      %div3A_405 = arith.divsi %add3A_391, %div3A_404 : i32
      %rem3A_406 = arith.constant 2 : i32
      %rem3A_407 = arith.remsi %div3A_405, %rem3A_406 : i32
      %rem3A_408 = arith.constant 32 : i32
      %rem3A_409 = arith.remsi %add3A_391, %rem3A_408 : i32
      %dma_start3A_410 = arith.constant 0 : i32
      %dma_start3A_411 = tpu.memref_slice %arg7[%rem3A_407, %rem3A_409, %dma_start3A_410] : memref<2x32x125xi32, #tpu.memory_space<vmem>> -> memref<1x1x125xi32, #tpu.memory_space<vmem>>
      %dma_start3A_412 = tpu.memref_squeeze %dma_start3A_411 : memref<1x1x125xi32, #tpu.memory_space<vmem>> -> memref<125xi32, #tpu.memory_space<vmem>>
      %dma_start3A_413 = arith.constant 0 : i32
      %dma_start3A_414 = arith.constant 0 : i32
      %dma_start3A_415 = tpu.memref_slice %arg8[%dma_start3A_413, %dma_start3A_414] : memref<10240x64xf32, #tpu.memory_space<vmem_shared>> -> memref<10240x64xf32, #tpu.memory_space<vmem_shared>>
      tpu.enqueue_indirect_dma source(%arg13 : memref<125x64xf32, #tpu.memory_space<vmem>>) target(%dma_start3A_415 : memref<10240x64xf32, #tpu.memory_space<vmem_shared>>) offsets(%dma_start3A_412 : memref<125xi32, #tpu.memory_space<vmem>>) semaphore(%arg29 : memref<!tpu.dma_semaphore, #tpu.memory_space<semaphore_mem>>) {add = true}
      %dma_wait3A_416 = arith.constant 0 : i32
      %dma_wait3A_417 = arith.constant 0 : i32
      %dma_wait3A_418 = arith.constant 0 : i32
      %dma_wait3A_419 = tpu.memref_slice %arg7[%dma_wait3A_416, %dma_wait3A_417, %dma_wait3A_418] : memref<2x32x125xi32, #tpu.memory_space<vmem>> -> memref<1x1x125xi32, #tpu.memory_space<vmem>>
      %dma_wait3A_420 = tpu.memref_squeeze %dma_wait3A_419 : memref<1x1x125xi32, #tpu.memory_space<vmem>> -> memref<125xi32, #tpu.memory_space<vmem>>
      %dma_wait3A_421 = arith.constant 0 : i32
      %dma_wait3A_422 = arith.constant 0 : i32
      %dma_wait3A_423 = tpu.memref_slice %arg8[%dma_wait3A_421, %dma_wait3A_422] : memref<10240x64xf32, #tpu.memory_space<vmem_shared>> -> memref<10240x64xf32, #tpu.memory_space<vmem_shared>>
      tpu.wait_indirect_dma semaphore(%arg27 : memref<!tpu.dma_semaphore, #tpu.memory_space<semaphore_mem>>) src(%arg11 : memref<125x64xf32, #tpu.memory_space<vmem>>) dst(%dma_wait3A_423 : memref<10240x64xf32, #tpu.memory_space<vmem_shared>>)
      %add3A_424 = arith.constant 6 : i32
      %add3A_425 = arith.addi %add3A_391, %add3A_424 : i32
      %lt3A_426 = arith.constant 160 : i32
      %lt3A_427 = arith.cmpi slt, %add3A_425, %lt3A_426 : i32
      %convert_element_type3A_428 = arith.extui %lt3A_427 : i1 to i32
      %cond3A_429 = arith.constant 0 : i32
      %cond3A_430 = arith.cmpi ne, %convert_element_type3A_428, %cond3A_429 : i32
      scf.if %cond3A_430 {
        %add3A_554 = arith.constant 6 : i32
        %add3A_555 = arith.addi %add3A_391, %add3A_554 : i32
        %div3A_556 = arith.constant 32 : i32
        %div3A_557 = arith.divsi %add3A_555, %div3A_556 : i32
        %rem3A_558 = arith.constant 2 : i32
        %rem3A_559 = arith.remsi %div3A_557, %rem3A_558 : i32
        %rem3A_560 = arith.constant 32 : i32
        %rem3A_561 = arith.remsi %add3A_555, %rem3A_560 : i32
        %dma_start3A_562 = arith.constant 0 : i32
        %dma_start3A_563 = tpu.memref_slice %arg6[%rem3A_559, %rem3A_561, %dma_start3A_562] : memref<2x32x125xi32, #tpu.memory_space<vmem>> -> memref<1x1x125xi32, #tpu.memory_space<vmem>>
        %dma_start3A_564 = tpu.memref_squeeze %dma_start3A_563 : memref<1x1x125xi32, #tpu.memory_space<vmem>> -> memref<125xi32, #tpu.memory_space<vmem>>
        %dma_start3A_565 = arith.constant 0 : i32
        %dma_start3A_566 = arith.constant 0 : i32
        %dma_start3A_567 = tpu.memref_slice %arg2[%arg0, %dma_start3A_565, %dma_start3A_566] : memref<2x10000x64xf32, #tpu.memory_space<hbm>> -> memref<1x10000x64xf32, #tpu.memory_space<hbm>>
        %dma_start3A_568 = tpu.memref_squeeze %dma_start3A_567 : memref<1x10000x64xf32, #tpu.memory_space<hbm>> -> memref<10000x64xf32, #tpu.memory_space<hbm>>
        %dma_start3A_569 = arith.constant 0 : i32
        %dma_start3A_570 = arith.constant 0 : i32
        %dma_start3A_571 = tpu.memref_slice %dma_start3A_568[%dma_start3A_569, %dma_start3A_570] : memref<10000x64xf32, #tpu.memory_space<hbm>> -> memref<10000x64xf32, #tpu.memory_space<hbm>>
        tpu.enqueue_indirect_dma source(%dma_start3A_571 : memref<10000x64xf32, #tpu.memory_space<hbm>>) target(%arg11 : memref<125x64xf32, #tpu.memory_space<vmem>>) offsets(%dma_start3A_564 : memref<125xi32, #tpu.memory_space<vmem>>) semaphore(%arg19 : memref<!tpu.dma_semaphore, #tpu.memory_space<semaphore_mem>>)
      } else {
      }
      %add3A_431 = arith.constant 5 : i32
      %add3A_432 = arith.addi %add3A_196, %add3A_431 : i32
      %dma_wait3A_433 = arith.constant 0 : i32
      %dma_wait3A_434 = arith.constant 0 : i32
      %dma_wait3A_435 = arith.constant 0 : i32
      %dma_wait3A_436 = tpu.memref_slice %arg6[%dma_wait3A_433, %dma_wait3A_434, %dma_wait3A_435] : memref<2x32x125xi32, #tpu.memory_space<vmem>> -> memref<1x1x125xi32, #tpu.memory_space<vmem>>
      %dma_wait3A_437 = tpu.memref_squeeze %dma_wait3A_436 : memref<1x1x125xi32, #tpu.memory_space<vmem>> -> memref<125xi32, #tpu.memory_space<vmem>>
      %dma_wait3A_438 = arith.constant 0 : i32
      %dma_wait3A_439 = arith.constant 0 : i32
      %dma_wait3A_440 = tpu.memref_slice %arg2[%arg0, %dma_wait3A_438, %dma_wait3A_439] : memref<2x10000x64xf32, #tpu.memory_space<hbm>> -> memref<1x10000x64xf32, #tpu.memory_space<hbm>>
      %dma_wait3A_441 = tpu.memref_squeeze %dma_wait3A_440 : memref<1x10000x64xf32, #tpu.memory_space<hbm>> -> memref<10000x64xf32, #tpu.memory_space<hbm>>
      %dma_wait3A_442 = arith.constant 0 : i32
      %dma_wait3A_443 = arith.constant 0 : i32
      %dma_wait3A_444 = tpu.memref_slice %dma_wait3A_441[%dma_wait3A_442, %dma_wait3A_443] : memref<10000x64xf32, #tpu.memory_space<hbm>> -> memref<10000x64xf32, #tpu.memory_space<hbm>>
      tpu.wait_indirect_dma semaphore(%arg22 : memref<!tpu.dma_semaphore, #tpu.memory_space<semaphore_mem>>) src(%dma_wait3A_444 : memref<10000x64xf32, #tpu.memory_space<hbm>>) dst(%arg14 : memref<125x64xf32, #tpu.memory_space<vmem>>)
      %div3A_445 = arith.constant 32 : i32
      %div3A_446 = arith.divsi %add3A_432, %div3A_445 : i32
      %rem3A_447 = arith.constant 2 : i32
      %rem3A_448 = arith.remsi %div3A_446, %rem3A_447 : i32
      %rem3A_449 = arith.constant 32 : i32
      %rem3A_450 = arith.remsi %add3A_432, %rem3A_449 : i32
      %dma_start3A_451 = arith.constant 0 : i32
      %dma_start3A_452 = tpu.memref_slice %arg7[%rem3A_448, %rem3A_450, %dma_start3A_451] : memref<2x32x125xi32, #tpu.memory_space<vmem>> -> memref<1x1x125xi32, #tpu.memory_space<vmem>>
      %dma_start3A_453 = tpu.memref_squeeze %dma_start3A_452 : memref<1x1x125xi32, #tpu.memory_space<vmem>> -> memref<125xi32, #tpu.memory_space<vmem>>
      %dma_start3A_454 = arith.constant 0 : i32
      %dma_start3A_455 = arith.constant 0 : i32
      %dma_start3A_456 = tpu.memref_slice %arg8[%dma_start3A_454, %dma_start3A_455] : memref<10240x64xf32, #tpu.memory_space<vmem_shared>> -> memref<10240x64xf32, #tpu.memory_space<vmem_shared>>
      tpu.enqueue_indirect_dma source(%arg14 : memref<125x64xf32, #tpu.memory_space<vmem>>) target(%dma_start3A_456 : memref<10240x64xf32, #tpu.memory_space<vmem_shared>>) offsets(%dma_start3A_453 : memref<125xi32, #tpu.memory_space<vmem>>) semaphore(%arg30 : memref<!tpu.dma_semaphore, #tpu.memory_space<semaphore_mem>>) {add = true}
      %dma_wait3A_457 = arith.constant 0 : i32
      %dma_wait3A_458 = arith.constant 0 : i32
      %dma_wait3A_459 = arith.constant 0 : i32
      %dma_wait3A_460 = tpu.memref_slice %arg7[%dma_wait3A_457, %dma_wait3A_458, %dma_wait3A_459] : memref<2x32x125xi32, #tpu.memory_space<vmem>> -> memref<1x1x125xi32, #tpu.memory_space<vmem>>
      %dma_wait3A_461 = tpu.memref_squeeze %dma_wait3A_460 : memref<1x1x125xi32, #tpu.memory_space<vmem>> -> memref<125xi32, #tpu.memory_space<vmem>>
      %dma_wait3A_462 = arith.constant 0 : i32
      %dma_wait3A_463 = arith.constant 0 : i32
      %dma_wait3A_464 = tpu.memref_slice %arg8[%dma_wait3A_462, %dma_wait3A_463] : memref<10240x64xf32, #tpu.memory_space<vmem_shared>> -> memref<10240x64xf32, #tpu.memory_space<vmem_shared>>
      tpu.wait_indirect_dma semaphore(%arg28 : memref<!tpu.dma_semaphore, #tpu.memory_space<semaphore_mem>>) src(%arg12 : memref<125x64xf32, #tpu.memory_space<vmem>>) dst(%dma_wait3A_464 : memref<10240x64xf32, #tpu.memory_space<vmem_shared>>)
      %add3A_465 = arith.constant 6 : i32
      %add3A_466 = arith.addi %add3A_432, %add3A_465 : i32
      %lt3A_467 = arith.constant 160 : i32
      %lt3A_468 = arith.cmpi slt, %add3A_466, %lt3A_467 : i32
      %convert_element_type3A_469 = arith.extui %lt3A_468 : i1 to i32
      %cond3A_470 = arith.constant 0 : i32
      %cond3A_471 = arith.cmpi ne, %convert_element_type3A_469, %cond3A_470 : i32
      scf.if %cond3A_471 {
        %add3A_554 = arith.constant 6 : i32
        %add3A_555 = arith.addi %add3A_432, %add3A_554 : i32
        %div3A_556 = arith.constant 32 : i32
        %div3A_557 = arith.divsi %add3A_555, %div3A_556 : i32
        %rem3A_558 = arith.constant 2 : i32
        %rem3A_559 = arith.remsi %div3A_557, %rem3A_558 : i32
        %rem3A_560 = arith.constant 32 : i32
        %rem3A_561 = arith.remsi %add3A_555, %rem3A_560 : i32
        %dma_start3A_562 = arith.constant 0 : i32
        %dma_start3A_563 = tpu.memref_slice %arg6[%rem3A_559, %rem3A_561, %dma_start3A_562] : memref<2x32x125xi32, #tpu.memory_space<vmem>> -> memref<1x1x125xi32, #tpu.memory_space<vmem>>
        %dma_start3A_564 = tpu.memref_squeeze %dma_start3A_563 : memref<1x1x125xi32, #tpu.memory_space<vmem>> -> memref<125xi32, #tpu.memory_space<vmem>>
        %dma_start3A_565 = arith.constant 0 : i32
        %dma_start3A_566 = arith.constant 0 : i32
        %dma_start3A_567 = tpu.memref_slice %arg2[%arg0, %dma_start3A_565, %dma_start3A_566] : memref<2x10000x64xf32, #tpu.memory_space<hbm>> -> memref<1x10000x64xf32, #tpu.memory_space<hbm>>
        %dma_start3A_568 = tpu.memref_squeeze %dma_start3A_567 : memref<1x10000x64xf32, #tpu.memory_space<hbm>> -> memref<10000x64xf32, #tpu.memory_space<hbm>>
        %dma_start3A_569 = arith.constant 0 : i32
        %dma_start3A_570 = arith.constant 0 : i32
        %dma_start3A_571 = tpu.memref_slice %dma_start3A_568[%dma_start3A_569, %dma_start3A_570] : memref<10000x64xf32, #tpu.memory_space<hbm>> -> memref<10000x64xf32, #tpu.memory_space<hbm>>
        tpu.enqueue_indirect_dma source(%dma_start3A_571 : memref<10000x64xf32, #tpu.memory_space<hbm>>) target(%arg12 : memref<125x64xf32, #tpu.memory_space<vmem>>) offsets(%dma_start3A_564 : memref<125xi32, #tpu.memory_space<vmem>>) semaphore(%arg20 : memref<!tpu.dma_semaphore, #tpu.memory_space<semaphore_mem>>)
      } else {
      }
      %add3A_472 = arith.constant 6 : i32
      %add3A_473 = arith.addi %add3A_196, %add3A_472 : i32
      %dma_wait3A_474 = arith.constant 0 : i32
      %dma_wait3A_475 = arith.constant 0 : i32
      %dma_wait3A_476 = arith.constant 0 : i32
      %dma_wait3A_477 = tpu.memref_slice %arg6[%dma_wait3A_474, %dma_wait3A_475, %dma_wait3A_476] : memref<2x32x125xi32, #tpu.memory_space<vmem>> -> memref<1x1x125xi32, #tpu.memory_space<vmem>>
      %dma_wait3A_478 = tpu.memref_squeeze %dma_wait3A_477 : memref<1x1x125xi32, #tpu.memory_space<vmem>> -> memref<125xi32, #tpu.memory_space<vmem>>
      %dma_wait3A_479 = arith.constant 0 : i32
      %dma_wait3A_480 = arith.constant 0 : i32
      %dma_wait3A_481 = tpu.memref_slice %arg2[%arg0, %dma_wait3A_479, %dma_wait3A_480] : memref<2x10000x64xf32, #tpu.memory_space<hbm>> -> memref<1x10000x64xf32, #tpu.memory_space<hbm>>
      %dma_wait3A_482 = tpu.memref_squeeze %dma_wait3A_481 : memref<1x10000x64xf32, #tpu.memory_space<hbm>> -> memref<10000x64xf32, #tpu.memory_space<hbm>>
      %dma_wait3A_483 = arith.constant 0 : i32
      %dma_wait3A_484 = arith.constant 0 : i32
      %dma_wait3A_485 = tpu.memref_slice %dma_wait3A_482[%dma_wait3A_483, %dma_wait3A_484] : memref<10000x64xf32, #tpu.memory_space<hbm>> -> memref<10000x64xf32, #tpu.memory_space<hbm>>
      tpu.wait_indirect_dma semaphore(%arg23 : memref<!tpu.dma_semaphore, #tpu.memory_space<semaphore_mem>>) src(%dma_wait3A_485 : memref<10000x64xf32, #tpu.memory_space<hbm>>) dst(%arg15 : memref<125x64xf32, #tpu.memory_space<vmem>>)
      %div3A_486 = arith.constant 32 : i32
      %div3A_487 = arith.divsi %add3A_473, %div3A_486 : i32
      %rem3A_488 = arith.constant 2 : i32
      %rem3A_489 = arith.remsi %div3A_487, %rem3A_488 : i32
      %rem3A_490 = arith.constant 32 : i32
      %rem3A_491 = arith.remsi %add3A_473, %rem3A_490 : i32
      %dma_start3A_492 = arith.constant 0 : i32
      %dma_start3A_493 = tpu.memref_slice %arg7[%rem3A_489, %rem3A_491, %dma_start3A_492] : memref<2x32x125xi32, #tpu.memory_space<vmem>> -> memref<1x1x125xi32, #tpu.memory_space<vmem>>
      %dma_start3A_494 = tpu.memref_squeeze %dma_start3A_493 : memref<1x1x125xi32, #tpu.memory_space<vmem>> -> memref<125xi32, #tpu.memory_space<vmem>>
      %dma_start3A_495 = arith.constant 0 : i32
      %dma_start3A_496 = arith.constant 0 : i32
      %dma_start3A_497 = tpu.memref_slice %arg8[%dma_start3A_495, %dma_start3A_496] : memref<10240x64xf32, #tpu.memory_space<vmem_shared>> -> memref<10240x64xf32, #tpu.memory_space<vmem_shared>>
      tpu.enqueue_indirect_dma source(%arg15 : memref<125x64xf32, #tpu.memory_space<vmem>>) target(%dma_start3A_497 : memref<10240x64xf32, #tpu.memory_space<vmem_shared>>) offsets(%dma_start3A_494 : memref<125xi32, #tpu.memory_space<vmem>>) semaphore(%arg31 : memref<!tpu.dma_semaphore, #tpu.memory_space<semaphore_mem>>) {add = true}
      %dma_wait3A_498 = arith.constant 0 : i32
      %dma_wait3A_499 = arith.constant 0 : i32
      %dma_wait3A_500 = arith.constant 0 : i32
      %dma_wait3A_501 = tpu.memref_slice %arg7[%dma_wait3A_498, %dma_wait3A_499, %dma_wait3A_500] : memref<2x32x125xi32, #tpu.memory_space<vmem>> -> memref<1x1x125xi32, #tpu.memory_space<vmem>>
      %dma_wait3A_502 = tpu.memref_squeeze %dma_wait3A_501 : memref<1x1x125xi32, #tpu.memory_space<vmem>> -> memref<125xi32, #tpu.memory_space<vmem>>
      %dma_wait3A_503 = arith.constant 0 : i32
      %dma_wait3A_504 = arith.constant 0 : i32
      %dma_wait3A_505 = tpu.memref_slice %arg8[%dma_wait3A_503, %dma_wait3A_504] : memref<10240x64xf32, #tpu.memory_space<vmem_shared>> -> memref<10240x64xf32, #tpu.memory_space<vmem_shared>>
      tpu.wait_indirect_dma semaphore(%arg29 : memref<!tpu.dma_semaphore, #tpu.memory_space<semaphore_mem>>) src(%arg13 : memref<125x64xf32, #tpu.memory_space<vmem>>) dst(%dma_wait3A_505 : memref<10240x64xf32, #tpu.memory_space<vmem_shared>>)
      %add3A_506 = arith.constant 6 : i32
      %add3A_507 = arith.addi %add3A_473, %add3A_506 : i32
      %lt3A_508 = arith.constant 160 : i32
      %lt3A_509 = arith.cmpi slt, %add3A_507, %lt3A_508 : i32
      %convert_element_type3A_510 = arith.extui %lt3A_509 : i1 to i32
      %cond3A_511 = arith.constant 0 : i32
      %cond3A_512 = arith.cmpi ne, %convert_element_type3A_510, %cond3A_511 : i32
      scf.if %cond3A_512 {
        %add3A_554 = arith.constant 6 : i32
        %add3A_555 = arith.addi %add3A_473, %add3A_554 : i32
        %div3A_556 = arith.constant 32 : i32
        %div3A_557 = arith.divsi %add3A_555, %div3A_556 : i32
        %rem3A_558 = arith.constant 2 : i32
        %rem3A_559 = arith.remsi %div3A_557, %rem3A_558 : i32
        %rem3A_560 = arith.constant 32 : i32
        %rem3A_561 = arith.remsi %add3A_555, %rem3A_560 : i32
        %dma_start3A_562 = arith.constant 0 : i32
        %dma_start3A_563 = tpu.memref_slice %arg6[%rem3A_559, %rem3A_561, %dma_start3A_562] : memref<2x32x125xi32, #tpu.memory_space<vmem>> -> memref<1x1x125xi32, #tpu.memory_space<vmem>>
        %dma_start3A_564 = tpu.memref_squeeze %dma_start3A_563 : memref<1x1x125xi32, #tpu.memory_space<vmem>> -> memref<125xi32, #tpu.memory_space<vmem>>
        %dma_start3A_565 = arith.constant 0 : i32
        %dma_start3A_566 = arith.constant 0 : i32
        %dma_start3A_567 = tpu.memref_slice %arg2[%arg0, %dma_start3A_565, %dma_start3A_566] : memref<2x10000x64xf32, #tpu.memory_space<hbm>> -> memref<1x10000x64xf32, #tpu.memory_space<hbm>>
        %dma_start3A_568 = tpu.memref_squeeze %dma_start3A_567 : memref<1x10000x64xf32, #tpu.memory_space<hbm>> -> memref<10000x64xf32, #tpu.memory_space<hbm>>
        %dma_start3A_569 = arith.constant 0 : i32
        %dma_start3A_570 = arith.constant 0 : i32
        %dma_start3A_571 = tpu.memref_slice %dma_start3A_568[%dma_start3A_569, %dma_start3A_570] : memref<10000x64xf32, #tpu.memory_space<hbm>> -> memref<10000x64xf32, #tpu.memory_space<hbm>>
        tpu.enqueue_indirect_dma source(%dma_start3A_571 : memref<10000x64xf32, #tpu.memory_space<hbm>>) target(%arg13 : memref<125x64xf32, #tpu.memory_space<vmem>>) offsets(%dma_start3A_564 : memref<125xi32, #tpu.memory_space<vmem>>) semaphore(%arg21 : memref<!tpu.dma_semaphore, #tpu.memory_space<semaphore_mem>>)
      } else {
      }
      %add3A_513 = arith.constant 7 : i32
      %add3A_514 = arith.addi %add3A_196, %add3A_513 : i32
      %dma_wait3A_515 = arith.constant 0 : i32
      %dma_wait3A_516 = arith.constant 0 : i32
      %dma_wait3A_517 = arith.constant 0 : i32
      %dma_wait3A_518 = tpu.memref_slice %arg6[%dma_wait3A_515, %dma_wait3A_516, %dma_wait3A_517] : memref<2x32x125xi32, #tpu.memory_space<vmem>> -> memref<1x1x125xi32, #tpu.memory_space<vmem>>
      %dma_wait3A_519 = tpu.memref_squeeze %dma_wait3A_518 : memref<1x1x125xi32, #tpu.memory_space<vmem>> -> memref<125xi32, #tpu.memory_space<vmem>>
      %dma_wait3A_520 = arith.constant 0 : i32
      %dma_wait3A_521 = arith.constant 0 : i32
      %dma_wait3A_522 = tpu.memref_slice %arg2[%arg0, %dma_wait3A_520, %dma_wait3A_521] : memref<2x10000x64xf32, #tpu.memory_space<hbm>> -> memref<1x10000x64xf32, #tpu.memory_space<hbm>>
      %dma_wait3A_523 = tpu.memref_squeeze %dma_wait3A_522 : memref<1x10000x64xf32, #tpu.memory_space<hbm>> -> memref<10000x64xf32, #tpu.memory_space<hbm>>
      %dma_wait3A_524 = arith.constant 0 : i32
      %dma_wait3A_525 = arith.constant 0 : i32
      %dma_wait3A_526 = tpu.memref_slice %dma_wait3A_523[%dma_wait3A_524, %dma_wait3A_525] : memref<10000x64xf32, #tpu.memory_space<hbm>> -> memref<10000x64xf32, #tpu.memory_space<hbm>>
      tpu.wait_indirect_dma semaphore(%arg24 : memref<!tpu.dma_semaphore, #tpu.memory_space<semaphore_mem>>) src(%dma_wait3A_526 : memref<10000x64xf32, #tpu.memory_space<hbm>>) dst(%arg16 : memref<125x64xf32, #tpu.memory_space<vmem>>)
      %div3A_527 = arith.constant 32 : i32
      %div3A_528 = arith.divsi %add3A_514, %div3A_527 : i32
      %rem3A_529 = arith.constant 2 : i32
      %rem3A_530 = arith.remsi %div3A_528, %rem3A_529 : i32
      %rem3A_531 = arith.constant 32 : i32
      %rem3A_532 = arith.remsi %add3A_514, %rem3A_531 : i32
      %dma_start3A_533 = arith.constant 0 : i32
      %dma_start3A_534 = tpu.memref_slice %arg7[%rem3A_530, %rem3A_532, %dma_start3A_533] : memref<2x32x125xi32, #tpu.memory_space<vmem>> -> memref<1x1x125xi32, #tpu.memory_space<vmem>>
      %dma_start3A_535 = tpu.memref_squeeze %dma_start3A_534 : memref<1x1x125xi32, #tpu.memory_space<vmem>> -> memref<125xi32, #tpu.memory_space<vmem>>
      %dma_start3A_536 = arith.constant 0 : i32
      %dma_start3A_537 = arith.constant 0 : i32
      %dma_start3A_538 = tpu.memref_slice %arg8[%dma_start3A_536, %dma_start3A_537] : memref<10240x64xf32, #tpu.memory_space<vmem_shared>> -> memref<10240x64xf32, #tpu.memory_space<vmem_shared>>
      tpu.enqueue_indirect_dma source(%arg16 : memref<125x64xf32, #tpu.memory_space<vmem>>) target(%dma_start3A_538 : memref<10240x64xf32, #tpu.memory_space<vmem_shared>>) offsets(%dma_start3A_535 : memref<125xi32, #tpu.memory_space<vmem>>) semaphore(%arg32 : memref<!tpu.dma_semaphore, #tpu.memory_space<semaphore_mem>>) {add = true}
      %dma_wait3A_539 = arith.constant 0 : i32
      %dma_wait3A_540 = arith.constant 0 : i32
      %dma_wait3A_541 = arith.constant 0 : i32
      %dma_wait3A_542 = tpu.memref_slice %arg7[%dma_wait3A_539, %dma_wait3A_540, %dma_wait3A_541] : memref<2x32x125xi32, #tpu.memory_space<vmem>> -> memref<1x1x125xi32, #tpu.memory_space<vmem>>
      %dma_wait3A_543 = tpu.memref_squeeze %dma_wait3A_542 : memref<1x1x125xi32, #tpu.memory_space<vmem>> -> memref<125xi32, #tpu.memory_space<vmem>>
      %dma_wait3A_544 = arith.constant 0 : i32
      %dma_wait3A_545 = arith.constant 0 : i32
      %dma_wait3A_546 = tpu.memref_slice %arg8[%dma_wait3A_544, %dma_wait3A_545] : memref<10240x64xf32, #tpu.memory_space<vmem_shared>> -> memref<10240x64xf32, #tpu.memory_space<vmem_shared>>
      tpu.wait_indirect_dma semaphore(%arg30 : memref<!tpu.dma_semaphore, #tpu.memory_space<semaphore_mem>>) src(%arg14 : memref<125x64xf32, #tpu.memory_space<vmem>>) dst(%dma_wait3A_546 : memref<10240x64xf32, #tpu.memory_space<vmem_shared>>)
      %add3A_547 = arith.constant 6 : i32
      %add3A_548 = arith.addi %add3A_514, %add3A_547 : i32
      %lt3A_549 = arith.constant 160 : i32
      %lt3A_550 = arith.cmpi slt, %add3A_548, %lt3A_549 : i32
      %convert_element_type3A_551 = arith.extui %lt3A_550 : i1 to i32
      %cond3A_552 = arith.constant 0 : i32
      %cond3A_553 = arith.cmpi ne, %convert_element_type3A_551, %cond3A_552 : i32
      scf.if %cond3A_553 {
        %add3A_554 = arith.constant 6 : i32
        %add3A_555 = arith.addi %add3A_514, %add3A_554 : i32
        %div3A_556 = arith.constant 32 : i32
        %div3A_557 = arith.divsi %add3A_555, %div3A_556 : i32
        %rem3A_558 = arith.constant 2 : i32
        %rem3A_559 = arith.remsi %div3A_557, %rem3A_558 : i32
        %rem3A_560 = arith.constant 32 : i32
        %rem3A_561 = arith.remsi %add3A_555, %rem3A_560 : i32
        %dma_start3A_562 = arith.constant 0 : i32
        %dma_start3A_563 = tpu.memref_slice %arg6[%rem3A_559, %rem3A_561, %dma_start3A_562] : memref<2x32x125xi32, #tpu.memory_space<vmem>> -> memref<1x1x125xi32, #tpu.memory_space<vmem>>
        %dma_start3A_564 = tpu.memref_squeeze %dma_start3A_563 : memref<1x1x125xi32, #tpu.memory_space<vmem>> -> memref<125xi32, #tpu.memory_space<vmem>>
        %dma_start3A_565 = arith.constant 0 : i32
        %dma_start3A_566 = arith.constant 0 : i32
        %dma_start3A_567 = tpu.memref_slice %arg2[%arg0, %dma_start3A_565, %dma_start3A_566] : memref<2x10000x64xf32, #tpu.memory_space<hbm>> -> memref<1x10000x64xf32, #tpu.memory_space<hbm>>
        %dma_start3A_568 = tpu.memref_squeeze %dma_start3A_567 : memref<1x10000x64xf32, #tpu.memory_space<hbm>> -> memref<10000x64xf32, #tpu.memory_space<hbm>>
        %dma_start3A_569 = arith.constant 0 : i32
        %dma_start3A_570 = arith.constant 0 : i32
        %dma_start3A_571 = tpu.memref_slice %dma_start3A_568[%dma_start3A_569, %dma_start3A_570] : memref<10000x64xf32, #tpu.memory_space<hbm>> -> memref<10000x64xf32, #tpu.memory_space<hbm>>
        tpu.enqueue_indirect_dma source(%dma_start3A_571 : memref<10000x64xf32, #tpu.memory_space<hbm>>) target(%arg14 : memref<125x64xf32, #tpu.memory_space<vmem>>) offsets(%dma_start3A_564 : memref<125xi32, #tpu.memory_space<vmem>>) semaphore(%arg22 : memref<!tpu.dma_semaphore, #tpu.memory_space<semaphore_mem>>)
      } else {
      }
    }
    %scan3A_170 = arith.constant 20 : i32
    %dma_wait3A_171 = arith.constant 0 : i32
    %dma_wait3A_172 = arith.constant 0 : i32
    %dma_wait3A_173 = arith.constant 0 : i32
    %dma_wait3A_174 = tpu.memref_slice %arg7[%dma_wait3A_171, %dma_wait3A_172, %dma_wait3A_173] : memref<2x32x125xi32, #tpu.memory_space<vmem>> -> memref<1x1x125xi32, #tpu.memory_space<vmem>>
    %dma_wait3A_175 = tpu.memref_squeeze %dma_wait3A_174 : memref<1x1x125xi32, #tpu.memory_space<vmem>> -> memref<125xi32, #tpu.memory_space<vmem>>
    %dma_wait3A_176 = arith.constant 0 : i32
    %dma_wait3A_177 = arith.constant 0 : i32
    %dma_wait3A_178 = tpu.memref_slice %arg8[%dma_wait3A_176, %dma_wait3A_177] : memref<10240x64xf32, #tpu.memory_space<vmem_shared>> -> memref<10240x64xf32, #tpu.memory_space<vmem_shared>>
    tpu.wait_indirect_dma semaphore(%arg31 : memref<!tpu.dma_semaphore, #tpu.memory_space<semaphore_mem>>) src(%arg15 : memref<125x64xf32, #tpu.memory_space<vmem>>) dst(%dma_wait3A_178 : memref<10240x64xf32, #tpu.memory_space<vmem_shared>>)
    %dma_wait3A_179 = arith.constant 0 : i32
    %dma_wait3A_180 = arith.constant 0 : i32
    %dma_wait3A_181 = arith.constant 0 : i32
    %dma_wait3A_182 = tpu.memref_slice %arg7[%dma_wait3A_179, %dma_wait3A_180, %dma_wait3A_181] : memref<2x32x125xi32, #tpu.memory_space<vmem>> -> memref<1x1x125xi32, #tpu.memory_space<vmem>>
    %dma_wait3A_183 = tpu.memref_squeeze %dma_wait3A_182 : memref<1x1x125xi32, #tpu.memory_space<vmem>> -> memref<125xi32, #tpu.memory_space<vmem>>
    %dma_wait3A_184 = arith.constant 0 : i32
    %dma_wait3A_185 = arith.constant 0 : i32
    %dma_wait3A_186 = tpu.memref_slice %arg8[%dma_wait3A_184, %dma_wait3A_185] : memref<10240x64xf32, #tpu.memory_space<vmem_shared>> -> memref<10240x64xf32, #tpu.memory_space<vmem_shared>>
    tpu.wait_indirect_dma semaphore(%arg32 : memref<!tpu.dma_semaphore, #tpu.memory_space<semaphore_mem>>) src(%arg16 : memref<125x64xf32, #tpu.memory_space<vmem>>) dst(%dma_wait3A_186 : memref<10240x64xf32, #tpu.memory_space<vmem_shared>>)
    %barrier3A_187 = arith.constant 0 : index
    tpu.barrier barrier_id(%barrier3A_187)
    %mul3A_188 = arith.constant 640 : i32
    %mul3A_189 = arith.muli %arg1, %mul3A_188 : i32
    %mul3A_190 = arith.constant 640 : i32
    %mul3A_191 = arith.muli %arg1, %mul3A_190 : i32
    "tpu.region"() ({
      %run_scoped3A = tpu.sem_alloc : memref<!tpu.dma_semaphore, #tpu.memory_space<semaphore_mem>>
      %dma_start3A_192 = arith.constant 0 : i32
      %dma_start3A_193 = arith.constant 0 : i32
      %dma_start3A_194 = tpu.memref_slice %arg5[%arg0, %dma_start3A_192, %dma_start3A_193] : memref<2x10240x64xf32, #tpu.memory_space<hbm>> -> memref<1x10240x64xf32, #tpu.memory_space<hbm>>
      %dma_start3A_195 = tpu.memref_squeeze %dma_start3A_194 : memref<1x10240x64xf32, #tpu.memory_space<hbm>> -> memref<10240x64xf32, #tpu.memory_space<hbm>>
      %dma_start3A_196 = arith.constant 0 : i32
      %dma_start3A_197 = tpu.memref_slice %dma_start3A_195[%mul3A_191, %dma_start3A_196] : memref<10240x64xf32, #tpu.memory_space<hbm>> -> memref<640x64xf32, #tpu.memory_space<hbm>>
      %dma_start3A_198 = arith.constant 0 : i32
      %dma_start3A_199 = tpu.memref_slice %arg8[%mul3A_189, %dma_start3A_198] : memref<10240x64xf32, #tpu.memory_space<vmem_shared>> -> memref<640x64xf32, #tpu.memory_space<vmem_shared>>
      tpu.enqueue_dma source(%dma_start3A_199 : memref<640x64xf32, #tpu.memory_space<vmem_shared>>) target(%dma_start3A_197 : memref<640x64xf32, #tpu.memory_space<hbm>>) target_semaphore(%run_scoped3A : memref<!tpu.dma_semaphore, #tpu.memory_space<semaphore_mem>>)
      %dma_wait3A_200 = arith.constant 0 : i32
      %dma_wait3A_201 = arith.constant 0 : i32
      %dma_wait3A_202 = tpu.memref_slice %arg5[%arg0, %dma_wait3A_200, %dma_wait3A_201] : memref<2x10240x64xf32, #tpu.memory_space<hbm>> -> memref<1x10240x64xf32, #tpu.memory_space<hbm>>
      %dma_wait3A_203 = tpu.memref_squeeze %dma_wait3A_202 : memref<1x10240x64xf32, #tpu.memory_space<hbm>> -> memref<10240x64xf32, #tpu.memory_space<hbm>>
      %dma_wait3A_204 = arith.constant 0 : i32
      %dma_wait3A_205 = tpu.memref_slice %dma_wait3A_203[%mul3A_191, %dma_wait3A_204] : memref<10240x64xf32, #tpu.memory_space<hbm>> -> memref<640x64xf32, #tpu.memory_space<hbm>>
      %dma_wait3A_206 = arith.constant 0 : i32
      %dma_wait3A_207 = tpu.memref_slice %arg8[%mul3A_189, %dma_wait3A_206] : memref<10240x64xf32, #tpu.memory_space<vmem_shared>> -> memref<640x64xf32, #tpu.memory_space<vmem_shared>>
      tpu.wait_dma2 semaphore(%run_scoped3A : memref<!tpu.dma_semaphore, #tpu.memory_space<semaphore_mem>>) src(%dma_wait3A_207 : memref<640x64xf32, #tpu.memory_space<vmem_shared>>) dst(%dma_wait3A_205 : memref<640x64xf32, #tpu.memory_space<hbm>>)
      tpu.yield
    }) : () -> ()
    return
  }
}

#map = affine_map<(d0, d1) -> (0, 0, 0)>
#map1 = affine_map<(d0, d1) -> (0, 0)>
module attributes {stable_mosaic.version = 14 : i64} {
  func.func @agg_kernel(%arg0: i32, %arg1: i32, %arg2: memref<2x10000x32xf32, #tpu.memory_space<hbm>>, %arg3: memref<2560x125xi32, #tpu.memory_space<hbm>>, %arg4: memref<2560x125xi32, #tpu.memory_space<hbm>>, %arg5: memref<2x10240x32xf32, #tpu.memory_space<hbm>>, %arg6: memref<2x32x125xi32, #tpu.memory_space<vmem>>, %arg7: memref<2x32x125xi32, #tpu.memory_space<vmem>>, %arg8: memref<10240x32xf32, #tpu.memory_space<vmem_shared>>, %arg9: memref<125x32xf32, #tpu.memory_space<vmem>>, %arg10: memref<125x32xf32, #tpu.memory_space<vmem>>, %arg11: memref<125x32xf32, #tpu.memory_space<vmem>>, %arg12: memref<125x32xf32, #tpu.memory_space<vmem>>, %arg13: memref<125x32xf32, #tpu.memory_space<vmem>>, %arg14: memref<125x32xf32, #tpu.memory_space<vmem>>, %arg15: memref<125x32xf32, #tpu.memory_space<vmem>>, %arg16: memref<125x32xf32, #tpu.memory_space<vmem>>, %arg17: memref<!tpu.dma_semaphore, #tpu.memory_space<semaphore_mem>>, %arg18: memref<!tpu.dma_semaphore, #tpu.memory_space<semaphore_mem>>, %arg19: memref<!tpu.dma_semaphore, #tpu.memory_space<semaphore_mem>>, %arg20: memref<!tpu.dma_semaphore, #tpu.memory_space<semaphore_mem>>, %arg21: memref<!tpu.dma_semaphore, #tpu.memory_space<semaphore_mem>>, %arg22: memref<!tpu.dma_semaphore, #tpu.memory_space<semaphore_mem>>, %arg23: memref<!tpu.dma_semaphore, #tpu.memory_space<semaphore_mem>>, %arg24: memref<!tpu.dma_semaphore, #tpu.memory_space<semaphore_mem>>, %arg25: memref<!tpu.dma_semaphore, #tpu.memory_space<semaphore_mem>>, %arg26: memref<!tpu.dma_semaphore, #tpu.memory_space<semaphore_mem>>, %arg27: memref<!tpu.dma_semaphore, #tpu.memory_space<semaphore_mem>>, %arg28: memref<!tpu.dma_semaphore, #tpu.memory_space<semaphore_mem>>, %arg29: memref<!tpu.dma_semaphore, #tpu.memory_space<semaphore_mem>>, %arg30: memref<!tpu.dma_semaphore, #tpu.memory_space<semaphore_mem>>, %arg31: memref<!tpu.dma_semaphore, #tpu.memory_space<semaphore_mem>>, %arg32: memref<!tpu.dma_semaphore, #tpu.memory_space<semaphore_mem>>, %arg33: memref<!tpu.dma_semaphore, #tpu.memory_space<semaphore_mem>>, %arg34: memref<!tpu.dma_semaphore, #tpu.memory_space<semaphore_mem>>) attributes {dimension_semantics = [#tpu.dimension_semantics<core_parallel>, #tpu.dimension_semantics<subcore_parallel>], iteration_bounds = array<i64: 2, 16>, scalar_prefetch = 0 : i64, scratch_operands = 29 : i64, tpu.core_type = #tpu.core_type<sc_vector_subcore>, window_params = [{transform_indices = #map}, {transform_indices = #map1}, {transform_indices = #map1}, {transform_indices = #map}]} {
    %mul3A = arith.constant 160 : i32
    %mul3A_0 = arith.muli %arg1, %mul3A : i32
    %add3A = arith.constant 0 : i32
    %add3A_1 = arith.addi %mul3A_0, %add3A : i32
    %dma_start3A = arith.constant 0 : i32
    %dma_start3A_2 = arith.constant 0 : i32
    %dma_start3A_3 = arith.constant 0 : i32
    %dma_start3A_4 = tpu.memref_slice %arg6[%dma_start3A, %dma_start3A_2, %dma_start3A_3] : memref<2x32x125xi32, #tpu.memory_space<vmem>> -> memref<1x32x125xi32, #tpu.memory_space<vmem>>
    %dma_start3A_5 = tpu.memref_squeeze %dma_start3A_4 : memref<1x32x125xi32, #tpu.memory_space<vmem>> -> memref<32x125xi32, #tpu.memory_space<vmem>>
    %dma_start3A_6 = arith.constant 0 : i32
    %dma_start3A_7 = tpu.memref_slice %arg3[%add3A_1, %dma_start3A_6] : memref<2560x125xi32, #tpu.memory_space<hbm>> -> memref<32x125xi32, #tpu.memory_space<hbm>>
    %dma_start3A_8 = arith.constant 0 : i32
    %dma_start3A_9 = arith.constant 0 : i32
    %dma_start3A_10 = tpu.memref_slice %arg6[%dma_start3A, %dma_start3A_8, %dma_start3A_9] : memref<2x32x125xi32, #tpu.memory_space<vmem>> -> memref<1x32x125xi32, #tpu.memory_space<vmem>>
    %dma_start3A_11 = tpu.memref_squeeze %dma_start3A_10 : memref<1x32x125xi32, #tpu.memory_space<vmem>> -> memref<32x125xi32, #tpu.memory_space<vmem>>
    %dma_start3A_12 = arith.constant 0 : i32
    %dma_start3A_13 = tpu.memref_slice %arg3[%add3A_1, %dma_start3A_12] : memref<2560x125xi32, #tpu.memory_space<hbm>> -> memref<32x125xi32, #tpu.memory_space<hbm>>
    tpu.enqueue_dma source(%dma_start3A_13 : memref<32x125xi32, #tpu.memory_space<hbm>>) target(%dma_start3A_11 : memref<32x125xi32, #tpu.memory_space<vmem>>) target_semaphore(%arg33 : memref<!tpu.dma_semaphore, #tpu.memory_space<semaphore_mem>>)
    %dma_wait3A = arith.constant 0 : i32
    %dma_wait3A_14 = arith.constant 0 : i32
    %dma_wait3A_15 = arith.constant 0 : i32
    %dma_wait3A_16 = tpu.memref_slice %arg6[%dma_wait3A, %dma_wait3A_14, %dma_wait3A_15] : memref<2x32x125xi32, #tpu.memory_space<vmem>> -> memref<1x32x125xi32, #tpu.memory_space<vmem>>
    %dma_wait3A_17 = tpu.memref_squeeze %dma_wait3A_16 : memref<1x32x125xi32, #tpu.memory_space<vmem>> -> memref<32x125xi32, #tpu.memory_space<vmem>>
    %dma_wait3A_18 = arith.constant 0 : i32
    %dma_wait3A_19 = tpu.memref_slice %arg3[%add3A_1, %dma_wait3A_18] : memref<2560x125xi32, #tpu.memory_space<hbm>> -> memref<32x125xi32, #tpu.memory_space<hbm>>
    %dma_wait3A_20 = arith.constant 0 : i32
    %dma_wait3A_21 = arith.constant 0 : i32
    %dma_wait3A_22 = tpu.memref_slice %arg6[%dma_wait3A, %dma_wait3A_20, %dma_wait3A_21] : memref<2x32x125xi32, #tpu.memory_space<vmem>> -> memref<1x32x125xi32, #tpu.memory_space<vmem>>
    %dma_wait3A_23 = tpu.memref_squeeze %dma_wait3A_22 : memref<1x32x125xi32, #tpu.memory_space<vmem>> -> memref<32x125xi32, #tpu.memory_space<vmem>>
    %dma_wait3A_24 = arith.constant 0 : i32
    %dma_wait3A_25 = tpu.memref_slice %arg3[%add3A_1, %dma_wait3A_24] : memref<2560x125xi32, #tpu.memory_space<hbm>> -> memref<32x125xi32, #tpu.memory_space<hbm>>
    tpu.wait_dma2 semaphore(%arg33 : memref<!tpu.dma_semaphore, #tpu.memory_space<semaphore_mem>>) src(%dma_wait3A_25 : memref<32x125xi32, #tpu.memory_space<hbm>>) dst(%dma_wait3A_23 : memref<32x125xi32, #tpu.memory_space<vmem>>)
    %add3A_26 = arith.constant 0 : i32
    %add3A_27 = arith.addi %mul3A_0, %add3A_26 : i32
    %dma_start3A_28 = arith.constant 0 : i32
    %dma_start3A_29 = arith.constant 0 : i32
    %dma_start3A_30 = arith.constant 0 : i32
    %dma_start3A_31 = tpu.memref_slice %arg7[%dma_start3A_28, %dma_start3A_29, %dma_start3A_30] : memref<2x32x125xi32, #tpu.memory_space<vmem>> -> memref<1x32x125xi32, #tpu.memory_space<vmem>>
    %dma_start3A_32 = tpu.memref_squeeze %dma_start3A_31 : memref<1x32x125xi32, #tpu.memory_space<vmem>> -> memref<32x125xi32, #tpu.memory_space<vmem>>
    %dma_start3A_33 = arith.constant 0 : i32
    %dma_start3A_34 = tpu.memref_slice %arg4[%add3A_27, %dma_start3A_33] : memref<2560x125xi32, #tpu.memory_space<hbm>> -> memref<32x125xi32, #tpu.memory_space<hbm>>
    %dma_start3A_35 = arith.constant 0 : i32
    %dma_start3A_36 = arith.constant 0 : i32
    %dma_start3A_37 = tpu.memref_slice %arg7[%dma_start3A_28, %dma_start3A_35, %dma_start3A_36] : memref<2x32x125xi32, #tpu.memory_space<vmem>> -> memref<1x32x125xi32, #tpu.memory_space<vmem>>
    %dma_start3A_38 = tpu.memref_squeeze %dma_start3A_37 : memref<1x32x125xi32, #tpu.memory_space<vmem>> -> memref<32x125xi32, #tpu.memory_space<vmem>>
    %dma_start3A_39 = arith.constant 0 : i32
    %dma_start3A_40 = tpu.memref_slice %arg4[%add3A_27, %dma_start3A_39] : memref<2560x125xi32, #tpu.memory_space<hbm>> -> memref<32x125xi32, #tpu.memory_space<hbm>>
    tpu.enqueue_dma source(%dma_start3A_40 : memref<32x125xi32, #tpu.memory_space<hbm>>) target(%dma_start3A_38 : memref<32x125xi32, #tpu.memory_space<vmem>>) target_semaphore(%arg34 : memref<!tpu.dma_semaphore, #tpu.memory_space<semaphore_mem>>)
    %dma_wait3A_41 = arith.constant 0 : i32
    %dma_wait3A_42 = arith.constant 0 : i32
    %dma_wait3A_43 = arith.constant 0 : i32
    %dma_wait3A_44 = tpu.memref_slice %arg7[%dma_wait3A_41, %dma_wait3A_42, %dma_wait3A_43] : memref<2x32x125xi32, #tpu.memory_space<vmem>> -> memref<1x32x125xi32, #tpu.memory_space<vmem>>
    %dma_wait3A_45 = tpu.memref_squeeze %dma_wait3A_44 : memref<1x32x125xi32, #tpu.memory_space<vmem>> -> memref<32x125xi32, #tpu.memory_space<vmem>>
    %dma_wait3A_46 = arith.constant 0 : i32
    %dma_wait3A_47 = tpu.memref_slice %arg4[%add3A_27, %dma_wait3A_46] : memref<2560x125xi32, #tpu.memory_space<hbm>> -> memref<32x125xi32, #tpu.memory_space<hbm>>
    %dma_wait3A_48 = arith.constant 0 : i32
    %dma_wait3A_49 = arith.constant 0 : i32
    %dma_wait3A_50 = tpu.memref_slice %arg7[%dma_wait3A_41, %dma_wait3A_48, %dma_wait3A_49] : memref<2x32x125xi32, #tpu.memory_space<vmem>> -> memref<1x32x125xi32, #tpu.memory_space<vmem>>
    %dma_wait3A_51 = tpu.memref_squeeze %dma_wait3A_50 : memref<1x32x125xi32, #tpu.memory_space<vmem>> -> memref<32x125xi32, #tpu.memory_space<vmem>>
    %dma_wait3A_52 = arith.constant 0 : i32
    %dma_wait3A_53 = tpu.memref_slice %arg4[%add3A_27, %dma_wait3A_52] : memref<2560x125xi32, #tpu.memory_space<hbm>> -> memref<32x125xi32, #tpu.memory_space<hbm>>
    tpu.wait_dma2 semaphore(%arg34 : memref<!tpu.dma_semaphore, #tpu.memory_space<semaphore_mem>>) src(%dma_wait3A_53 : memref<32x125xi32, #tpu.memory_space<hbm>>) dst(%dma_wait3A_51 : memref<32x125xi32, #tpu.memory_space<vmem>>)
    %add3A_54 = arith.constant 32 : i32
    %add3A_55 = arith.addi %mul3A_0, %add3A_54 : i32
    %dma_start3A_56 = arith.constant 1 : i32
    %dma_start3A_57 = arith.constant 0 : i32
    %dma_start3A_58 = arith.constant 0 : i32
    %dma_start3A_59 = tpu.memref_slice %arg6[%dma_start3A_56, %dma_start3A_57, %dma_start3A_58] : memref<2x32x125xi32, #tpu.memory_space<vmem>> -> memref<1x32x125xi32, #tpu.memory_space<vmem>>
    %dma_start3A_60 = tpu.memref_squeeze %dma_start3A_59 : memref<1x32x125xi32, #tpu.memory_space<vmem>> -> memref<32x125xi32, #tpu.memory_space<vmem>>
    %dma_start3A_61 = arith.constant 0 : i32
    %dma_start3A_62 = tpu.memref_slice %arg3[%add3A_55, %dma_start3A_61] : memref<2560x125xi32, #tpu.memory_space<hbm>> -> memref<32x125xi32, #tpu.memory_space<hbm>>
    %dma_start3A_63 = arith.constant 0 : i32
    %dma_start3A_64 = arith.constant 0 : i32
    %dma_start3A_65 = tpu.memref_slice %arg6[%dma_start3A_56, %dma_start3A_63, %dma_start3A_64] : memref<2x32x125xi32, #tpu.memory_space<vmem>> -> memref<1x32x125xi32, #tpu.memory_space<vmem>>
    %dma_start3A_66 = tpu.memref_squeeze %dma_start3A_65 : memref<1x32x125xi32, #tpu.memory_space<vmem>> -> memref<32x125xi32, #tpu.memory_space<vmem>>
    %dma_start3A_67 = arith.constant 0 : i32
    %dma_start3A_68 = tpu.memref_slice %arg3[%add3A_55, %dma_start3A_67] : memref<2560x125xi32, #tpu.memory_space<hbm>> -> memref<32x125xi32, #tpu.memory_space<hbm>>
    tpu.enqueue_dma source(%dma_start3A_68 : memref<32x125xi32, #tpu.memory_space<hbm>>) target(%dma_start3A_66 : memref<32x125xi32, #tpu.memory_space<vmem>>) target_semaphore(%arg33 : memref<!tpu.dma_semaphore, #tpu.memory_space<semaphore_mem>>)
    %add3A_69 = arith.constant 32 : i32
    %add3A_70 = arith.addi %mul3A_0, %add3A_69 : i32
    %dma_start3A_71 = arith.constant 1 : i32
    %dma_start3A_72 = arith.constant 0 : i32
    %dma_start3A_73 = arith.constant 0 : i32
    %dma_start3A_74 = tpu.memref_slice %arg7[%dma_start3A_71, %dma_start3A_72, %dma_start3A_73] : memref<2x32x125xi32, #tpu.memory_space<vmem>> -> memref<1x32x125xi32, #tpu.memory_space<vmem>>
    %dma_start3A_75 = tpu.memref_squeeze %dma_start3A_74 : memref<1x32x125xi32, #tpu.memory_space<vmem>> -> memref<32x125xi32, #tpu.memory_space<vmem>>
    %dma_start3A_76 = arith.constant 0 : i32
    %dma_start3A_77 = tpu.memref_slice %arg4[%add3A_70, %dma_start3A_76] : memref<2560x125xi32, #tpu.memory_space<hbm>> -> memref<32x125xi32, #tpu.memory_space<hbm>>
    %dma_start3A_78 = arith.constant 0 : i32
    %dma_start3A_79 = arith.constant 0 : i32
    %dma_start3A_80 = tpu.memref_slice %arg7[%dma_start3A_71, %dma_start3A_78, %dma_start3A_79] : memref<2x32x125xi32, #tpu.memory_space<vmem>> -> memref<1x32x125xi32, #tpu.memory_space<vmem>>
    %dma_start3A_81 = tpu.memref_squeeze %dma_start3A_80 : memref<1x32x125xi32, #tpu.memory_space<vmem>> -> memref<32x125xi32, #tpu.memory_space<vmem>>
    %dma_start3A_82 = arith.constant 0 : i32
    %dma_start3A_83 = tpu.memref_slice %arg4[%add3A_70, %dma_start3A_82] : memref<2560x125xi32, #tpu.memory_space<hbm>> -> memref<32x125xi32, #tpu.memory_space<hbm>>
    tpu.enqueue_dma source(%dma_start3A_83 : memref<32x125xi32, #tpu.memory_space<hbm>>) target(%dma_start3A_81 : memref<32x125xi32, #tpu.memory_space<vmem>>) target_semaphore(%arg34 : memref<!tpu.dma_semaphore, #tpu.memory_space<semaphore_mem>>)
    %broadcast_in_dim3A = arith.constant 0.000000e+00 : f32
    %broadcast_in_dim3A_84 = vector.broadcast %broadcast_in_dim3A : f32 to vector<16xf32>
    %scan3A = arith.constant 0 : i32
    %scan3A_85 = arith.constant 80 : i32
    %scan3A_86 = arith.addi %scan3A, %scan3A_85 : i32
    %scan3A_87 = arith.constant 1 : i32
    scf.for %scan3A_192 = %scan3A to %scan3A_86 step %scan3A_87  : i32 {
      %mul3A_193 = arith.constant 1 : i32
      %mul3A_194 = arith.muli %scan3A_192, %mul3A_193 : i32
      %add3A_195 = arith.constant 0 : i32
      %add3A_196 = arith.addi %add3A_195, %mul3A_194 : i32
      %scan3A_197 = arith.constant 0 : i32
      %scan3A_198 = arith.constant 2 : i32
      %scan3A_199 = arith.addi %scan3A_197, %scan3A_198 : i32
      %scan3A_200 = arith.constant 1 : i32
      scf.for %scan3A_202 = %scan3A_197 to %scan3A_199 step %scan3A_200  : i32 {
        %mul3A_203 = arith.constant 16 : i32
        %mul3A_204 = arith.muli %scan3A_202, %mul3A_203 : i32
        %add3A_205 = arith.constant 0 : i32
        %add3A_206 = arith.addi %add3A_205, %mul3A_204 : i32
        %swap3A = arith.index_cast %add3A_196 : i32 to index
        %swap3A_207 = arith.index_cast %add3A_206 : i32 to index
        %swap3A_208 = tpu.vector_load %arg16[%swap3A, %swap3A_207] {strides = array<i32>} : memref<125x32xf32, #tpu.memory_space<vmem>>, vector<1x16xf32>,
        %swap3A_209 = vector.shape_cast %swap3A_208 : vector<1x16xf32> to vector<16xf32>
        %swap3A_210 = vector.shape_cast %broadcast_in_dim3A_84 : vector<16xf32> to vector<1x16xf32>
        tpu.vector_store %arg16[%swap3A, %swap3A_207], %swap3A_210 {strides = array<i32>} : memref<125x32xf32, #tpu.memory_space<vmem>>, vector<1x16xf32>,
      }
      %scan3A_201 = arith.constant 2 : i32
    }
    %scan3A_88 = arith.constant 80 : i32
    %scan3A_89 = arith.constant 0 : i32
    %scan3A_90 = arith.constant 8 : i32
    %scan3A_91 = arith.addi %scan3A_89, %scan3A_90 : i32
    %scan3A_92 = arith.constant 1 : i32
    scf.for %scan3A_192 = %scan3A_89 to %scan3A_91 step %scan3A_92  : i32 {
      %mul3A_193 = arith.constant 1 : i32
      %mul3A_194 = arith.muli %scan3A_192, %mul3A_193 : i32
      %add3A_195 = arith.constant 0 : i32
      %add3A_196 = arith.addi %add3A_195, %mul3A_194 : i32
      %mul3A_197 = arith.constant 640 : i32
      %mul3A_198 = arith.muli %arg1, %mul3A_197 : i32
      %mul3A_199 = arith.constant 80 : i32
      %mul3A_200 = arith.muli %add3A_196, %mul3A_199 : i32
      %add3A_201 = arith.addi %mul3A_198, %mul3A_200 : i32
      "tpu.region"() ({
        %run_scoped3A = tpu.sem_alloc : memref<!tpu.dma_semaphore, #tpu.memory_space<semaphore_mem>>
        %dma_start3A_202 = arith.constant 0 : i32
        %dma_start3A_203 = arith.constant 0 : i32
        %dma_start3A_204 = tpu.memref_slice %arg16[%dma_start3A_202, %dma_start3A_203] : memref<125x32xf32, #tpu.memory_space<vmem>> -> memref<80x32xf32, #tpu.memory_space<vmem>>
        %dma_start3A_205 = arith.constant 0 : i32
        %dma_start3A_206 = tpu.memref_slice %arg8[%add3A_201, %dma_start3A_205] : memref<10240x32xf32, #tpu.memory_space<vmem_shared>> -> memref<80x32xf32, #tpu.memory_space<vmem_shared>>
        %dma_start3A_207 = arith.constant 0 : i32
        %dma_start3A_208 = tpu.memref_slice %arg8[%add3A_201, %dma_start3A_207] : memref<10240x32xf32, #tpu.memory_space<vmem_shared>> -> memref<80x32xf32, #tpu.memory_space<vmem_shared>>
        %dma_start3A_209 = arith.constant 0 : i32
        %dma_start3A_210 = arith.constant 0 : i32
        %dma_start3A_211 = tpu.memref_slice %arg16[%dma_start3A_209, %dma_start3A_210] : memref<125x32xf32, #tpu.memory_space<vmem>> -> memref<80x32xf32, #tpu.memory_space<vmem>>
        tpu.enqueue_dma source(%dma_start3A_211 : memref<80x32xf32, #tpu.memory_space<vmem>>) target(%dma_start3A_208 : memref<80x32xf32, #tpu.memory_space<vmem_shared>>) target_semaphore(%run_scoped3A : memref<!tpu.dma_semaphore, #tpu.memory_space<semaphore_mem>>)
        %dma_wait3A_212 = arith.constant 0 : i32
        %dma_wait3A_213 = arith.constant 0 : i32
        %dma_wait3A_214 = tpu.memref_slice %arg16[%dma_wait3A_212, %dma_wait3A_213] : memref<125x32xf32, #tpu.memory_space<vmem>> -> memref<80x32xf32, #tpu.memory_space<vmem>>
        %dma_wait3A_215 = arith.constant 0 : i32
        %dma_wait3A_216 = tpu.memref_slice %arg8[%add3A_201, %dma_wait3A_215] : memref<10240x32xf32, #tpu.memory_space<vmem_shared>> -> memref<80x32xf32, #tpu.memory_space<vmem_shared>>
        %dma_wait3A_217 = arith.constant 0 : i32
        %dma_wait3A_218 = tpu.memref_slice %arg8[%add3A_201, %dma_wait3A_217] : memref<10240x32xf32, #tpu.memory_space<vmem_shared>> -> memref<80x32xf32, #tpu.memory_space<vmem_shared>>
        %dma_wait3A_219 = arith.constant 0 : i32
        %dma_wait3A_220 = arith.constant 0 : i32
        %dma_wait3A_221 = tpu.memref_slice %arg16[%dma_wait3A_219, %dma_wait3A_220] : memref<125x32xf32, #tpu.memory_space<vmem>> -> memref<80x32xf32, #tpu.memory_space<vmem>>
        tpu.wait_dma2 semaphore(%run_scoped3A : memref<!tpu.dma_semaphore, #tpu.memory_space<semaphore_mem>>) src(%dma_wait3A_221 : memref<80x32xf32, #tpu.memory_space<vmem>>) dst(%dma_wait3A_218 : memref<80x32xf32, #tpu.memory_space<vmem_shared>>)
        tpu.yield
      }) : () -> ()
    }
    %scan3A_93 = arith.constant 8 : i32
    %dma_start3A_94 = arith.constant 0 : i32
    %dma_start3A_95 = arith.constant 0 : i32
    %dma_start3A_96 = arith.constant 0 : i32
    %dma_start3A_97 = tpu.memref_slice %arg6[%dma_start3A_94, %dma_start3A_95, %dma_start3A_96] : memref<2x32x125xi32, #tpu.memory_space<vmem>> -> memref<1x1x125xi32, #tpu.memory_space<vmem>>
    %dma_start3A_98 = tpu.memref_squeeze %dma_start3A_97 : memref<1x1x125xi32, #tpu.memory_space<vmem>> -> memref<125xi32, #tpu.memory_space<vmem>>
    %dma_start3A_99 = arith.constant 0 : i32
    %dma_start3A_100 = arith.constant 0 : i32
    %dma_start3A_101 = tpu.memref_slice %arg2[%arg0, %dma_start3A_99, %dma_start3A_100] : memref<2x10000x32xf32, #tpu.memory_space<hbm>> -> memref<1x10000x32xf32, #tpu.memory_space<hbm>>
    %dma_start3A_102 = tpu.memref_squeeze %dma_start3A_101 : memref<1x10000x32xf32, #tpu.memory_space<hbm>> -> memref<10000x32xf32, #tpu.memory_space<hbm>>
    %dma_start3A_103 = arith.constant 0 : i32
    %dma_start3A_104 = arith.constant 0 : i32
    %dma_start3A_105 = tpu.memref_slice %dma_start3A_102[%dma_start3A_103, %dma_start3A_104] : memref<10000x32xf32, #tpu.memory_space<hbm>> -> memref<10000x32xf32, #tpu.memory_space<hbm>>
    tpu.enqueue_indirect_dma source(%dma_start3A_105 : memref<10000x32xf32, #tpu.memory_space<hbm>>) target(%arg9 : memref<125x32xf32, #tpu.memory_space<vmem>>) offsets(%dma_start3A_98 : memref<125xi32, #tpu.memory_space<vmem>>) semaphore(%arg17 : memref<!tpu.dma_semaphore, #tpu.memory_space<semaphore_mem>>)
    %dma_start3A_106 = arith.constant 0 : i32
    %dma_start3A_107 = arith.constant 1 : i32
    %dma_start3A_108 = arith.constant 0 : i32
    %dma_start3A_109 = tpu.memref_slice %arg6[%dma_start3A_106, %dma_start3A_107, %dma_start3A_108] : memref<2x32x125xi32, #tpu.memory_space<vmem>> -> memref<1x1x125xi32, #tpu.memory_space<vmem>>
    %dma_start3A_110 = tpu.memref_squeeze %dma_start3A_109 : memref<1x1x125xi32, #tpu.memory_space<vmem>> -> memref<125xi32, #tpu.memory_space<vmem>>
    %dma_start3A_111 = arith.constant 0 : i32
    %dma_start3A_112 = arith.constant 0 : i32
    %dma_start3A_113 = tpu.memref_slice %arg2[%arg0, %dma_start3A_111, %dma_start3A_112] : memref<2x10000x32xf32, #tpu.memory_space<hbm>> -> memref<1x10000x32xf32, #tpu.memory_space<hbm>>
    %dma_start3A_114 = tpu.memref_squeeze %dma_start3A_113 : memref<1x10000x32xf32, #tpu.memory_space<hbm>> -> memref<10000x32xf32, #tpu.memory_space<hbm>>
    %dma_start3A_115 = arith.constant 0 : i32
    %dma_start3A_116 = arith.constant 0 : i32
    %dma_start3A_117 = tpu.memref_slice %dma_start3A_114[%dma_start3A_115, %dma_start3A_116] : memref<10000x32xf32, #tpu.memory_space<hbm>> -> memref<10000x32xf32, #tpu.memory_space<hbm>>
    tpu.enqueue_indirect_dma source(%dma_start3A_117 : memref<10000x32xf32, #tpu.memory_space<hbm>>) target(%arg10 : memref<125x32xf32, #tpu.memory_space<vmem>>) offsets(%dma_start3A_110 : memref<125xi32, #tpu.memory_space<vmem>>) semaphore(%arg18 : memref<!tpu.dma_semaphore, #tpu.memory_space<semaphore_mem>>)
    %dma_start3A_118 = arith.constant 0 : i32
    %dma_start3A_119 = arith.constant 2 : i32
    %dma_start3A_120 = arith.constant 0 : i32
    %dma_start3A_121 = tpu.memref_slice %arg6[%dma_start3A_118, %dma_start3A_119, %dma_start3A_120] : memref<2x32x125xi32, #tpu.memory_space<vmem>> -> memref<1x1x125xi32, #tpu.memory_space<vmem>>
    %dma_start3A_122 = tpu.memref_squeeze %dma_start3A_121 : memref<1x1x125xi32, #tpu.memory_space<vmem>> -> memref<125xi32, #tpu.memory_space<vmem>>
    %dma_start3A_123 = arith.constant 0 : i32
    %dma_start3A_124 = arith.constant 0 : i32
    %dma_start3A_125 = tpu.memref_slice %arg2[%arg0, %dma_start3A_123, %dma_start3A_124] : memref<2x10000x32xf32, #tpu.memory_space<hbm>> -> memref<1x10000x32xf32, #tpu.memory_space<hbm>>
    %dma_start3A_126 = tpu.memref_squeeze %dma_start3A_125 : memref<1x10000x32xf32, #tpu.memory_space<hbm>> -> memref<10000x32xf32, #tpu.memory_space<hbm>>
    %dma_start3A_127 = arith.constant 0 : i32
    %dma_start3A_128 = arith.constant 0 : i32
    %dma_start3A_129 = tpu.memref_slice %dma_start3A_126[%dma_start3A_127, %dma_start3A_128] : memref<10000x32xf32, #tpu.memory_space<hbm>> -> memref<10000x32xf32, #tpu.memory_space<hbm>>
    tpu.enqueue_indirect_dma source(%dma_start3A_129 : memref<10000x32xf32, #tpu.memory_space<hbm>>) target(%arg11 : memref<125x32xf32, #tpu.memory_space<vmem>>) offsets(%dma_start3A_122 : memref<125xi32, #tpu.memory_space<vmem>>) semaphore(%arg19 : memref<!tpu.dma_semaphore, #tpu.memory_space<semaphore_mem>>)
    %dma_start3A_130 = arith.constant 0 : i32
    %dma_start3A_131 = arith.constant 3 : i32
    %dma_start3A_132 = arith.constant 0 : i32
    %dma_start3A_133 = tpu.memref_slice %arg6[%dma_start3A_130, %dma_start3A_131, %dma_start3A_132] : memref<2x32x125xi32, #tpu.memory_space<vmem>> -> memref<1x1x125xi32, #tpu.memory_space<vmem>>
    %dma_start3A_134 = tpu.memref_squeeze %dma_start3A_133 : memref<1x1x125xi32, #tpu.memory_space<vmem>> -> memref<125xi32, #tpu.memory_space<vmem>>
    %dma_start3A_135 = arith.constant 0 : i32
    %dma_start3A_136 = arith.constant 0 : i32
    %dma_start3A_137 = tpu.memref_slice %arg2[%arg0, %dma_start3A_135, %dma_start3A_136] : memref<2x10000x32xf32, #tpu.memory_space<hbm>> -> memref<1x10000x32xf32, #tpu.memory_space<hbm>>
    %dma_start3A_138 = tpu.memref_squeeze %dma_start3A_137 : memref<1x10000x32xf32, #tpu.memory_space<hbm>> -> memref<10000x32xf32, #tpu.memory_space<hbm>>
    %dma_start3A_139 = arith.constant 0 : i32
    %dma_start3A_140 = arith.constant 0 : i32
    %dma_start3A_141 = tpu.memref_slice %dma_start3A_138[%dma_start3A_139, %dma_start3A_140] : memref<10000x32xf32, #tpu.memory_space<hbm>> -> memref<10000x32xf32, #tpu.memory_space<hbm>>
    tpu.enqueue_indirect_dma source(%dma_start3A_141 : memref<10000x32xf32, #tpu.memory_space<hbm>>) target(%arg12 : memref<125x32xf32, #tpu.memory_space<vmem>>) offsets(%dma_start3A_134 : memref<125xi32, #tpu.memory_space<vmem>>) semaphore(%arg20 : memref<!tpu.dma_semaphore, #tpu.memory_space<semaphore_mem>>)
    %dma_start3A_142 = arith.constant 0 : i32
    %dma_start3A_143 = arith.constant 4 : i32
    %dma_start3A_144 = arith.constant 0 : i32
    %dma_start3A_145 = tpu.memref_slice %arg6[%dma_start3A_142, %dma_start3A_143, %dma_start3A_144] : memref<2x32x125xi32, #tpu.memory_space<vmem>> -> memref<1x1x125xi32, #tpu.memory_space<vmem>>
    %dma_start3A_146 = tpu.memref_squeeze %dma_start3A_145 : memref<1x1x125xi32, #tpu.memory_space<vmem>> -> memref<125xi32, #tpu.memory_space<vmem>>
    %dma_start3A_147 = arith.constant 0 : i32
    %dma_start3A_148 = arith.constant 0 : i32
    %dma_start3A_149 = tpu.memref_slice %arg2[%arg0, %dma_start3A_147, %dma_start3A_148] : memref<2x10000x32xf32, #tpu.memory_space<hbm>> -> memref<1x10000x32xf32, #tpu.memory_space<hbm>>
    %dma_start3A_150 = tpu.memref_squeeze %dma_start3A_149 : memref<1x10000x32xf32, #tpu.memory_space<hbm>> -> memref<10000x32xf32, #tpu.memory_space<hbm>>
    %dma_start3A_151 = arith.constant 0 : i32
    %dma_start3A_152 = arith.constant 0 : i32
    %dma_start3A_153 = tpu.memref_slice %dma_start3A_150[%dma_start3A_151, %dma_start3A_152] : memref<10000x32xf32, #tpu.memory_space<hbm>> -> memref<10000x32xf32, #tpu.memory_space<hbm>>
    tpu.enqueue_indirect_dma source(%dma_start3A_153 : memref<10000x32xf32, #tpu.memory_space<hbm>>) target(%arg13 : memref<125x32xf32, #tpu.memory_space<vmem>>) offsets(%dma_start3A_146 : memref<125xi32, #tpu.memory_space<vmem>>) semaphore(%arg21 : memref<!tpu.dma_semaphore, #tpu.memory_space<semaphore_mem>>)
    %dma_start3A_154 = arith.constant 0 : i32
    %dma_start3A_155 = arith.constant 5 : i32
    %dma_start3A_156 = arith.constant 0 : i32
    %dma_start3A_157 = tpu.memref_slice %arg6[%dma_start3A_154, %dma_start3A_155, %dma_start3A_156] : memref<2x32x125xi32, #tpu.memory_space<vmem>> -> memref<1x1x125xi32, #tpu.memory_space<vmem>>
    %dma_start3A_158 = tpu.memref_squeeze %dma_start3A_157 : memref<1x1x125xi32, #tpu.memory_space<vmem>> -> memref<125xi32, #tpu.memory_space<vmem>>
    %dma_start3A_159 = arith.constant 0 : i32
    %dma_start3A_160 = arith.constant 0 : i32
    %dma_start3A_161 = tpu.memref_slice %arg2[%arg0, %dma_start3A_159, %dma_start3A_160] : memref<2x10000x32xf32, #tpu.memory_space<hbm>> -> memref<1x10000x32xf32, #tpu.memory_space<hbm>>
    %dma_start3A_162 = tpu.memref_squeeze %dma_start3A_161 : memref<1x10000x32xf32, #tpu.memory_space<hbm>> -> memref<10000x32xf32, #tpu.memory_space<hbm>>
    %dma_start3A_163 = arith.constant 0 : i32
    %dma_start3A_164 = arith.constant 0 : i32
    %dma_start3A_165 = tpu.memref_slice %dma_start3A_162[%dma_start3A_163, %dma_start3A_164] : memref<10000x32xf32, #tpu.memory_space<hbm>> -> memref<10000x32xf32, #tpu.memory_space<hbm>>
    tpu.enqueue_indirect_dma source(%dma_start3A_165 : memref<10000x32xf32, #tpu.memory_space<hbm>>) target(%arg14 : memref<125x32xf32, #tpu.memory_space<vmem>>) offsets(%dma_start3A_158 : memref<125xi32, #tpu.memory_space<vmem>>) semaphore(%arg22 : memref<!tpu.dma_semaphore, #tpu.memory_space<semaphore_mem>>)
    %barrier3A = arith.constant 0 : index
    tpu.barrier barrier_id(%barrier3A)
    %scan3A_166 = arith.constant 0 : i32
    %scan3A_167 = arith.constant 20 : i32
    %scan3A_168 = arith.addi %scan3A_166, %scan3A_167 : i32
    %scan3A_169 = arith.constant 1 : i32
    scf.for %scan3A_192 = %scan3A_166 to %scan3A_168 step %scan3A_169  : i32 {
      %mul3A_193 = arith.constant 8 : i32
      %mul3A_194 = arith.muli %scan3A_192, %mul3A_193 : i32
      %add3A_195 = arith.constant 0 : i32
      %add3A_196 = arith.addi %add3A_195, %mul3A_194 : i32
      %add3A_197 = arith.constant 0 : i32
      %add3A_198 = arith.addi %add3A_196, %add3A_197 : i32
      %dma_wait3A_199 = arith.constant 0 : i32
      %dma_wait3A_200 = arith.constant 0 : i32
      %dma_wait3A_201 = arith.constant 0 : i32
      %dma_wait3A_202 = tpu.memref_slice %arg6[%dma_wait3A_199, %dma_wait3A_200, %dma_wait3A_201] : memref<2x32x125xi32, #tpu.memory_space<vmem>> -> memref<1x1x125xi32, #tpu.memory_space<vmem>>
      %dma_wait3A_203 = tpu.memref_squeeze %dma_wait3A_202 : memref<1x1x125xi32, #tpu.memory_space<vmem>> -> memref<125xi32, #tpu.memory_space<vmem>>
      %dma_wait3A_204 = arith.constant 0 : i32
      %dma_wait3A_205 = arith.constant 0 : i32
      %dma_wait3A_206 = tpu.memref_slice %arg2[%arg0, %dma_wait3A_204, %dma_wait3A_205] : memref<2x10000x32xf32, #tpu.memory_space<hbm>> -> memref<1x10000x32xf32, #tpu.memory_space<hbm>>
      %dma_wait3A_207 = tpu.memref_squeeze %dma_wait3A_206 : memref<1x10000x32xf32, #tpu.memory_space<hbm>> -> memref<10000x32xf32, #tpu.memory_space<hbm>>
      %dma_wait3A_208 = arith.constant 0 : i32
      %dma_wait3A_209 = arith.constant 0 : i32
      %dma_wait3A_210 = tpu.memref_slice %dma_wait3A_207[%dma_wait3A_208, %dma_wait3A_209] : memref<10000x32xf32, #tpu.memory_space<hbm>> -> memref<10000x32xf32, #tpu.memory_space<hbm>>
      tpu.wait_indirect_dma semaphore(%arg17 : memref<!tpu.dma_semaphore, #tpu.memory_space<semaphore_mem>>) src(%dma_wait3A_210 : memref<10000x32xf32, #tpu.memory_space<hbm>>) dst(%arg9 : memref<125x32xf32, #tpu.memory_space<vmem>>)
      %div3A = arith.constant 32 : i32
      %div3A_211 = arith.divsi %add3A_198, %div3A : i32
      %rem3A = arith.constant 2 : i32
      %rem3A_212 = arith.remsi %div3A_211, %rem3A : i32
      %rem3A_213 = arith.constant 32 : i32
      %rem3A_214 = arith.remsi %add3A_198, %rem3A_213 : i32
      %dma_start3A_215 = arith.constant 0 : i32
      %dma_start3A_216 = tpu.memref_slice %arg7[%rem3A_212, %rem3A_214, %dma_start3A_215] : memref<2x32x125xi32, #tpu.memory_space<vmem>> -> memref<1x1x125xi32, #tpu.memory_space<vmem>>
      %dma_start3A_217 = tpu.memref_squeeze %dma_start3A_216 : memref<1x1x125xi32, #tpu.memory_space<vmem>> -> memref<125xi32, #tpu.memory_space<vmem>>
      %dma_start3A_218 = arith.constant 0 : i32
      %dma_start3A_219 = arith.constant 0 : i32
      %dma_start3A_220 = tpu.memref_slice %arg8[%dma_start3A_218, %dma_start3A_219] : memref<10240x32xf32, #tpu.memory_space<vmem_shared>> -> memref<10240x32xf32, #tpu.memory_space<vmem_shared>>
      tpu.enqueue_indirect_dma source(%arg9 : memref<125x32xf32, #tpu.memory_space<vmem>>) target(%dma_start3A_220 : memref<10240x32xf32, #tpu.memory_space<vmem_shared>>) offsets(%dma_start3A_217 : memref<125xi32, #tpu.memory_space<vmem>>) semaphore(%arg25 : memref<!tpu.dma_semaphore, #tpu.memory_space<semaphore_mem>>) {add = true}
      %gt3A = arith.constant 0 : i32
      %gt3A_221 = arith.cmpi sgt, %add3A_196, %gt3A : i32
      %convert_element_type3A = arith.extui %gt3A_221 : i1 to i32
      %cond3A = arith.constant 0 : i32
      %cond3A_222 = arith.cmpi ne, %convert_element_type3A, %cond3A : i32
      scf.if %cond3A_222 {
        %dma_wait3A_554 = arith.constant 0 : i32
        %dma_wait3A_555 = arith.constant 0 : i32
        %dma_wait3A_556 = arith.constant 0 : i32
        %dma_wait3A_557 = tpu.memref_slice %arg7[%dma_wait3A_554, %dma_wait3A_555, %dma_wait3A_556] : memref<2x32x125xi32, #tpu.memory_space<vmem>> -> memref<1x1x125xi32, #tpu.memory_space<vmem>>
        %dma_wait3A_558 = tpu.memref_squeeze %dma_wait3A_557 : memref<1x1x125xi32, #tpu.memory_space<vmem>> -> memref<125xi32, #tpu.memory_space<vmem>>
        %dma_wait3A_559 = arith.constant 0 : i32
        %dma_wait3A_560 = arith.constant 0 : i32
        %dma_wait3A_561 = tpu.memref_slice %arg8[%dma_wait3A_559, %dma_wait3A_560] : memref<10240x32xf32, #tpu.memory_space<vmem_shared>> -> memref<10240x32xf32, #tpu.memory_space<vmem_shared>>
        tpu.wait_indirect_dma semaphore(%arg31 : memref<!tpu.dma_semaphore, #tpu.memory_space<semaphore_mem>>) src(%arg15 : memref<125x32xf32, #tpu.memory_space<vmem>>) dst(%dma_wait3A_561 : memref<10240x32xf32, #tpu.memory_space<vmem_shared>>)
      } else {
      }
      %add3A_223 = arith.constant 6 : i32
      %add3A_224 = arith.addi %add3A_198, %add3A_223 : i32
      %div3A_225 = arith.constant 32 : i32
      %div3A_226 = arith.divsi %add3A_224, %div3A_225 : i32
      %rem3A_227 = arith.constant 2 : i32
      %rem3A_228 = arith.remsi %div3A_226, %rem3A_227 : i32
      %rem3A_229 = arith.constant 32 : i32
      %rem3A_230 = arith.remsi %add3A_224, %rem3A_229 : i32
      %dma_start3A_231 = arith.constant 0 : i32
      %dma_start3A_232 = tpu.memref_slice %arg6[%rem3A_228, %rem3A_230, %dma_start3A_231] : memref<2x32x125xi32, #tpu.memory_space<vmem>> -> memref<1x1x125xi32, #tpu.memory_space<vmem>>
      %dma_start3A_233 = tpu.memref_squeeze %dma_start3A_232 : memref<1x1x125xi32, #tpu.memory_space<vmem>> -> memref<125xi32, #tpu.memory_space<vmem>>
      %dma_start3A_234 = arith.constant 0 : i32
      %dma_start3A_235 = arith.constant 0 : i32
      %dma_start3A_236 = tpu.memref_slice %arg2[%arg0, %dma_start3A_234, %dma_start3A_235] : memref<2x10000x32xf32, #tpu.memory_space<hbm>> -> memref<1x10000x32xf32, #tpu.memory_space<hbm>>
      %dma_start3A_237 = tpu.memref_squeeze %dma_start3A_236 : memref<1x10000x32xf32, #tpu.memory_space<hbm>> -> memref<10000x32xf32, #tpu.memory_space<hbm>>
      %dma_start3A_238 = arith.constant 0 : i32
      %dma_start3A_239 = arith.constant 0 : i32
      %dma_start3A_240 = tpu.memref_slice %dma_start3A_237[%dma_start3A_238, %dma_start3A_239] : memref<10000x32xf32, #tpu.memory_space<hbm>> -> memref<10000x32xf32, #tpu.memory_space<hbm>>
      tpu.enqueue_indirect_dma source(%dma_start3A_240 : memref<10000x32xf32, #tpu.memory_space<hbm>>) target(%arg15 : memref<125x32xf32, #tpu.memory_space<vmem>>) offsets(%dma_start3A_233 : memref<125xi32, #tpu.memory_space<vmem>>) semaphore(%arg23 : memref<!tpu.dma_semaphore, #tpu.memory_space<semaphore_mem>>)
      %rem3A_241 = arith.constant 32 : i32
      %rem3A_242 = arith.remsi %add3A_196, %rem3A_241 : i32
      %eq3A = arith.constant 8 : i32
      %eq3A_243 = arith.cmpi eq, %rem3A_242, %eq3A : i32
      %ge3A = arith.constant 40 : i32
      %ge3A_244 = arith.cmpi sge, %add3A_196, %ge3A : i32
      %lt3A = arith.constant 128 : i32
      %lt3A_245 = arith.cmpi slt, %add3A_196, %lt3A : i32
      %and3A = arith.andi %ge3A_244, %lt3A_245 : i1
      %and3A_246 = arith.andi %eq3A_243, %and3A : i1
      %convert_element_type3A_247 = arith.extui %and3A_246 : i1 to i32
      %cond3A_248 = arith.constant 0 : i32
      %cond3A_249 = arith.cmpi ne, %convert_element_type3A_247, %cond3A_248 : i32
      scf.if %cond3A_249 {
        %div3A_554 = arith.constant 32 : i32
        %div3A_555 = arith.divsi %add3A_196, %div3A_554 : i32
        %add3A_556 = arith.constant 1 : i32
        %add3A_557 = arith.addi %div3A_555, %add3A_556 : i32
        %rem3A_558 = arith.constant 2 : i32
        %rem3A_559 = arith.remsi %add3A_557, %rem3A_558 : i32
        %mul3A_560 = arith.constant 32 : i32
        %mul3A_561 = arith.muli %add3A_557, %mul3A_560 : i32
        %add3A_562 = arith.addi %mul3A_0, %mul3A_561 : i32
        %dma_start3A_563 = arith.constant 0 : i32
        %dma_start3A_564 = arith.constant 0 : i32
        %dma_start3A_565 = tpu.memref_slice %arg6[%rem3A_559, %dma_start3A_563, %dma_start3A_564] : memref<2x32x125xi32, #tpu.memory_space<vmem>> -> memref<1x32x125xi32, #tpu.memory_space<vmem>>
        %dma_start3A_566 = tpu.memref_squeeze %dma_start3A_565 : memref<1x32x125xi32, #tpu.memory_space<vmem>> -> memref<32x125xi32, #tpu.memory_space<vmem>>
        %dma_start3A_567 = arith.constant 0 : i32
        %dma_start3A_568 = tpu.memref_slice %arg3[%add3A_562, %dma_start3A_567] : memref<2560x125xi32, #tpu.memory_space<hbm>> -> memref<32x125xi32, #tpu.memory_space<hbm>>
        %dma_start3A_569 = arith.constant 0 : i32
        %dma_start3A_570 = arith.constant 0 : i32
        %dma_start3A_571 = tpu.memref_slice %arg6[%rem3A_559, %dma_start3A_569, %dma_start3A_570] : memref<2x32x125xi32, #tpu.memory_space<vmem>> -> memref<1x32x125xi32, #tpu.memory_space<vmem>>
        %dma_start3A_572 = tpu.memref_squeeze %dma_start3A_571 : memref<1x32x125xi32, #tpu.memory_space<vmem>> -> memref<32x125xi32, #tpu.memory_space<vmem>>
        %dma_start3A_573 = arith.constant 0 : i32
        %dma_start3A_574 = tpu.memref_slice %arg3[%add3A_562, %dma_start3A_573] : memref<2560x125xi32, #tpu.memory_space<hbm>> -> memref<32x125xi32, #tpu.memory_space<hbm>>
        tpu.enqueue_dma source(%dma_start3A_574 : memref<32x125xi32, #tpu.memory_space<hbm>>) target(%dma_start3A_572 : memref<32x125xi32, #tpu.memory_space<vmem>>) target_semaphore(%arg33 : memref<!tpu.dma_semaphore, #tpu.memory_space<semaphore_mem>>)
        %mul3A_575 = arith.constant 32 : i32
        %mul3A_576 = arith.muli %add3A_557, %mul3A_575 : i32
        %add3A_577 = arith.addi %mul3A_0, %mul3A_576 : i32
        %dma_start3A_578 = arith.constant 0 : i32
        %dma_start3A_579 = arith.constant 0 : i32
        %dma_start3A_580 = tpu.memref_slice %arg7[%rem3A_559, %dma_start3A_578, %dma_start3A_579] : memref<2x32x125xi32, #tpu.memory_space<vmem>> -> memref<1x32x125xi32, #tpu.memory_space<vmem>>
        %dma_start3A_581 = tpu.memref_squeeze %dma_start3A_580 : memref<1x32x125xi32, #tpu.memory_space<vmem>> -> memref<32x125xi32, #tpu.memory_space<vmem>>
        %dma_start3A_582 = arith.constant 0 : i32
        %dma_start3A_583 = tpu.memref_slice %arg4[%add3A_577, %dma_start3A_582] : memref<2560x125xi32, #tpu.memory_space<hbm>> -> memref<32x125xi32, #tpu.memory_space<hbm>>
        %dma_start3A_584 = arith.constant 0 : i32
        %dma_start3A_585 = arith.constant 0 : i32
        %dma_start3A_586 = tpu.memref_slice %arg7[%rem3A_559, %dma_start3A_584, %dma_start3A_585] : memref<2x32x125xi32, #tpu.memory_space<vmem>> -> memref<1x32x125xi32, #tpu.memory_space<vmem>>
        %dma_start3A_587 = tpu.memref_squeeze %dma_start3A_586 : memref<1x32x125xi32, #tpu.memory_space<vmem>> -> memref<32x125xi32, #tpu.memory_space<vmem>>
        %dma_start3A_588 = arith.constant 0 : i32
        %dma_start3A_589 = tpu.memref_slice %arg4[%add3A_577, %dma_start3A_588] : memref<2560x125xi32, #tpu.memory_space<hbm>> -> memref<32x125xi32, #tpu.memory_space<hbm>>
        tpu.enqueue_dma source(%dma_start3A_589 : memref<32x125xi32, #tpu.memory_space<hbm>>) target(%dma_start3A_587 : memref<32x125xi32, #tpu.memory_space<vmem>>) target_semaphore(%arg34 : memref<!tpu.dma_semaphore, #tpu.memory_space<semaphore_mem>>)
      } else {
      }
      %rem3A_250 = arith.constant 32 : i32
      %rem3A_251 = arith.remsi %add3A_196, %rem3A_250 : i32
      %eq3A_252 = arith.constant 24 : i32
      %eq3A_253 = arith.cmpi eq, %rem3A_251, %eq3A_252 : i32
      %le3A = arith.constant 120 : i32
      %le3A_254 = arith.cmpi sle, %add3A_196, %le3A : i32
      %and3A_255 = arith.andi %eq3A_253, %le3A_254 : i1
      %convert_element_type3A_256 = arith.extui %and3A_255 : i1 to i32
      %cond3A_257 = arith.constant 0 : i32
      %cond3A_258 = arith.cmpi ne, %convert_element_type3A_256, %cond3A_257 : i32
      scf.if %cond3A_258 {
        %dma_wait3A_554 = arith.constant 0 : i32
        %dma_wait3A_555 = arith.constant 0 : i32
        %dma_wait3A_556 = arith.constant 0 : i32
        %dma_wait3A_557 = tpu.memref_slice %arg6[%dma_wait3A_554, %dma_wait3A_555, %dma_wait3A_556] : memref<2x32x125xi32, #tpu.memory_space<vmem>> -> memref<1x32x125xi32, #tpu.memory_space<vmem>>
        %dma_wait3A_558 = tpu.memref_squeeze %dma_wait3A_557 : memref<1x32x125xi32, #tpu.memory_space<vmem>> -> memref<32x125xi32, #tpu.memory_space<vmem>>
        %dma_wait3A_559 = arith.constant 0 : i32
        %dma_wait3A_560 = tpu.memref_slice %arg3[%mul3A_0, %dma_wait3A_559] : memref<2560x125xi32, #tpu.memory_space<hbm>> -> memref<32x125xi32, #tpu.memory_space<hbm>>
        %dma_wait3A_561 = arith.constant 0 : i32
        %dma_wait3A_562 = arith.constant 0 : i32
        %dma_wait3A_563 = tpu.memref_slice %arg6[%dma_wait3A_554, %dma_wait3A_561, %dma_wait3A_562] : memref<2x32x125xi32, #tpu.memory_space<vmem>> -> memref<1x32x125xi32, #tpu.memory_space<vmem>>
        %dma_wait3A_564 = tpu.memref_squeeze %dma_wait3A_563 : memref<1x32x125xi32, #tpu.memory_space<vmem>> -> memref<32x125xi32, #tpu.memory_space<vmem>>
        %dma_wait3A_565 = arith.constant 0 : i32
        %dma_wait3A_566 = tpu.memref_slice %arg3[%mul3A_0, %dma_wait3A_565] : memref<2560x125xi32, #tpu.memory_space<hbm>> -> memref<32x125xi32, #tpu.memory_space<hbm>>
        tpu.wait_dma2 semaphore(%arg33 : memref<!tpu.dma_semaphore, #tpu.memory_space<semaphore_mem>>) src(%dma_wait3A_566 : memref<32x125xi32, #tpu.memory_space<hbm>>) dst(%dma_wait3A_564 : memref<32x125xi32, #tpu.memory_space<vmem>>)
        %dma_wait3A_567 = arith.constant 0 : i32
        %dma_wait3A_568 = arith.constant 0 : i32
        %dma_wait3A_569 = arith.constant 0 : i32
        %dma_wait3A_570 = tpu.memref_slice %arg7[%dma_wait3A_567, %dma_wait3A_568, %dma_wait3A_569] : memref<2x32x125xi32, #tpu.memory_space<vmem>> -> memref<1x32x125xi32, #tpu.memory_space<vmem>>
        %dma_wait3A_571 = tpu.memref_squeeze %dma_wait3A_570 : memref<1x32x125xi32, #tpu.memory_space<vmem>> -> memref<32x125xi32, #tpu.memory_space<vmem>>
        %dma_wait3A_572 = arith.constant 0 : i32
        %dma_wait3A_573 = tpu.memref_slice %arg3[%mul3A_0, %dma_wait3A_572] : memref<2560x125xi32, #tpu.memory_space<hbm>> -> memref<32x125xi32, #tpu.memory_space<hbm>>
        %dma_wait3A_574 = arith.constant 0 : i32
        %dma_wait3A_575 = arith.constant 0 : i32
        %dma_wait3A_576 = tpu.memref_slice %arg7[%dma_wait3A_567, %dma_wait3A_574, %dma_wait3A_575] : memref<2x32x125xi32, #tpu.memory_space<vmem>> -> memref<1x32x125xi32, #tpu.memory_space<vmem>>
        %dma_wait3A_577 = tpu.memref_squeeze %dma_wait3A_576 : memref<1x32x125xi32, #tpu.memory_space<vmem>> -> memref<32x125xi32, #tpu.memory_space<vmem>>
        %dma_wait3A_578 = arith.constant 0 : i32
        %dma_wait3A_579 = tpu.memref_slice %arg3[%mul3A_0, %dma_wait3A_578] : memref<2560x125xi32, #tpu.memory_space<hbm>> -> memref<32x125xi32, #tpu.memory_space<hbm>>
        tpu.wait_dma2 semaphore(%arg34 : memref<!tpu.dma_semaphore, #tpu.memory_space<semaphore_mem>>) src(%dma_wait3A_579 : memref<32x125xi32, #tpu.memory_space<hbm>>) dst(%dma_wait3A_577 : memref<32x125xi32, #tpu.memory_space<vmem>>)
      } else {
      }
      %add3A_259 = arith.constant 1 : i32
      %add3A_260 = arith.addi %add3A_196, %add3A_259 : i32
      %dma_wait3A_261 = arith.constant 0 : i32
      %dma_wait3A_262 = arith.constant 0 : i32
      %dma_wait3A_263 = arith.constant 0 : i32
      %dma_wait3A_264 = tpu.memref_slice %arg6[%dma_wait3A_261, %dma_wait3A_262, %dma_wait3A_263] : memref<2x32x125xi32, #tpu.memory_space<vmem>> -> memref<1x1x125xi32, #tpu.memory_space<vmem>>
      %dma_wait3A_265 = tpu.memref_squeeze %dma_wait3A_264 : memref<1x1x125xi32, #tpu.memory_space<vmem>> -> memref<125xi32, #tpu.memory_space<vmem>>
      %dma_wait3A_266 = arith.constant 0 : i32
      %dma_wait3A_267 = arith.constant 0 : i32
      %dma_wait3A_268 = tpu.memref_slice %arg2[%arg0, %dma_wait3A_266, %dma_wait3A_267] : memref<2x10000x32xf32, #tpu.memory_space<hbm>> -> memref<1x10000x32xf32, #tpu.memory_space<hbm>>
      %dma_wait3A_269 = tpu.memref_squeeze %dma_wait3A_268 : memref<1x10000x32xf32, #tpu.memory_space<hbm>> -> memref<10000x32xf32, #tpu.memory_space<hbm>>
      %dma_wait3A_270 = arith.constant 0 : i32
      %dma_wait3A_271 = arith.constant 0 : i32
      %dma_wait3A_272 = tpu.memref_slice %dma_wait3A_269[%dma_wait3A_270, %dma_wait3A_271] : memref<10000x32xf32, #tpu.memory_space<hbm>> -> memref<10000x32xf32, #tpu.memory_space<hbm>>
      tpu.wait_indirect_dma semaphore(%arg18 : memref<!tpu.dma_semaphore, #tpu.memory_space<semaphore_mem>>) src(%dma_wait3A_272 : memref<10000x32xf32, #tpu.memory_space<hbm>>) dst(%arg10 : memref<125x32xf32, #tpu.memory_space<vmem>>)
      %div3A_273 = arith.constant 32 : i32
      %div3A_274 = arith.divsi %add3A_260, %div3A_273 : i32
      %rem3A_275 = arith.constant 2 : i32
      %rem3A_276 = arith.remsi %div3A_274, %rem3A_275 : i32
      %rem3A_277 = arith.constant 32 : i32
      %rem3A_278 = arith.remsi %add3A_260, %rem3A_277 : i32
      %dma_start3A_279 = arith.constant 0 : i32
      %dma_start3A_280 = tpu.memref_slice %arg7[%rem3A_276, %rem3A_278, %dma_start3A_279] : memref<2x32x125xi32, #tpu.memory_space<vmem>> -> memref<1x1x125xi32, #tpu.memory_space<vmem>>
      %dma_start3A_281 = tpu.memref_squeeze %dma_start3A_280 : memref<1x1x125xi32, #tpu.memory_space<vmem>> -> memref<125xi32, #tpu.memory_space<vmem>>
      %dma_start3A_282 = arith.constant 0 : i32
      %dma_start3A_283 = arith.constant 0 : i32
      %dma_start3A_284 = tpu.memref_slice %arg8[%dma_start3A_282, %dma_start3A_283] : memref<10240x32xf32, #tpu.memory_space<vmem_shared>> -> memref<10240x32xf32, #tpu.memory_space<vmem_shared>>
      tpu.enqueue_indirect_dma source(%arg10 : memref<125x32xf32, #tpu.memory_space<vmem>>) target(%dma_start3A_284 : memref<10240x32xf32, #tpu.memory_space<vmem_shared>>) offsets(%dma_start3A_281 : memref<125xi32, #tpu.memory_space<vmem>>) semaphore(%arg26 : memref<!tpu.dma_semaphore, #tpu.memory_space<semaphore_mem>>) {add = true}
      %gt3A_285 = arith.constant 0 : i32
      %gt3A_286 = arith.cmpi sgt, %add3A_196, %gt3A_285 : i32
      %convert_element_type3A_287 = arith.extui %gt3A_286 : i1 to i32
      %cond3A_288 = arith.constant 0 : i32
      %cond3A_289 = arith.cmpi ne, %convert_element_type3A_287, %cond3A_288 : i32
      scf.if %cond3A_289 {
        %dma_wait3A_554 = arith.constant 0 : i32
        %dma_wait3A_555 = arith.constant 0 : i32
        %dma_wait3A_556 = arith.constant 0 : i32
        %dma_wait3A_557 = tpu.memref_slice %arg7[%dma_wait3A_554, %dma_wait3A_555, %dma_wait3A_556] : memref<2x32x125xi32, #tpu.memory_space<vmem>> -> memref<1x1x125xi32, #tpu.memory_space<vmem>>
        %dma_wait3A_558 = tpu.memref_squeeze %dma_wait3A_557 : memref<1x1x125xi32, #tpu.memory_space<vmem>> -> memref<125xi32, #tpu.memory_space<vmem>>
        %dma_wait3A_559 = arith.constant 0 : i32
        %dma_wait3A_560 = arith.constant 0 : i32
        %dma_wait3A_561 = tpu.memref_slice %arg8[%dma_wait3A_559, %dma_wait3A_560] : memref<10240x32xf32, #tpu.memory_space<vmem_shared>> -> memref<10240x32xf32, #tpu.memory_space<vmem_shared>>
        tpu.wait_indirect_dma semaphore(%arg32 : memref<!tpu.dma_semaphore, #tpu.memory_space<semaphore_mem>>) src(%arg16 : memref<125x32xf32, #tpu.memory_space<vmem>>) dst(%dma_wait3A_561 : memref<10240x32xf32, #tpu.memory_space<vmem_shared>>)
      } else {
      }
      %add3A_290 = arith.constant 6 : i32
      %add3A_291 = arith.addi %add3A_260, %add3A_290 : i32
      %div3A_292 = arith.constant 32 : i32
      %div3A_293 = arith.divsi %add3A_291, %div3A_292 : i32
      %rem3A_294 = arith.constant 2 : i32
      %rem3A_295 = arith.remsi %div3A_293, %rem3A_294 : i32
      %rem3A_296 = arith.constant 32 : i32
      %rem3A_297 = arith.remsi %add3A_291, %rem3A_296 : i32
      %dma_start3A_298 = arith.constant 0 : i32
      %dma_start3A_299 = tpu.memref_slice %arg6[%rem3A_295, %rem3A_297, %dma_start3A_298] : memref<2x32x125xi32, #tpu.memory_space<vmem>> -> memref<1x1x125xi32, #tpu.memory_space<vmem>>
      %dma_start3A_300 = tpu.memref_squeeze %dma_start3A_299 : memref<1x1x125xi32, #tpu.memory_space<vmem>> -> memref<125xi32, #tpu.memory_space<vmem>>
      %dma_start3A_301 = arith.constant 0 : i32
      %dma_start3A_302 = arith.constant 0 : i32
      %dma_start3A_303 = tpu.memref_slice %arg2[%arg0, %dma_start3A_301, %dma_start3A_302] : memref<2x10000x32xf32, #tpu.memory_space<hbm>> -> memref<1x10000x32xf32, #tpu.memory_space<hbm>>
      %dma_start3A_304 = tpu.memref_squeeze %dma_start3A_303 : memref<1x10000x32xf32, #tpu.memory_space<hbm>> -> memref<10000x32xf32, #tpu.memory_space<hbm>>
      %dma_start3A_305 = arith.constant 0 : i32
      %dma_start3A_306 = arith.constant 0 : i32
      %dma_start3A_307 = tpu.memref_slice %dma_start3A_304[%dma_start3A_305, %dma_start3A_306] : memref<10000x32xf32, #tpu.memory_space<hbm>> -> memref<10000x32xf32, #tpu.memory_space<hbm>>
      tpu.enqueue_indirect_dma source(%dma_start3A_307 : memref<10000x32xf32, #tpu.memory_space<hbm>>) target(%arg16 : memref<125x32xf32, #tpu.memory_space<vmem>>) offsets(%dma_start3A_300 : memref<125xi32, #tpu.memory_space<vmem>>) semaphore(%arg24 : memref<!tpu.dma_semaphore, #tpu.memory_space<semaphore_mem>>)
      %add3A_308 = arith.constant 2 : i32
      %add3A_309 = arith.addi %add3A_196, %add3A_308 : i32
      %dma_wait3A_310 = arith.constant 0 : i32
      %dma_wait3A_311 = arith.constant 0 : i32
      %dma_wait3A_312 = arith.constant 0 : i32
      %dma_wait3A_313 = tpu.memref_slice %arg6[%dma_wait3A_310, %dma_wait3A_311, %dma_wait3A_312] : memref<2x32x125xi32, #tpu.memory_space<vmem>> -> memref<1x1x125xi32, #tpu.memory_space<vmem>>
      %dma_wait3A_314 = tpu.memref_squeeze %dma_wait3A_313 : memref<1x1x125xi32, #tpu.memory_space<vmem>> -> memref<125xi32, #tpu.memory_space<vmem>>
      %dma_wait3A_315 = arith.constant 0 : i32
      %dma_wait3A_316 = arith.constant 0 : i32
      %dma_wait3A_317 = tpu.memref_slice %arg2[%arg0, %dma_wait3A_315, %dma_wait3A_316] : memref<2x10000x32xf32, #tpu.memory_space<hbm>> -> memref<1x10000x32xf32, #tpu.memory_space<hbm>>
      %dma_wait3A_318 = tpu.memref_squeeze %dma_wait3A_317 : memref<1x10000x32xf32, #tpu.memory_space<hbm>> -> memref<10000x32xf32, #tpu.memory_space<hbm>>
      %dma_wait3A_319 = arith.constant 0 : i32
      %dma_wait3A_320 = arith.constant 0 : i32
      %dma_wait3A_321 = tpu.memref_slice %dma_wait3A_318[%dma_wait3A_319, %dma_wait3A_320] : memref<10000x32xf32, #tpu.memory_space<hbm>> -> memref<10000x32xf32, #tpu.memory_space<hbm>>
      tpu.wait_indirect_dma semaphore(%arg19 : memref<!tpu.dma_semaphore, #tpu.memory_space<semaphore_mem>>) src(%dma_wait3A_321 : memref<10000x32xf32, #tpu.memory_space<hbm>>) dst(%arg11 : memref<125x32xf32, #tpu.memory_space<vmem>>)
      %div3A_322 = arith.constant 32 : i32
      %div3A_323 = arith.divsi %add3A_309, %div3A_322 : i32
      %rem3A_324 = arith.constant 2 : i32
      %rem3A_325 = arith.remsi %div3A_323, %rem3A_324 : i32
      %rem3A_326 = arith.constant 32 : i32
      %rem3A_327 = arith.remsi %add3A_309, %rem3A_326 : i32
      %dma_start3A_328 = arith.constant 0 : i32
      %dma_start3A_329 = tpu.memref_slice %arg7[%rem3A_325, %rem3A_327, %dma_start3A_328] : memref<2x32x125xi32, #tpu.memory_space<vmem>> -> memref<1x1x125xi32, #tpu.memory_space<vmem>>
      %dma_start3A_330 = tpu.memref_squeeze %dma_start3A_329 : memref<1x1x125xi32, #tpu.memory_space<vmem>> -> memref<125xi32, #tpu.memory_space<vmem>>
      %dma_start3A_331 = arith.constant 0 : i32
      %dma_start3A_332 = arith.constant 0 : i32
      %dma_start3A_333 = tpu.memref_slice %arg8[%dma_start3A_331, %dma_start3A_332] : memref<10240x32xf32, #tpu.memory_space<vmem_shared>> -> memref<10240x32xf32, #tpu.memory_space<vmem_shared>>
      tpu.enqueue_indirect_dma source(%arg11 : memref<125x32xf32, #tpu.memory_space<vmem>>) target(%dma_start3A_333 : memref<10240x32xf32, #tpu.memory_space<vmem_shared>>) offsets(%dma_start3A_330 : memref<125xi32, #tpu.memory_space<vmem>>) semaphore(%arg27 : memref<!tpu.dma_semaphore, #tpu.memory_space<semaphore_mem>>) {add = true}
      %dma_wait3A_334 = arith.constant 0 : i32
      %dma_wait3A_335 = arith.constant 0 : i32
      %dma_wait3A_336 = arith.constant 0 : i32
      %dma_wait3A_337 = tpu.memref_slice %arg7[%dma_wait3A_334, %dma_wait3A_335, %dma_wait3A_336] : memref<2x32x125xi32, #tpu.memory_space<vmem>> -> memref<1x1x125xi32, #tpu.memory_space<vmem>>
      %dma_wait3A_338 = tpu.memref_squeeze %dma_wait3A_337 : memref<1x1x125xi32, #tpu.memory_space<vmem>> -> memref<125xi32, #tpu.memory_space<vmem>>
      %dma_wait3A_339 = arith.constant 0 : i32
      %dma_wait3A_340 = arith.constant 0 : i32
      %dma_wait3A_341 = tpu.memref_slice %arg8[%dma_wait3A_339, %dma_wait3A_340] : memref<10240x32xf32, #tpu.memory_space<vmem_shared>> -> memref<10240x32xf32, #tpu.memory_space<vmem_shared>>
      tpu.wait_indirect_dma semaphore(%arg25 : memref<!tpu.dma_semaphore, #tpu.memory_space<semaphore_mem>>) src(%arg9 : memref<125x32xf32, #tpu.memory_space<vmem>>) dst(%dma_wait3A_341 : memref<10240x32xf32, #tpu.memory_space<vmem_shared>>)
      %add3A_342 = arith.constant 6 : i32
      %add3A_343 = arith.addi %add3A_309, %add3A_342 : i32
      %lt3A_344 = arith.constant 160 : i32
      %lt3A_345 = arith.cmpi slt, %add3A_343, %lt3A_344 : i32
      %convert_element_type3A_346 = arith.extui %lt3A_345 : i1 to i32
      %cond3A_347 = arith.constant 0 : i32
      %cond3A_348 = arith.cmpi ne, %convert_element_type3A_346, %cond3A_347 : i32
      scf.if %cond3A_348 {
        %add3A_554 = arith.constant 6 : i32
        %add3A_555 = arith.addi %add3A_309, %add3A_554 : i32
        %div3A_556 = arith.constant 32 : i32
        %div3A_557 = arith.divsi %add3A_555, %div3A_556 : i32
        %rem3A_558 = arith.constant 2 : i32
        %rem3A_559 = arith.remsi %div3A_557, %rem3A_558 : i32
        %rem3A_560 = arith.constant 32 : i32
        %rem3A_561 = arith.remsi %add3A_555, %rem3A_560 : i32
        %dma_start3A_562 = arith.constant 0 : i32
        %dma_start3A_563 = tpu.memref_slice %arg6[%rem3A_559, %rem3A_561, %dma_start3A_562] : memref<2x32x125xi32, #tpu.memory_space<vmem>> -> memref<1x1x125xi32, #tpu.memory_space<vmem>>
        %dma_start3A_564 = tpu.memref_squeeze %dma_start3A_563 : memref<1x1x125xi32, #tpu.memory_space<vmem>> -> memref<125xi32, #tpu.memory_space<vmem>>
        %dma_start3A_565 = arith.constant 0 : i32
        %dma_start3A_566 = arith.constant 0 : i32
        %dma_start3A_567 = tpu.memref_slice %arg2[%arg0, %dma_start3A_565, %dma_start3A_566] : memref<2x10000x32xf32, #tpu.memory_space<hbm>> -> memref<1x10000x32xf32, #tpu.memory_space<hbm>>
        %dma_start3A_568 = tpu.memref_squeeze %dma_start3A_567 : memref<1x10000x32xf32, #tpu.memory_space<hbm>> -> memref<10000x32xf32, #tpu.memory_space<hbm>>
        %dma_start3A_569 = arith.constant 0 : i32
        %dma_start3A_570 = arith.constant 0 : i32
        %dma_start3A_571 = tpu.memref_slice %dma_start3A_568[%dma_start3A_569, %dma_start3A_570] : memref<10000x32xf32, #tpu.memory_space<hbm>> -> memref<10000x32xf32, #tpu.memory_space<hbm>>
        tpu.enqueue_indirect_dma source(%dma_start3A_571 : memref<10000x32xf32, #tpu.memory_space<hbm>>) target(%arg9 : memref<125x32xf32, #tpu.memory_space<vmem>>) offsets(%dma_start3A_564 : memref<125xi32, #tpu.memory_space<vmem>>) semaphore(%arg17 : memref<!tpu.dma_semaphore, #tpu.memory_space<semaphore_mem>>)
      } else {
      }
      %add3A_349 = arith.constant 3 : i32
      %add3A_350 = arith.addi %add3A_196, %add3A_349 : i32
      %dma_wait3A_351 = arith.constant 0 : i32
      %dma_wait3A_352 = arith.constant 0 : i32
      %dma_wait3A_353 = arith.constant 0 : i32
      %dma_wait3A_354 = tpu.memref_slice %arg6[%dma_wait3A_351, %dma_wait3A_352, %dma_wait3A_353] : memref<2x32x125xi32, #tpu.memory_space<vmem>> -> memref<1x1x125xi32, #tpu.memory_space<vmem>>
      %dma_wait3A_355 = tpu.memref_squeeze %dma_wait3A_354 : memref<1x1x125xi32, #tpu.memory_space<vmem>> -> memref<125xi32, #tpu.memory_space<vmem>>
      %dma_wait3A_356 = arith.constant 0 : i32
      %dma_wait3A_357 = arith.constant 0 : i32
      %dma_wait3A_358 = tpu.memref_slice %arg2[%arg0, %dma_wait3A_356, %dma_wait3A_357] : memref<2x10000x32xf32, #tpu.memory_space<hbm>> -> memref<1x10000x32xf32, #tpu.memory_space<hbm>>
      %dma_wait3A_359 = tpu.memref_squeeze %dma_wait3A_358 : memref<1x10000x32xf32, #tpu.memory_space<hbm>> -> memref<10000x32xf32, #tpu.memory_space<hbm>>
      %dma_wait3A_360 = arith.constant 0 : i32
      %dma_wait3A_361 = arith.constant 0 : i32
      %dma_wait3A_362 = tpu.memref_slice %dma_wait3A_359[%dma_wait3A_360, %dma_wait3A_361] : memref<10000x32xf32, #tpu.memory_space<hbm>> -> memref<10000x32xf32, #tpu.memory_space<hbm>>
      tpu.wait_indirect_dma semaphore(%arg20 : memref<!tpu.dma_semaphore, #tpu.memory_space<semaphore_mem>>) src(%dma_wait3A_362 : memref<10000x32xf32, #tpu.memory_space<hbm>>) dst(%arg12 : memref<125x32xf32, #tpu.memory_space<vmem>>)
      %div3A_363 = arith.constant 32 : i32
      %div3A_364 = arith.divsi %add3A_350, %div3A_363 : i32
      %rem3A_365 = arith.constant 2 : i32
      %rem3A_366 = arith.remsi %div3A_364, %rem3A_365 : i32
      %rem3A_367 = arith.constant 32 : i32
      %rem3A_368 = arith.remsi %add3A_350, %rem3A_367 : i32
      %dma_start3A_369 = arith.constant 0 : i32
      %dma_start3A_370 = tpu.memref_slice %arg7[%rem3A_366, %rem3A_368, %dma_start3A_369] : memref<2x32x125xi32, #tpu.memory_space<vmem>> -> memref<1x1x125xi32, #tpu.memory_space<vmem>>
      %dma_start3A_371 = tpu.memref_squeeze %dma_start3A_370 : memref<1x1x125xi32, #tpu.memory_space<vmem>> -> memref<125xi32, #tpu.memory_space<vmem>>
      %dma_start3A_372 = arith.constant 0 : i32
      %dma_start3A_373 = arith.constant 0 : i32
      %dma_start3A_374 = tpu.memref_slice %arg8[%dma_start3A_372, %dma_start3A_373] : memref<10240x32xf32, #tpu.memory_space<vmem_shared>> -> memref<10240x32xf32, #tpu.memory_space<vmem_shared>>
      tpu.enqueue_indirect_dma source(%arg12 : memref<125x32xf32, #tpu.memory_space<vmem>>) target(%dma_start3A_374 : memref<10240x32xf32, #tpu.memory_space<vmem_shared>>) offsets(%dma_start3A_371 : memref<125xi32, #tpu.memory_space<vmem>>) semaphore(%arg28 : memref<!tpu.dma_semaphore, #tpu.memory_space<semaphore_mem>>) {add = true}
      %dma_wait3A_375 = arith.constant 0 : i32
      %dma_wait3A_376 = arith.constant 0 : i32
      %dma_wait3A_377 = arith.constant 0 : i32
      %dma_wait3A_378 = tpu.memref_slice %arg7[%dma_wait3A_375, %dma_wait3A_376, %dma_wait3A_377] : memref<2x32x125xi32, #tpu.memory_space<vmem>> -> memref<1x1x125xi32, #tpu.memory_space<vmem>>
      %dma_wait3A_379 = tpu.memref_squeeze %dma_wait3A_378 : memref<1x1x125xi32, #tpu.memory_space<vmem>> -> memref<125xi32, #tpu.memory_space<vmem>>
      %dma_wait3A_380 = arith.constant 0 : i32
      %dma_wait3A_381 = arith.constant 0 : i32
      %dma_wait3A_382 = tpu.memref_slice %arg8[%dma_wait3A_380, %dma_wait3A_381] : memref<10240x32xf32, #tpu.memory_space<vmem_shared>> -> memref<10240x32xf32, #tpu.memory_space<vmem_shared>>
      tpu.wait_indirect_dma semaphore(%arg26 : memref<!tpu.dma_semaphore, #tpu.memory_space<semaphore_mem>>) src(%arg10 : memref<125x32xf32, #tpu.memory_space<vmem>>) dst(%dma_wait3A_382 : memref<10240x32xf32, #tpu.memory_space<vmem_shared>>)
      %add3A_383 = arith.constant 6 : i32
      %add3A_384 = arith.addi %add3A_350, %add3A_383 : i32
      %lt3A_385 = arith.constant 160 : i32
      %lt3A_386 = arith.cmpi slt, %add3A_384, %lt3A_385 : i32
      %convert_element_type3A_387 = arith.extui %lt3A_386 : i1 to i32
      %cond3A_388 = arith.constant 0 : i32
      %cond3A_389 = arith.cmpi ne, %convert_element_type3A_387, %cond3A_388 : i32
      scf.if %cond3A_389 {
        %add3A_554 = arith.constant 6 : i32
        %add3A_555 = arith.addi %add3A_350, %add3A_554 : i32
        %div3A_556 = arith.constant 32 : i32
        %div3A_557 = arith.divsi %add3A_555, %div3A_556 : i32
        %rem3A_558 = arith.constant 2 : i32
        %rem3A_559 = arith.remsi %div3A_557, %rem3A_558 : i32
        %rem3A_560 = arith.constant 32 : i32
        %rem3A_561 = arith.remsi %add3A_555, %rem3A_560 : i32
        %dma_start3A_562 = arith.constant 0 : i32
        %dma_start3A_563 = tpu.memref_slice %arg6[%rem3A_559, %rem3A_561, %dma_start3A_562] : memref<2x32x125xi32, #tpu.memory_space<vmem>> -> memref<1x1x125xi32, #tpu.memory_space<vmem>>
        %dma_start3A_564 = tpu.memref_squeeze %dma_start3A_563 : memref<1x1x125xi32, #tpu.memory_space<vmem>> -> memref<125xi32, #tpu.memory_space<vmem>>
        %dma_start3A_565 = arith.constant 0 : i32
        %dma_start3A_566 = arith.constant 0 : i32
        %dma_start3A_567 = tpu.memref_slice %arg2[%arg0, %dma_start3A_565, %dma_start3A_566] : memref<2x10000x32xf32, #tpu.memory_space<hbm>> -> memref<1x10000x32xf32, #tpu.memory_space<hbm>>
        %dma_start3A_568 = tpu.memref_squeeze %dma_start3A_567 : memref<1x10000x32xf32, #tpu.memory_space<hbm>> -> memref<10000x32xf32, #tpu.memory_space<hbm>>
        %dma_start3A_569 = arith.constant 0 : i32
        %dma_start3A_570 = arith.constant 0 : i32
        %dma_start3A_571 = tpu.memref_slice %dma_start3A_568[%dma_start3A_569, %dma_start3A_570] : memref<10000x32xf32, #tpu.memory_space<hbm>> -> memref<10000x32xf32, #tpu.memory_space<hbm>>
        tpu.enqueue_indirect_dma source(%dma_start3A_571 : memref<10000x32xf32, #tpu.memory_space<hbm>>) target(%arg10 : memref<125x32xf32, #tpu.memory_space<vmem>>) offsets(%dma_start3A_564 : memref<125xi32, #tpu.memory_space<vmem>>) semaphore(%arg18 : memref<!tpu.dma_semaphore, #tpu.memory_space<semaphore_mem>>)
      } else {
      }
      %add3A_390 = arith.constant 4 : i32
      %add3A_391 = arith.addi %add3A_196, %add3A_390 : i32
      %dma_wait3A_392 = arith.constant 0 : i32
      %dma_wait3A_393 = arith.constant 0 : i32
      %dma_wait3A_394 = arith.constant 0 : i32
      %dma_wait3A_395 = tpu.memref_slice %arg6[%dma_wait3A_392, %dma_wait3A_393, %dma_wait3A_394] : memref<2x32x125xi32, #tpu.memory_space<vmem>> -> memref<1x1x125xi32, #tpu.memory_space<vmem>>
      %dma_wait3A_396 = tpu.memref_squeeze %dma_wait3A_395 : memref<1x1x125xi32, #tpu.memory_space<vmem>> -> memref<125xi32, #tpu.memory_space<vmem>>
      %dma_wait3A_397 = arith.constant 0 : i32
      %dma_wait3A_398 = arith.constant 0 : i32
      %dma_wait3A_399 = tpu.memref_slice %arg2[%arg0, %dma_wait3A_397, %dma_wait3A_398] : memref<2x10000x32xf32, #tpu.memory_space<hbm>> -> memref<1x10000x32xf32, #tpu.memory_space<hbm>>
      %dma_wait3A_400 = tpu.memref_squeeze %dma_wait3A_399 : memref<1x10000x32xf32, #tpu.memory_space<hbm>> -> memref<10000x32xf32, #tpu.memory_space<hbm>>
      %dma_wait3A_401 = arith.constant 0 : i32
      %dma_wait3A_402 = arith.constant 0 : i32
      %dma_wait3A_403 = tpu.memref_slice %dma_wait3A_400[%dma_wait3A_401, %dma_wait3A_402] : memref<10000x32xf32, #tpu.memory_space<hbm>> -> memref<10000x32xf32, #tpu.memory_space<hbm>>
      tpu.wait_indirect_dma semaphore(%arg21 : memref<!tpu.dma_semaphore, #tpu.memory_space<semaphore_mem>>) src(%dma_wait3A_403 : memref<10000x32xf32, #tpu.memory_space<hbm>>) dst(%arg13 : memref<125x32xf32, #tpu.memory_space<vmem>>)
      %div3A_404 = arith.constant 32 : i32
      %div3A_405 = arith.divsi %add3A_391, %div3A_404 : i32
      %rem3A_406 = arith.constant 2 : i32
      %rem3A_407 = arith.remsi %div3A_405, %rem3A_406 : i32
      %rem3A_408 = arith.constant 32 : i32
      %rem3A_409 = arith.remsi %add3A_391, %rem3A_408 : i32
      %dma_start3A_410 = arith.constant 0 : i32
      %dma_start3A_411 = tpu.memref_slice %arg7[%rem3A_407, %rem3A_409, %dma_start3A_410] : memref<2x32x125xi32, #tpu.memory_space<vmem>> -> memref<1x1x125xi32, #tpu.memory_space<vmem>>
      %dma_start3A_412 = tpu.memref_squeeze %dma_start3A_411 : memref<1x1x125xi32, #tpu.memory_space<vmem>> -> memref<125xi32, #tpu.memory_space<vmem>>
      %dma_start3A_413 = arith.constant 0 : i32
      %dma_start3A_414 = arith.constant 0 : i32
      %dma_start3A_415 = tpu.memref_slice %arg8[%dma_start3A_413, %dma_start3A_414] : memref<10240x32xf32, #tpu.memory_space<vmem_shared>> -> memref<10240x32xf32, #tpu.memory_space<vmem_shared>>
      tpu.enqueue_indirect_dma source(%arg13 : memref<125x32xf32, #tpu.memory_space<vmem>>) target(%dma_start3A_415 : memref<10240x32xf32, #tpu.memory_space<vmem_shared>>) offsets(%dma_start3A_412 : memref<125xi32, #tpu.memory_space<vmem>>) semaphore(%arg29 : memref<!tpu.dma_semaphore, #tpu.memory_space<semaphore_mem>>) {add = true}
      %dma_wait3A_416 = arith.constant 0 : i32
      %dma_wait3A_417 = arith.constant 0 : i32
      %dma_wait3A_418 = arith.constant 0 : i32
      %dma_wait3A_419 = tpu.memref_slice %arg7[%dma_wait3A_416, %dma_wait3A_417, %dma_wait3A_418] : memref<2x32x125xi32, #tpu.memory_space<vmem>> -> memref<1x1x125xi32, #tpu.memory_space<vmem>>
      %dma_wait3A_420 = tpu.memref_squeeze %dma_wait3A_419 : memref<1x1x125xi32, #tpu.memory_space<vmem>> -> memref<125xi32, #tpu.memory_space<vmem>>
      %dma_wait3A_421 = arith.constant 0 : i32
      %dma_wait3A_422 = arith.constant 0 : i32
      %dma_wait3A_423 = tpu.memref_slice %arg8[%dma_wait3A_421, %dma_wait3A_422] : memref<10240x32xf32, #tpu.memory_space<vmem_shared>> -> memref<10240x32xf32, #tpu.memory_space<vmem_shared>>
      tpu.wait_indirect_dma semaphore(%arg27 : memref<!tpu.dma_semaphore, #tpu.memory_space<semaphore_mem>>) src(%arg11 : memref<125x32xf32, #tpu.memory_space<vmem>>) dst(%dma_wait3A_423 : memref<10240x32xf32, #tpu.memory_space<vmem_shared>>)
      %add3A_424 = arith.constant 6 : i32
      %add3A_425 = arith.addi %add3A_391, %add3A_424 : i32
      %lt3A_426 = arith.constant 160 : i32
      %lt3A_427 = arith.cmpi slt, %add3A_425, %lt3A_426 : i32
      %convert_element_type3A_428 = arith.extui %lt3A_427 : i1 to i32
      %cond3A_429 = arith.constant 0 : i32
      %cond3A_430 = arith.cmpi ne, %convert_element_type3A_428, %cond3A_429 : i32
      scf.if %cond3A_430 {
        %add3A_554 = arith.constant 6 : i32
        %add3A_555 = arith.addi %add3A_391, %add3A_554 : i32
        %div3A_556 = arith.constant 32 : i32
        %div3A_557 = arith.divsi %add3A_555, %div3A_556 : i32
        %rem3A_558 = arith.constant 2 : i32
        %rem3A_559 = arith.remsi %div3A_557, %rem3A_558 : i32
        %rem3A_560 = arith.constant 32 : i32
        %rem3A_561 = arith.remsi %add3A_555, %rem3A_560 : i32
        %dma_start3A_562 = arith.constant 0 : i32
        %dma_start3A_563 = tpu.memref_slice %arg6[%rem3A_559, %rem3A_561, %dma_start3A_562] : memref<2x32x125xi32, #tpu.memory_space<vmem>> -> memref<1x1x125xi32, #tpu.memory_space<vmem>>
        %dma_start3A_564 = tpu.memref_squeeze %dma_start3A_563 : memref<1x1x125xi32, #tpu.memory_space<vmem>> -> memref<125xi32, #tpu.memory_space<vmem>>
        %dma_start3A_565 = arith.constant 0 : i32
        %dma_start3A_566 = arith.constant 0 : i32
        %dma_start3A_567 = tpu.memref_slice %arg2[%arg0, %dma_start3A_565, %dma_start3A_566] : memref<2x10000x32xf32, #tpu.memory_space<hbm>> -> memref<1x10000x32xf32, #tpu.memory_space<hbm>>
        %dma_start3A_568 = tpu.memref_squeeze %dma_start3A_567 : memref<1x10000x32xf32, #tpu.memory_space<hbm>> -> memref<10000x32xf32, #tpu.memory_space<hbm>>
        %dma_start3A_569 = arith.constant 0 : i32
        %dma_start3A_570 = arith.constant 0 : i32
        %dma_start3A_571 = tpu.memref_slice %dma_start3A_568[%dma_start3A_569, %dma_start3A_570] : memref<10000x32xf32, #tpu.memory_space<hbm>> -> memref<10000x32xf32, #tpu.memory_space<hbm>>
        tpu.enqueue_indirect_dma source(%dma_start3A_571 : memref<10000x32xf32, #tpu.memory_space<hbm>>) target(%arg11 : memref<125x32xf32, #tpu.memory_space<vmem>>) offsets(%dma_start3A_564 : memref<125xi32, #tpu.memory_space<vmem>>) semaphore(%arg19 : memref<!tpu.dma_semaphore, #tpu.memory_space<semaphore_mem>>)
      } else {
      }
      %add3A_431 = arith.constant 5 : i32
      %add3A_432 = arith.addi %add3A_196, %add3A_431 : i32
      %dma_wait3A_433 = arith.constant 0 : i32
      %dma_wait3A_434 = arith.constant 0 : i32
      %dma_wait3A_435 = arith.constant 0 : i32
      %dma_wait3A_436 = tpu.memref_slice %arg6[%dma_wait3A_433, %dma_wait3A_434, %dma_wait3A_435] : memref<2x32x125xi32, #tpu.memory_space<vmem>> -> memref<1x1x125xi32, #tpu.memory_space<vmem>>
      %dma_wait3A_437 = tpu.memref_squeeze %dma_wait3A_436 : memref<1x1x125xi32, #tpu.memory_space<vmem>> -> memref<125xi32, #tpu.memory_space<vmem>>
      %dma_wait3A_438 = arith.constant 0 : i32
      %dma_wait3A_439 = arith.constant 0 : i32
      %dma_wait3A_440 = tpu.memref_slice %arg2[%arg0, %dma_wait3A_438, %dma_wait3A_439] : memref<2x10000x32xf32, #tpu.memory_space<hbm>> -> memref<1x10000x32xf32, #tpu.memory_space<hbm>>
      %dma_wait3A_441 = tpu.memref_squeeze %dma_wait3A_440 : memref<1x10000x32xf32, #tpu.memory_space<hbm>> -> memref<10000x32xf32, #tpu.memory_space<hbm>>
      %dma_wait3A_442 = arith.constant 0 : i32
      %dma_wait3A_443 = arith.constant 0 : i32
      %dma_wait3A_444 = tpu.memref_slice %dma_wait3A_441[%dma_wait3A_442, %dma_wait3A_443] : memref<10000x32xf32, #tpu.memory_space<hbm>> -> memref<10000x32xf32, #tpu.memory_space<hbm>>
      tpu.wait_indirect_dma semaphore(%arg22 : memref<!tpu.dma_semaphore, #tpu.memory_space<semaphore_mem>>) src(%dma_wait3A_444 : memref<10000x32xf32, #tpu.memory_space<hbm>>) dst(%arg14 : memref<125x32xf32, #tpu.memory_space<vmem>>)
      %div3A_445 = arith.constant 32 : i32
      %div3A_446 = arith.divsi %add3A_432, %div3A_445 : i32
      %rem3A_447 = arith.constant 2 : i32
      %rem3A_448 = arith.remsi %div3A_446, %rem3A_447 : i32
      %rem3A_449 = arith.constant 32 : i32
      %rem3A_450 = arith.remsi %add3A_432, %rem3A_449 : i32
      %dma_start3A_451 = arith.constant 0 : i32
      %dma_start3A_452 = tpu.memref_slice %arg7[%rem3A_448, %rem3A_450, %dma_start3A_451] : memref<2x32x125xi32, #tpu.memory_space<vmem>> -> memref<1x1x125xi32, #tpu.memory_space<vmem>>
      %dma_start3A_453 = tpu.memref_squeeze %dma_start3A_452 : memref<1x1x125xi32, #tpu.memory_space<vmem>> -> memref<125xi32, #tpu.memory_space<vmem>>
      %dma_start3A_454 = arith.constant 0 : i32
      %dma_start3A_455 = arith.constant 0 : i32
      %dma_start3A_456 = tpu.memref_slice %arg8[%dma_start3A_454, %dma_start3A_455] : memref<10240x32xf32, #tpu.memory_space<vmem_shared>> -> memref<10240x32xf32, #tpu.memory_space<vmem_shared>>
      tpu.enqueue_indirect_dma source(%arg14 : memref<125x32xf32, #tpu.memory_space<vmem>>) target(%dma_start3A_456 : memref<10240x32xf32, #tpu.memory_space<vmem_shared>>) offsets(%dma_start3A_453 : memref<125xi32, #tpu.memory_space<vmem>>) semaphore(%arg30 : memref<!tpu.dma_semaphore, #tpu.memory_space<semaphore_mem>>) {add = true}
      %dma_wait3A_457 = arith.constant 0 : i32
      %dma_wait3A_458 = arith.constant 0 : i32
      %dma_wait3A_459 = arith.constant 0 : i32
      %dma_wait3A_460 = tpu.memref_slice %arg7[%dma_wait3A_457, %dma_wait3A_458, %dma_wait3A_459] : memref<2x32x125xi32, #tpu.memory_space<vmem>> -> memref<1x1x125xi32, #tpu.memory_space<vmem>>
      %dma_wait3A_461 = tpu.memref_squeeze %dma_wait3A_460 : memref<1x1x125xi32, #tpu.memory_space<vmem>> -> memref<125xi32, #tpu.memory_space<vmem>>
      %dma_wait3A_462 = arith.constant 0 : i32
      %dma_wait3A_463 = arith.constant 0 : i32
      %dma_wait3A_464 = tpu.memref_slice %arg8[%dma_wait3A_462, %dma_wait3A_463] : memref<10240x32xf32, #tpu.memory_space<vmem_shared>> -> memref<10240x32xf32, #tpu.memory_space<vmem_shared>>
      tpu.wait_indirect_dma semaphore(%arg28 : memref<!tpu.dma_semaphore, #tpu.memory_space<semaphore_mem>>) src(%arg12 : memref<125x32xf32, #tpu.memory_space<vmem>>) dst(%dma_wait3A_464 : memref<10240x32xf32, #tpu.memory_space<vmem_shared>>)
      %add3A_465 = arith.constant 6 : i32
      %add3A_466 = arith.addi %add3A_432, %add3A_465 : i32
      %lt3A_467 = arith.constant 160 : i32
      %lt3A_468 = arith.cmpi slt, %add3A_466, %lt3A_467 : i32
      %convert_element_type3A_469 = arith.extui %lt3A_468 : i1 to i32
      %cond3A_470 = arith.constant 0 : i32
      %cond3A_471 = arith.cmpi ne, %convert_element_type3A_469, %cond3A_470 : i32
      scf.if %cond3A_471 {
        %add3A_554 = arith.constant 6 : i32
        %add3A_555 = arith.addi %add3A_432, %add3A_554 : i32
        %div3A_556 = arith.constant 32 : i32
        %div3A_557 = arith.divsi %add3A_555, %div3A_556 : i32
        %rem3A_558 = arith.constant 2 : i32
        %rem3A_559 = arith.remsi %div3A_557, %rem3A_558 : i32
        %rem3A_560 = arith.constant 32 : i32
        %rem3A_561 = arith.remsi %add3A_555, %rem3A_560 : i32
        %dma_start3A_562 = arith.constant 0 : i32
        %dma_start3A_563 = tpu.memref_slice %arg6[%rem3A_559, %rem3A_561, %dma_start3A_562] : memref<2x32x125xi32, #tpu.memory_space<vmem>> -> memref<1x1x125xi32, #tpu.memory_space<vmem>>
        %dma_start3A_564 = tpu.memref_squeeze %dma_start3A_563 : memref<1x1x125xi32, #tpu.memory_space<vmem>> -> memref<125xi32, #tpu.memory_space<vmem>>
        %dma_start3A_565 = arith.constant 0 : i32
        %dma_start3A_566 = arith.constant 0 : i32
        %dma_start3A_567 = tpu.memref_slice %arg2[%arg0, %dma_start3A_565, %dma_start3A_566] : memref<2x10000x32xf32, #tpu.memory_space<hbm>> -> memref<1x10000x32xf32, #tpu.memory_space<hbm>>
        %dma_start3A_568 = tpu.memref_squeeze %dma_start3A_567 : memref<1x10000x32xf32, #tpu.memory_space<hbm>> -> memref<10000x32xf32, #tpu.memory_space<hbm>>
        %dma_start3A_569 = arith.constant 0 : i32
        %dma_start3A_570 = arith.constant 0 : i32
        %dma_start3A_571 = tpu.memref_slice %dma_start3A_568[%dma_start3A_569, %dma_start3A_570] : memref<10000x32xf32, #tpu.memory_space<hbm>> -> memref<10000x32xf32, #tpu.memory_space<hbm>>
        tpu.enqueue_indirect_dma source(%dma_start3A_571 : memref<10000x32xf32, #tpu.memory_space<hbm>>) target(%arg12 : memref<125x32xf32, #tpu.memory_space<vmem>>) offsets(%dma_start3A_564 : memref<125xi32, #tpu.memory_space<vmem>>) semaphore(%arg20 : memref<!tpu.dma_semaphore, #tpu.memory_space<semaphore_mem>>)
      } else {
      }
      %add3A_472 = arith.constant 6 : i32
      %add3A_473 = arith.addi %add3A_196, %add3A_472 : i32
      %dma_wait3A_474 = arith.constant 0 : i32
      %dma_wait3A_475 = arith.constant 0 : i32
      %dma_wait3A_476 = arith.constant 0 : i32
      %dma_wait3A_477 = tpu.memref_slice %arg6[%dma_wait3A_474, %dma_wait3A_475, %dma_wait3A_476] : memref<2x32x125xi32, #tpu.memory_space<vmem>> -> memref<1x1x125xi32, #tpu.memory_space<vmem>>
      %dma_wait3A_478 = tpu.memref_squeeze %dma_wait3A_477 : memref<1x1x125xi32, #tpu.memory_space<vmem>> -> memref<125xi32, #tpu.memory_space<vmem>>
      %dma_wait3A_479 = arith.constant 0 : i32
      %dma_wait3A_480 = arith.constant 0 : i32
      %dma_wait3A_481 = tpu.memref_slice %arg2[%arg0, %dma_wait3A_479, %dma_wait3A_480] : memref<2x10000x32xf32, #tpu.memory_space<hbm>> -> memref<1x10000x32xf32, #tpu.memory_space<hbm>>
      %dma_wait3A_482 = tpu.memref_squeeze %dma_wait3A_481 : memref<1x10000x32xf32, #tpu.memory_space<hbm>> -> memref<10000x32xf32, #tpu.memory_space<hbm>>
      %dma_wait3A_483 = arith.constant 0 : i32
      %dma_wait3A_484 = arith.constant 0 : i32
      %dma_wait3A_485 = tpu.memref_slice %dma_wait3A_482[%dma_wait3A_483, %dma_wait3A_484] : memref<10000x32xf32, #tpu.memory_space<hbm>> -> memref<10000x32xf32, #tpu.memory_space<hbm>>
      tpu.wait_indirect_dma semaphore(%arg23 : memref<!tpu.dma_semaphore, #tpu.memory_space<semaphore_mem>>) src(%dma_wait3A_485 : memref<10000x32xf32, #tpu.memory_space<hbm>>) dst(%arg15 : memref<125x32xf32, #tpu.memory_space<vmem>>)
      %div3A_486 = arith.constant 32 : i32
      %div3A_487 = arith.divsi %add3A_473, %div3A_486 : i32
      %rem3A_488 = arith.constant 2 : i32
      %rem3A_489 = arith.remsi %div3A_487, %rem3A_488 : i32
      %rem3A_490 = arith.constant 32 : i32
      %rem3A_491 = arith.remsi %add3A_473, %rem3A_490 : i32
      %dma_start3A_492 = arith.constant 0 : i32
      %dma_start3A_493 = tpu.memref_slice %arg7[%rem3A_489, %rem3A_491, %dma_start3A_492] : memref<2x32x125xi32, #tpu.memory_space<vmem>> -> memref<1x1x125xi32, #tpu.memory_space<vmem>>
      %dma_start3A_494 = tpu.memref_squeeze %dma_start3A_493 : memref<1x1x125xi32, #tpu.memory_space<vmem>> -> memref<125xi32, #tpu.memory_space<vmem>>
      %dma_start3A_495 = arith.constant 0 : i32
      %dma_start3A_496 = arith.constant 0 : i32
      %dma_start3A_497 = tpu.memref_slice %arg8[%dma_start3A_495, %dma_start3A_496] : memref<10240x32xf32, #tpu.memory_space<vmem_shared>> -> memref<10240x32xf32, #tpu.memory_space<vmem_shared>>
      tpu.enqueue_indirect_dma source(%arg15 : memref<125x32xf32, #tpu.memory_space<vmem>>) target(%dma_start3A_497 : memref<10240x32xf32, #tpu.memory_space<vmem_shared>>) offsets(%dma_start3A_494 : memref<125xi32, #tpu.memory_space<vmem>>) semaphore(%arg31 : memref<!tpu.dma_semaphore, #tpu.memory_space<semaphore_mem>>) {add = true}
      %dma_wait3A_498 = arith.constant 0 : i32
      %dma_wait3A_499 = arith.constant 0 : i32
      %dma_wait3A_500 = arith.constant 0 : i32
      %dma_wait3A_501 = tpu.memref_slice %arg7[%dma_wait3A_498, %dma_wait3A_499, %dma_wait3A_500] : memref<2x32x125xi32, #tpu.memory_space<vmem>> -> memref<1x1x125xi32, #tpu.memory_space<vmem>>
      %dma_wait3A_502 = tpu.memref_squeeze %dma_wait3A_501 : memref<1x1x125xi32, #tpu.memory_space<vmem>> -> memref<125xi32, #tpu.memory_space<vmem>>
      %dma_wait3A_503 = arith.constant 0 : i32
      %dma_wait3A_504 = arith.constant 0 : i32
      %dma_wait3A_505 = tpu.memref_slice %arg8[%dma_wait3A_503, %dma_wait3A_504] : memref<10240x32xf32, #tpu.memory_space<vmem_shared>> -> memref<10240x32xf32, #tpu.memory_space<vmem_shared>>
      tpu.wait_indirect_dma semaphore(%arg29 : memref<!tpu.dma_semaphore, #tpu.memory_space<semaphore_mem>>) src(%arg13 : memref<125x32xf32, #tpu.memory_space<vmem>>) dst(%dma_wait3A_505 : memref<10240x32xf32, #tpu.memory_space<vmem_shared>>)
      %add3A_506 = arith.constant 6 : i32
      %add3A_507 = arith.addi %add3A_473, %add3A_506 : i32
      %lt3A_508 = arith.constant 160 : i32
      %lt3A_509 = arith.cmpi slt, %add3A_507, %lt3A_508 : i32
      %convert_element_type3A_510 = arith.extui %lt3A_509 : i1 to i32
      %cond3A_511 = arith.constant 0 : i32
      %cond3A_512 = arith.cmpi ne, %convert_element_type3A_510, %cond3A_511 : i32
      scf.if %cond3A_512 {
        %add3A_554 = arith.constant 6 : i32
        %add3A_555 = arith.addi %add3A_473, %add3A_554 : i32
        %div3A_556 = arith.constant 32 : i32
        %div3A_557 = arith.divsi %add3A_555, %div3A_556 : i32
        %rem3A_558 = arith.constant 2 : i32
        %rem3A_559 = arith.remsi %div3A_557, %rem3A_558 : i32
        %rem3A_560 = arith.constant 32 : i32
        %rem3A_561 = arith.remsi %add3A_555, %rem3A_560 : i32
        %dma_start3A_562 = arith.constant 0 : i32
        %dma_start3A_563 = tpu.memref_slice %arg6[%rem3A_559, %rem3A_561, %dma_start3A_562] : memref<2x32x125xi32, #tpu.memory_space<vmem>> -> memref<1x1x125xi32, #tpu.memory_space<vmem>>
        %dma_start3A_564 = tpu.memref_squeeze %dma_start3A_563 : memref<1x1x125xi32, #tpu.memory_space<vmem>> -> memref<125xi32, #tpu.memory_space<vmem>>
        %dma_start3A_565 = arith.constant 0 : i32
        %dma_start3A_566 = arith.constant 0 : i32
        %dma_start3A_567 = tpu.memref_slice %arg2[%arg0, %dma_start3A_565, %dma_start3A_566] : memref<2x10000x32xf32, #tpu.memory_space<hbm>> -> memref<1x10000x32xf32, #tpu.memory_space<hbm>>
        %dma_start3A_568 = tpu.memref_squeeze %dma_start3A_567 : memref<1x10000x32xf32, #tpu.memory_space<hbm>> -> memref<10000x32xf32, #tpu.memory_space<hbm>>
        %dma_start3A_569 = arith.constant 0 : i32
        %dma_start3A_570 = arith.constant 0 : i32
        %dma_start3A_571 = tpu.memref_slice %dma_start3A_568[%dma_start3A_569, %dma_start3A_570] : memref<10000x32xf32, #tpu.memory_space<hbm>> -> memref<10000x32xf32, #tpu.memory_space<hbm>>
        tpu.enqueue_indirect_dma source(%dma_start3A_571 : memref<10000x32xf32, #tpu.memory_space<hbm>>) target(%arg13 : memref<125x32xf32, #tpu.memory_space<vmem>>) offsets(%dma_start3A_564 : memref<125xi32, #tpu.memory_space<vmem>>) semaphore(%arg21 : memref<!tpu.dma_semaphore, #tpu.memory_space<semaphore_mem>>)
      } else {
      }
      %add3A_513 = arith.constant 7 : i32
      %add3A_514 = arith.addi %add3A_196, %add3A_513 : i32
      %dma_wait3A_515 = arith.constant 0 : i32
      %dma_wait3A_516 = arith.constant 0 : i32
      %dma_wait3A_517 = arith.constant 0 : i32
      %dma_wait3A_518 = tpu.memref_slice %arg6[%dma_wait3A_515, %dma_wait3A_516, %dma_wait3A_517] : memref<2x32x125xi32, #tpu.memory_space<vmem>> -> memref<1x1x125xi32, #tpu.memory_space<vmem>>
      %dma_wait3A_519 = tpu.memref_squeeze %dma_wait3A_518 : memref<1x1x125xi32, #tpu.memory_space<vmem>> -> memref<125xi32, #tpu.memory_space<vmem>>
      %dma_wait3A_520 = arith.constant 0 : i32
      %dma_wait3A_521 = arith.constant 0 : i32
      %dma_wait3A_522 = tpu.memref_slice %arg2[%arg0, %dma_wait3A_520, %dma_wait3A_521] : memref<2x10000x32xf32, #tpu.memory_space<hbm>> -> memref<1x10000x32xf32, #tpu.memory_space<hbm>>
      %dma_wait3A_523 = tpu.memref_squeeze %dma_wait3A_522 : memref<1x10000x32xf32, #tpu.memory_space<hbm>> -> memref<10000x32xf32, #tpu.memory_space<hbm>>
      %dma_wait3A_524 = arith.constant 0 : i32
      %dma_wait3A_525 = arith.constant 0 : i32
      %dma_wait3A_526 = tpu.memref_slice %dma_wait3A_523[%dma_wait3A_524, %dma_wait3A_525] : memref<10000x32xf32, #tpu.memory_space<hbm>> -> memref<10000x32xf32, #tpu.memory_space<hbm>>
      tpu.wait_indirect_dma semaphore(%arg24 : memref<!tpu.dma_semaphore, #tpu.memory_space<semaphore_mem>>) src(%dma_wait3A_526 : memref<10000x32xf32, #tpu.memory_space<hbm>>) dst(%arg16 : memref<125x32xf32, #tpu.memory_space<vmem>>)
      %div3A_527 = arith.constant 32 : i32
      %div3A_528 = arith.divsi %add3A_514, %div3A_527 : i32
      %rem3A_529 = arith.constant 2 : i32
      %rem3A_530 = arith.remsi %div3A_528, %rem3A_529 : i32
      %rem3A_531 = arith.constant 32 : i32
      %rem3A_532 = arith.remsi %add3A_514, %rem3A_531 : i32
      %dma_start3A_533 = arith.constant 0 : i32
      %dma_start3A_534 = tpu.memref_slice %arg7[%rem3A_530, %rem3A_532, %dma_start3A_533] : memref<2x32x125xi32, #tpu.memory_space<vmem>> -> memref<1x1x125xi32, #tpu.memory_space<vmem>>
      %dma_start3A_535 = tpu.memref_squeeze %dma_start3A_534 : memref<1x1x125xi32, #tpu.memory_space<vmem>> -> memref<125xi32, #tpu.memory_space<vmem>>
      %dma_start3A_536 = arith.constant 0 : i32
      %dma_start3A_537 = arith.constant 0 : i32
      %dma_start3A_538 = tpu.memref_slice %arg8[%dma_start3A_536, %dma_start3A_537] : memref<10240x32xf32, #tpu.memory_space<vmem_shared>> -> memref<10240x32xf32, #tpu.memory_space<vmem_shared>>
      tpu.enqueue_indirect_dma source(%arg16 : memref<125x32xf32, #tpu.memory_space<vmem>>) target(%dma_start3A_538 : memref<10240x32xf32, #tpu.memory_space<vmem_shared>>) offsets(%dma_start3A_535 : memref<125xi32, #tpu.memory_space<vmem>>) semaphore(%arg32 : memref<!tpu.dma_semaphore, #tpu.memory_space<semaphore_mem>>) {add = true}
      %dma_wait3A_539 = arith.constant 0 : i32
      %dma_wait3A_540 = arith.constant 0 : i32
      %dma_wait3A_541 = arith.constant 0 : i32
      %dma_wait3A_542 = tpu.memref_slice %arg7[%dma_wait3A_539, %dma_wait3A_540, %dma_wait3A_541] : memref<2x32x125xi32, #tpu.memory_space<vmem>> -> memref<1x1x125xi32, #tpu.memory_space<vmem>>
      %dma_wait3A_543 = tpu.memref_squeeze %dma_wait3A_542 : memref<1x1x125xi32, #tpu.memory_space<vmem>> -> memref<125xi32, #tpu.memory_space<vmem>>
      %dma_wait3A_544 = arith.constant 0 : i32
      %dma_wait3A_545 = arith.constant 0 : i32
      %dma_wait3A_546 = tpu.memref_slice %arg8[%dma_wait3A_544, %dma_wait3A_545] : memref<10240x32xf32, #tpu.memory_space<vmem_shared>> -> memref<10240x32xf32, #tpu.memory_space<vmem_shared>>
      tpu.wait_indirect_dma semaphore(%arg30 : memref<!tpu.dma_semaphore, #tpu.memory_space<semaphore_mem>>) src(%arg14 : memref<125x32xf32, #tpu.memory_space<vmem>>) dst(%dma_wait3A_546 : memref<10240x32xf32, #tpu.memory_space<vmem_shared>>)
      %add3A_547 = arith.constant 6 : i32
      %add3A_548 = arith.addi %add3A_514, %add3A_547 : i32
      %lt3A_549 = arith.constant 160 : i32
      %lt3A_550 = arith.cmpi slt, %add3A_548, %lt3A_549 : i32
      %convert_element_type3A_551 = arith.extui %lt3A_550 : i1 to i32
      %cond3A_552 = arith.constant 0 : i32
      %cond3A_553 = arith.cmpi ne, %convert_element_type3A_551, %cond3A_552 : i32
      scf.if %cond3A_553 {
        %add3A_554 = arith.constant 6 : i32
        %add3A_555 = arith.addi %add3A_514, %add3A_554 : i32
        %div3A_556 = arith.constant 32 : i32
        %div3A_557 = arith.divsi %add3A_555, %div3A_556 : i32
        %rem3A_558 = arith.constant 2 : i32
        %rem3A_559 = arith.remsi %div3A_557, %rem3A_558 : i32
        %rem3A_560 = arith.constant 32 : i32
        %rem3A_561 = arith.remsi %add3A_555, %rem3A_560 : i32
        %dma_start3A_562 = arith.constant 0 : i32
        %dma_start3A_563 = tpu.memref_slice %arg6[%rem3A_559, %rem3A_561, %dma_start3A_562] : memref<2x32x125xi32, #tpu.memory_space<vmem>> -> memref<1x1x125xi32, #tpu.memory_space<vmem>>
        %dma_start3A_564 = tpu.memref_squeeze %dma_start3A_563 : memref<1x1x125xi32, #tpu.memory_space<vmem>> -> memref<125xi32, #tpu.memory_space<vmem>>
        %dma_start3A_565 = arith.constant 0 : i32
        %dma_start3A_566 = arith.constant 0 : i32
        %dma_start3A_567 = tpu.memref_slice %arg2[%arg0, %dma_start3A_565, %dma_start3A_566] : memref<2x10000x32xf32, #tpu.memory_space<hbm>> -> memref<1x10000x32xf32, #tpu.memory_space<hbm>>
        %dma_start3A_568 = tpu.memref_squeeze %dma_start3A_567 : memref<1x10000x32xf32, #tpu.memory_space<hbm>> -> memref<10000x32xf32, #tpu.memory_space<hbm>>
        %dma_start3A_569 = arith.constant 0 : i32
        %dma_start3A_570 = arith.constant 0 : i32
        %dma_start3A_571 = tpu.memref_slice %dma_start3A_568[%dma_start3A_569, %dma_start3A_570] : memref<10000x32xf32, #tpu.memory_space<hbm>> -> memref<10000x32xf32, #tpu.memory_space<hbm>>
        tpu.enqueue_indirect_dma source(%dma_start3A_571 : memref<10000x32xf32, #tpu.memory_space<hbm>>) target(%arg14 : memref<125x32xf32, #tpu.memory_space<vmem>>) offsets(%dma_start3A_564 : memref<125xi32, #tpu.memory_space<vmem>>) semaphore(%arg22 : memref<!tpu.dma_semaphore, #tpu.memory_space<semaphore_mem>>)
      } else {
      }
    }
    %scan3A_170 = arith.constant 20 : i32
    %dma_wait3A_171 = arith.constant 0 : i32
    %dma_wait3A_172 = arith.constant 0 : i32
    %dma_wait3A_173 = arith.constant 0 : i32
    %dma_wait3A_174 = tpu.memref_slice %arg7[%dma_wait3A_171, %dma_wait3A_172, %dma_wait3A_173] : memref<2x32x125xi32, #tpu.memory_space<vmem>> -> memref<1x1x125xi32, #tpu.memory_space<vmem>>
    %dma_wait3A_175 = tpu.memref_squeeze %dma_wait3A_174 : memref<1x1x125xi32, #tpu.memory_space<vmem>> -> memref<125xi32, #tpu.memory_space<vmem>>
    %dma_wait3A_176 = arith.constant 0 : i32
    %dma_wait3A_177 = arith.constant 0 : i32
    %dma_wait3A_178 = tpu.memref_slice %arg8[%dma_wait3A_176, %dma_wait3A_177] : memref<10240x32xf32, #tpu.memory_space<vmem_shared>> -> memref<10240x32xf32, #tpu.memory_space<vmem_shared>>
    tpu.wait_indirect_dma semaphore(%arg31 : memref<!tpu.dma_semaphore, #tpu.memory_space<semaphore_mem>>) src(%arg15 : memref<125x32xf32, #tpu.memory_space<vmem>>) dst(%dma_wait3A_178 : memref<10240x32xf32, #tpu.memory_space<vmem_shared>>)
    %dma_wait3A_179 = arith.constant 0 : i32
    %dma_wait3A_180 = arith.constant 0 : i32
    %dma_wait3A_181 = arith.constant 0 : i32
    %dma_wait3A_182 = tpu.memref_slice %arg7[%dma_wait3A_179, %dma_wait3A_180, %dma_wait3A_181] : memref<2x32x125xi32, #tpu.memory_space<vmem>> -> memref<1x1x125xi32, #tpu.memory_space<vmem>>
    %dma_wait3A_183 = tpu.memref_squeeze %dma_wait3A_182 : memref<1x1x125xi32, #tpu.memory_space<vmem>> -> memref<125xi32, #tpu.memory_space<vmem>>
    %dma_wait3A_184 = arith.constant 0 : i32
    %dma_wait3A_185 = arith.constant 0 : i32
    %dma_wait3A_186 = tpu.memref_slice %arg8[%dma_wait3A_184, %dma_wait3A_185] : memref<10240x32xf32, #tpu.memory_space<vmem_shared>> -> memref<10240x32xf32, #tpu.memory_space<vmem_shared>>
    tpu.wait_indirect_dma semaphore(%arg32 : memref<!tpu.dma_semaphore, #tpu.memory_space<semaphore_mem>>) src(%arg16 : memref<125x32xf32, #tpu.memory_space<vmem>>) dst(%dma_wait3A_186 : memref<10240x32xf32, #tpu.memory_space<vmem_shared>>)
    %barrier3A_187 = arith.constant 0 : index
    tpu.barrier barrier_id(%barrier3A_187)
    %mul3A_188 = arith.constant 640 : i32
    %mul3A_189 = arith.muli %arg1, %mul3A_188 : i32
    %mul3A_190 = arith.constant 640 : i32
    %mul3A_191 = arith.muli %arg1, %mul3A_190 : i32
    "tpu.region"() ({
      %run_scoped3A = tpu.sem_alloc : memref<!tpu.dma_semaphore, #tpu.memory_space<semaphore_mem>>
      %dma_start3A_192 = arith.constant 0 : i32
      %dma_start3A_193 = arith.constant 0 : i32
      %dma_start3A_194 = tpu.memref_slice %arg5[%arg0, %dma_start3A_192, %dma_start3A_193] : memref<2x10240x32xf32, #tpu.memory_space<hbm>> -> memref<1x10240x32xf32, #tpu.memory_space<hbm>>
      %dma_start3A_195 = tpu.memref_squeeze %dma_start3A_194 : memref<1x10240x32xf32, #tpu.memory_space<hbm>> -> memref<10240x32xf32, #tpu.memory_space<hbm>>
      %dma_start3A_196 = arith.constant 0 : i32
      %dma_start3A_197 = tpu.memref_slice %dma_start3A_195[%mul3A_191, %dma_start3A_196] : memref<10240x32xf32, #tpu.memory_space<hbm>> -> memref<640x32xf32, #tpu.memory_space<hbm>>
      %dma_start3A_198 = arith.constant 0 : i32
      %dma_start3A_199 = tpu.memref_slice %arg8[%mul3A_189, %dma_start3A_198] : memref<10240x32xf32, #tpu.memory_space<vmem_shared>> -> memref<640x32xf32, #tpu.memory_space<vmem_shared>>
      tpu.enqueue_dma source(%dma_start3A_199 : memref<640x32xf32, #tpu.memory_space<vmem_shared>>) target(%dma_start3A_197 : memref<640x32xf32, #tpu.memory_space<hbm>>) target_semaphore(%run_scoped3A : memref<!tpu.dma_semaphore, #tpu.memory_space<semaphore_mem>>)
      %dma_wait3A_200 = arith.constant 0 : i32
      %dma_wait3A_201 = arith.constant 0 : i32
      %dma_wait3A_202 = tpu.memref_slice %arg5[%arg0, %dma_wait3A_200, %dma_wait3A_201] : memref<2x10240x32xf32, #tpu.memory_space<hbm>> -> memref<1x10240x32xf32, #tpu.memory_space<hbm>>
      %dma_wait3A_203 = tpu.memref_squeeze %dma_wait3A_202 : memref<1x10240x32xf32, #tpu.memory_space<hbm>> -> memref<10240x32xf32, #tpu.memory_space<hbm>>
      %dma_wait3A_204 = arith.constant 0 : i32
      %dma_wait3A_205 = tpu.memref_slice %dma_wait3A_203[%mul3A_191, %dma_wait3A_204] : memref<10240x32xf32, #tpu.memory_space<hbm>> -> memref<640x32xf32, #tpu.memory_space<hbm>>
      %dma_wait3A_206 = arith.constant 0 : i32
      %dma_wait3A_207 = tpu.memref_slice %arg8[%mul3A_189, %dma_wait3A_206] : memref<10240x32xf32, #tpu.memory_space<vmem_shared>> -> memref<640x32xf32, #tpu.memory_space<vmem_shared>>
      tpu.wait_dma2 semaphore(%run_scoped3A : memref<!tpu.dma_semaphore, #tpu.memory_space<semaphore_mem>>) src(%dma_wait3A_207 : memref<640x32xf32, #tpu.memory_space<vmem_shared>>) dst(%dma_wait3A_205 : memref<640x32xf32, #tpu.memory_space<hbm>>)
      tpu.yield
    }) : () -> ()
    return
  }
}

module attributes {stable_mosaic.version = 14 : i64} {
  func.func @_mm_body(%arg0: memref<10000x128xf32, #tpu.memory_space<vmem>>, %arg1: memref<128x128xf32, #tpu.memory_space<vmem>>, %arg2: memref<2x10000x64xf32, #tpu.memory_space<vmem>>) attributes {dimension_semantics = [], scalar_prefetch = 0 : i64, scratch_operands = 0 : i64, tpu.core_type = #tpu.core_type<tc>} {
    %get3A = arith.constant 0 : index
    %get3A_0 = arith.constant 0 : index
    %get3A_1 = vector.load %arg0[%get3A, %get3A_0] : memref<10000x128xf32, #tpu.memory_space<vmem>>, vector<10000x128xf32>
    %get3A_2 = arith.constant 0 : index
    %get3A_3 = arith.constant 0 : index
    %get3A_4 = vector.load %arg1[%get3A_2, %get3A_3] : memref<128x128xf32, #tpu.memory_space<vmem>>, vector<128x128xf32>
    %dot_general3A = arith.constant dense<0.000000e+00> : vector<10000x128xf32>
    %dot_general3A_5 = tpu.matmul %get3A_1, %get3A_4, %dot_general3A {dimension_numbers = #tpu.dot_dimension_numbers<[1], [0], [0], [1], [0, 0, 1, 1], [], []>, transpose_lhs_hint = false} : vector<10000x128xf32>, vector<128x128xf32>, vector<10000x128xf32> -> vector<10000x128xf32>
    %slice3A = vector.extract_strided_slice %dot_general3A_5 {offsets = [0, 0], sizes = [10000, 64], strides = [1, 1]} : vector<10000x128xf32> to vector<10000x64xf32>
    %slice3A_6 = vector.extract_strided_slice %dot_general3A_5 {offsets = [0, 64], sizes = [10000, 64], strides = [1, 1]} : vector<10000x128xf32> to vector<10000x64xf32>
    %stack3A = vector.shape_cast %slice3A : vector<10000x64xf32> to vector<1x10000x64xf32>
    %stack3A_7 = vector.shape_cast %slice3A_6 : vector<10000x64xf32> to vector<1x10000x64xf32>
    %stack3A_8 = tpu.concatenate %stack3A, %stack3A_7 in 0 : vector<1x10000x64xf32>, vector<1x10000x64xf32> -> vector<2x10000x64xf32>
    %swap3A = arith.constant 0 : index
    %swap3A_9 = arith.constant 0 : index
    %swap3A_10 = arith.constant 0 : index
    %swap3A_11 = vector.load %arg2[%swap3A, %swap3A_9, %swap3A_10] : memref<2x10000x64xf32, #tpu.memory_space<vmem>>, vector<2x10000x64xf32>
    tpu.vector_store %arg2[%swap3A, %swap3A_9, %swap3A_10], %stack3A_8 {strides = array<i32>} : memref<2x10000x64xf32, #tpu.memory_space<vmem>>, vector<2x10000x64xf32>,
    return
  }
}

module attributes {stable_mosaic.version = 14 : i64} {
  func.func @_mid_body(%arg0: memref<2x10240x64xf32, #tpu.memory_space<vmem>>, %arg1: memref<1x128xf32, #tpu.memory_space<vmem>>, %arg2: memref<1x128xf32, #tpu.memory_space<vmem>>, %arg3: memref<1x128xf32, #tpu.memory_space<vmem>>, %arg4: memref<128x128xf32, #tpu.memory_space<vmem>>, %arg5: memref<2x10000x64xf32, #tpu.memory_space<vmem>>) attributes {dimension_semantics = [], scalar_prefetch = 0 : i64, scratch_operands = 0 : i64, tpu.core_type = #tpu.core_type<tc>} {
    %get3A = arith.constant 0 : index
    %get3A_0 = arith.constant 0 : index
    %get3A_1 = arith.constant 0 : index
    %get3A_2 = vector.load %arg0[%get3A, %get3A_0, %get3A_1] : memref<2x10240x64xf32, #tpu.memory_space<vmem>>, vector<1x10000x64xf32>
    %get3A_3 = vector.shape_cast %get3A_2 : vector<1x10000x64xf32> to vector<10000x64xf32>
    %get3A_4 = arith.constant 1 : index
    %get3A_5 = arith.constant 0 : index
    %get3A_6 = arith.constant 0 : index
    %get3A_7 = vector.load %arg0[%get3A_4, %get3A_5, %get3A_6] : memref<2x10240x64xf32, #tpu.memory_space<vmem>>, vector<1x10000x64xf32>
    %get3A_8 = vector.shape_cast %get3A_7 : vector<1x10000x64xf32> to vector<10000x64xf32>
    %concatenate3A = tpu.concatenate %get3A_3, %get3A_8 in 1 : vector<10000x64xf32>, vector<10000x64xf32> -> vector<10000x128xf32>
    %get3A_9 = arith.constant 0 : index
    %get3A_10 = arith.constant 0 : index
    %get3A_11 = vector.load %arg1[%get3A_9, %get3A_10] : memref<1x128xf32, #tpu.memory_space<vmem>>, vector<1x128xf32>
    %add3A = vector.broadcast %get3A_11 : vector<1x128xf32> to vector<10000x128xf32>
    %add3A_12 = arith.addf %concatenate3A, %add3A : vector<10000x128xf32>
    %reduce_sum3A = arith.constant dense<0.000000e+00> : vector<128xf32>
    %reduce_sum3A_13 = vector.multi_reduction <add>, %add3A_12, %reduce_sum3A [0] : vector<10000x128xf32> to vector<128xf32>
    %broadcast_in_dim3A = vector.shape_cast %reduce_sum3A_13 : vector<128xf32> to vector<1x128xf32>
    %div3A = arith.constant 1.000000e+04 : f32
    %div3A_14 = vector.broadcast %div3A : f32 to vector<1x128xf32>
    %div3A_15 = arith.divf %broadcast_in_dim3A, %div3A_14 : vector<1x128xf32>
    %sub3A = vector.broadcast %div3A_15 : vector<1x128xf32> to vector<10000x128xf32>
    %sub3A_16 = arith.subf %add3A_12, %sub3A : vector<10000x128xf32>
    %integer_pow3A = arith.mulf %sub3A_16, %sub3A_16 : vector<10000x128xf32>
    %reduce_sum3A_17 = arith.constant dense<0.000000e+00> : vector<128xf32>
    %reduce_sum3A_18 = vector.multi_reduction <add>, %integer_pow3A, %reduce_sum3A_17 [0] : vector<10000x128xf32> to vector<128xf32>
    %broadcast_in_dim3A_19 = vector.shape_cast %reduce_sum3A_18 : vector<128xf32> to vector<1x128xf32>
    %div3A_20 = arith.constant 1.000000e+04 : f32
    %div3A_21 = vector.broadcast %div3A_20 : f32 to vector<1x128xf32>
    %div3A_22 = arith.divf %broadcast_in_dim3A_19, %div3A_21 : vector<1x128xf32>
    %sub3A_23 = vector.broadcast %div3A_15 : vector<1x128xf32> to vector<10000x128xf32>
    %sub3A_24 = arith.subf %add3A_12, %sub3A_23 : vector<10000x128xf32>
    %add3A_25 = arith.constant 9.99999974E-6 : f32
    %add3A_26 = vector.broadcast %add3A_25 : f32 to vector<1x128xf32>
    %add3A_27 = arith.addf %div3A_22, %add3A_26 : vector<1x128xf32>
    %sqrt3A = math.sqrt %add3A_27 : vector<1x128xf32>
    %div3A_28 = vector.broadcast %sqrt3A : vector<1x128xf32> to vector<10000x128xf32>
    %div3A_29 = arith.divf %sub3A_24, %div3A_28 : vector<10000x128xf32>
    %get3A_30 = arith.constant 0 : index
    %get3A_31 = arith.constant 0 : index
    %get3A_32 = vector.load %arg2[%get3A_30, %get3A_31] : memref<1x128xf32, #tpu.memory_space<vmem>>, vector<1x128xf32>
    %mul3A = vector.broadcast %get3A_32 : vector<1x128xf32> to vector<10000x128xf32>
    %mul3A_33 = arith.mulf %div3A_29, %mul3A : vector<10000x128xf32>
    %get3A_34 = arith.constant 0 : index
    %get3A_35 = arith.constant 0 : index
    %get3A_36 = vector.load %arg3[%get3A_34, %get3A_35] : memref<1x128xf32, #tpu.memory_space<vmem>>, vector<1x128xf32>
    %add3A_37 = vector.broadcast %get3A_36 : vector<1x128xf32> to vector<10000x128xf32>
    %add3A_38 = arith.addf %mul3A_33, %add3A_37 : vector<10000x128xf32>
    %max3A = arith.constant 0.000000e+00 : f32
    %max3A_39 = vector.broadcast %max3A : f32 to vector<10000x128xf32>
    %max3A_40 = arith.maximumf %add3A_38, %max3A_39 : vector<10000x128xf32>
    %get3A_41 = arith.constant 0 : index
    %get3A_42 = arith.constant 0 : index
    %get3A_43 = vector.load %arg4[%get3A_41, %get3A_42] : memref<128x128xf32, #tpu.memory_space<vmem>>, vector<128x128xf32>
    %dot_general3A = arith.constant dense<0.000000e+00> : vector<10000x128xf32>
    %dot_general3A_44 = tpu.matmul %max3A_40, %get3A_43, %dot_general3A {dimension_numbers = #tpu.dot_dimension_numbers<[1], [0], [0], [1], [0, 0, 1, 1], [], []>, transpose_lhs_hint = false} : vector<10000x128xf32>, vector<128x128xf32>, vector<10000x128xf32> -> vector<10000x128xf32>
    %slice3A = vector.extract_strided_slice %dot_general3A_44 {offsets = [0, 0], sizes = [10000, 64], strides = [1, 1]} : vector<10000x128xf32> to vector<10000x64xf32>
    %slice3A_45 = vector.extract_strided_slice %dot_general3A_44 {offsets = [0, 64], sizes = [10000, 64], strides = [1, 1]} : vector<10000x128xf32> to vector<10000x64xf32>
    %stack3A = vector.shape_cast %slice3A : vector<10000x64xf32> to vector<1x10000x64xf32>
    %stack3A_46 = vector.shape_cast %slice3A_45 : vector<10000x64xf32> to vector<1x10000x64xf32>
    %stack3A_47 = tpu.concatenate %stack3A, %stack3A_46 in 0 : vector<1x10000x64xf32>, vector<1x10000x64xf32> -> vector<2x10000x64xf32>
    %swap3A = arith.constant 0 : index
    %swap3A_48 = arith.constant 0 : index
    %swap3A_49 = arith.constant 0 : index
    %swap3A_50 = vector.load %arg5[%swap3A, %swap3A_48, %swap3A_49] : memref<2x10000x64xf32, #tpu.memory_space<vmem>>, vector<2x10000x64xf32>
    tpu.vector_store %arg5[%swap3A, %swap3A_48, %swap3A_49], %stack3A_47 {strides = array<i32>} : memref<2x10000x64xf32, #tpu.memory_space<vmem>>, vector<2x10000x64xf32>,
    return
  }
}

module attributes {stable_mosaic.version = 14 : i64} {
  func.func @_mid_body(%arg0: memref<2x10240x64xf32, #tpu.memory_space<vmem>>, %arg1: memref<1x128xf32, #tpu.memory_space<vmem>>, %arg2: memref<1x128xf32, #tpu.memory_space<vmem>>, %arg3: memref<1x128xf32, #tpu.memory_space<vmem>>, %arg4: memref<128x64xf32, #tpu.memory_space<vmem>>, %arg5: memref<2x10000x32xf32, #tpu.memory_space<vmem>>) attributes {dimension_semantics = [], scalar_prefetch = 0 : i64, scratch_operands = 0 : i64, tpu.core_type = #tpu.core_type<tc>} {
    %get3A = arith.constant 0 : index
    %get3A_0 = arith.constant 0 : index
    %get3A_1 = arith.constant 0 : index
    %get3A_2 = vector.load %arg0[%get3A, %get3A_0, %get3A_1] : memref<2x10240x64xf32, #tpu.memory_space<vmem>>, vector<1x10000x64xf32>
    %get3A_3 = vector.shape_cast %get3A_2 : vector<1x10000x64xf32> to vector<10000x64xf32>
    %get3A_4 = arith.constant 1 : index
    %get3A_5 = arith.constant 0 : index
    %get3A_6 = arith.constant 0 : index
    %get3A_7 = vector.load %arg0[%get3A_4, %get3A_5, %get3A_6] : memref<2x10240x64xf32, #tpu.memory_space<vmem>>, vector<1x10000x64xf32>
    %get3A_8 = vector.shape_cast %get3A_7 : vector<1x10000x64xf32> to vector<10000x64xf32>
    %concatenate3A = tpu.concatenate %get3A_3, %get3A_8 in 1 : vector<10000x64xf32>, vector<10000x64xf32> -> vector<10000x128xf32>
    %get3A_9 = arith.constant 0 : index
    %get3A_10 = arith.constant 0 : index
    %get3A_11 = vector.load %arg1[%get3A_9, %get3A_10] : memref<1x128xf32, #tpu.memory_space<vmem>>, vector<1x128xf32>
    %add3A = vector.broadcast %get3A_11 : vector<1x128xf32> to vector<10000x128xf32>
    %add3A_12 = arith.addf %concatenate3A, %add3A : vector<10000x128xf32>
    %reduce_sum3A = arith.constant dense<0.000000e+00> : vector<128xf32>
    %reduce_sum3A_13 = vector.multi_reduction <add>, %add3A_12, %reduce_sum3A [0] : vector<10000x128xf32> to vector<128xf32>
    %broadcast_in_dim3A = vector.shape_cast %reduce_sum3A_13 : vector<128xf32> to vector<1x128xf32>
    %div3A = arith.constant 1.000000e+04 : f32
    %div3A_14 = vector.broadcast %div3A : f32 to vector<1x128xf32>
    %div3A_15 = arith.divf %broadcast_in_dim3A, %div3A_14 : vector<1x128xf32>
    %sub3A = vector.broadcast %div3A_15 : vector<1x128xf32> to vector<10000x128xf32>
    %sub3A_16 = arith.subf %add3A_12, %sub3A : vector<10000x128xf32>
    %integer_pow3A = arith.mulf %sub3A_16, %sub3A_16 : vector<10000x128xf32>
    %reduce_sum3A_17 = arith.constant dense<0.000000e+00> : vector<128xf32>
    %reduce_sum3A_18 = vector.multi_reduction <add>, %integer_pow3A, %reduce_sum3A_17 [0] : vector<10000x128xf32> to vector<128xf32>
    %broadcast_in_dim3A_19 = vector.shape_cast %reduce_sum3A_18 : vector<128xf32> to vector<1x128xf32>
    %div3A_20 = arith.constant 1.000000e+04 : f32
    %div3A_21 = vector.broadcast %div3A_20 : f32 to vector<1x128xf32>
    %div3A_22 = arith.divf %broadcast_in_dim3A_19, %div3A_21 : vector<1x128xf32>
    %sub3A_23 = vector.broadcast %div3A_15 : vector<1x128xf32> to vector<10000x128xf32>
    %sub3A_24 = arith.subf %add3A_12, %sub3A_23 : vector<10000x128xf32>
    %add3A_25 = arith.constant 9.99999974E-6 : f32
    %add3A_26 = vector.broadcast %add3A_25 : f32 to vector<1x128xf32>
    %add3A_27 = arith.addf %div3A_22, %add3A_26 : vector<1x128xf32>
    %sqrt3A = math.sqrt %add3A_27 : vector<1x128xf32>
    %div3A_28 = vector.broadcast %sqrt3A : vector<1x128xf32> to vector<10000x128xf32>
    %div3A_29 = arith.divf %sub3A_24, %div3A_28 : vector<10000x128xf32>
    %get3A_30 = arith.constant 0 : index
    %get3A_31 = arith.constant 0 : index
    %get3A_32 = vector.load %arg2[%get3A_30, %get3A_31] : memref<1x128xf32, #tpu.memory_space<vmem>>, vector<1x128xf32>
    %mul3A = vector.broadcast %get3A_32 : vector<1x128xf32> to vector<10000x128xf32>
    %mul3A_33 = arith.mulf %div3A_29, %mul3A : vector<10000x128xf32>
    %get3A_34 = arith.constant 0 : index
    %get3A_35 = arith.constant 0 : index
    %get3A_36 = vector.load %arg3[%get3A_34, %get3A_35] : memref<1x128xf32, #tpu.memory_space<vmem>>, vector<1x128xf32>
    %add3A_37 = vector.broadcast %get3A_36 : vector<1x128xf32> to vector<10000x128xf32>
    %add3A_38 = arith.addf %mul3A_33, %add3A_37 : vector<10000x128xf32>
    %max3A = arith.constant 0.000000e+00 : f32
    %max3A_39 = vector.broadcast %max3A : f32 to vector<10000x128xf32>
    %max3A_40 = arith.maximumf %add3A_38, %max3A_39 : vector<10000x128xf32>
    %get3A_41 = arith.constant 0 : index
    %get3A_42 = arith.constant 0 : index
    %get3A_43 = vector.load %arg4[%get3A_41, %get3A_42] : memref<128x64xf32, #tpu.memory_space<vmem>>, vector<128x64xf32>
    %dot_general3A = arith.constant dense<0.000000e+00> : vector<10000x64xf32>
    %dot_general3A_44 = tpu.matmul %max3A_40, %get3A_43, %dot_general3A {dimension_numbers = #tpu.dot_dimension_numbers<[1], [0], [0], [1], [0, 0, 1, 1], [], []>, transpose_lhs_hint = false} : vector<10000x128xf32>, vector<128x64xf32>, vector<10000x64xf32> -> vector<10000x64xf32>
    %slice3A = vector.extract_strided_slice %dot_general3A_44 {offsets = [0, 0], sizes = [10000, 32], strides = [1, 1]} : vector<10000x64xf32> to vector<10000x32xf32>
    %slice3A_45 = vector.extract_strided_slice %dot_general3A_44 {offsets = [0, 32], sizes = [10000, 32], strides = [1, 1]} : vector<10000x64xf32> to vector<10000x32xf32>
    %stack3A = vector.shape_cast %slice3A : vector<10000x32xf32> to vector<1x10000x32xf32>
    %stack3A_46 = vector.shape_cast %slice3A_45 : vector<10000x32xf32> to vector<1x10000x32xf32>
    %stack3A_47 = tpu.concatenate %stack3A, %stack3A_46 in 0 : vector<1x10000x32xf32>, vector<1x10000x32xf32> -> vector<2x10000x32xf32>
    %swap3A = arith.constant 0 : index
    %swap3A_48 = arith.constant 0 : index
    %swap3A_49 = arith.constant 0 : index
    %swap3A_50 = vector.load %arg5[%swap3A, %swap3A_48, %swap3A_49] : memref<2x10000x32xf32, #tpu.memory_space<vmem>>, vector<2x10000x32xf32>
    tpu.vector_store %arg5[%swap3A, %swap3A_48, %swap3A_49], %stack3A_47 {strides = array<i32>} : memref<2x10000x32xf32, #tpu.memory_space<vmem>>, vector<2x10000x32xf32>,
    return
  }
}

module attributes {stable_mosaic.version = 14 : i64} {
  func.func @_fin_body(%arg0: memref<2x10240x32xf32, #tpu.memory_space<vmem>>, %arg1: memref<1x64xf32, #tpu.memory_space<vmem>>, %arg2: memref<10000x64xf32, #tpu.memory_space<vmem>>) attributes {dimension_semantics = [], scalar_prefetch = 0 : i64, scratch_operands = 0 : i64, tpu.core_type = #tpu.core_type<tc>} {
    %get3A = arith.constant 0 : index
    %get3A_0 = arith.constant 0 : index
    %get3A_1 = arith.constant 0 : index
    %get3A_2 = vector.load %arg0[%get3A, %get3A_0, %get3A_1] : memref<2x10240x32xf32, #tpu.memory_space<vmem>>, vector<1x10000x32xf32>
    %get3A_3 = vector.shape_cast %get3A_2 : vector<1x10000x32xf32> to vector<10000x32xf32>
    %get3A_4 = arith.constant 1 : index
    %get3A_5 = arith.constant 0 : index
    %get3A_6 = arith.constant 0 : index
    %get3A_7 = vector.load %arg0[%get3A_4, %get3A_5, %get3A_6] : memref<2x10240x32xf32, #tpu.memory_space<vmem>>, vector<1x10000x32xf32>
    %get3A_8 = vector.shape_cast %get3A_7 : vector<1x10000x32xf32> to vector<10000x32xf32>
    %concatenate3A = tpu.concatenate %get3A_3, %get3A_8 in 1 : vector<10000x32xf32>, vector<10000x32xf32> -> vector<10000x64xf32>
    %get3A_9 = arith.constant 0 : index
    %get3A_10 = arith.constant 0 : index
    %get3A_11 = vector.load %arg1[%get3A_9, %get3A_10] : memref<1x64xf32, #tpu.memory_space<vmem>>, vector<1x64xf32>
    %add3A = vector.broadcast %get3A_11 : vector<1x64xf32> to vector<10000x64xf32>
    %add3A_12 = arith.addf %concatenate3A, %add3A : vector<10000x64xf32>
    %iota3A = tpu.iota {dimensions = array<i32: 1>} : vector<10000x64xi32>
    %lt3A = arith.constant 40 : i32
    %lt3A_13 = vector.broadcast %lt3A : i32 to vector<10000x64xi32>
    %lt3A_14 = arith.cmpi slt, %iota3A, %lt3A_13 : vector<10000x64xi32>
    %jit3A = arith.constant 0xFF800000 : f32
    %broadcast_in_dim3A = vector.broadcast %jit3A : f32 to vector<10000x64xf32>
    %select_n3A = arith.select %lt3A_14, %add3A_12, %broadcast_in_dim3A : vector<10000x64xi1>, vector<10000x64xf32>
    %reduce_max3A = arith.constant dense<0xFF800000> : vector<10000xf32>
    %reduce_max3A_15 = vector.multi_reduction <maximumf>, %select_n3A, %reduce_max3A [1] : vector<10000x64xf32> to vector<10000xf32>
    %broadcast_in_dim3A_16 = vector.shape_cast %reduce_max3A_15 : vector<10000xf32> to vector<10000x1xf32>
    %sub3A = vector.broadcast %broadcast_in_dim3A_16 : vector<10000x1xf32> to vector<10000x64xf32>
    %sub3A_17 = arith.subf %add3A_12, %sub3A : vector<10000x64xf32>
    %exp3A = math.exp %sub3A_17 : vector<10000x64xf32>
    %jit3A_18 = arith.constant 0.000000e+00 : f32
    %broadcast_in_dim3A_19 = vector.broadcast %jit3A_18 : f32 to vector<10000x64xf32>
    %select_n3A_20 = arith.select %lt3A_14, %exp3A, %broadcast_in_dim3A_19 : vector<10000x64xi1>, vector<10000x64xf32>
    %reduce_sum3A = arith.constant dense<0.000000e+00> : vector<10000xf32>
    %reduce_sum3A_21 = vector.multi_reduction <add>, %select_n3A_20, %reduce_sum3A [1] : vector<10000x64xf32> to vector<10000xf32>
    %broadcast_in_dim3A_22 = vector.shape_cast %reduce_sum3A_21 : vector<10000xf32> to vector<10000x1xf32>
    %log3A = math.log %broadcast_in_dim3A_22 : vector<10000x1xf32>
    %add3A_23 = arith.addf %broadcast_in_dim3A_16, %log3A : vector<10000x1xf32>
    %sub3A_24 = vector.broadcast %add3A_23 : vector<10000x1xf32> to vector<10000x64xf32>
    %sub3A_25 = arith.subf %add3A_12, %sub3A_24 : vector<10000x64xf32>
    %swap3A = arith.constant 0 : index
    %swap3A_26 = arith.constant 0 : index
    %swap3A_27 = vector.load %arg2[%swap3A, %swap3A_26] : memref<10000x64xf32, #tpu.memory_space<vmem>>, vector<10000x64xf32>
    tpu.vector_store %arg2[%swap3A, %swap3A_26], %sub3A_25 {strides = array<i32>} : memref<10000x64xf32, #tpu.memory_space<vmem>>, vector<10000x64xf32>,
    return
  }
}

</mosaic_0001>

<sc_bundles>
// kernel: kernel.12.cloned.1.call-start
scs
__scs_entry_jumppad:
0x0: {  	(pc) =	sbr.rel $0x88, $3  }
0x1: {  	(tag) =	ssettag $0x0;
	lr =	simm.s32 $0x1  }
0x2: {  	[smem:$0x3F95] =	sst lr;
	_ =	strace $0xD0000000  }
0x3: {  	_ = 	snop  }
0x4: {  	_ = 	snop  }
0x5: {  	_ = 	snop  }
0x6: {  	_ = 	snop  }
0x7: {  	_ = 	snop  }
__scs_overlays_trampoline_lowered:
0x8: {  	[smem:$0x3FA4] =	sst s0  }
0x9: {  	[smem:$0x3FA5] =	sst s1  }
0xa: {  	[smem:$0x3FA6] =	sst s2  }
0xb: {  	[smem:$0x3FA7] =	sst s3  }
0xc: {  	[smem:$0x3FA8] =	sst s4  }
0xd: {  	[smem:$0x3FA9] =	sst s5  }
0xe: {  	[smem:$0x3FAA] =	sst s6  }
0xf: {  	[smem:$0x3FAB] =	sst s7  }
0x10: {  	[smem:$0x3FAC] =	sst s8  }
0x11: {  	[smem:$0x3FAD] =	sst s9;
	s0 =	simm.s32 @!p0 $0x0  }
0x12: {  	s1 =	sld [smem:$0x3F93];
	s0 =	simm.s32 @p0 $0x1  }
0x13: {  	[smem:$0x3FAE] =	sst s0;
	s0 =	simm.s32 @!p1 $0x0  }
0x14: {  	s2 =	sld [smem:$0x3F92];
	s0 =	simm.s32 @p1 $0x1  }
0x15: {  	[smem:$0x3FAF] =	sst s0;
	s0 =	simm.s32 @!p2 $0x0  }
0x16: {  	s3 =	sld [smem:$0x3FDB];
	s0 =	simm.s32 @p2 $0x1  }
0x17: {  	s4 =	simm.s32 $0x1BF5;
	[smem:$0x3FB1] =	sst s0  }
0x18: {  	s0 =	sld [smem:$0x3F94];
	_ =	swait.ge [sflag:s4], $0x0  }
0x19: {  	s7 =	sld [smem:$0x3F95]  }
0x1a: {  	s8 =	sadd.s32 $0xFFFFE003, lr  }
0x1b: {  	s9 =	sadd.s32 $0xFFFFFEF7, lr;
	s5 =	simm.s32 $0xFFFFFFFF;
	p2 =	slt.u32 s8, $0xFFFFF086  }
0x1c: {  	p1 =	slt.u32 s9, $0xF7A;
	s5 =	simm.s32 @!p2 $0x0  }
0x1d: {  	s5 =	simm.s32 @p1 $0x1;
	p0 =	seq.s32 s7, s2  }
0x1e: {  	s7 =	smul.u32 @!p0 $0xF7A, s2;
	p2 =	seq.s32 @!p0 s5, $0x0  }
0x1f: {  	s9 =	smul.u32 $0xF7A, s1;
	s8 =	simm.s32 @!p0 $0x1BF5;
	p2 =	por !p2, p0  }
0x20: {  	[sflag:s8] =	ssyncset.s32 @!p0 $0xFFFFF086;
	s6 =	sadd.s32 @!p0 s3, s7;
	s7 =	simm.s32 @!p0 $0x108  }
0x21: {  	s3 =	sadd.s32 s3, s9;
	s6 =	sadd.s32 @!p0 $0x88, s6;
	s7 =	simm.s32 @p2 $0x1082  }
0x22: {  	[simem:s7], [sflag:s8] =	dma.local @!p0 [hbm:s6], $0xF7A  }
0x23: {  	s9 =	sor.u32 $0xD0000000, s2;
	s6 =	simm.s32 $0x108;
	_ =	swait.ge @!p0 [sflag:s8], $0x0  }
0x24: {  	s3 =	sadd.s32 $0x88, s3;
	s6 =	simm.s32 @!p1 $0x1082;
	[sflag:s4] =	ssyncset.s32 $0xFFFFF086  }
0x25: {  	[simem:s6], [sflag:s4] =	dma.local [hbm:s3], $0xF7A  }
0x26: {  	[smem:$0x3F95] =	sst s1;
	(tag) =	ssettag s2;
	_ =	strace s9  }
0x27: {  	s1 =	sld [smem:$0x3FA5]  }
0x28: {  	s2 =	sld [smem:$0x3FA6]  }
0x29: {  	s4 =	sld [smem:$0x3FA8]  }
0x2a: {  	p0 =	seq.s32 s5, $0x0;
	s5 =	sld [smem:$0x3FA9]  }
0x2b: {  	s6 =	sld [smem:$0x3FAA]  }
0x2c: {  	s7 =	sld [smem:$0x3FAB]  }
0x2d: {  	s3 =	simm.s32 $0x108;
	s8 =	sld [smem:$0x3FAC]  }
0x2e: {  	s3 =	simm.s32 @!p0 $0x1082;
	s9 =	sld [smem:$0x3FAD]  }
0x2f: {  	lr =	sadd.s32 s0, s3;
	s0 =	sld [smem:$0x3FA4]  }
0x30: {  	s3 =	sld [smem:$0x3FA7]  }
0x31: {  	[smem:$0x3FB0] =	sst s10  }
0x32: {  	s10 =	sld [smem:$0x3FAE];
	_ =	sdelay $0x3  }
0x33: {  	p0 =	seq.s32 s10, $0x1;
	s10 =	sld [smem:$0x3FB0];
	_ =	sdelay $0x3  }
0x34: {  	[smem:$0x3FB0] =	sst s10  }
0x35: {  	s10 =	sld [smem:$0x3FAF];
	_ =	sdelay $0x3  }
0x36: {  	p1 =	seq.s32 s10, $0x1;
	s10 =	sld [smem:$0x3FB0];
	_ =	sdelay $0x3  }
0x37: {  	[smem:$0x3FB0] =	sst s10  }
0x38: {  	s10 =	sld [smem:$0x3FB1]  }
0x39: {  	_ = 	snop;
	(pc) =	sbr.ind lr, $3  }
0x3a: {  	_ = 	snop  }
0x3b: {  	_ = 	snop  }
0x3c: {  	p2 =	seq.s32 s10, $0x1;
	s10 =	sld [smem:$0x3FB0]  }
0x3d: {  	_ =	shalt  }
0x3e: {  	_ =	shalt  }
0x3f: {  	_ =	shalt  }
0x40: {  	_ =	shalt  }
0x41: {  	_ =	shalt  }
0x42: {  	_ =	shalt  }
0x43: {  	_ =	shalt  }
0x44: {  	_ =	shalt  }
0x45: {  	_ =	shalt  }
0x46: {  	_ =	shalt  }
0x47: {  	_ =	shalt  }
0x48: {  	_ =	shalt  }
0x49: {  	_ =	shalt  }
0x4a: {  	_ =	shalt  }
0x4b: {  	_ =	shalt  }
0x4c: {  	_ =	shalt  }
0x4d: {  	_ =	shalt  }
0x4e: {  	_ =	shalt  }
0x4f: {  	_ =	shalt  }
0x50: {  	_ =	shalt  }
0x51: {  	_ =	shalt  }
0x52: {  	_ =	shalt  }
0x53: {  	_ =	shalt  }
0x54: {  	_ =	shalt  }
0x55: {  	_ =	shalt  }
0x56: {  	_ =	shalt  }
0x57: {  	_ =	shalt  }
0x58: {  	_ =	shalt  }
0x59: {  	_ =	shalt  }
0x5a: {  	_ =	shalt  }
0x5b: {  	_ =	shalt  }
0x5c: {  	_ =	shalt  }
0x5d: {  	_ =	shalt  }
0x5e: {  	_ =	shalt  }
0x5f: {  	_ =	shalt  }
0x60: {  	_ =	shalt  }
0x61: {  	_ =	shalt  }
0x62: {  	_ =	shalt  }
0x63: {  	_ =	shalt  }
0x64: {  	_ =	shalt  }
0x65: {  	_ =	shalt  }
0x66: {  	_ =	shalt  }
0x67: {  	_ =	shalt  }
0x68: {  	_ =	shalt  }
0x69: {  	_ =	shalt  }
0x6a: {  	_ =	shalt  }
0x6b: {  	_ =	shalt  }
0x6c: {  	_ =	shalt  }
0x6d: {  	_ =	shalt  }
0x6e: {  	_ =	shalt  }
0x6f: {  	_ =	shalt  }
0x70: {  	_ =	shalt  }
0x71: {  	_ =	shalt  }
0x72: {  	_ =	shalt  }
0x73: {  	_ =	shalt  }
0x74: {  	_ =	shalt  }
0x75: {  	_ =	shalt  }
0x76: {  	_ =	shalt  }
0x77: {  	_ =	shalt  }
0x78: {  	_ =	shalt  }
0x79: {  	_ =	shalt  }
0x7a: {  	_ =	shalt  }
0x7b: {  	_ =	shalt  }
0x7c: {  	_ =	shalt  }
0x7d: {  	_ =	shalt  }
0x7e: {  	_ =	shalt  }
0x7f: {  	_ =	shalt  }
0x80: {  	_ =	shalt  }
0x81: {  	_ =	shalt  }
0x82: {  	_ =	shalt  }
0x83: {  	_ =	shalt  }
0x84: {  	_ =	shalt  }
0x85: {  	_ =	shalt  }
0x86: {  	_ =	shalt  }
0x87: {  	_ =	shalt  }
.Lfunc_end0:
.L_simem_size_0:
called_computation.1_lowered:
.L_overlay_start_0:
0x88: {  	s2 =	sld [smem:$0x3FD9]  }
0x89: {  	s3 =	sld [smem:$0x3FFE];
	_ =	sdelay $0x1  }
0x8a: {  	s1 =	srdreg.scid  }
0x8b: {  	s0 =	sand.u32 $0x1, s1  }
0x8c: {  	s17 =	sshll.u32 s0, $0xA;
	s2 =	sadd.s32 s3, s2  }
0x8d: {  	s2 =	sadd.s32 s2, s17  }
0x8e: {  	[smem:$0x3FBC] =	sst s2  }
0x8f: {  	_ = 	snop  }
0x90: {  	s2 =	sld [smem:$0x3FD0];
	(tm) =	ssettm $0x1  }
0x91: {  	s18 =	sld [smem:$0x3FFB];
	_ =	sdelay $0x3  }
0x92: {  	_ =	strace s18  }
0x93: {  	s3 =	sld [smem:$0x3FFC];
	_ =	sdelay $0x3  }
0x94: {  	_ =	strace s3  }
0x95: {  	s3 =	sld [smem:$0x3FFD];
	_ =	sdelay $0x3  }
0x96: {  	_ =	strace s3  }
0x97: {  	_ =	strace $0x8FFFFFFF  }
0x98: {  	s19 =	sld [smem:$0x3FDB];
	_ =	sdelay $0x1  }
0x99: {  	s4 =	simm.s32 $_scs_section_size  }
0x9a: {  	s5 =	simm.s32 $_size__tile_overlayer_lowered;
	s6 =	simm.s32 $_tile_overlayer_lowered  }
0x9b: {  	s22 =	simm.s32 $0x1BFF;
	s21 =	sshll.u32 s6, $0x1;
	s3 =	sadd.s32 s4, s19  }
0x9c: {  	s7 =	simm.s32 $0x0;
	s20 =	sshll.u32 s5, $0x1;
	s5 =	sadd.s32 s21, s3  }
0x9d: {  	[timem:s7], [sflag:s22] =	dma.local [hbm:s5], s20  }
0x9e: {  	_ =	swait.ge [sflag:s22], s20  }
0x9f: {  	s4 =	ssub.s32 $0x0, s20;
	[sflag:s22] =	ssyncset.done $0x0  }
0xa0: {  	[sflag:s22] =	ssyncadd.s32 s4;
	_ =	sdelay $0x1  }
0xa1: {  	s23 =	simm.s32 $0x1B8B  }
0xa2: {  	_ =	swait.ge [sflag:s23], $0x1  }
0xa3: {  	[sflag:s23] =	ssyncset.done $0x0  }
0xa4: {  	s25 =	simm.s32 $0x1B8E;
	s24 =	sld [smem:$0x3FFE];
	[sflag:s23] =	ssyncadd.s32 $0xFFFFFFFF  }
0xa5: {  	s26 =	simm.s32 $execute0_lowered;
	[smem:$0x3FD2] =	sst s25  }
0xa6: {  	s5 =	sshll.u32 s26, $0x1;
	_ =	strace $0x80000049;
	[dreg:$0x1] =	wrdreg $0xFFFFFFFF  }
0xa7: {  	s28 =	simm.s32 $_size_execute0_lowered;
	s3 =	sadd.s32 s3, s5;
	[dreg:$0x0] =	wrdreg $0x0  }
0xa8: {  	s5 =	sshll.u32 s28, $0x1;
	[dreg:$0x2] =	wrdreg s3  }
0xa9: {  	[dreg:$0x3] =	wrdreg s5  }
0xaa: {  	[dreg:$0x4] =	wrdreg $0xC0  }
0xab: {  	_ =	task [dreg:s7], $0x5FFFF  }
0xac: {  	[dreg:$0x1] =	wrdreg $0xFFFFFFFF  }
0xad: {  	[dreg:$0x0] =	wrdreg $0x60  }
0xae: {  	[dreg:$0x2] =	wrdreg s24  }
0xaf: {  	[dreg:$0x3] =	wrdreg s2  }
0xb0: {  	[dreg:$0x4] =	wrdreg $0x40000  }
0xb1: {  	[dreg:$0x5] =	wrdreg $0x9  }
0xb2: {  	_ =	task.clear_ibuf [dreg:s7], $0x6FFFF;
	_ =	strace $0x90000049  }
0xb3: {  	s29 =	simm.s32 $0x9;
	_ =	strace $0x8000004B  }
0xb4: {  	_ =	swait.ge [sflag:s29], $0x1  }
0xb5: {  	[sflag:s29] =	ssyncadd.s32 $0xFFFFFFFF  }
0xb6: {  	_ =	strace $0x9000004B  }
0xb7: {  	_ =	sfence  }
0xb8: {  	s30 =	sld [smem:$0x0];
	_ =	sdelay $0x2  }
0xb9: {  	s31 =	sshll.u32 s1, $0xD;
	s1 =	sshrl.u32 s1, $0x2  }
0xba: {  	s3 =	sand.u32 $0x4000, s31;
	s1 =	sadd.s32 s1, s30  }
0xbb: {  	s0 =	sor.u32 s3, s0;
	s1 =	sshll.u32 s1, $0x11  }
0xbc: {  	s0 =	sor.u32 s1, s0  }
0xbd: {  	s0 =	sadd.s32 $0x8F2B, s0  }
0xbe: {  	[sflag:s0] =	ssyncadd.remote.s32 $0x1  }
0xbf: {  	_ =	sfence.sel $0xFFFF  }
0xc0: {  	[dreg:$0x0] =	wrdreg $0xFFFFFFFF;
	(pc) =	sbr.abs _section_cstart, $3  }
0xc1: {  	[dreg:$0x1] =	wrdreg $0xFFFFFFFF  }
0xc2: {  	_ =	task.clear_ibuf [dreg:s7], $0x2FFFF;
	_ =	strace $0x9FFFFFFF  }
0xc3: {  	(tm) =	ssettm $0x7FFFFFFF  }
tec
execute0_lowered:
.L_overlay_start_1:
0x0: {  	(tag) =	ssettag $0x1  }
0x1: {  	s0 =	rddreg [dreg:$0x0]  }
0x2: {  	s10 =	rddreg [dreg:$0x1]  }
0x3: {  	s2 =	rddreg [dreg:$0x2];
	s11 =	stileid.u32  }
0x4: {  	s1 =	srdreg.scid;
	s8 =	smul.u32 $0xA00, s11  }
0x5: {  	s3 =	simm.s32 $0x0;
	s29 =	simm.s32 $0x1BAC0;
	s5 =	smul.u32 $0x5000, s11  }
0x6: {  	s31 =	simm.s32 $0x7D;
	s12 =	simm.s32 $0x9;
	s17 =	smul.u32 $0xA000, s11  }
0x7: {  	s14 =	simm.s32 $0x5;
	s1 =	sand.u32 $0x1, s1;
	s18 =	smul.u32 $0x28000, s11  }
0x8: {  	[smem:$0x7FF] =	sst s3;
	s6 =	sadd.s32 $0x2000, s0;
	s4 =	smul.u32 $0x13880, s1  }
0x9: {  	s7 =	smul.u32 $0x14000, s1;
	_ =	strace $0x8000004A;
	s1 =	ssub.s32 $0x2, s1  }
0xa: {  	s9 =	sshrl.u32 s1, $0x1;
	s15 =	sadd.s32 s10, s8;
	s16 =	sshrl.u32 s5, $0x3  }
0xb: {  	s8 =	sadd.s32 s6, s8;
	s19 =	sshrl.u32 s17, $0x3;
	s20 =	sshrl.u32 s18, $0x2  }
0xc: {  	s21 =	sadd.s32 s17, s2;
	s17 =	simm.s32 $0xD;
	s18 =	simm.s32 $0x8  }
0xd: {  	s4 =	sadd.s32 s4, s0;
	s0 =	sadd.s32 s7, s0;
	[dreg:$0x4] =	wrdreg s15  }
0xe: {  	s1 =	ssub.s32 s1, s9;
	[dreg:$0x5] =	wrdreg s8;
	s22 =	sadd.s32 s20, s2  }
0xf: {  	s7 =	sadd.s32 $0x200, s16;
	s30 =	sshrl.u32 s21, $0x3;
	[dreg:$0x9] =	wrdreg s22  }
0x10: {  	s21 =	simm.s32 $0x13;
	s10 =	sadd.s32 s10, s7;
	[dreg:$0x12] =	wrdreg s30  }
0x11: {  	s8 =	simm.s32 $0x19B80;
	s7 =	sadd.s32 s6, s7;
	[dreg:$0x6] =	wrdreg s10  }
0x12: {  	s9 =	simm.s32 $0x2;
	s1 =	smax.u32 s1, $0x1;
	[dreg:$0x7] =	wrdreg s7  }
0x13: {  	s15 =	simm.s32 $0xB;
	s23 =	sadd.s32 $0x2800, s22;
	[dreg:$0x8] =	wrdreg s1  }
0x14: {  	s16 =	simm.s32 $0x7;
	s24 =	sadd.s32 $0x3C00, s22;
	[dreg:$0xb] =	wrdreg s23  }
0x15: {  	s11 =	sadd.s32 $0xC000, s4;
	s25 =	sadd.s32 $0x5000, s22;
	[dreg:$0xc] =	wrdreg s24  }
0x16: {  	s0 =	sadd.s32 $0x33200, s0;
	s26 =	sadd.s32 $0x6400, s22;
	[dreg:$0xd] =	wrdreg s25  }
.Ltmp0:
0x17: {  	s28 =	sadd.s32 $0x7800, s22;
	[dreg:$0xe] =	wrdreg s26;
	(pc) =	sbr.rel .LBB2_1-.Ltmp0, $4  }
0x18: {  	s4 =	simm.s32 $0x15D00;
	s7 =	sadd.s32 $0x1400, s22;
	[dreg:$0xf] =	wrdreg s28  }
0x19: {  	s1 =	sadd.s32 $0x8C00, s22;
	s0 =	sadd.s32 s19, s0;
	[dreg:$0xa] =	wrdreg s7  }
0x1a: {  	s10 =	simm.s32 $0x3;
	s19 =	simm.s32 $0xE;
	[dreg:$0x10] =	wrdreg s1  }
0x1b: {  	v0 =	vimm.f32 $0.0e+00;
	[dreg:$0x11] =	wrdreg s0;
	s7 =	simm.s32 $0x1;
	s1 =	simm.s32 $0x0  }
.LBB2_9:
0x1c: {  	_ =	swait.ge [sflag:s18], $0x1F40  }
0x1d: {  	[sflag:s18] =	ssyncset.done $0x0  }
0x1e: {  	[sflag:s18] =	ssyncadd.s32 $0xFFFFE0C0  }
0x1f: {  	[spmem:s2] =	stream.indirect.scatter.add.f32 [tilespmem:s29], [sflag:$0x10], $0x40, s1, s31, $0xb8;
	[tilespmem:$0x1DA00] =	vst v63  }
0x20: {  	_ =	swait.ge [sflag:s19], $0x1F40  }
0x21: {  	[sflag:s19] =	ssyncset.done $0x0  }
0x22: {  	s0 =	simm.s32 $0xF;
	[sflag:s19] =	ssyncadd.s32 $0xFFFFE0C0  }
0x23: {  	_ =	swait.ge [sflag:s0], $0x1F40  }
0x24: {  	[sflag:s0] =	ssyncset.done $0x0  }
0x25: {  	s24 =	simm.s32 $0x10;
	[sflag:s0] =	ssyncadd.s32 $0xFFFFE0C0  }
0x26: {  	_ =	swait.ge [sflag:s24], $0x1F40  }
0x27: {  	[sflag:s24] =	ssyncset.done $0x0  }
0x28: {  	[sflag:s24] =	ssyncadd.s32 $0xFFFFE0C0  }
0x29: {  	s25 =	stileid.u32;
	[bflag:$0x0] =	sbarrier.arrive $0xFFFF  }
0x2a: {  	s0 =	sshll.u32 s25, $0x6;
	s26 =	rddreg [dreg:$0x11]  }
0x2b: {  	s21 =	simm.s32 $0x13;
	s0 =	sor.u32 $0x1C13, s0;
	s13 =	rddreg [dreg:$0x12]  }
0x2c: {  	[hbm:s26], [sflag:s0] =	dma.local [spmem:s13], $0x1400  }
0x2d: {  	_ =	swait.ge [sflag:s21], $0x1400  }
0x2e: {  	s28 =	rddreg [dreg:$0x13]  }
0x2f: {  	s30 =	rddreg [dreg:$0x8];
	s1 =	sadd.s32 $0x1, s28  }
0x30: {  	p0 =	sne.s32 s1, s30  }
.Ltmp1:
0x31: {  	_ = 	snop;
	(pc) =	sbr.rel @!p0 .LBB2_10-.Ltmp1, $3  }
0x32: {  	_ =	sdelay $0x1  }
0x33: {  	[sflag:s21] =	ssyncset.done $0x0  }
0x34: {  	[sflag:s21] =	ssyncadd.s32 $0xFFFFEC00  }
.LBB2_1:
0x35: {  	[dreg:$0x13] =	wrdreg s1  }
0x36: {  	s0 =	rddreg [dreg:$0x4];
	s20 =	simm.s32 $0x11  }
0x37: {  	[tilespmem:s3], [sflag:$0x11] =	stream.linear.gather [hbm4b:s0+s3], $0x1000, $0x38;
	[tilespmem:$0x1DA00] =	vst v63  }
0x38: {  	_ =	swait.ge [sflag:s20], $0x1000  }
0x39: {  	s23 =	simm.s32 $0x2000;
	[sflag:s20] =	ssyncset.done $0x0  }
0x3a: {  	s24 =	simm.s32 $0x12;
	s22 =	rddreg [dreg:$0x5];
	[sflag:s20] =	ssyncadd.s32 $0xFFFFF000  }
0x3b: {  	[tilespmem:s23], [sflag:$0x12] =	stream.linear.gather [hbm4b:s22+s3], $0x1000, $0x38;
	[tilespmem:$0x1DA00] =	vst v63  }
0x3c: {  	_ =	swait.ge [sflag:s24], $0x1000  }
0x3d: {  	s26 =	simm.s32 $0x1000;
	[sflag:s24] =	ssyncset.done $0x0  }
0x3e: {  	s30 =	simm.s32 $0x3000;
	s25 =	rddreg [dreg:$0x6];
	[sflag:s24] =	ssyncadd.s32 $0xFFFFF000  }
0x3f: {  	[tilespmem:s26], [sflag:$0x11] =	stream.linear.gather [hbm4b:s25+s3], $0x1000, $0x38;
	[tilespmem:$0x1DA00] =	vst v63  }
0x40: {  	s13 =	simm.s32 $0x100;
	s1 =	simm.s32 $0x0;
	s28 =	rddreg [dreg:$0x7]  }
0x41: {  	[tilespmem:s30], [sflag:$0x12] =	stream.linear.gather [hbm4b:s28+s3], $0x1000, $0x38;
	[tilespmem:$0x1DA00] =	vst v63  }
.LBB2_2:
0x42: {  	p0 =	seq.s32 s13, $0x4F00;
	[tilespmem:s1+$0x1BAF0] =	vst v0;
	s20 =	smov.u32 s13;
	s13 =	sadd.s32 $0x100, s13  }
.Ltmp2:
0x43: {  	[tilespmem:s1+$0x1BAE0] =	vst v0;
	(pc) =	sbr.rel @!p0 .LBB2_2-.Ltmp2, $3  }
0x44: {  	[tilespmem:s1+$0x1BAC0] =	vst v0  }
0x45: {  	[tilespmem:s1+$0x1BAD0] =	vst v0;
	_ =	sdelay $0x1  }
0x46: {  	s1 =	sshra.s32 s20, $0x2  }
0x47: {  	[tilespmem:s1+$0x1BAF0] =	vst v0  }
0x48: {  	[tilespmem:s1+$0x1BAE0] =	vst v0  }
0x49: {  	[tilespmem:s1+$0x1BAC0] =	vst v0  }
0x4a: {  	[tilespmem:s1+$0x1BAD0] =	vst v0;
	s0 =	rddreg [dreg:$0x9]  }
0x4b: {  	[spmem:s0] =	stream.linear.scatter [tilespmem:s29], [sflag:$0x13], $0x1400, $0x38;
	[tilespmem:$0x1DA00] =	vst v63  }
0x4c: {  	_ =	swait.ge [sflag:s21], $0x1400  }
0x4d: {  	[sflag:s21] =	ssyncset.done $0x0  }
0x4e: {  	s22 =	rddreg [dreg:$0xa];
	[sflag:s21] =	ssyncadd.s32 $0xFFFFEC00  }
0x4f: {  	[spmem:s22] =	stream.linear.scatter [tilespmem:s29], [sflag:$0x13], $0x1400, $0x38;
	[tilespmem:$0x1DA00] =	vst v63  }
0x50: {  	_ =	swait.ge [sflag:s21], $0x1400  }
0x51: {  	[sflag:s21] =	ssyncset.done $0x0  }
0x52: {  	s23 =	rddreg [dreg:$0xb];
	[sflag:s21] =	ssyncadd.s32 $0xFFFFEC00  }
0x53: {  	[spmem:s23] =	stream.linear.scatter [tilespmem:s29], [sflag:$0x13], $0x1400, $0x38;
	[tilespmem:$0x1DA00] =	vst v63  }
0x54: {  	_ =	swait.ge [sflag:s21], $0x1400  }
0x55: {  	[sflag:s21] =	ssyncset.done $0x0  }
0x56: {  	s24 =	rddreg [dreg:$0xc];
	[sflag:s21] =	ssyncadd.s32 $0xFFFFEC00  }
0x57: {  	[spmem:s24] =	stream.linear.scatter [tilespmem:s29], [sflag:$0x13], $0x1400, $0x38;
	[tilespmem:$0x1DA00] =	vst v63  }
0x58: {  	_ =	swait.ge [sflag:s21], $0x1400  }
0x59: {  	[sflag:s21] =	ssyncset.done $0x0  }
0x5a: {  	s25 =	rddreg [dreg:$0xd];
	[sflag:s21] =	ssyncadd.s32 $0xFFFFEC00  }
0x5b: {  	[spmem:s25] =	stream.linear.scatter [tilespmem:s29], [sflag:$0x13], $0x1400, $0x38;
	[tilespmem:$0x1DA00] =	vst v63  }
0x5c: {  	_ =	swait.ge [sflag:s21], $0x1400  }
0x5d: {  	[sflag:s21] =	ssyncset.done $0x0  }
0x5e: {  	s26 =	rddreg [dreg:$0xe];
	[sflag:s21] =	ssyncadd.s32 $0xFFFFEC00  }
0x5f: {  	[spmem:s26] =	stream.linear.scatter [tilespmem:s29], [sflag:$0x13], $0x1400, $0x38;
	[tilespmem:$0x1DA00] =	vst v63  }
0x60: {  	_ =	swait.ge [sflag:s21], $0x1400  }
0x61: {  	[sflag:s21] =	ssyncset.done $0x0  }
0x62: {  	s28 =	rddreg [dreg:$0xf];
	[sflag:s21] =	ssyncadd.s32 $0xFFFFEC00  }
0x63: {  	[spmem:s28] =	stream.linear.scatter [tilespmem:s29], [sflag:$0x13], $0x1400, $0x38;
	[tilespmem:$0x1DA00] =	vst v63  }
0x64: {  	_ =	swait.ge [sflag:s21], $0x1400  }
0x65: {  	[sflag:s21] =	ssyncset.done $0x0  }
0x66: {  	s30 =	rddreg [dreg:$0x10];
	[sflag:s21] =	ssyncadd.s32 $0xFFFFEC00  }
0x67: {  	[spmem:s30] =	stream.linear.scatter [tilespmem:s29], [sflag:$0x13], $0x1400, $0x38;
	[tilespmem:$0x1DA00] =	vst v63  }
0x68: {  	_ =	swait.ge [sflag:s21], $0x1400  }
0x69: {  	[sflag:s21] =	ssyncset.done $0x0  }
0x6a: {  	s13 =	simm.s32 $0x0;
	s1 =	simm.s32 $0xE000;
	[sflag:s21] =	ssyncadd.s32 $0xFFFFEC00  }
0x6b: {  	[tilespmem:s1], [sflag:$0x1] =	stream.indirect.gather [hbm4b:s11+s31], $0x40, s13, s31, $0xb8;
	[tilespmem:$0x1DA00] =	vst v63  }
0x6c: {  	s20 =	simm.s32 $0x80;
	s21 =	simm.s32 $0xFF40  }
0x6d: {  	[tilespmem:s21], [sflag:$0x2] =	stream.indirect.gather [hbm4b:s11+s31], $0x40, s20, s31, $0xb8;
	[tilespmem:$0x1DA00] =	vst v63  }
0x6e: {  	s22 =	simm.s32 $0x100;
	s23 =	simm.s32 $0x11E80  }
0x6f: {  	[tilespmem:s23], [sflag:$0x3] =	stream.indirect.gather [hbm4b:s11+s31], $0x40, s22, s31, $0xb8;
	[tilespmem:$0x1DA00] =	vst v63  }
0x70: {  	s24 =	simm.s32 $0x180;
	s25 =	simm.s32 $0x13DC0  }
0x71: {  	[tilespmem:s25], [sflag:$0x4] =	stream.indirect.gather [hbm4b:s11+s31], $0x40, s24, s31, $0xb8;
	[tilespmem:$0x1DA00] =	vst v63  }
0x72: {  	s26 =	simm.s32 $0x200  }
0x73: {  	[tilespmem:s4], [sflag:$0x5] =	stream.indirect.gather [hbm4b:s11+s31], $0x40, s26, s31, $0xb8;
	[tilespmem:$0x1DA00] =	vst v63  }
0x74: {  	s28 =	simm.s32 $0x280;
	s30 =	simm.s32 $0x17C40;
	s21 =	simm.s32 $0x1A00  }
0x75: {  	[tilespmem:s30], [sflag:$0x6] =	stream.indirect.gather [hbm4b:s11+s31], $0x40, s28, s31, $0xb8;
	[tilespmem:$0x1DA00] =	vst v63  }
0x76: {  	s20 =	simm.s32 $0x0;
	s24 =	simm.s32 $0x0;
	[bflag:$0x0] =	sbarrier.arrive $0xFFFF  }
.LBB2_4:
0x77: {  	s25 =	sand.u32 $0x18, s24;
	s1 =	sshll.u32 s20, $0xA;
	_ =	swait.ge [sflag:s7], $0x1F40  }
0x78: {  	s0 =	simm.s32 $0xE000;
	p0 =	seq.s32 s21, $0x1A00;
	s30 =	sadd.s32 $0xFFFFFFD8, s24  }
0x79: {  	s1 =	sand.u32 $0x1000, s1;
	s23 =	sshll.u32 s25, $0x7;
	p1 =	sne.s32 s25, $0x8  }
0x7a: {  	[sflag:s7] =	ssyncset.done $0x0;
	s1 =	sor.u32 s23, s1;
	p2 =	sgt.u32 @!p1 s30, $0x57  }
0x7b: {  	[sflag:s7] =	ssyncadd.s32 $0xFFFFE0C0;
	s1 =	sor.u32 $0x2000, s1;
	p1 =	por p1, p2  }
0x7c: {  	[spmem:s2] =	stream.indirect.scatter.add.f32 [tilespmem:s0], [sflag:$0x9], $0x40, s1, s31, $0xb8;
	[tilespmem:$0x1DA00] =	vst v63  }
.Ltmp3:
0x7d: {  	s23 =	simm.s32 @!p0 $0xF;
	(pc) =	sbr.rel @p1 .LBB2_6-.Ltmp3, $4  }
0x7e: {  	_ =	swait.ge @!p0 [sflag:s23], $0x1F40  }
0x7f: {  	s1 =	sand.u32 $0x1C00, s13;
	[sflag:s23] =	ssyncset.done @!p0 $0x0  }
0x80: {  	[sflag:s23] =	ssyncadd.s32 @!p0 $0xFFFFE0C0;
	s23 =	sor.u32 $0x300, s1  }
0x81: {  	[tilespmem:s8], [sflag:$0x7] =	stream.indirect.gather [hbm4b:s11+s31], $0x40, s23, s31, $0xb8;
	[tilespmem:$0x1DA00] =	vst v63  }
0x82: {  	s25 =	sshrl.u32 s20, $0x2  }
0x83: {  	s25 =	sshll.u32 s25, $0xC  }
0x84: {  	s25 =	sadd.s32 $0x1000, s25  }
0x85: {  	s30 =	sadd.s32 s5, s25  }
.Ltmp4:
0x86: {  	s0 =	rddreg [dreg:$0x1];
	s30 =	sshrl.u32 s30, $0x3;
	(pc) =	sbr.rel .LBB2_7-.Ltmp4, $4  }
0x87: {  	s25 =	sand.u32 $0x1000, s25;
	s28 =	sadd.s32 s0, s30  }
0x88: {  	[tilespmem:s25], [sflag:$0x11] =	stream.linear.gather [hbm4b:s28+s3], $0x1000, $0x38;
	[tilespmem:$0x1DA00] =	vst v63  }
0x89: {  	s30 =	sadd.s32 s6, s30;
	s25 =	sor.u32 $0x2000, s25  }
0x8a: {  	[tilespmem:s25], [sflag:$0x12] =	stream.linear.gather [hbm4b:s30+s3], $0x1000, $0x38;
	[tilespmem:$0x1DA00] =	vst v63  }
.LBB2_6:
0x8b: {  	p1 =	sgt.u32 s20, $0xF  }
0x8c: {  	p2 =	sne.s32 @!p1 s25, $0x18  }
0x8d: {  	p1 =	por p2, p1  }
0x8e: {  	s25 =	simm.s32 @!p1 $0x11  }
0x8f: {  	_ =	swait.ge @!p1 [sflag:s25], $0x1000  }
0x90: {  	[sflag:s25] =	ssyncset.done @!p1 $0x0  }
0x91: {  	[sflag:s25] =	ssyncadd.s32 @!p1 $0xFFFFF000;
	s25 =	simm.s32 @!p1 $0x12  }
0x92: {  	_ =	swait.ge @!p1 [sflag:s25], $0x1000  }
0x93: {  	[sflag:s25] =	ssyncset.done @!p1 $0x0  }
0x94: {  	[sflag:s25] =	ssyncadd.s32 @!p1 $0xFFFFF000  }
.LBB2_7:
0x95: {  	s25 =	sadd.s32 $0xFFFFE600, s21  }
0x96: {  	_ =	swait.ge [sflag:s9], $0x1F40;
	s25 =	sand.u32 $0x7000, s25  }
0x97: {  	[sflag:s9] =	ssyncset.done $0x0;
	s28 =	sshrl.u32 s25, $0x2  }
0x98: {  	s0 =	simm.s32 $0xFF40;
	[sflag:s9] =	ssyncadd.s32 $0xFFFFE0C0;
	s25 =	sor.u32 $0x2080, s28  }
0x99: {  	[spmem:s2] =	stream.indirect.scatter.add.f32 [tilespmem:s0], [sflag:$0xA], $0x40, s25, s31, $0xb8;
	[tilespmem:$0x1DA00] =	vst v63  }
0x9a: {  	s25 =	simm.s32 @!p0 $0x10  }
0x9b: {  	_ =	swait.ge @!p0 [sflag:s25], $0x1F40  }
0x9c: {  	[sflag:s25] =	ssyncset.done @!p0 $0x0  }
0x9d: {  	[sflag:s25] =	ssyncadd.s32 @!p0 $0xFFFFE0C0;
	s25 =	sor.u32 $0x380, s1  }
0x9e: {  	[tilespmem:s29], [sflag:$0x8] =	stream.indirect.gather [hbm4b:s11+s31], $0x40, s25, s31, $0xb8;
	[tilespmem:$0x1DA00] =	vst v63  }
0x9f: {  	_ =	swait.ge [sflag:s10], $0x1F40  }
0xa0: {  	s1 =	sor.u32 $0x2000, s28;
	[sflag:s10] =	ssyncset.done $0x0  }
0xa1: {  	s30 =	simm.s32 $0x11E80;
	s28 =	sadd.s32 $0x100, s1;
	[sflag:s10] =	ssyncadd.s32 $0xFFFFE0C0  }
0xa2: {  	[spmem:s2] =	stream.indirect.scatter.add.f32 [tilespmem:s30], [sflag:$0xB], $0x40, s28, s31, $0xb8;
	[tilespmem:$0x1DA00] =	vst v63  }
0xa3: {  	_ =	swait.ge [sflag:s12], $0x1F40  }
0xa4: {  	p0 =	seq.s32 s21, $0x14A00;
	[sflag:s12] =	ssyncset.done $0x0  }
0xa5: {  	s28 =	simm.s32 @p0 $0x4;
	[sflag:s12] =	ssyncadd.s32 $0xFFFFE0C0  }
0xa6: {  	_ =	swait.ge @p0 [sflag:s28], $0x1F40  }
0xa7: {  	s0 =	simm.s32 @p0 $0x13DC0;
	[sflag:s28] =	ssyncset.done @p0 $0x0  }
0xa8: {  	s30 =	simm.s32 @p0 $0x7D;
	[sflag:s28] =	ssyncadd.s32 @p0 $0xFFFFE0C0;
	s28 =	sadd.s32 @p0 $0x180, s1  }
0xa9: {  	[spmem:s2] =	stream.indirect.scatter.add.f32 @p0 [tilespmem:s0], [sflag:$0xC], $0x40, s28, s30, $0xb8;
	[tilespmem:$0x1DA00] =	vst v63  }
0xaa: {  	s0 =	simm.s32 @p0 $0xA  }
0xab: {  	_ =	swait.ge @p0 [sflag:s0], $0x1F40  }
0xac: {  	s28 =	sadd.s32 @!p0 $0xFFFFF600, s21;
	[sflag:s0] =	ssyncset.done @p0 $0x0  }
0xad: {  	[sflag:s0] =	ssyncadd.s32 @p0 $0xFFFFE0C0;
	s0 =	sand.u32 @!p0 $0x7000, s28  }
0xae: {  	s26 =	simm.s32 @!p0 $0xE000;
	s28 =	simm.s32 @!p0 $0x7D;
	s0 =	sshrl.u32 @!p0 s0, $0x2  }
0xaf: {  	[tilespmem:s26], [sflag:$0x1] =	stream.indirect.gather @!p0 [hbm4b:s11+s28], $0x40, s0, s28, $0xb8;
	[tilespmem:$0x1DA00] =	vst v63  }
0xb0: {  	s0 =	simm.s32 @!p0 $0x4  }
0xb1: {  	_ =	swait.ge @!p0 [sflag:s0], $0x1F40  }
0xb2: {  	[sflag:s0] =	ssyncset.done @!p0 $0x0  }
0xb3: {  	s26 =	simm.s32 @!p0 $0x13DC0;
	[sflag:s0] =	ssyncadd.s32 @!p0 $0xFFFFE0C0;
	s0 =	sadd.s32 @!p0 $0x180, s1  }
0xb4: {  	[spmem:s2] =	stream.indirect.scatter.add.f32 @!p0 [tilespmem:s26], [sflag:$0xC], $0x40, s0, s28, $0xb8;
	[tilespmem:$0x1DA00] =	vst v63  }
0xb5: {  	s0 =	simm.s32 @!p0 $0xA  }
0xb6: {  	s22 =	sadd.s32 @!p0 $0xFFFFF800, s21;
	_ =	swait.ge @!p0 [sflag:s0], $0x1F40  }
0xb7: {  	s22 =	sand.u32 @!p0 $0x7200, s22;
	[sflag:s0] =	ssyncset.done @!p0 $0x0  }
0xb8: {  	[sflag:s0] =	ssyncadd.s32 @!p0 $0xFFFFE0C0;
	s0 =	sshrl.u32 @!p0 s22, $0x2;
	s22 =	simm.s32 @!p0 $0xFF40  }
0xb9: {  	[tilespmem:s22], [sflag:$0x2] =	stream.indirect.gather @!p0 [hbm4b:s11+s28], $0x40, s0, s28, $0xb8;
	[tilespmem:$0x1DA00] =	vst v63  }
0xba: {  	_ =	swait.ge [sflag:s14], $0x1F40  }
0xbb: {  	[sflag:s14] =	ssyncset.done $0x0  }
0xbc: {  	s22 =	sadd.s32 $0x200, s1;
	[sflag:s14] =	ssyncadd.s32 $0xFFFFE0C0  }
0xbd: {  	[spmem:s2] =	stream.indirect.scatter.add.f32 [tilespmem:s4], [sflag:$0xD], $0x40, s22, s31, $0xb8;
	[tilespmem:$0x1DA00] =	vst v63  }
0xbe: {  	_ =	swait.ge [sflag:s15], $0x1F40  }
0xbf: {  	[sflag:s15] =	ssyncset.done $0x0  }
0xc0: {  	s0 =	simm.s32 @p0 $0x6;
	[sflag:s15] =	ssyncadd.s32 $0xFFFFE0C0  }
0xc1: {  	_ =	swait.ge @p0 [sflag:s0], $0x1F40  }
0xc2: {  	[sflag:s0] =	ssyncset.done @p0 $0x0  }
0xc3: {  	s22 =	simm.s32 @p0 $0x17C40;
	[sflag:s0] =	ssyncadd.s32 @p0 $0xFFFFE0C0;
	s0 =	sadd.s32 @p0 $0x280, s1  }
0xc4: {  	[spmem:s2] =	stream.indirect.scatter.add.f32 @p0 [tilespmem:s22], [sflag:$0xE], $0x40, s0, s30, $0xb8;
	[tilespmem:$0x1DA00] =	vst v63  }
0xc5: {  	s0 =	simm.s32 @p0 $0xC  }
0xc6: {  	s22 =	sadd.s32 @!p0 $0xFFFFFA00, s21;
	_ =	swait.ge @p0 [sflag:s0], $0x1F40  }
0xc7: {  	s22 =	sand.u32 @!p0 $0x7400, s22;
	[sflag:s0] =	ssyncset.done @p0 $0x0  }
0xc8: {  	[sflag:s0] =	ssyncadd.s32 @p0 $0xFFFFE0C0;
	s0 =	sshrl.u32 @!p0 s22, $0x2;
	s22 =	simm.s32 @!p0 $0x11E80  }
0xc9: {  	[tilespmem:s22], [sflag:$0x3] =	stream.indirect.gather @!p0 [hbm4b:s11+s28], $0x40, s0, s28, $0xb8;
	[tilespmem:$0x1DA00] =	vst v63  }
0xca: {  	s0 =	simm.s32 @!p0 $0x6  }
0xcb: {  	_ =	swait.ge @!p0 [sflag:s0], $0x1F40  }
0xcc: {  	[sflag:s0] =	ssyncset.done @!p0 $0x0  }
0xcd: {  	[sflag:s0] =	ssyncadd.s32 @!p0 $0xFFFFE0C0;
	s0 =	sadd.s32 @!p0 $0x280, s1;
	s1 =	simm.s32 @!p0 $0x17C40  }
0xce: {  	[spmem:s2] =	stream.indirect.scatter.add.f32 @!p0 [tilespmem:s1], [sflag:$0xE], $0x40, s0, s28, $0xb8;
	[tilespmem:$0x1DA00] =	vst v63  }
0xcf: {  	s0 =	simm.s32 @!p0 $0xC  }
0xd0: {  	s1 =	sadd.s32 @!p0 $0xFFFFFC00, s21;
	_ =	swait.ge @!p0 [sflag:s0], $0x1F40  }
0xd1: {  	s1 =	sand.u32 @!p0 $0x7600, s1;
	[sflag:s0] =	ssyncset.done @!p0 $0x0  }
0xd2: {  	[sflag:s0] =	ssyncadd.s32 @!p0 $0xFFFFE0C0;
	s0 =	sshrl.u32 @!p0 s1, $0x2  }
0xd3: {  	[tilespmem:s26], [sflag:$0x4] =	stream.indirect.gather @!p0 [hbm4b:s11+s28], $0x40, s0, s28, $0xb8;
	[tilespmem:$0x1DA00] =	vst v63  }
0xd4: {  	_ =	swait.ge [sflag:s16], $0x1F40  }
0xd5: {  	[sflag:s16] =	ssyncset.done $0x0  }
.Ltmp5:
0xd6: {  	s30 =	sor.u32 $0x2000, s23;
	[sflag:s16] =	ssyncadd.s32 $0xFFFFE0C0;
	(pc) =	sbr.rel @p0 .LBB2_9-.Ltmp5, $4  }
0xd7: {  	[spmem:s2] =	stream.indirect.scatter.add.f32 [tilespmem:s8], [sflag:$0xF], $0x40, s30, s31, $0xb8;
	[tilespmem:$0x1DA00] =	vst v63  }
0xd8: {  	_ =	swait.ge [sflag:s17], $0x1F40  }
0xd9: {  	[sflag:s17] =	ssyncset.done $0x0  }
0xda: {  	s1 =	sor.u32 $0x2000, s25;
	[sflag:s17] =	ssyncadd.s32 $0xFFFFE0C0  }
0xdb: {  	s0 =	sadd.s32 $0xFFFFFE00, s21  }
0xdc: {  	s0 =	sand.u32 $0x7800, s0  }
0xdd: {  	s0 =	sshrl.u32 s0, $0x2  }
0xde: {  	[tilespmem:s4], [sflag:$0x5] =	stream.indirect.gather [hbm4b:s11+s31], $0x40, s0, s31, $0xb8;
	[tilespmem:$0x1DA00] =	vst v63  }
0xdf: {  	_ =	swait.ge [sflag:s18], $0x1F40  }
0xe0: {  	[sflag:s18] =	ssyncset.done $0x0  }
0xe1: {  	[sflag:s18] =	ssyncadd.s32 $0xFFFFE0C0  }
0xe2: {  	[spmem:s2] =	stream.indirect.scatter.add.f32 [tilespmem:s29], [sflag:$0x10], $0x40, s1, s31, $0xb8;
	[tilespmem:$0x1DA00] =	vst v63  }
.Ltmp6:
0xe3: {  	s28 =	sand.u32 $0x7A00, s21;
	(pc) =	sbr.rel .LBB2_4-.Ltmp6, $4  }
0xe4: {  	s30 =	simm.s32 $0x17C40;
	s20 =	sadd.s32 $0x1, s20;
	_ =	swait.ge [sflag:s19], $0x1F40  }
0xe5: {  	s24 =	sadd.s32 $0x8, s24;
	s21 =	sadd.s32 $0x1000, s21;
	[sflag:s19] =	ssyncset.done $0x0  }
0xe6: {  	s13 =	sadd.s32 $0x400, s13;
	s0 =	sshrl.u32 s28, $0x2;
	[sflag:s19] =	ssyncadd.s32 $0xFFFFE0C0  }
0xe7: {  	[tilespmem:s30], [sflag:$0x6] =	stream.indirect.gather [hbm4b:s11+s31], $0x40, s0, s31, $0xb8;
	[tilespmem:$0x1DA00] =	vst v63  }
.LBB2_10:
0xe8: {  	_ =	sfence.sel $0x180000  }
0xe9: {  	[bflag:$0x0] =	sbarrier.arrive $0xFFFF  }
0xea: {  	_ =	strace $0x9000004A  }
0xeb: {  	s0 =	stileid.u32;
	[bflag:$0x2] =	sbarrier.arrive $0xFFFF  }
0xec: {  	p0 =	sne.s32 s0, $0x0;
	s0 =	rddreg [dreg:$0x3]  }
0xed: {  	s0 =	sadd.s32 @!p0 $0x100000, s0  }
0xee: {  	[sflag:s0] =	ssyncadd.tile.s32 @!p0 $0x1;
	_ =	shalt  }
.Lfunc_end2:
_tile_overlayer_lowered:
.L_overlay_start_2:
0xef: {  	(tag) =	ssettag $0x2  }
0xf0: {  	s0 =	rddreg [dreg:$0x0];
	s2 =	stileid.u32  }
0xf1: {  	s1 =	rddreg [dreg:$0x1];
	p0 =	sne.s32 s2, $0x0  }
0xf2: {  	s3 =	rddreg [dreg:$0x2];
	[bflag:$0x3] =	sbarrier.arrive $0xFFFF;
	s2 =	simm.s32 @!p0 $0x1C13  }
0xf3: {  	[timem:s3], [sflag:s2] =	dma.local @!p0 [hbm:s0], s1  }
0xf4: {  	s0 =	simm.s32 @!p0 $0x13  }
0xf5: {  	_ =	swait.ge @!p0 [sflag:s0], s1  }
0xf6: {  	s1 =	ssub.s32 @!p0 $0x0, s1;
	[sflag:s0] =	ssyncset.done @!p0 $0x0  }
0xf7: {  	[sflag:s0] =	ssyncadd.s32 @!p0 s1  }
0xf8: {  	[bflag:$0x3] =	sbarrier.arrive $0xFFFF  }
0xf9: {  	_ =	shalt  }

// kernel: kernel.15.cloned.1.call-start
scs
__scs_entry_jumppad:
0x0: {  	(pc) =	sbr.rel $0x88, $3  }
0x1: {  	(tag) =	ssettag $0x0;
	lr =	simm.s32 $0x1  }
0x2: {  	[smem:$0x3F95] =	sst lr;
	_ =	strace $0xD0000000  }
0x3: {  	_ = 	snop  }
0x4: {  	_ = 	snop  }
0x5: {  	_ = 	snop  }
0x6: {  	_ = 	snop  }
0x7: {  	_ = 	snop  }
__scs_overlays_trampoline_lowered:
0x8: {  	[smem:$0x3FA4] =	sst s0  }
0x9: {  	[smem:$0x3FA5] =	sst s1  }
0xa: {  	[smem:$0x3FA6] =	sst s2  }
0xb: {  	[smem:$0x3FA7] =	sst s3  }
0xc: {  	[smem:$0x3FA8] =	sst s4  }
0xd: {  	[smem:$0x3FA9] =	sst s5  }
0xe: {  	[smem:$0x3FAA] =	sst s6  }
0xf: {  	[smem:$0x3FAB] =	sst s7  }
0x10: {  	[smem:$0x3FAC] =	sst s8  }
0x11: {  	[smem:$0x3FAD] =	sst s9;
	s0 =	simm.s32 @!p0 $0x0  }
0x12: {  	s1 =	sld [smem:$0x3F93];
	s0 =	simm.s32 @p0 $0x1  }
0x13: {  	[smem:$0x3FAE] =	sst s0;
	s0 =	simm.s32 @!p1 $0x0  }
0x14: {  	s2 =	sld [smem:$0x3F92];
	s0 =	simm.s32 @p1 $0x1  }
0x15: {  	[smem:$0x3FAF] =	sst s0;
	s0 =	simm.s32 @!p2 $0x0  }
0x16: {  	s3 =	sld [smem:$0x3FDB];
	s0 =	simm.s32 @p2 $0x1  }
0x17: {  	s4 =	simm.s32 $0x1BF5;
	[smem:$0x3FB1] =	sst s0  }
0x18: {  	s0 =	sld [smem:$0x3F94];
	_ =	swait.ge [sflag:s4], $0x0  }
0x19: {  	s7 =	sld [smem:$0x3F95]  }
0x1a: {  	s8 =	sadd.s32 $0xFFFFE003, lr  }
0x1b: {  	s9 =	sadd.s32 $0xFFFFFEF7, lr;
	s5 =	simm.s32 $0xFFFFFFFF;
	p2 =	slt.u32 s8, $0xFFFFF086  }
0x1c: {  	p1 =	slt.u32 s9, $0xF7A;
	s5 =	simm.s32 @!p2 $0x0  }
0x1d: {  	s5 =	simm.s32 @p1 $0x1;
	p0 =	seq.s32 s7, s2  }
0x1e: {  	s7 =	smul.u32 @!p0 $0xF7A, s2;
	p2 =	seq.s32 @!p0 s5, $0x0  }
0x1f: {  	s9 =	smul.u32 $0xF7A, s1;
	s8 =	simm.s32 @!p0 $0x1BF5;
	p2 =	por !p2, p0  }
0x20: {  	[sflag:s8] =	ssyncset.s32 @!p0 $0xFFFFF086;
	s6 =	sadd.s32 @!p0 s3, s7;
	s7 =	simm.s32 @!p0 $0x108  }
0x21: {  	s3 =	sadd.s32 s3, s9;
	s6 =	sadd.s32 @!p0 $0x88, s6;
	s7 =	simm.s32 @p2 $0x1082  }
0x22: {  	[simem:s7], [sflag:s8] =	dma.local @!p0 [hbm:s6], $0xF7A  }
0x23: {  	s9 =	sor.u32 $0xD0000000, s2;
	s6 =	simm.s32 $0x108;
	_ =	swait.ge @!p0 [sflag:s8], $0x0  }
0x24: {  	s3 =	sadd.s32 $0x88, s3;
	s6 =	simm.s32 @!p1 $0x1082;
	[sflag:s4] =	ssyncset.s32 $0xFFFFF086  }
0x25: {  	[simem:s6], [sflag:s4] =	dma.local [hbm:s3], $0xF7A  }
0x26: {  	[smem:$0x3F95] =	sst s1;
	(tag) =	ssettag s2;
	_ =	strace s9  }
0x27: {  	s1 =	sld [smem:$0x3FA5]  }
0x28: {  	s2 =	sld [smem:$0x3FA6]  }
0x29: {  	s4 =	sld [smem:$0x3FA8]  }
0x2a: {  	p0 =	seq.s32 s5, $0x0;
	s5 =	sld [smem:$0x3FA9]  }
0x2b: {  	s6 =	sld [smem:$0x3FAA]  }
0x2c: {  	s7 =	sld [smem:$0x3FAB]  }
0x2d: {  	s3 =	simm.s32 $0x108;
	s8 =	sld [smem:$0x3FAC]  }
0x2e: {  	s3 =	simm.s32 @!p0 $0x1082;
	s9 =	sld [smem:$0x3FAD]  }
0x2f: {  	lr =	sadd.s32 s0, s3;
	s0 =	sld [smem:$0x3FA4]  }
0x30: {  	s3 =	sld [smem:$0x3FA7]  }
0x31: {  	[smem:$0x3FB0] =	sst s10  }
0x32: {  	s10 =	sld [smem:$0x3FAE];
	_ =	sdelay $0x3  }
0x33: {  	p0 =	seq.s32 s10, $0x1;
	s10 =	sld [smem:$0x3FB0];
	_ =	sdelay $0x3  }
0x34: {  	[smem:$0x3FB0] =	sst s10  }
0x35: {  	s10 =	sld [smem:$0x3FAF];
	_ =	sdelay $0x3  }
0x36: {  	p1 =	seq.s32 s10, $0x1;
	s10 =	sld [smem:$0x3FB0];
	_ =	sdelay $0x3  }
0x37: {  	[smem:$0x3FB0] =	sst s10  }
0x38: {  	s10 =	sld [smem:$0x3FB1]  }
0x39: {  	_ = 	snop;
	(pc) =	sbr.ind lr, $3  }
0x3a: {  	_ = 	snop  }
0x3b: {  	_ = 	snop  }
0x3c: {  	p2 =	seq.s32 s10, $0x1;
	s10 =	sld [smem:$0x3FB0]  }
0x3d: {  	_ =	shalt  }
0x3e: {  	_ =	shalt  }
0x3f: {  	_ =	shalt  }
0x40: {  	_ =	shalt  }
0x41: {  	_ =	shalt  }
0x42: {  	_ =	shalt  }
0x43: {  	_ =	shalt  }
0x44: {  	_ =	shalt  }
0x45: {  	_ =	shalt  }
0x46: {  	_ =	shalt  }
0x47: {  	_ =	shalt  }
0x48: {  	_ =	shalt  }
0x49: {  	_ =	shalt  }
0x4a: {  	_ =	shalt  }
0x4b: {  	_ =	shalt  }
0x4c: {  	_ =	shalt  }
0x4d: {  	_ =	shalt  }
0x4e: {  	_ =	shalt  }
0x4f: {  	_ =	shalt  }
0x50: {  	_ =	shalt  }
0x51: {  	_ =	shalt  }
0x52: {  	_ =	shalt  }
0x53: {  	_ =	shalt  }
0x54: {  	_ =	shalt  }
0x55: {  	_ =	shalt  }
0x56: {  	_ =	shalt  }
0x57: {  	_ =	shalt  }
0x58: {  	_ =	shalt  }
0x59: {  	_ =	shalt  }
0x5a: {  	_ =	shalt  }
0x5b: {  	_ =	shalt  }
0x5c: {  	_ =	shalt  }
0x5d: {  	_ =	shalt  }
0x5e: {  	_ =	shalt  }
0x5f: {  	_ =	shalt  }
0x60: {  	_ =	shalt  }
0x61: {  	_ =	shalt  }
0x62: {  	_ =	shalt  }
0x63: {  	_ =	shalt  }
0x64: {  	_ =	shalt  }
0x65: {  	_ =	shalt  }
0x66: {  	_ =	shalt  }
0x67: {  	_ =	shalt  }
0x68: {  	_ =	shalt  }
0x69: {  	_ =	shalt  }
0x6a: {  	_ =	shalt  }
0x6b: {  	_ =	shalt  }
0x6c: {  	_ =	shalt  }
0x6d: {  	_ =	shalt  }
0x6e: {  	_ =	shalt  }
0x6f: {  	_ =	shalt  }
0x70: {  	_ =	shalt  }
0x71: {  	_ =	shalt  }
0x72: {  	_ =	shalt  }
0x73: {  	_ =	shalt  }
0x74: {  	_ =	shalt  }
0x75: {  	_ =	shalt  }
0x76: {  	_ =	shalt  }
0x77: {  	_ =	shalt  }
0x78: {  	_ =	shalt  }
0x79: {  	_ =	shalt  }
0x7a: {  	_ =	shalt  }
0x7b: {  	_ =	shalt  }
0x7c: {  	_ =	shalt  }
0x7d: {  	_ =	shalt  }
0x7e: {  	_ =	shalt  }
0x7f: {  	_ =	shalt  }
0x80: {  	_ =	shalt  }
0x81: {  	_ =	shalt  }
0x82: {  	_ =	shalt  }
0x83: {  	_ =	shalt  }
0x84: {  	_ =	shalt  }
0x85: {  	_ =	shalt  }
0x86: {  	_ =	shalt  }
0x87: {  	_ =	shalt  }
.Lfunc_end0:
.L_simem_size_0:
called_computation.2_lowered:
.L_overlay_start_0:
0x88: {  	s2 =	sld [smem:$0x3FD9]  }
0x89: {  	s3 =	sld [smem:$0x3FFE];
	_ =	sdelay $0x1  }
0x8a: {  	s1 =	srdreg.scid  }
0x8b: {  	s0 =	sand.u32 $0x1, s1  }
0x8c: {  	s17 =	sshll.u32 s0, $0xA;
	s2 =	sadd.s32 s3, s2  }
0x8d: {  	s2 =	sadd.s32 s2, s17  }
0x8e: {  	[smem:$0x3FBC] =	sst s2  }
0x8f: {  	_ = 	snop  }
0x90: {  	s2 =	sld [smem:$0x3FD0];
	(tm) =	ssettm $0x1  }
0x91: {  	s18 =	sld [smem:$0x3FFB];
	_ =	sdelay $0x3  }
0x92: {  	_ =	strace s18  }
0x93: {  	s3 =	sld [smem:$0x3FFC];
	_ =	sdelay $0x3  }
0x94: {  	_ =	strace s3  }
0x95: {  	s3 =	sld [smem:$0x3FFD];
	_ =	sdelay $0x3  }
0x96: {  	_ =	strace s3  }
0x97: {  	_ =	strace $0x8FFFFFFF  }
0x98: {  	s19 =	sld [smem:$0x3FDB];
	_ =	sdelay $0x1  }
0x99: {  	s4 =	simm.s32 $_scs_section_size  }
0x9a: {  	s5 =	simm.s32 $_size__tile_overlayer_lowered;
	s6 =	simm.s32 $_tile_overlayer_lowered  }
0x9b: {  	s22 =	simm.s32 $0x1BFF;
	s21 =	sshll.u32 s6, $0x1;
	s3 =	sadd.s32 s4, s19  }
0x9c: {  	s7 =	simm.s32 $0x0;
	s20 =	sshll.u32 s5, $0x1;
	s5 =	sadd.s32 s21, s3  }
0x9d: {  	[timem:s7], [sflag:s22] =	dma.local [hbm:s5], s20  }
0x9e: {  	_ =	swait.ge [sflag:s22], s20  }
0x9f: {  	s4 =	ssub.s32 $0x0, s20;
	[sflag:s22] =	ssyncset.done $0x0  }
0xa0: {  	[sflag:s22] =	ssyncadd.s32 s4;
	_ =	sdelay $0x1  }
0xa1: {  	s23 =	simm.s32 $0x1B8B  }
0xa2: {  	_ =	swait.ge [sflag:s23], $0x1  }
0xa3: {  	[sflag:s23] =	ssyncset.done $0x0  }
0xa4: {  	s25 =	simm.s32 $0x1B8E;
	s24 =	sld [smem:$0x3FFE];
	[sflag:s23] =	ssyncadd.s32 $0xFFFFFFFF  }
0xa5: {  	s26 =	simm.s32 $execute0_lowered;
	[smem:$0x3FD2] =	sst s25  }
0xa6: {  	s5 =	sshll.u32 s26, $0x1;
	_ =	strace $0x8000004C;
	[dreg:$0x1] =	wrdreg $0xFFFFFFFF  }
0xa7: {  	s28 =	simm.s32 $_size_execute0_lowered;
	s3 =	sadd.s32 s3, s5;
	[dreg:$0x0] =	wrdreg $0x0  }
0xa8: {  	s5 =	sshll.u32 s28, $0x1;
	[dreg:$0x2] =	wrdreg s3  }
0xa9: {  	[dreg:$0x3] =	wrdreg s5  }
0xaa: {  	[dreg:$0x4] =	wrdreg $0xC0  }
0xab: {  	_ =	task [dreg:s7], $0x5FFFF  }
0xac: {  	[dreg:$0x1] =	wrdreg $0xFFFFFFFF  }
0xad: {  	[dreg:$0x0] =	wrdreg $0x60  }
0xae: {  	[dreg:$0x2] =	wrdreg s24  }
0xaf: {  	[dreg:$0x3] =	wrdreg s2  }
0xb0: {  	[dreg:$0x4] =	wrdreg $0x40000  }
0xb1: {  	[dreg:$0x5] =	wrdreg $0x9  }
0xb2: {  	_ =	task.clear_ibuf [dreg:s7], $0x6FFFF;
	_ =	strace $0x9000004C  }
0xb3: {  	s29 =	simm.s32 $0x9;
	_ =	strace $0x8000004E  }
0xb4: {  	_ =	swait.ge [sflag:s29], $0x1  }
0xb5: {  	[sflag:s29] =	ssyncadd.s32 $0xFFFFFFFF  }
0xb6: {  	_ =	strace $0x9000004E  }
0xb7: {  	_ =	sfence  }
0xb8: {  	s30 =	sld [smem:$0x0];
	_ =	sdelay $0x2  }
0xb9: {  	s31 =	sshll.u32 s1, $0xD;
	s1 =	sshrl.u32 s1, $0x2  }
0xba: {  	s3 =	sand.u32 $0x4000, s31;
	s1 =	sadd.s32 s1, s30  }
0xbb: {  	s0 =	sor.u32 s3, s0;
	s1 =	sshll.u32 s1, $0x11  }
0xbc: {  	s0 =	sor.u32 s1, s0  }
0xbd: {  	s0 =	sadd.s32 $0x8F2B, s0  }
0xbe: {  	[sflag:s0] =	ssyncadd.remote.s32 $0x1  }
0xbf: {  	_ =	sfence.sel $0xFFFF  }
0xc0: {  	[dreg:$0x0] =	wrdreg $0xFFFFFFFF;
	(pc) =	sbr.abs _section_cstart, $3  }
0xc1: {  	[dreg:$0x1] =	wrdreg $0xFFFFFFFF  }
0xc2: {  	_ =	task.clear_ibuf [dreg:s7], $0x2FFFF;
	_ =	strace $0x9FFFFFFF  }
0xc3: {  	(tm) =	ssettm $0x7FFFFFFF  }
tec
execute0_lowered:
.L_overlay_start_1:
0x0: {  	(tag) =	ssettag $0x1  }
0x1: {  	s0 =	rddreg [dreg:$0x0]  }
0x2: {  	s11 =	rddreg [dreg:$0x1]  }
0x3: {  	s2 =	rddreg [dreg:$0x2];
	s1 =	srdreg.scid  }
0x4: {  	s3 =	simm.s32 $0x0;
	s10 =	stileid.u32;
	s29 =	simm.s32 $0xFD60  }
0x5: {  	s31 =	simm.s32 $0x7D;
	s28 =	simm.s32 $0xCE80;
	s5 =	smul.u32 $0x5000, s10  }
0x6: {  	s12 =	simm.s32 $0x9;
	s1 =	sand.u32 $0x1, s1;
	s9 =	smul.u32 $0xA00, s10  }
0x7: {  	s14 =	simm.s32 $0x5;
	[smem:$0x7FF] =	sst s3;
	s4 =	smul.u32 $0x9C40, s1  }
0x8: {  	s6 =	sadd.s32 $0x2000, s0;
	s7 =	smul.u32 $0xA000, s1;
	s1 =	ssub.s32 $0x2, s1  }
0x9: {  	s10 =	smul.u32 $0x14000, s10;
	_ =	strace $0x8000004D;
	s8 =	sshrl.u32 s1, $0x1  }
0xa: {  	s15 =	sshrl.u32 s5, $0x3;
	s16 =	sadd.s32 s11, s9;
	s9 =	sadd.s32 s6, s9  }
0xb: {  	s19 =	sshrl.u32 s10, $0x2;
	s20 =	sadd.s32 s5, s2;
	[dreg:$0x4] =	wrdreg s16  }
0xc: {  	s10 =	simm.s32 $0x3;
	[dreg:$0x5] =	wrdreg s9;
	s21 =	sadd.s32 s19, s2  }
0xd: {  	s17 =	sadd.s32 $0x200, s15;
	s30 =	sshrl.u32 s20, $0x3;
	[dreg:$0x9] =	wrdreg s21  }
0xe: {  	s4 =	sadd.s32 s4, s0;
	s18 =	sadd.s32 s11, s17;
	[dreg:$0x12] =	wrdreg s30  }
0xf: {  	s1 =	ssub.s32 s1, s8;
	s8 =	sadd.s32 s6, s17;
	[dreg:$0x6] =	wrdreg s18  }
0x10: {  	s0 =	sadd.s32 s7, s0;
	s1 =	smax.u32 s1, $0x1;
	[dreg:$0x7] =	wrdreg s8  }
0x11: {  	s11 =	sadd.s32 $0xC000, s4;
	s4 =	sadd.s32 $0xA00, s21;
	[dreg:$0x8] =	wrdreg s1  }
0x12: {  	s7 =	simm.s32 $0x1;
	s22 =	sadd.s32 $0x1400, s21;
	[dreg:$0xa] =	wrdreg s4  }
0x13: {  	s9 =	simm.s32 $0x2;
	s23 =	sadd.s32 $0x1E00, s21;
	[dreg:$0xb] =	wrdreg s22  }
0x14: {  	s16 =	simm.s32 $0x7;
	s24 =	sadd.s32 $0x2800, s21;
	[dreg:$0xc] =	wrdreg s23  }
0x15: {  	s19 =	simm.s32 $0xE;
	s25 =	sadd.s32 $0x3200, s21;
	[dreg:$0xd] =	wrdreg s24  }
.Ltmp0:
0x16: {  	s26 =	sadd.s32 $0x3C00, s21;
	[dreg:$0xe] =	wrdreg s25;
	(pc) =	sbr.rel .LBB2_1-.Ltmp0, $4  }
0x17: {  	s0 =	sadd.s32 $0x1FA00, s0;
	s17 =	simm.s32 $0xD;
	[dreg:$0xf] =	wrdreg s26  }
0x18: {  	s1 =	sadd.s32 $0x4600, s21;
	s0 =	sadd.s32 s15, s0;
	s4 =	simm.s32 $0x13  }
0x19: {  	s8 =	simm.s32 $0xEDC0;
	s15 =	simm.s32 $0xB;
	[dreg:$0x10] =	wrdreg s1  }
0x1a: {  	v0 =	vimm.f32 $0.0e+00;
	s18 =	simm.s32 $0x8;
	[dreg:$0x11] =	wrdreg s0;
	s1 =	simm.s32 $0x0  }
.LBB2_9:
0x1b: {  	_ =	swait.ge [sflag:s18], $0xFA0  }
0x1c: {  	[sflag:s18] =	ssyncset.done $0x0  }
0x1d: {  	[sflag:s18] =	ssyncadd.s32 $0xFFFFF060  }
0x1e: {  	[spmem:s2] =	stream.indirect.scatter.add.f32 [tilespmem:s29], [sflag:$0x10], $0x20, s1, s31, $0xb8;
	[tilespmem:$0x10D00] =	vst v63  }
0x1f: {  	_ =	swait.ge [sflag:s19], $0xFA0  }
0x20: {  	[sflag:s19] =	ssyncset.done $0x0  }
0x21: {  	s0 =	simm.s32 $0xF;
	[sflag:s19] =	ssyncadd.s32 $0xFFFFF060  }
0x22: {  	_ =	swait.ge [sflag:s0], $0xFA0  }
0x23: {  	[sflag:s0] =	ssyncset.done $0x0  }
0x24: {  	s23 =	simm.s32 $0x10;
	[sflag:s0] =	ssyncadd.s32 $0xFFFFF060  }
0x25: {  	_ =	swait.ge [sflag:s23], $0xFA0  }
0x26: {  	[sflag:s23] =	ssyncset.done $0x0  }
0x27: {  	[sflag:s23] =	ssyncadd.s32 $0xFFFFF060  }
0x28: {  	s24 =	stileid.u32;
	[bflag:$0x0] =	sbarrier.arrive $0xFFFF  }
0x29: {  	s0 =	sshll.u32 s24, $0x6;
	s25 =	rddreg [dreg:$0x11]  }
0x2a: {  	s0 =	sor.u32 $0x1C13, s0;
	s4 =	rddreg [dreg:$0x12]  }
0x2b: {  	[hbm:s25], [sflag:s0] =	dma.local [spmem:s4], $0xA00  }
0x2c: {  	s4 =	simm.s32 $0x13  }
0x2d: {  	_ =	swait.ge [sflag:s4], $0xA00  }
0x2e: {  	s26 =	rddreg [dreg:$0x13]  }
0x2f: {  	s30 =	rddreg [dreg:$0x8];
	s1 =	sadd.s32 $0x1, s26  }
0x30: {  	p0 =	sne.s32 s1, s30  }
.Ltmp1:
0x31: {  	_ = 	snop;
	(pc) =	sbr.rel @!p0 .LBB2_10-.Ltmp1, $3  }
0x32: {  	_ =	sdelay $0x1  }
0x33: {  	[sflag:s4] =	ssyncset.done $0x0  }
0x34: {  	[sflag:s4] =	ssyncadd.s32 $0xFFFFF600  }
.LBB2_1:
0x35: {  	[dreg:$0x13] =	wrdreg s1  }
0x36: {  	s0 =	rddreg [dreg:$0x4];
	s20 =	simm.s32 $0x11  }
0x37: {  	[tilespmem:s3], [sflag:$0x11] =	stream.linear.gather [hbm4b:s0+s3], $0x1000, $0x38;
	[tilespmem:$0x10D00] =	vst v63  }
0x38: {  	_ =	swait.ge [sflag:s20], $0x1000  }
0x39: {  	s22 =	simm.s32 $0x2000;
	[sflag:s20] =	ssyncset.done $0x0  }
0x3a: {  	s23 =	simm.s32 $0x12;
	s21 =	rddreg [dreg:$0x5];
	[sflag:s20] =	ssyncadd.s32 $0xFFFFF000  }
0x3b: {  	[tilespmem:s22], [sflag:$0x12] =	stream.linear.gather [hbm4b:s21+s3], $0x1000, $0x38;
	[tilespmem:$0x10D00] =	vst v63  }
0x3c: {  	_ =	swait.ge [sflag:s23], $0x1000  }
0x3d: {  	s25 =	simm.s32 $0x1000;
	[sflag:s23] =	ssyncset.done $0x0  }
0x3e: {  	s30 =	simm.s32 $0x3000;
	s24 =	rddreg [dreg:$0x6];
	[sflag:s23] =	ssyncadd.s32 $0xFFFFF000  }
0x3f: {  	[tilespmem:s25], [sflag:$0x11] =	stream.linear.gather [hbm4b:s24+s3], $0x1000, $0x38;
	[tilespmem:$0x10D00] =	vst v63  }
0x40: {  	s1 =	simm.s32 $0x80;
	s13 =	simm.s32 $0x0;
	s26 =	rddreg [dreg:$0x7]  }
0x41: {  	[tilespmem:s30], [sflag:$0x12] =	stream.linear.gather [hbm4b:s26+s3], $0x1000, $0x38;
	[tilespmem:$0x10D00] =	vst v63  }
.LBB2_2:
0x42: {  	p0 =	seq.s32 s1, $0x2780;
	[tilespmem:s13+$0xFD60] =	vst v0;
	s20 =	smov.u32 s1;
	s1 =	sadd.s32 $0x80, s1  }
.Ltmp2:
0x43: {  	[tilespmem:s13+$0xFD70] =	vst v0;
	(pc) =	sbr.rel @!p0 .LBB2_2-.Ltmp2, $2  }
0x44: {  	_ =	sdelay $0x2  }
0x45: {  	s13 =	sshra.s32 s20, $0x2  }
0x46: {  	[tilespmem:s13+$0xFD60] =	vst v0  }
0x47: {  	[tilespmem:s13+$0xFD70] =	vst v0;
	s0 =	rddreg [dreg:$0x9]  }
0x48: {  	[spmem:s0] =	stream.linear.scatter [tilespmem:s29], [sflag:$0x13], $0xA00, $0x38;
	[tilespmem:$0x10D00] =	vst v63  }
0x49: {  	_ =	swait.ge [sflag:s4], $0xA00  }
0x4a: {  	[sflag:s4] =	ssyncset.done $0x0  }
0x4b: {  	s22 =	rddreg [dreg:$0xa];
	[sflag:s4] =	ssyncadd.s32 $0xFFFFF600  }
0x4c: {  	[spmem:s22] =	stream.linear.scatter [tilespmem:s29], [sflag:$0x13], $0xA00, $0x38;
	[tilespmem:$0x10D00] =	vst v63  }
0x4d: {  	_ =	swait.ge [sflag:s4], $0xA00  }
0x4e: {  	[sflag:s4] =	ssyncset.done $0x0  }
0x4f: {  	s23 =	rddreg [dreg:$0xb];
	[sflag:s4] =	ssyncadd.s32 $0xFFFFF600  }
0x50: {  	[spmem:s23] =	stream.linear.scatter [tilespmem:s29], [sflag:$0x13], $0xA00, $0x38;
	[tilespmem:$0x10D00] =	vst v63  }
0x51: {  	_ =	swait.ge [sflag:s4], $0xA00  }
0x52: {  	[sflag:s4] =	ssyncset.done $0x0  }
0x53: {  	s24 =	rddreg [dreg:$0xc];
	[sflag:s4] =	ssyncadd.s32 $0xFFFFF600  }
0x54: {  	[spmem:s24] =	stream.linear.scatter [tilespmem:s29], [sflag:$0x13], $0xA00, $0x38;
	[tilespmem:$0x10D00] =	vst v63  }
0x55: {  	_ =	swait.ge [sflag:s4], $0xA00  }
0x56: {  	[sflag:s4] =	ssyncset.done $0x0  }
0x57: {  	s25 =	rddreg [dreg:$0xd];
	[sflag:s4] =	ssyncadd.s32 $0xFFFFF600  }
0x58: {  	[spmem:s25] =	stream.linear.scatter [tilespmem:s29], [sflag:$0x13], $0xA00, $0x38;
	[tilespmem:$0x10D00] =	vst v63  }
0x59: {  	_ =	swait.ge [sflag:s4], $0xA00  }
0x5a: {  	[sflag:s4] =	ssyncset.done $0x0  }
0x5b: {  	s26 =	rddreg [dreg:$0xe];
	[sflag:s4] =	ssyncadd.s32 $0xFFFFF600  }
0x5c: {  	[spmem:s26] =	stream.linear.scatter [tilespmem:s29], [sflag:$0x13], $0xA00, $0x38;
	[tilespmem:$0x10D00] =	vst v63  }
0x5d: {  	_ =	swait.ge [sflag:s4], $0xA00  }
0x5e: {  	[sflag:s4] =	ssyncset.done $0x0  }
0x5f: {  	s30 =	rddreg [dreg:$0xf];
	[sflag:s4] =	ssyncadd.s32 $0xFFFFF600  }
0x60: {  	[spmem:s30] =	stream.linear.scatter [tilespmem:s29], [sflag:$0x13], $0xA00, $0x38;
	[tilespmem:$0x10D00] =	vst v63  }
0x61: {  	_ =	swait.ge [sflag:s4], $0xA00  }
0x62: {  	[sflag:s4] =	ssyncset.done $0x0  }
0x63: {  	s1 =	rddreg [dreg:$0x10];
	[sflag:s4] =	ssyncadd.s32 $0xFFFFF600  }
0x64: {  	[spmem:s1] =	stream.linear.scatter [tilespmem:s29], [sflag:$0x13], $0xA00, $0x38;
	[tilespmem:$0x10D00] =	vst v63  }
0x65: {  	_ =	swait.ge [sflag:s4], $0xA00  }
0x66: {  	[sflag:s4] =	ssyncset.done $0x0  }
0x67: {  	s13 =	simm.s32 $0x0;
	[sflag:s4] =	ssyncadd.s32 $0xFFFFF600;
	s4 =	simm.s32 $0x9000  }
0x68: {  	[tilespmem:s4], [sflag:$0x1] =	stream.indirect.gather [hbm4b:s11+s31], $0x20, s13, s31, $0xb8;
	[tilespmem:$0x10D00] =	vst v63  }
0x69: {  	s20 =	simm.s32 $0x80;
	s1 =	simm.s32 $0x9FA0  }
0x6a: {  	[tilespmem:s1], [sflag:$0x2] =	stream.indirect.gather [hbm4b:s11+s31], $0x20, s20, s31, $0xb8;
	[tilespmem:$0x10D00] =	vst v63  }
0x6b: {  	s21 =	simm.s32 $0x100;
	s22 =	simm.s32 $0xAF40  }
0x6c: {  	[tilespmem:s22], [sflag:$0x3] =	stream.indirect.gather [hbm4b:s11+s31], $0x20, s21, s31, $0xb8;
	[tilespmem:$0x10D00] =	vst v63  }
0x6d: {  	s23 =	simm.s32 $0x180;
	s24 =	simm.s32 $0xBEE0  }
0x6e: {  	[tilespmem:s24], [sflag:$0x4] =	stream.indirect.gather [hbm4b:s11+s31], $0x20, s23, s31, $0xb8;
	[tilespmem:$0x10D00] =	vst v63  }
0x6f: {  	s25 =	simm.s32 $0x200  }
0x70: {  	[tilespmem:s28], [sflag:$0x5] =	stream.indirect.gather [hbm4b:s11+s31], $0x20, s25, s31, $0xb8;
	[tilespmem:$0x10D00] =	vst v63  }
0x71: {  	s26 =	simm.s32 $0x280;
	s30 =	simm.s32 $0xDE20;
	s20 =	simm.s32 $0x0  }
0x72: {  	[tilespmem:s30], [sflag:$0x6] =	stream.indirect.gather [hbm4b:s11+s31], $0x20, s26, s31, $0xb8;
	[tilespmem:$0x10D00] =	vst v63  }
0x73: {  	s21 =	simm.s32 $0x1A00;
	s24 =	simm.s32 $0x0;
	[bflag:$0x0] =	sbarrier.arrive $0xFFFF  }
.LBB2_4:
0x74: {  	s25 =	sand.u32 $0x18, s24;
	s1 =	sshll.u32 s20, $0xA;
	_ =	swait.ge [sflag:s7], $0xFA0  }
0x75: {  	s0 =	simm.s32 $0x9000;
	p0 =	seq.s32 s21, $0x1A00;
	s30 =	sadd.s32 $0xFFFFFFD8, s24  }
0x76: {  	s1 =	sand.u32 $0x1000, s1;
	s23 =	sshll.u32 s25, $0x7;
	p1 =	sne.s32 s25, $0x8  }
0x77: {  	[sflag:s7] =	ssyncset.done $0x0;
	s1 =	sor.u32 s23, s1;
	p2 =	sgt.u32 @!p1 s30, $0x57  }
0x78: {  	[sflag:s7] =	ssyncadd.s32 $0xFFFFF060;
	s1 =	sor.u32 $0x2000, s1;
	p1 =	por p1, p2  }
0x79: {  	[spmem:s2] =	stream.indirect.scatter.add.f32 [tilespmem:s0], [sflag:$0x9], $0x20, s1, s31, $0xb8;
	[tilespmem:$0x10D00] =	vst v63  }
.Ltmp3:
0x7a: {  	s23 =	simm.s32 @!p0 $0xF;
	(pc) =	sbr.rel @p1 .LBB2_6-.Ltmp3, $4  }
0x7b: {  	_ =	swait.ge @!p0 [sflag:s23], $0xFA0  }
0x7c: {  	s1 =	sand.u32 $0x1C00, s13;
	[sflag:s23] =	ssyncset.done @!p0 $0x0  }
0x7d: {  	[sflag:s23] =	ssyncadd.s32 @!p0 $0xFFFFF060;
	s23 =	sor.u32 $0x300, s1  }
0x7e: {  	[tilespmem:s8], [sflag:$0x7] =	stream.indirect.gather [hbm4b:s11+s31], $0x20, s23, s31, $0xb8;
	[tilespmem:$0x10D00] =	vst v63  }
0x7f: {  	s25 =	sshrl.u32 s20, $0x2  }
0x80: {  	s25 =	sshll.u32 s25, $0xC  }
0x81: {  	s25 =	sadd.s32 $0x1000, s25  }
0x82: {  	s30 =	sadd.s32 s5, s25  }
.Ltmp4:
0x83: {  	s0 =	rddreg [dreg:$0x1];
	s30 =	sshrl.u32 s30, $0x3;
	(pc) =	sbr.rel .LBB2_7-.Ltmp4, $4  }
0x84: {  	s25 =	sand.u32 $0x1000, s25;
	s22 =	sadd.s32 s0, s30  }
0x85: {  	[tilespmem:s25], [sflag:$0x11] =	stream.linear.gather [hbm4b:s22+s3], $0x1000, $0x38;
	[tilespmem:$0x10D00] =	vst v63  }
0x86: {  	s26 =	sor.u32 $0x2000, s25;
	s30 =	sadd.s32 s6, s30  }
0x87: {  	[tilespmem:s26], [sflag:$0x12] =	stream.linear.gather [hbm4b:s30+s3], $0x1000, $0x38;
	[tilespmem:$0x10D00] =	vst v63  }
.LBB2_6:
0x88: {  	p1 =	sgt.u32 s20, $0xF  }
0x89: {  	p2 =	sne.s32 @!p1 s25, $0x18  }
0x8a: {  	p1 =	por p2, p1  }
0x8b: {  	s22 =	simm.s32 @!p1 $0x11  }
0x8c: {  	_ =	swait.ge @!p1 [sflag:s22], $0x1000  }
0x8d: {  	[sflag:s22] =	ssyncset.done @!p1 $0x0  }
0x8e: {  	[sflag:s22] =	ssyncadd.s32 @!p1 $0xFFFFF000;
	s22 =	simm.s32 @!p1 $0x12  }
0x8f: {  	_ =	swait.ge @!p1 [sflag:s22], $0x1000  }
0x90: {  	[sflag:s22] =	ssyncset.done @!p1 $0x0  }
0x91: {  	[sflag:s22] =	ssyncadd.s32 @!p1 $0xFFFFF000  }
.LBB2_7:
0x92: {  	s22 =	sadd.s32 $0xFFFFE600, s21  }
0x93: {  	_ =	swait.ge [sflag:s9], $0xFA0;
	s22 =	sand.u32 $0x7000, s22  }
0x94: {  	[sflag:s9] =	ssyncset.done $0x0;
	s22 =	sshrl.u32 s22, $0x2  }
0x95: {  	s0 =	simm.s32 $0x9FA0;
	[sflag:s9] =	ssyncadd.s32 $0xFFFFF060;
	s25 =	sor.u32 $0x2080, s22  }
0x96: {  	[spmem:s2] =	stream.indirect.scatter.add.f32 [tilespmem:s0], [sflag:$0xA], $0x20, s25, s31, $0xb8;
	[tilespmem:$0x10D00] =	vst v63  }
0x97: {  	s25 =	simm.s32 @!p0 $0x10  }
0x98: {  	_ =	swait.ge @!p0 [sflag:s25], $0xFA0  }
0x99: {  	[sflag:s25] =	ssyncset.done @!p0 $0x0  }
0x9a: {  	[sflag:s25] =	ssyncadd.s32 @!p0 $0xFFFFF060;
	s25 =	sor.u32 $0x380, s1  }
0x9b: {  	[tilespmem:s29], [sflag:$0x8] =	stream.indirect.gather [hbm4b:s11+s31], $0x20, s25, s31, $0xb8;
	[tilespmem:$0x10D00] =	vst v63  }
0x9c: {  	_ =	swait.ge [sflag:s10], $0xFA0  }
0x9d: {  	s1 =	sor.u32 $0x2000, s22;
	[sflag:s10] =	ssyncset.done $0x0  }
0x9e: {  	s30 =	simm.s32 $0xAF40;
	s22 =	sadd.s32 $0x100, s1;
	[sflag:s10] =	ssyncadd.s32 $0xFFFFF060  }
0x9f: {  	[spmem:s2] =	stream.indirect.scatter.add.f32 [tilespmem:s30], [sflag:$0xB], $0x20, s22, s31, $0xb8;
	[tilespmem:$0x10D00] =	vst v63  }
0xa0: {  	_ =	swait.ge [sflag:s12], $0xFA0  }
0xa1: {  	p0 =	seq.s32 s21, $0x14A00;
	[sflag:s12] =	ssyncset.done $0x0  }
0xa2: {  	s22 =	simm.s32 @p0 $0x4;
	[sflag:s12] =	ssyncadd.s32 $0xFFFFF060  }
0xa3: {  	_ =	swait.ge @p0 [sflag:s22], $0xFA0  }
0xa4: {  	s0 =	simm.s32 @p0 $0xBEE0;
	[sflag:s22] =	ssyncset.done @p0 $0x0  }
0xa5: {  	s30 =	simm.s32 @p0 $0x7D;
	[sflag:s22] =	ssyncadd.s32 @p0 $0xFFFFF060;
	s22 =	sadd.s32 @p0 $0x180, s1  }
0xa6: {  	[spmem:s2] =	stream.indirect.scatter.add.f32 @p0 [tilespmem:s0], [sflag:$0xC], $0x20, s22, s30, $0xb8;
	[tilespmem:$0x10D00] =	vst v63  }
0xa7: {  	s0 =	simm.s32 @p0 $0xA  }
0xa8: {  	_ =	swait.ge @p0 [sflag:s0], $0xFA0  }
0xa9: {  	s22 =	sadd.s32 @!p0 $0xFFFFF600, s21;
	[sflag:s0] =	ssyncset.done @p0 $0x0  }
0xaa: {  	[sflag:s0] =	ssyncadd.s32 @p0 $0xFFFFF060;
	s0 =	sand.u32 @!p0 $0x7000, s22  }
0xab: {  	s26 =	simm.s32 @!p0 $0x9000;
	s22 =	simm.s32 @!p0 $0x7D;
	s0 =	sshrl.u32 @!p0 s0, $0x2  }
0xac: {  	[tilespmem:s26], [sflag:$0x1] =	stream.indirect.gather @!p0 [hbm4b:s11+s22], $0x20, s0, s22, $0xb8;
	[tilespmem:$0x10D00] =	vst v63  }
0xad: {  	s0 =	simm.s32 @!p0 $0x4  }
0xae: {  	_ =	swait.ge @!p0 [sflag:s0], $0xFA0  }
0xaf: {  	[sflag:s0] =	ssyncset.done @!p0 $0x0  }
0xb0: {  	s26 =	simm.s32 @!p0 $0xBEE0;
	[sflag:s0] =	ssyncadd.s32 @!p0 $0xFFFFF060;
	s0 =	sadd.s32 @!p0 $0x180, s1  }
0xb1: {  	[spmem:s2] =	stream.indirect.scatter.add.f32 @!p0 [tilespmem:s26], [sflag:$0xC], $0x20, s0, s22, $0xb8;
	[tilespmem:$0x10D00] =	vst v63  }
0xb2: {  	s0 =	simm.s32 @!p0 $0xA  }
0xb3: {  	s4 =	sadd.s32 @!p0 $0xFFFFF800, s21;
	_ =	swait.ge @!p0 [sflag:s0], $0xFA0  }
0xb4: {  	s4 =	sand.u32 @!p0 $0x7200, s4;
	[sflag:s0] =	ssyncset.done @!p0 $0x0  }
0xb5: {  	[sflag:s0] =	ssyncadd.s32 @!p0 $0xFFFFF060;
	s0 =	sshrl.u32 @!p0 s4, $0x2;
	s4 =	simm.s32 @!p0 $0x9FA0  }
0xb6: {  	[tilespmem:s4], [sflag:$0x2] =	stream.indirect.gather @!p0 [hbm4b:s11+s22], $0x20, s0, s22, $0xb8;
	[tilespmem:$0x10D00] =	vst v63  }
0xb7: {  	_ =	swait.ge [sflag:s14], $0xFA0  }
0xb8: {  	[sflag:s14] =	ssyncset.done $0x0  }
0xb9: {  	s4 =	sadd.s32 $0x200, s1;
	[sflag:s14] =	ssyncadd.s32 $0xFFFFF060  }
0xba: {  	[spmem:s2] =	stream.indirect.scatter.add.f32 [tilespmem:s28], [sflag:$0xD], $0x20, s4, s31, $0xb8;
	[tilespmem:$0x10D00] =	vst v63  }
0xbb: {  	_ =	swait.ge [sflag:s15], $0xFA0  }
0xbc: {  	[sflag:s15] =	ssyncset.done $0x0  }
0xbd: {  	s0 =	simm.s32 @p0 $0x6;
	[sflag:s15] =	ssyncadd.s32 $0xFFFFF060  }
0xbe: {  	_ =	swait.ge @p0 [sflag:s0], $0xFA0  }
0xbf: {  	[sflag:s0] =	ssyncset.done @p0 $0x0  }
0xc0: {  	s4 =	simm.s32 @p0 $0xDE20;
	[sflag:s0] =	ssyncadd.s32 @p0 $0xFFFFF060;
	s0 =	sadd.s32 @p0 $0x280, s1  }
0xc1: {  	[spmem:s2] =	stream.indirect.scatter.add.f32 @p0 [tilespmem:s4], [sflag:$0xE], $0x20, s0, s30, $0xb8;
	[tilespmem:$0x10D00] =	vst v63  }
0xc2: {  	s0 =	simm.s32 @p0 $0xC  }
0xc3: {  	s4 =	sadd.s32 @!p0 $0xFFFFFA00, s21;
	_ =	swait.ge @p0 [sflag:s0], $0xFA0  }
0xc4: {  	s4 =	sand.u32 @!p0 $0x7400, s4;
	[sflag:s0] =	ssyncset.done @p0 $0x0  }
0xc5: {  	[sflag:s0] =	ssyncadd.s32 @p0 $0xFFFFF060;
	s0 =	sshrl.u32 @!p0 s4, $0x2;
	s4 =	simm.s32 @!p0 $0xAF40  }
0xc6: {  	[tilespmem:s4], [sflag:$0x3] =	stream.indirect.gather @!p0 [hbm4b:s11+s22], $0x20, s0, s22, $0xb8;
	[tilespmem:$0x10D00] =	vst v63  }
0xc7: {  	s0 =	simm.s32 @!p0 $0x6  }
0xc8: {  	_ =	swait.ge @!p0 [sflag:s0], $0xFA0  }
0xc9: {  	[sflag:s0] =	ssyncset.done @!p0 $0x0  }
0xca: {  	[sflag:s0] =	ssyncadd.s32 @!p0 $0xFFFFF060;
	s0 =	sadd.s32 @!p0 $0x280, s1;
	s1 =	simm.s32 @!p0 $0xDE20  }
0xcb: {  	[spmem:s2] =	stream.indirect.scatter.add.f32 @!p0 [tilespmem:s1], [sflag:$0xE], $0x20, s0, s22, $0xb8;
	[tilespmem:$0x10D00] =	vst v63  }
0xcc: {  	s0 =	simm.s32 @!p0 $0xC  }
0xcd: {  	s1 =	sadd.s32 @!p0 $0xFFFFFC00, s21;
	_ =	swait.ge @!p0 [sflag:s0], $0xFA0  }
0xce: {  	s1 =	sand.u32 @!p0 $0x7600, s1;
	[sflag:s0] =	ssyncset.done @!p0 $0x0  }
0xcf: {  	[sflag:s0] =	ssyncadd.s32 @!p0 $0xFFFFF060;
	s0 =	sshrl.u32 @!p0 s1, $0x2  }
0xd0: {  	[tilespmem:s26], [sflag:$0x4] =	stream.indirect.gather @!p0 [hbm4b:s11+s22], $0x20, s0, s22, $0xb8;
	[tilespmem:$0x10D00] =	vst v63  }
0xd1: {  	_ =	swait.ge [sflag:s16], $0xFA0  }
0xd2: {  	[sflag:s16] =	ssyncset.done $0x0  }
.Ltmp5:
0xd3: {  	s30 =	sor.u32 $0x2000, s23;
	[sflag:s16] =	ssyncadd.s32 $0xFFFFF060;
	(pc) =	sbr.rel @p0 .LBB2_9-.Ltmp5, $4  }
0xd4: {  	[spmem:s2] =	stream.indirect.scatter.add.f32 [tilespmem:s8], [sflag:$0xF], $0x20, s30, s31, $0xb8;
	[tilespmem:$0x10D00] =	vst v63  }
0xd5: {  	_ =	swait.ge [sflag:s17], $0xFA0  }
0xd6: {  	[sflag:s17] =	ssyncset.done $0x0  }
0xd7: {  	s1 =	sor.u32 $0x2000, s25;
	[sflag:s17] =	ssyncadd.s32 $0xFFFFF060  }
0xd8: {  	s0 =	sadd.s32 $0xFFFFFE00, s21  }
0xd9: {  	s0 =	sand.u32 $0x7800, s0  }
0xda: {  	s0 =	sshrl.u32 s0, $0x2  }
0xdb: {  	[tilespmem:s28], [sflag:$0x5] =	stream.indirect.gather [hbm4b:s11+s31], $0x20, s0, s31, $0xb8;
	[tilespmem:$0x10D00] =	vst v63  }
0xdc: {  	_ =	swait.ge [sflag:s18], $0xFA0  }
0xdd: {  	[sflag:s18] =	ssyncset.done $0x0  }
0xde: {  	[sflag:s18] =	ssyncadd.s32 $0xFFFFF060  }
0xdf: {  	[spmem:s2] =	stream.indirect.scatter.add.f32 [tilespmem:s29], [sflag:$0x10], $0x20, s1, s31, $0xb8;
	[tilespmem:$0x10D00] =	vst v63  }
.Ltmp6:
0xe0: {  	s26 =	sand.u32 $0x7A00, s21;
	(pc) =	sbr.rel .LBB2_4-.Ltmp6, $4  }
0xe1: {  	s30 =	simm.s32 $0xDE20;
	s20 =	sadd.s32 $0x1, s20;
	_ =	swait.ge [sflag:s19], $0xFA0  }
0xe2: {  	s24 =	sadd.s32 $0x8, s24;
	s21 =	sadd.s32 $0x1000, s21;
	[sflag:s19] =	ssyncset.done $0x0  }
0xe3: {  	s13 =	sadd.s32 $0x400, s13;
	s0 =	sshrl.u32 s26, $0x2;
	[sflag:s19] =	ssyncadd.s32 $0xFFFFF060  }
0xe4: {  	[tilespmem:s30], [sflag:$0x6] =	stream.indirect.gather [hbm4b:s11+s31], $0x20, s0, s31, $0xb8;
	[tilespmem:$0x10D00] =	vst v63  }
.LBB2_10:
0xe5: {  	_ =	sfence.sel $0x180000  }
0xe6: {  	[bflag:$0x0] =	sbarrier.arrive $0xFFFF  }
0xe7: {  	_ =	strace $0x9000004D  }
0xe8: {  	s0 =	stileid.u32;
	[bflag:$0x2] =	sbarrier.arrive $0xFFFF  }
0xe9: {  	p0 =	sne.s32 s0, $0x0;
	s0 =	rddreg [dreg:$0x3]  }
0xea: {  	s0 =	sadd.s32 @!p0 $0x100000, s0  }
0xeb: {  	[sflag:s0] =	ssyncadd.tile.s32 @!p0 $0x1;
	_ =	shalt  }
.Lfunc_end2:
_tile_overlayer_lowered:
.L_overlay_start_2:
0xec: {  	(tag) =	ssettag $0x2  }
0xed: {  	s0 =	rddreg [dreg:$0x0];
	s2 =	stileid.u32  }
0xee: {  	s1 =	rddreg [dreg:$0x1];
	p0 =	sne.s32 s2, $0x0  }
0xef: {  	s3 =	rddreg [dreg:$0x2];
	[bflag:$0x3] =	sbarrier.arrive $0xFFFF;
	s2 =	simm.s32 @!p0 $0x1C13  }
0xf0: {  	[timem:s3], [sflag:s2] =	dma.local @!p0 [hbm:s0], s1  }
0xf1: {  	s0 =	simm.s32 @!p0 $0x13  }
0xf2: {  	_ =	swait.ge @!p0 [sflag:s0], s1  }
0xf3: {  	s1 =	ssub.s32 @!p0 $0x0, s1;
	[sflag:s0] =	ssyncset.done @!p0 $0x0  }
0xf4: {  	[sflag:s0] =	ssyncadd.s32 @!p0 s1  }
0xf5: {  	[bflag:$0x3] =	sbarrier.arrive $0xFFFF  }
0xf6: {  	_ =	shalt  }

// kernel: kernel.9.cloned.1.call-start
scs
__scs_entry_jumppad:
0x0: {  	(pc) =	sbr.rel $0x88, $3  }
0x1: {  	(tag) =	ssettag $0x0;
	lr =	simm.s32 $0x1  }
0x2: {  	[smem:$0x3F95] =	sst lr;
	_ =	strace $0xD0000000  }
0x3: {  	_ = 	snop  }
0x4: {  	_ = 	snop  }
0x5: {  	_ = 	snop  }
0x6: {  	_ = 	snop  }
0x7: {  	_ = 	snop  }
__scs_overlays_trampoline_lowered:
0x8: {  	[smem:$0x3FA4] =	sst s0  }
0x9: {  	[smem:$0x3FA5] =	sst s1  }
0xa: {  	[smem:$0x3FA6] =	sst s2  }
0xb: {  	[smem:$0x3FA7] =	sst s3  }
0xc: {  	[smem:$0x3FA8] =	sst s4  }
0xd: {  	[smem:$0x3FA9] =	sst s5  }
0xe: {  	[smem:$0x3FAA] =	sst s6  }
0xf: {  	[smem:$0x3FAB] =	sst s7  }
0x10: {  	[smem:$0x3FAC] =	sst s8  }
0x11: {  	[smem:$0x3FAD] =	sst s9;
	s0 =	simm.s32 @!p0 $0x0  }
0x12: {  	s1 =	sld [smem:$0x3F93];
	s0 =	simm.s32 @p0 $0x1  }
0x13: {  	[smem:$0x3FAE] =	sst s0;
	s0 =	simm.s32 @!p1 $0x0  }
0x14: {  	s2 =	sld [smem:$0x3F92];
	s0 =	simm.s32 @p1 $0x1  }
0x15: {  	[smem:$0x3FAF] =	sst s0;
	s0 =	simm.s32 @!p2 $0x0  }
0x16: {  	s3 =	sld [smem:$0x3FDB];
	s0 =	simm.s32 @p2 $0x1  }
0x17: {  	s4 =	simm.s32 $0x1BF5;
	[smem:$0x3FB1] =	sst s0  }
0x18: {  	s0 =	sld [smem:$0x3F94];
	_ =	swait.ge [sflag:s4], $0x0  }
0x19: {  	s7 =	sld [smem:$0x3F95]  }
0x1a: {  	s8 =	sadd.s32 $0xFFFFE003, lr  }
0x1b: {  	s9 =	sadd.s32 $0xFFFFFEF7, lr;
	s5 =	simm.s32 $0xFFFFFFFF;
	p2 =	slt.u32 s8, $0xFFFFF086  }
0x1c: {  	p1 =	slt.u32 s9, $0xF7A;
	s5 =	simm.s32 @!p2 $0x0  }
0x1d: {  	s5 =	simm.s32 @p1 $0x1;
	p0 =	seq.s32 s7, s2  }
0x1e: {  	s7 =	smul.u32 @!p0 $0xF7A, s2;
	p2 =	seq.s32 @!p0 s5, $0x0  }
0x1f: {  	s9 =	smul.u32 $0xF7A, s1;
	s8 =	simm.s32 @!p0 $0x1BF5;
	p2 =	por !p2, p0  }
0x20: {  	[sflag:s8] =	ssyncset.s32 @!p0 $0xFFFFF086;
	s6 =	sadd.s32 @!p0 s3, s7;
	s7 =	simm.s32 @!p0 $0x108  }
0x21: {  	s3 =	sadd.s32 s3, s9;
	s6 =	sadd.s32 @!p0 $0x88, s6;
	s7 =	simm.s32 @p2 $0x1082  }
0x22: {  	[simem:s7], [sflag:s8] =	dma.local @!p0 [hbm:s6], $0xF7A  }
0x23: {  	s9 =	sor.u32 $0xD0000000, s2;
	s6 =	simm.s32 $0x108;
	_ =	swait.ge @!p0 [sflag:s8], $0x0  }
0x24: {  	s3 =	sadd.s32 $0x88, s3;
	s6 =	simm.s32 @!p1 $0x1082;
	[sflag:s4] =	ssyncset.s32 $0xFFFFF086  }
0x25: {  	[simem:s6], [sflag:s4] =	dma.local [hbm:s3], $0xF7A  }
0x26: {  	[smem:$0x3F95] =	sst s1;
	(tag) =	ssettag s2;
	_ =	strace s9  }
0x27: {  	s1 =	sld [smem:$0x3FA5]  }
0x28: {  	s2 =	sld [smem:$0x3FA6]  }
0x29: {  	s4 =	sld [smem:$0x3FA8]  }
0x2a: {  	p0 =	seq.s32 s5, $0x0;
	s5 =	sld [smem:$0x3FA9]  }
0x2b: {  	s6 =	sld [smem:$0x3FAA]  }
0x2c: {  	s7 =	sld [smem:$0x3FAB]  }
0x2d: {  	s3 =	simm.s32 $0x108;
	s8 =	sld [smem:$0x3FAC]  }
0x2e: {  	s3 =	simm.s32 @!p0 $0x1082;
	s9 =	sld [smem:$0x3FAD]  }
0x2f: {  	lr =	sadd.s32 s0, s3;
	s0 =	sld [smem:$0x3FA4]  }
0x30: {  	s3 =	sld [smem:$0x3FA7]  }
0x31: {  	[smem:$0x3FB0] =	sst s10  }
0x32: {  	s10 =	sld [smem:$0x3FAE];
	_ =	sdelay $0x3  }
0x33: {  	p0 =	seq.s32 s10, $0x1;
	s10 =	sld [smem:$0x3FB0];
	_ =	sdelay $0x3  }
0x34: {  	[smem:$0x3FB0] =	sst s10  }
0x35: {  	s10 =	sld [smem:$0x3FAF];
	_ =	sdelay $0x3  }
0x36: {  	p1 =	seq.s32 s10, $0x1;
	s10 =	sld [smem:$0x3FB0];
	_ =	sdelay $0x3  }
0x37: {  	[smem:$0x3FB0] =	sst s10  }
0x38: {  	s10 =	sld [smem:$0x3FB1]  }
0x39: {  	_ = 	snop;
	(pc) =	sbr.ind lr, $3  }
0x3a: {  	_ = 	snop  }
0x3b: {  	_ = 	snop  }
0x3c: {  	p2 =	seq.s32 s10, $0x1;
	s10 =	sld [smem:$0x3FB0]  }
0x3d: {  	_ =	shalt  }
0x3e: {  	_ =	shalt  }
0x3f: {  	_ =	shalt  }
0x40: {  	_ =	shalt  }
0x41: {  	_ =	shalt  }
0x42: {  	_ =	shalt  }
0x43: {  	_ =	shalt  }
0x44: {  	_ =	shalt  }
0x45: {  	_ =	shalt  }
0x46: {  	_ =	shalt  }
0x47: {  	_ =	shalt  }
0x48: {  	_ =	shalt  }
0x49: {  	_ =	shalt  }
0x4a: {  	_ =	shalt  }
0x4b: {  	_ =	shalt  }
0x4c: {  	_ =	shalt  }
0x4d: {  	_ =	shalt  }
0x4e: {  	_ =	shalt  }
0x4f: {  	_ =	shalt  }
0x50: {  	_ =	shalt  }
0x51: {  	_ =	shalt  }
0x52: {  	_ =	shalt  }
0x53: {  	_ =	shalt  }
0x54: {  	_ =	shalt  }
0x55: {  	_ =	shalt  }
0x56: {  	_ =	shalt  }
0x57: {  	_ =	shalt  }
0x58: {  	_ =	shalt  }
0x59: {  	_ =	shalt  }
0x5a: {  	_ =	shalt  }
0x5b: {  	_ =	shalt  }
0x5c: {  	_ =	shalt  }
0x5d: {  	_ =	shalt  }
0x5e: {  	_ =	shalt  }
0x5f: {  	_ =	shalt  }
0x60: {  	_ =	shalt  }
0x61: {  	_ =	shalt  }
0x62: {  	_ =	shalt  }
0x63: {  	_ =	shalt  }
0x64: {  	_ =	shalt  }
0x65: {  	_ =	shalt  }
0x66: {  	_ =	shalt  }
0x67: {  	_ =	shalt  }
0x68: {  	_ =	shalt  }
0x69: {  	_ =	shalt  }
0x6a: {  	_ =	shalt  }
0x6b: {  	_ =	shalt  }
0x6c: {  	_ =	shalt  }
0x6d: {  	_ =	shalt  }
0x6e: {  	_ =	shalt  }
0x6f: {  	_ =	shalt  }
0x70: {  	_ =	shalt  }
0x71: {  	_ =	shalt  }
0x72: {  	_ =	shalt  }
0x73: {  	_ =	shalt  }
0x74: {  	_ =	shalt  }
0x75: {  	_ =	shalt  }
0x76: {  	_ =	shalt  }
0x77: {  	_ =	shalt  }
0x78: {  	_ =	shalt  }
0x79: {  	_ =	shalt  }
0x7a: {  	_ =	shalt  }
0x7b: {  	_ =	shalt  }
0x7c: {  	_ =	shalt  }
0x7d: {  	_ =	shalt  }
0x7e: {  	_ =	shalt  }
0x7f: {  	_ =	shalt  }
0x80: {  	_ =	shalt  }
0x81: {  	_ =	shalt  }
0x82: {  	_ =	shalt  }
0x83: {  	_ =	shalt  }
0x84: {  	_ =	shalt  }
0x85: {  	_ =	shalt  }
0x86: {  	_ =	shalt  }
0x87: {  	_ =	shalt  }
.Lfunc_end0:
.L_simem_size_0:
called_computation_lowered:
.L_overlay_start_0:
0x88: {  	s2 =	sld [smem:$0x3FD9]  }
0x89: {  	s3 =	sld [smem:$0x3FFE];
	_ =	sdelay $0x1  }
0x8a: {  	s1 =	srdreg.scid  }
0x8b: {  	s0 =	sand.u32 $0x1, s1  }
0x8c: {  	s17 =	sshll.u32 s0, $0xA;
	s2 =	sadd.s32 s3, s2  }
0x8d: {  	s2 =	sadd.s32 s2, s17  }
0x8e: {  	[smem:$0x3FBC] =	sst s2  }
0x8f: {  	_ = 	snop  }
0x90: {  	s2 =	sld [smem:$0x3FD0];
	(tm) =	ssettm $0x1  }
0x91: {  	s18 =	sld [smem:$0x3FFB];
	_ =	sdelay $0x3  }
0x92: {  	_ =	strace s18  }
0x93: {  	s3 =	sld [smem:$0x3FFC];
	_ =	sdelay $0x3  }
0x94: {  	_ =	strace s3  }
0x95: {  	s3 =	sld [smem:$0x3FFD];
	_ =	sdelay $0x3  }
0x96: {  	_ =	strace s3  }
0x97: {  	_ =	strace $0x8FFFFFFF  }
0x98: {  	s19 =	sld [smem:$0x3FDB];
	_ =	sdelay $0x1  }
0x99: {  	s4 =	simm.s32 $_scs_section_size  }
0x9a: {  	s5 =	simm.s32 $_size__tile_overlayer_lowered;
	s6 =	simm.s32 $_tile_overlayer_lowered  }
0x9b: {  	s22 =	simm.s32 $0x1BFF;
	s21 =	sshll.u32 s6, $0x1;
	s3 =	sadd.s32 s4, s19  }
0x9c: {  	s7 =	simm.s32 $0x0;
	s20 =	sshll.u32 s5, $0x1;
	s5 =	sadd.s32 s21, s3  }
0x9d: {  	[timem:s7], [sflag:s22] =	dma.local [hbm:s5], s20  }
0x9e: {  	_ =	swait.ge [sflag:s22], s20  }
0x9f: {  	s4 =	ssub.s32 $0x0, s20;
	[sflag:s22] =	ssyncset.done $0x0  }
0xa0: {  	[sflag:s22] =	ssyncadd.s32 s4;
	_ =	sdelay $0x1  }
0xa1: {  	s23 =	simm.s32 $0x1B8B  }
0xa2: {  	_ =	swait.ge [sflag:s23], $0x1  }
0xa3: {  	[sflag:s23] =	ssyncset.done $0x0  }
0xa4: {  	s25 =	simm.s32 $0x1B8E;
	s24 =	sld [smem:$0x3FFE];
	[sflag:s23] =	ssyncadd.s32 $0xFFFFFFFF  }
0xa5: {  	s26 =	simm.s32 $execute0_lowered;
	[smem:$0x3FD2] =	sst s25  }
0xa6: {  	s5 =	sshll.u32 s26, $0x1;
	_ =	strace $0x80000046;
	[dreg:$0x1] =	wrdreg $0xFFFFFFFF  }
0xa7: {  	s28 =	simm.s32 $_size_execute0_lowered;
	s3 =	sadd.s32 s3, s5;
	[dreg:$0x0] =	wrdreg $0x0  }
0xa8: {  	s5 =	sshll.u32 s28, $0x1;
	[dreg:$0x2] =	wrdreg s3  }
0xa9: {  	[dreg:$0x3] =	wrdreg s5  }
0xaa: {  	[dreg:$0x4] =	wrdreg $0xC0  }
0xab: {  	_ =	task [dreg:s7], $0x5FFFF  }
0xac: {  	[dreg:$0x1] =	wrdreg $0xFFFFFFFF  }
0xad: {  	[dreg:$0x0] =	wrdreg $0x60  }
0xae: {  	[dreg:$0x2] =	wrdreg s24  }
0xaf: {  	[dreg:$0x3] =	wrdreg s2  }
0xb0: {  	[dreg:$0x4] =	wrdreg $0x40000  }
0xb1: {  	[dreg:$0x5] =	wrdreg $0x9  }
0xb2: {  	_ =	task.clear_ibuf [dreg:s7], $0x6FFFF;
	_ =	strace $0x90000046  }
0xb3: {  	s29 =	simm.s32 $0x9;
	_ =	strace $0x80000048  }
0xb4: {  	_ =	swait.ge [sflag:s29], $0x1  }
0xb5: {  	[sflag:s29] =	ssyncadd.s32 $0xFFFFFFFF  }
0xb6: {  	_ =	strace $0x90000048  }
0xb7: {  	_ =	sfence  }
0xb8: {  	s30 =	sld [smem:$0x0];
	_ =	sdelay $0x2  }
0xb9: {  	s31 =	sshll.u32 s1, $0xD;
	s1 =	sshrl.u32 s1, $0x2  }
0xba: {  	s3 =	sand.u32 $0x4000, s31;
	s1 =	sadd.s32 s1, s30  }
0xbb: {  	s0 =	sor.u32 s3, s0;
	s1 =	sshll.u32 s1, $0x11  }
0xbc: {  	s0 =	sor.u32 s1, s0  }
0xbd: {  	s0 =	sadd.s32 $0x8F2B, s0  }
0xbe: {  	[sflag:s0] =	ssyncadd.remote.s32 $0x1  }
0xbf: {  	_ =	sfence.sel $0xFFFF  }
0xc0: {  	[dreg:$0x0] =	wrdreg $0xFFFFFFFF;
	(pc) =	sbr.abs _section_cstart, $3  }
0xc1: {  	[dreg:$0x1] =	wrdreg $0xFFFFFFFF  }
0xc2: {  	_ =	task.clear_ibuf [dreg:s7], $0x2FFFF;
	_ =	strace $0x9FFFFFFF  }
0xc3: {  	(tm) =	ssettm $0x7FFFFFFF  }
tec
execute0_lowered:
.L_overlay_start_1:
0x0: {  	(tag) =	ssettag $0x1  }
0x1: {  	s0 =	rddreg [dreg:$0x0]  }
0x2: {  	s10 =	rddreg [dreg:$0x1]  }
0x3: {  	s2 =	rddreg [dreg:$0x2];
	s11 =	stileid.u32  }
0x4: {  	s1 =	srdreg.scid;
	s8 =	smul.u32 $0xA00, s11  }
0x5: {  	s3 =	simm.s32 $0x0;
	s29 =	simm.s32 $0x1BAC0;
	s5 =	smul.u32 $0x5000, s11  }
0x6: {  	s31 =	simm.s32 $0x7D;
	s12 =	simm.s32 $0x9;
	s17 =	smul.u32 $0xA000, s11  }
0x7: {  	s14 =	simm.s32 $0x5;
	s1 =	sand.u32 $0x1, s1;
	s18 =	smul.u32 $0x28000, s11  }
0x8: {  	[smem:$0x7FF] =	sst s3;
	s6 =	sadd.s32 $0x2000, s0;
	s4 =	smul.u32 $0x13880, s1  }
0x9: {  	s7 =	smul.u32 $0x14000, s1;
	_ =	strace $0x80000047;
	s1 =	ssub.s32 $0x2, s1  }
0xa: {  	s9 =	sshrl.u32 s1, $0x1;
	s15 =	sadd.s32 s10, s8;
	s16 =	sshrl.u32 s5, $0x3  }
0xb: {  	s8 =	sadd.s32 s6, s8;
	s19 =	sshrl.u32 s17, $0x3;
	s20 =	sshrl.u32 s18, $0x2  }
0xc: {  	s21 =	sadd.s32 s17, s2;
	s17 =	simm.s32 $0xD;
	s18 =	simm.s32 $0x8  }
0xd: {  	s4 =	sadd.s32 s4, s0;
	s0 =	sadd.s32 s7, s0;
	[dreg:$0x4] =	wrdreg s15  }
0xe: {  	s1 =	ssub.s32 s1, s9;
	[dreg:$0x5] =	wrdreg s8;
	s22 =	sadd.s32 s20, s2  }
0xf: {  	s7 =	sadd.s32 $0x200, s16;
	s30 =	sshrl.u32 s21, $0x3;
	[dreg:$0x9] =	wrdreg s22  }
0x10: {  	s21 =	simm.s32 $0x13;
	s10 =	sadd.s32 s10, s7;
	[dreg:$0x12] =	wrdreg s30  }
0x11: {  	s8 =	simm.s32 $0x19B80;
	s7 =	sadd.s32 s6, s7;
	[dreg:$0x6] =	wrdreg s10  }
0x12: {  	s9 =	simm.s32 $0x2;
	s1 =	smax.u32 s1, $0x1;
	[dreg:$0x7] =	wrdreg s7  }
0x13: {  	s15 =	simm.s32 $0xB;
	s23 =	sadd.s32 $0x2800, s22;
	[dreg:$0x8] =	wrdreg s1  }
0x14: {  	s16 =	simm.s32 $0x7;
	s24 =	sadd.s32 $0x3C00, s22;
	[dreg:$0xb] =	wrdreg s23  }
0x15: {  	s11 =	sadd.s32 $0xC000, s4;
	s25 =	sadd.s32 $0x5000, s22;
	[dreg:$0xc] =	wrdreg s24  }
0x16: {  	s0 =	sadd.s32 $0x33200, s0;
	s26 =	sadd.s32 $0x6400, s22;
	[dreg:$0xd] =	wrdreg s25  }
.Ltmp0:
0x17: {  	s28 =	sadd.s32 $0x7800, s22;
	[dreg:$0xe] =	wrdreg s26;
	(pc) =	sbr.rel .LBB2_1-.Ltmp0, $4  }
0x18: {  	s4 =	simm.s32 $0x15D00;
	s7 =	sadd.s32 $0x1400, s22;
	[dreg:$0xf] =	wrdreg s28  }
0x19: {  	s1 =	sadd.s32 $0x8C00, s22;
	s0 =	sadd.s32 s19, s0;
	[dreg:$0xa] =	wrdreg s7  }
0x1a: {  	s10 =	simm.s32 $0x3;
	s19 =	simm.s32 $0xE;
	[dreg:$0x10] =	wrdreg s1  }
0x1b: {  	v0 =	vimm.f32 $0.0e+00;
	[dreg:$0x11] =	wrdreg s0;
	s7 =	simm.s32 $0x1;
	s1 =	simm.s32 $0x0  }
.LBB2_9:
0x1c: {  	_ =	swait.ge [sflag:s18], $0x1F40  }
0x1d: {  	[sflag:s18] =	ssyncset.done $0x0  }
0x1e: {  	[sflag:s18] =	ssyncadd.s32 $0xFFFFE0C0  }
0x1f: {  	[spmem:s2] =	stream.indirect.scatter.add.f32 [tilespmem:s29], [sflag:$0x10], $0x40, s1, s31, $0xb8;
	[tilespmem:$0x1DA00] =	vst v63  }
0x20: {  	_ =	swait.ge [sflag:s19], $0x1F40  }
0x21: {  	[sflag:s19] =	ssyncset.done $0x0  }
0x22: {  	s0 =	simm.s32 $0xF;
	[sflag:s19] =	ssyncadd.s32 $0xFFFFE0C0  }
0x23: {  	_ =	swait.ge [sflag:s0], $0x1F40  }
0x24: {  	[sflag:s0] =	ssyncset.done $0x0  }
0x25: {  	s24 =	simm.s32 $0x10;
	[sflag:s0] =	ssyncadd.s32 $0xFFFFE0C0  }
0x26: {  	_ =	swait.ge [sflag:s24], $0x1F40  }
0x27: {  	[sflag:s24] =	ssyncset.done $0x0  }
0x28: {  	[sflag:s24] =	ssyncadd.s32 $0xFFFFE0C0  }
0x29: {  	s25 =	stileid.u32;
	[bflag:$0x0] =	sbarrier.arrive $0xFFFF  }
0x2a: {  	s0 =	sshll.u32 s25, $0x6;
	s26 =	rddreg [dreg:$0x11]  }
0x2b: {  	s21 =	simm.s32 $0x13;
	s0 =	sor.u32 $0x1C13, s0;
	s13 =	rddreg [dreg:$0x12]  }
0x2c: {  	[hbm:s26], [sflag:s0] =	dma.local [spmem:s13], $0x1400  }
0x2d: {  	_ =	swait.ge [sflag:s21], $0x1400  }
0x2e: {  	s28 =	rddreg [dreg:$0x13]  }
0x2f: {  	s30 =	rddreg [dreg:$0x8];
	s1 =	sadd.s32 $0x1, s28  }
0x30: {  	p0 =	sne.s32 s1, s30  }
.Ltmp1:
0x31: {  	_ = 	snop;
	(pc) =	sbr.rel @!p0 .LBB2_10-.Ltmp1, $3  }
0x32: {  	_ =	sdelay $0x1  }
0x33: {  	[sflag:s21] =	ssyncset.done $0x0  }
0x34: {  	[sflag:s21] =	ssyncadd.s32 $0xFFFFEC00  }
.LBB2_1:
0x35: {  	[dreg:$0x13] =	wrdreg s1  }
0x36: {  	s0 =	rddreg [dreg:$0x4];
	s20 =	simm.s32 $0x11  }
0x37: {  	[tilespmem:s3], [sflag:$0x11] =	stream.linear.gather [hbm4b:s0+s3], $0x1000, $0x38;
	[tilespmem:$0x1DA00] =	vst v63  }
0x38: {  	_ =	swait.ge [sflag:s20], $0x1000  }
0x39: {  	s23 =	simm.s32 $0x2000;
	[sflag:s20] =	ssyncset.done $0x0  }
0x3a: {  	s24 =	simm.s32 $0x12;
	s22 =	rddreg [dreg:$0x5];
	[sflag:s20] =	ssyncadd.s32 $0xFFFFF000  }
0x3b: {  	[tilespmem:s23], [sflag:$0x12] =	stream.linear.gather [hbm4b:s22+s3], $0x1000, $0x38;
	[tilespmem:$0x1DA00] =	vst v63  }
0x3c: {  	_ =	swait.ge [sflag:s24], $0x1000  }
0x3d: {  	s26 =	simm.s32 $0x1000;
	[sflag:s24] =	ssyncset.done $0x0  }
0x3e: {  	s30 =	simm.s32 $0x3000;
	s25 =	rddreg [dreg:$0x6];
	[sflag:s24] =	ssyncadd.s32 $0xFFFFF000  }
0x3f: {  	[tilespmem:s26], [sflag:$0x11] =	stream.linear.gather [hbm4b:s25+s3], $0x1000, $0x38;
	[tilespmem:$0x1DA00] =	vst v63  }
0x40: {  	s13 =	simm.s32 $0x100;
	s1 =	simm.s32 $0x0;
	s28 =	rddreg [dreg:$0x7]  }
0x41: {  	[tilespmem:s30], [sflag:$0x12] =	stream.linear.gather [hbm4b:s28+s3], $0x1000, $0x38;
	[tilespmem:$0x1DA00] =	vst v63  }
.LBB2_2:
0x42: {  	p0 =	seq.s32 s13, $0x4F00;
	[tilespmem:s1+$0x1BAF0] =	vst v0;
	s20 =	smov.u32 s13;
	s13 =	sadd.s32 $0x100, s13  }
.Ltmp2:
0x43: {  	[tilespmem:s1+$0x1BAE0] =	vst v0;
	(pc) =	sbr.rel @!p0 .LBB2_2-.Ltmp2, $3  }
0x44: {  	[tilespmem:s1+$0x1BAC0] =	vst v0  }
0x45: {  	[tilespmem:s1+$0x1BAD0] =	vst v0;
	_ =	sdelay $0x1  }
0x46: {  	s1 =	sshra.s32 s20, $0x2  }
0x47: {  	[tilespmem:s1+$0x1BAF0] =	vst v0  }
0x48: {  	[tilespmem:s1+$0x1BAE0] =	vst v0  }
0x49: {  	[tilespmem:s1+$0x1BAC0] =	vst v0  }
0x4a: {  	[tilespmem:s1+$0x1BAD0] =	vst v0;
	s0 =	rddreg [dreg:$0x9]  }
0x4b: {  	[spmem:s0] =	stream.linear.scatter [tilespmem:s29], [sflag:$0x13], $0x1400, $0x38;
	[tilespmem:$0x1DA00] =	vst v63  }
0x4c: {  	_ =	swait.ge [sflag:s21], $0x1400  }
0x4d: {  	[sflag:s21] =	ssyncset.done $0x0  }
0x4e: {  	s22 =	rddreg [dreg:$0xa];
	[sflag:s21] =	ssyncadd.s32 $0xFFFFEC00  }
0x4f: {  	[spmem:s22] =	stream.linear.scatter [tilespmem:s29], [sflag:$0x13], $0x1400, $0x38;
	[tilespmem:$0x1DA00] =	vst v63  }
0x50: {  	_ =	swait.ge [sflag:s21], $0x1400  }
0x51: {  	[sflag:s21] =	ssyncset.done $0x0  }
0x52: {  	s23 =	rddreg [dreg:$0xb];
	[sflag:s21] =	ssyncadd.s32 $0xFFFFEC00  }
0x53: {  	[spmem:s23] =	stream.linear.scatter [tilespmem:s29], [sflag:$0x13], $0x1400, $0x38;
	[tilespmem:$0x1DA00] =	vst v63  }
0x54: {  	_ =	swait.ge [sflag:s21], $0x1400  }
0x55: {  	[sflag:s21] =	ssyncset.done $0x0  }
0x56: {  	s24 =	rddreg [dreg:$0xc];
	[sflag:s21] =	ssyncadd.s32 $0xFFFFEC00  }
0x57: {  	[spmem:s24] =	stream.linear.scatter [tilespmem:s29], [sflag:$0x13], $0x1400, $0x38;
	[tilespmem:$0x1DA00] =	vst v63  }
0x58: {  	_ =	swait.ge [sflag:s21], $0x1400  }
0x59: {  	[sflag:s21] =	ssyncset.done $0x0  }
0x5a: {  	s25 =	rddreg [dreg:$0xd];
	[sflag:s21] =	ssyncadd.s32 $0xFFFFEC00  }
0x5b: {  	[spmem:s25] =	stream.linear.scatter [tilespmem:s29], [sflag:$0x13], $0x1400, $0x38;
	[tilespmem:$0x1DA00] =	vst v63  }
0x5c: {  	_ =	swait.ge [sflag:s21], $0x1400  }
0x5d: {  	[sflag:s21] =	ssyncset.done $0x0  }
0x5e: {  	s26 =	rddreg [dreg:$0xe];
	[sflag:s21] =	ssyncadd.s32 $0xFFFFEC00  }
0x5f: {  	[spmem:s26] =	stream.linear.scatter [tilespmem:s29], [sflag:$0x13], $0x1400, $0x38;
	[tilespmem:$0x1DA00] =	vst v63  }
0x60: {  	_ =	swait.ge [sflag:s21], $0x1400  }
0x61: {  	[sflag:s21] =	ssyncset.done $0x0  }
0x62: {  	s28 =	rddreg [dreg:$0xf];
	[sflag:s21] =	ssyncadd.s32 $0xFFFFEC00  }
0x63: {  	[spmem:s28] =	stream.linear.scatter [tilespmem:s29], [sflag:$0x13], $0x1400, $0x38;
	[tilespmem:$0x1DA00] =	vst v63  }
0x64: {  	_ =	swait.ge [sflag:s21], $0x1400  }
0x65: {  	[sflag:s21] =	ssyncset.done $0x0  }
0x66: {  	s30 =	rddreg [dreg:$0x10];
	[sflag:s21] =	ssyncadd.s32 $0xFFFFEC00  }
0x67: {  	[spmem:s30] =	stream.linear.scatter [tilespmem:s29], [sflag:$0x13], $0x1400, $0x38;
	[tilespmem:$0x1DA00] =	vst v63  }
0x68: {  	_ =	swait.ge [sflag:s21], $0x1400  }
0x69: {  	[sflag:s21] =	ssyncset.done $0x0  }
0x6a: {  	s13 =	simm.s32 $0x0;
	s1 =	simm.s32 $0xE000;
	[sflag:s21] =	ssyncadd.s32 $0xFFFFEC00  }
0x6b: {  	[tilespmem:s1], [sflag:$0x1] =	stream.indirect.gather [hbm4b:s11+s31], $0x40, s13, s31, $0xb8;
	[tilespmem:$0x1DA00] =	vst v63  }
0x6c: {  	s20 =	simm.s32 $0x80;
	s21 =	simm.s32 $0xFF40  }
0x6d: {  	[tilespmem:s21], [sflag:$0x2] =	stream.indirect.gather [hbm4b:s11+s31], $0x40, s20, s31, $0xb8;
	[tilespmem:$0x1DA00] =	vst v63  }
0x6e: {  	s22 =	simm.s32 $0x100;
	s23 =	simm.s32 $0x11E80  }
0x6f: {  	[tilespmem:s23], [sflag:$0x3] =	stream.indirect.gather [hbm4b:s11+s31], $0x40, s22, s31, $0xb8;
	[tilespmem:$0x1DA00] =	vst v63  }
0x70: {  	s24 =	simm.s32 $0x180;
	s25 =	simm.s32 $0x13DC0  }
0x71: {  	[tilespmem:s25], [sflag:$0x4] =	stream.indirect.gather [hbm4b:s11+s31], $0x40, s24, s31, $0xb8;
	[tilespmem:$0x1DA00] =	vst v63  }
0x72: {  	s26 =	simm.s32 $0x200  }
0x73: {  	[tilespmem:s4], [sflag:$0x5] =	stream.indirect.gather [hbm4b:s11+s31], $0x40, s26, s31, $0xb8;
	[tilespmem:$0x1DA00] =	vst v63  }
0x74: {  	s28 =	simm.s32 $0x280;
	s30 =	simm.s32 $0x17C40;
	s21 =	simm.s32 $0x1A00  }
0x75: {  	[tilespmem:s30], [sflag:$0x6] =	stream.indirect.gather [hbm4b:s11+s31], $0x40, s28, s31, $0xb8;
	[tilespmem:$0x1DA00] =	vst v63  }
0x76: {  	s20 =	simm.s32 $0x0;
	s24 =	simm.s32 $0x0;
	[bflag:$0x0] =	sbarrier.arrive $0xFFFF  }
.LBB2_4:
0x77: {  	s25 =	sand.u32 $0x18, s24;
	s1 =	sshll.u32 s20, $0xA;
	_ =	swait.ge [sflag:s7], $0x1F40  }
0x78: {  	s0 =	simm.s32 $0xE000;
	p0 =	seq.s32 s21, $0x1A00;
	s30 =	sadd.s32 $0xFFFFFFD8, s24  }
0x79: {  	s1 =	sand.u32 $0x1000, s1;
	s23 =	sshll.u32 s25, $0x7;
	p1 =	sne.s32 s25, $0x8  }
0x7a: {  	[sflag:s7] =	ssyncset.done $0x0;
	s1 =	sor.u32 s23, s1;
	p2 =	sgt.u32 @!p1 s30, $0x57  }
0x7b: {  	[sflag:s7] =	ssyncadd.s32 $0xFFFFE0C0;
	s1 =	sor.u32 $0x2000, s1;
	p1 =	por p1, p2  }
0x7c: {  	[spmem:s2] =	stream.indirect.scatter.add.f32 [tilespmem:s0], [sflag:$0x9], $0x40, s1, s31, $0xb8;
	[tilespmem:$0x1DA00] =	vst v63  }
.Ltmp3:
0x7d: {  	s23 =	simm.s32 @!p0 $0xF;
	(pc) =	sbr.rel @p1 .LBB2_6-.Ltmp3, $4  }
0x7e: {  	_ =	swait.ge @!p0 [sflag:s23], $0x1F40  }
0x7f: {  	s1 =	sand.u32 $0x1C00, s13;
	[sflag:s23] =	ssyncset.done @!p0 $0x0  }
0x80: {  	[sflag:s23] =	ssyncadd.s32 @!p0 $0xFFFFE0C0;
	s23 =	sor.u32 $0x300, s1  }
0x81: {  	[tilespmem:s8], [sflag:$0x7] =	stream.indirect.gather [hbm4b:s11+s31], $0x40, s23, s31, $0xb8;
	[tilespmem:$0x1DA00] =	vst v63  }
0x82: {  	s25 =	sshrl.u32 s20, $0x2  }
0x83: {  	s25 =	sshll.u32 s25, $0xC  }
0x84: {  	s25 =	sadd.s32 $0x1000, s25  }
0x85: {  	s30 =	sadd.s32 s5, s25  }
.Ltmp4:
0x86: {  	s0 =	rddreg [dreg:$0x1];
	s30 =	sshrl.u32 s30, $0x3;
	(pc) =	sbr.rel .LBB2_7-.Ltmp4, $4  }
0x87: {  	s25 =	sand.u32 $0x1000, s25;
	s28 =	sadd.s32 s0, s30  }
0x88: {  	[tilespmem:s25], [sflag:$0x11] =	stream.linear.gather [hbm4b:s28+s3], $0x1000, $0x38;
	[tilespmem:$0x1DA00] =	vst v63  }
0x89: {  	s30 =	sadd.s32 s6, s30;
	s25 =	sor.u32 $0x2000, s25  }
0x8a: {  	[tilespmem:s25], [sflag:$0x12] =	stream.linear.gather [hbm4b:s30+s3], $0x1000, $0x38;
	[tilespmem:$0x1DA00] =	vst v63  }
.LBB2_6:
0x8b: {  	p1 =	sgt.u32 s20, $0xF  }
0x8c: {  	p2 =	sne.s32 @!p1 s25, $0x18  }
0x8d: {  	p1 =	por p2, p1  }
0x8e: {  	s25 =	simm.s32 @!p1 $0x11  }
0x8f: {  	_ =	swait.ge @!p1 [sflag:s25], $0x1000  }
0x90: {  	[sflag:s25] =	ssyncset.done @!p1 $0x0  }
0x91: {  	[sflag:s25] =	ssyncadd.s32 @!p1 $0xFFFFF000;
	s25 =	simm.s32 @!p1 $0x12  }
0x92: {  	_ =	swait.ge @!p1 [sflag:s25], $0x1000  }
0x93: {  	[sflag:s25] =	ssyncset.done @!p1 $0x0  }
0x94: {  	[sflag:s25] =	ssyncadd.s32 @!p1 $0xFFFFF000  }
.LBB2_7:
0x95: {  	s25 =	sadd.s32 $0xFFFFE600, s21  }
0x96: {  	_ =	swait.ge [sflag:s9], $0x1F40;
	s25 =	sand.u32 $0x7000, s25  }
0x97: {  	[sflag:s9] =	ssyncset.done $0x0;
	s28 =	sshrl.u32 s25, $0x2  }
0x98: {  	s0 =	simm.s32 $0xFF40;
	[sflag:s9] =	ssyncadd.s32 $0xFFFFE0C0;
	s25 =	sor.u32 $0x2080, s28  }
0x99: {  	[spmem:s2] =	stream.indirect.scatter.add.f32 [tilespmem:s0], [sflag:$0xA], $0x40, s25, s31, $0xb8;
	[tilespmem:$0x1DA00] =	vst v63  }
0x9a: {  	s25 =	simm.s32 @!p0 $0x10  }
0x9b: {  	_ =	swait.ge @!p0 [sflag:s25], $0x1F40  }
0x9c: {  	[sflag:s25] =	ssyncset.done @!p0 $0x0  }
0x9d: {  	[sflag:s25] =	ssyncadd.s32 @!p0 $0xFFFFE0C0;
	s25 =	sor.u32 $0x380, s1  }
0x9e: {  	[tilespmem:s29], [sflag:$0x8] =	stream.indirect.gather [hbm4b:s11+s31], $0x40, s25, s31, $0xb8;
	[tilespmem:$0x1DA00] =	vst v63  }
0x9f: {  	_ =	swait.ge [sflag:s10], $0x1F40  }
0xa0: {  	s1 =	sor.u32 $0x2000, s28;
	[sflag:s10] =	ssyncset.done $0x0  }
0xa1: {  	s30 =	simm.s32 $0x11E80;
	s28 =	sadd.s32 $0x100, s1;
	[sflag:s10] =	ssyncadd.s32 $0xFFFFE0C0  }
0xa2: {  	[spmem:s2] =	stream.indirect.scatter.add.f32 [tilespmem:s30], [sflag:$0xB], $0x40, s28, s31, $0xb8;
	[tilespmem:$0x1DA00] =	vst v63  }
0xa3: {  	_ =	swait.ge [sflag:s12], $0x1F40  }
0xa4: {  	p0 =	seq.s32 s21, $0x14A00;
	[sflag:s12] =	ssyncset.done $0x0  }
0xa5: {  	s28 =	simm.s32 @p0 $0x4;
	[sflag:s12] =	ssyncadd.s32 $0xFFFFE0C0  }
0xa6: {  	_ =	swait.ge @p0 [sflag:s28], $0x1F40  }
0xa7: {  	s0 =	simm.s32 @p0 $0x13DC0;
	[sflag:s28] =	ssyncset.done @p0 $0x0  }
0xa8: {  	s30 =	simm.s32 @p0 $0x7D;
	[sflag:s28] =	ssyncadd.s32 @p0 $0xFFFFE0C0;
	s28 =	sadd.s32 @p0 $0x180, s1  }
0xa9: {  	[spmem:s2] =	stream.indirect.scatter.add.f32 @p0 [tilespmem:s0], [sflag:$0xC], $0x40, s28, s30, $0xb8;
	[tilespmem:$0x1DA00] =	vst v63  }
0xaa: {  	s0 =	simm.s32 @p0 $0xA  }
0xab: {  	_ =	swait.ge @p0 [sflag:s0], $0x1F40  }
0xac: {  	s28 =	sadd.s32 @!p0 $0xFFFFF600, s21;
	[sflag:s0] =	ssyncset.done @p0 $0x0  }
0xad: {  	[sflag:s0] =	ssyncadd.s32 @p0 $0xFFFFE0C0;
	s0 =	sand.u32 @!p0 $0x7000, s28  }
0xae: {  	s26 =	simm.s32 @!p0 $0xE000;
	s28 =	simm.s32 @!p0 $0x7D;
	s0 =	sshrl.u32 @!p0 s0, $0x2  }
0xaf: {  	[tilespmem:s26], [sflag:$0x1] =	stream.indirect.gather @!p0 [hbm4b:s11+s28], $0x40, s0, s28, $0xb8;
	[tilespmem:$0x1DA00] =	vst v63  }
0xb0: {  	s0 =	simm.s32 @!p0 $0x4  }
0xb1: {  	_ =	swait.ge @!p0 [sflag:s0], $0x1F40  }
0xb2: {  	[sflag:s0] =	ssyncset.done @!p0 $0x0  }
0xb3: {  	s26 =	simm.s32 @!p0 $0x13DC0;
	[sflag:s0] =	ssyncadd.s32 @!p0 $0xFFFFE0C0;
	s0 =	sadd.s32 @!p0 $0x180, s1  }
0xb4: {  	[spmem:s2] =	stream.indirect.scatter.add.f32 @!p0 [tilespmem:s26], [sflag:$0xC], $0x40, s0, s28, $0xb8;
	[tilespmem:$0x1DA00] =	vst v63  }
0xb5: {  	s0 =	simm.s32 @!p0 $0xA  }
0xb6: {  	s22 =	sadd.s32 @!p0 $0xFFFFF800, s21;
	_ =	swait.ge @!p0 [sflag:s0], $0x1F40  }
0xb7: {  	s22 =	sand.u32 @!p0 $0x7200, s22;
	[sflag:s0] =	ssyncset.done @!p0 $0x0  }
0xb8: {  	[sflag:s0] =	ssyncadd.s32 @!p0 $0xFFFFE0C0;
	s0 =	sshrl.u32 @!p0 s22, $0x2;
	s22 =	simm.s32 @!p0 $0xFF40  }
0xb9: {  	[tilespmem:s22], [sflag:$0x2] =	stream.indirect.gather @!p0 [hbm4b:s11+s28], $0x40, s0, s28, $0xb8;
	[tilespmem:$0x1DA00] =	vst v63  }
0xba: {  	_ =	swait.ge [sflag:s14], $0x1F40  }
0xbb: {  	[sflag:s14] =	ssyncset.done $0x0  }
0xbc: {  	s22 =	sadd.s32 $0x200, s1;
	[sflag:s14] =	ssyncadd.s32 $0xFFFFE0C0  }
0xbd: {  	[spmem:s2] =	stream.indirect.scatter.add.f32 [tilespmem:s4], [sflag:$0xD], $0x40, s22, s31, $0xb8;
	[tilespmem:$0x1DA00] =	vst v63  }
0xbe: {  	_ =	swait.ge [sflag:s15], $0x1F40  }
0xbf: {  	[sflag:s15] =	ssyncset.done $0x0  }
0xc0: {  	s0 =	simm.s32 @p0 $0x6;
	[sflag:s15] =	ssyncadd.s32 $0xFFFFE0C0  }
0xc1: {  	_ =	swait.ge @p0 [sflag:s0], $0x1F40  }
0xc2: {  	[sflag:s0] =	ssyncset.done @p0 $0x0  }
0xc3: {  	s22 =	simm.s32 @p0 $0x17C40;
	[sflag:s0] =	ssyncadd.s32 @p0 $0xFFFFE0C0;
	s0 =	sadd.s32 @p0 $0x280, s1  }
0xc4: {  	[spmem:s2] =	stream.indirect.scatter.add.f32 @p0 [tilespmem:s22], [sflag:$0xE], $0x40, s0, s30, $0xb8;
	[tilespmem:$0x1DA00] =	vst v63  }
0xc5: {  	s0 =	simm.s32 @p0 $0xC  }
0xc6: {  	s22 =	sadd.s32 @!p0 $0xFFFFFA00, s21;
	_ =	swait.ge @p0 [sflag:s0], $0x1F40  }
0xc7: {  	s22 =	sand.u32 @!p0 $0x7400, s22;
	[sflag:s0] =	ssyncset.done @p0 $0x0  }
0xc8: {  	[sflag:s0] =	ssyncadd.s32 @p0 $0xFFFFE0C0;
	s0 =	sshrl.u32 @!p0 s22, $0x2;
	s22 =	simm.s32 @!p0 $0x11E80  }
0xc9: {  	[tilespmem:s22], [sflag:$0x3] =	stream.indirect.gather @!p0 [hbm4b:s11+s28], $0x40, s0, s28, $0xb8;
	[tilespmem:$0x1DA00] =	vst v63  }
0xca: {  	s0 =	simm.s32 @!p0 $0x6  }
0xcb: {  	_ =	swait.ge @!p0 [sflag:s0], $0x1F40  }
0xcc: {  	[sflag:s0] =	ssyncset.done @!p0 $0x0  }
0xcd: {  	[sflag:s0] =	ssyncadd.s32 @!p0 $0xFFFFE0C0;
	s0 =	sadd.s32 @!p0 $0x280, s1;
	s1 =	simm.s32 @!p0 $0x17C40  }
0xce: {  	[spmem:s2] =	stream.indirect.scatter.add.f32 @!p0 [tilespmem:s1], [sflag:$0xE], $0x40, s0, s28, $0xb8;
	[tilespmem:$0x1DA00] =	vst v63  }
0xcf: {  	s0 =	simm.s32 @!p0 $0xC  }
0xd0: {  	s1 =	sadd.s32 @!p0 $0xFFFFFC00, s21;
	_ =	swait.ge @!p0 [sflag:s0], $0x1F40  }
0xd1: {  	s1 =	sand.u32 @!p0 $0x7600, s1;
	[sflag:s0] =	ssyncset.done @!p0 $0x0  }
0xd2: {  	[sflag:s0] =	ssyncadd.s32 @!p0 $0xFFFFE0C0;
	s0 =	sshrl.u32 @!p0 s1, $0x2  }
0xd3: {  	[tilespmem:s26], [sflag:$0x4] =	stream.indirect.gather @!p0 [hbm4b:s11+s28], $0x40, s0, s28, $0xb8;
	[tilespmem:$0x1DA00] =	vst v63  }
0xd4: {  	_ =	swait.ge [sflag:s16], $0x1F40  }
0xd5: {  	[sflag:s16] =	ssyncset.done $0x0  }
.Ltmp5:
0xd6: {  	s30 =	sor.u32 $0x2000, s23;
	[sflag:s16] =	ssyncadd.s32 $0xFFFFE0C0;
	(pc) =	sbr.rel @p0 .LBB2_9-.Ltmp5, $4  }
0xd7: {  	[spmem:s2] =	stream.indirect.scatter.add.f32 [tilespmem:s8], [sflag:$0xF], $0x40, s30, s31, $0xb8;
	[tilespmem:$0x1DA00] =	vst v63  }
0xd8: {  	_ =	swait.ge [sflag:s17], $0x1F40  }
0xd9: {  	[sflag:s17] =	ssyncset.done $0x0  }
0xda: {  	s1 =	sor.u32 $0x2000, s25;
	[sflag:s17] =	ssyncadd.s32 $0xFFFFE0C0  }
0xdb: {  	s0 =	sadd.s32 $0xFFFFFE00, s21  }
0xdc: {  	s0 =	sand.u32 $0x7800, s0  }
0xdd: {  	s0 =	sshrl.u32 s0, $0x2  }
0xde: {  	[tilespmem:s4], [sflag:$0x5] =	stream.indirect.gather [hbm4b:s11+s31], $0x40, s0, s31, $0xb8;
	[tilespmem:$0x1DA00] =	vst v63  }
0xdf: {  	_ =	swait.ge [sflag:s18], $0x1F40  }
0xe0: {  	[sflag:s18] =	ssyncset.done $0x0  }
0xe1: {  	[sflag:s18] =	ssyncadd.s32 $0xFFFFE0C0  }
0xe2: {  	[spmem:s2] =	stream.indirect.scatter.add.f32 [tilespmem:s29], [sflag:$0x10], $0x40, s1, s31, $0xb8;
	[tilespmem:$0x1DA00] =	vst v63  }
.Ltmp6:
0xe3: {  	s28 =	sand.u32 $0x7A00, s21;
	(pc) =	sbr.rel .LBB2_4-.Ltmp6, $4  }
0xe4: {  	s30 =	simm.s32 $0x17C40;
	s20 =	sadd.s32 $0x1, s20;
	_ =	swait.ge [sflag:s19], $0x1F40  }
0xe5: {  	s24 =	sadd.s32 $0x8, s24;
	s21 =	sadd.s32 $0x1000, s21;
	[sflag:s19] =	ssyncset.done $0x0  }
0xe6: {  	s13 =	sadd.s32 $0x400, s13;
	s0 =	sshrl.u32 s28, $0x2;
	[sflag:s19] =	ssyncadd.s32 $0xFFFFE0C0  }
0xe7: {  	[tilespmem:s30], [sflag:$0x6] =	stream.indirect.gather [hbm4b:s11+s31], $0x40, s0, s31, $0xb8;
	[tilespmem:$0x1DA00] =	vst v63  }
.LBB2_10:
0xe8: {  	_ =	sfence.sel $0x180000  }
0xe9: {  	[bflag:$0x0] =	sbarrier.arrive $0xFFFF  }
0xea: {  	_ =	strace $0x90000047  }
0xeb: {  	s0 =	stileid.u32;
	[bflag:$0x2] =	sbarrier.arrive $0xFFFF  }
0xec: {  	p0 =	sne.s32 s0, $0x0;
	s0 =	rddreg [dreg:$0x3]  }
0xed: {  	s0 =	sadd.s32 @!p0 $0x100000, s0  }
0xee: {  	[sflag:s0] =	ssyncadd.tile.s32 @!p0 $0x1;
	_ =	shalt  }
.Lfunc_end2:
_tile_overlayer_lowered:
.L_overlay_start_2:
0xef: {  	(tag) =	ssettag $0x2  }
0xf0: {  	s0 =	rddreg [dreg:$0x0];
	s2 =	stileid.u32  }
0xf1: {  	s1 =	rddreg [dreg:$0x1];
	p0 =	sne.s32 s2, $0x0  }
0xf2: {  	s3 =	rddreg [dreg:$0x2];
	[bflag:$0x3] =	sbarrier.arrive $0xFFFF;
	s2 =	simm.s32 @!p0 $0x1C13  }
0xf3: {  	[timem:s3], [sflag:s2] =	dma.local @!p0 [hbm:s0], s1  }
0xf4: {  	s0 =	simm.s32 @!p0 $0x13  }
0xf5: {  	_ =	swait.ge @!p0 [sflag:s0], s1  }
0xf6: {  	s1 =	ssub.s32 @!p0 $0x0, s1;
	[sflag:s0] =	ssyncset.done @!p0 $0x0  }
0xf7: {  	[sflag:s0] =	ssyncadd.s32 @!p0 s1  }
0xf8: {  	[bflag:$0x3] =	sbarrier.arrive $0xFFFF  }
0xf9: {  	_ =	shalt  }

</sc_bundles>
